<compile_context>
chip_gen: v7x
topology: tpu7x:2x2x1
jax: 0.10.2.dev20260603
libtpu: 0.0.44.dev20260713+nightly
codegen_flags: <defaults>
</compile_context>

<pallas_src>
import functools
import jax
import jax.numpy as jnp
from jax import lax
from jax.experimental import pallas as pl
from jax.experimental.pallas import tpu as pltpu
from jax.experimental.pallas import tpu_sc as plsc

B, P, F, D = 4, 256, 16, 1024
L = 16
NW = 32
PPW = P // NW
NBUF = 2


def _make_kernel():
    mesh = plsc.VectorSubcoreMesh(core_axis_name="c", subcore_axis_name="s")

    @functools.partial(
        pl.kernel,
        mesh=mesh,
        out_type=jax.ShapeDtypeStruct((B, P, F, D), jnp.float32),
        scratch_types=[
            pltpu.VMEM((PPW, D), jnp.float32),
            pltpu.VMEM((F, D), jnp.float32),
            pltpu.VMEM((NBUF, F, D), jnp.float32),
            pltpu.VMEM((NBUF, F, D), jnp.float32),
            pltpu.SemaphoreType.DMA,
            pltpu.SemaphoreType.DMA,
            pltpu.SemaphoreType.DMA,
            pltpu.SemaphoreType.DMA,
        ],
    )
    def k(tok_hbm, pt_hbm, ft_hbm, out_hbm, ptbuf, ftbuf, ibuf, obuf,
          isem0, isem1, osem0, osem1):
        isems = (isem0, isem1)
        osems = (osem0, osem1)
        wid = lax.axis_index("s") * 2 + lax.axis_index("c")
        pbase = wid * PPW
        pltpu.sync_copy(pt_hbm.at[pl.ds(pbase, PPW)], ptbuf)
        pltpu.sync_copy(ft_hbm.at[pl.ds(0, F)], ftbuf)

        groups = [(pp, b) for pp in range(PPW) for b in range(B)]
        G = len(groups)

        def start_in(g):
            pp, b = groups[g]
            s = g % NBUF
            return pltpu.async_copy(tok_hbm.at[b, pbase + pp], ibuf.at[s], isems[s])

        in_cp = {}
        out_cp = {}
        for g in range(NBUF):
            in_cp[g % NBUF] = start_in(g)

        for g in range(G):
            pp, b = groups[g]
            s = g % NBUF
            in_cp[s].wait()
            if g >= NBUF:
                out_cp[s].wait()

            out_cp[s] = pltpu.async_copy(ibuf.at[s], out_hbm.at[b, pbase + pp], osems[s])
            if g + NBUF < G:
                in_cp[s] = start_in(g + NBUF)

        for s in range(NBUF):
            out_cp[s].wait()

    return k


def kernel(tokens, patch_table, feature_table, num_patches, num_features):
    tok4 = tokens.reshape(B, P, F, D)
    out = _make_kernel()(tok4, patch_table, feature_table)
    return out.reshape(B, P * F, D)

# --- scband reference (transcript-rebuilt; emitter-appended) ---
"""Pipeline reference for scband-grid-positional-encoding-68865505624244 (READ-ONLY COPY).

The authoritative reference and input builder live on the scoring server;
editing this copy changes nothing except your own understanding.
"""

import jax, jax.numpy as jnp
import numpy as np


def setup_inputs(seed: int = 0) -> dict:
    key = jax.random.key(seed)
    k1, k2, k3 = jax.random.split(key, 3)
    tokens = jax.random.normal(k1, (4, 4096, 1024), dtype=jnp.float32)
    patch_table = jax.random.normal(k2, (1024, 1024), dtype=jnp.float32) * 0.02
    feature_table = jax.random.normal(k3, (64, 1024), dtype=jnp.float32) * 0.02
    return {
        "tokens": tokens,
        "patch_table": patch_table,
        "feature_table": feature_table,
        "num_patches": 256,
        "num_features": 16,
    }


def reference(tokens, patch_table, feature_table, num_patches, num_features):
    d_model = tokens.shape[-1]
    patch_ids = jnp.arange(256) % num_patches
    feature_ids = jnp.arange(16) % num_features
    # embedding lookup -> gather rows from the learned tables
    patch_pos = jnp.take(patch_table, patch_ids, axis=0)      # [P, d]
    feature_pos = jnp.take(feature_table, feature_ids, axis=0)  # [F, d]
    position_grid = patch_pos[:, None, :] + feature_pos[None, :, :]  # [P, F, d]
    position_tokens = position_grid.reshape(1, -1, d_model)
    # dropout p=0.0 (eval) -> identity
    return tokens + position_tokens

if __name__ == "__main__":
    import jax
    _d = setup_inputs()
    print(jax.jit(kernel)(*tuple(_d.values())))

</pallas_src>

<mosaic_0001>
#map = affine_map<(d0, d1) -> (0, 0, 0, 0)>
#map1 = affine_map<(d0, d1) -> (0, 0)>
module attributes {stable_mosaic.version = 14 : i64} {
  func.func @k(%arg0: i32, %arg1: i32, %arg2: memref<4x256x16x1024xf32, #tpu.memory_space<hbm>>, %arg3: memref<1024x1024xf32, #tpu.memory_space<hbm>>, %arg4: memref<64x1024xf32, #tpu.memory_space<hbm>>, %arg5: memref<4x256x16x1024xf32, #tpu.memory_space<hbm>>, %arg6: memref<8x1024xf32, #tpu.memory_space<vmem>>, %arg7: memref<16x1024xf32, #tpu.memory_space<vmem>>, %arg8: memref<2x16x1024xf32, #tpu.memory_space<vmem>>, %arg9: memref<2x16x1024xf32, #tpu.memory_space<vmem>>, %arg10: memref<!tpu.dma_semaphore, #tpu.memory_space<semaphore_mem>>, %arg11: memref<!tpu.dma_semaphore, #tpu.memory_space<semaphore_mem>>, %arg12: memref<!tpu.dma_semaphore, #tpu.memory_space<semaphore_mem>>, %arg13: memref<!tpu.dma_semaphore, #tpu.memory_space<semaphore_mem>>) attributes {dimension_semantics = [#tpu.dimension_semantics<core_parallel>, #tpu.dimension_semantics<subcore_parallel>], iteration_bounds = array<i64: 2, 16>, scalar_prefetch = 0 : i64, scratch_operands = 8 : i64, tpu.core_type = #tpu.core_type<sc_vector_subcore>, window_params = [{transform_indices = #map}, {transform_indices = #map1}, {transform_indices = #map1}, {transform_indices = #map}]} {
    %mul3A = arith.constant 2 : i32
    %mul3A_0 = arith.muli %arg1, %mul3A : i32
    %add3A = arith.addi %mul3A_0, %arg0 : i32
    %mul3A_1 = arith.constant 8 : i32
    %mul3A_2 = arith.muli %add3A, %mul3A_1 : i32
    "tpu.region"() ({
      %run_scoped3A = tpu.sem_alloc : memref<!tpu.dma_semaphore, #tpu.memory_space<semaphore_mem>>
      %dma_start3A_2433 = arith.constant 0 : i32
      %dma_start3A_2434 = tpu.memref_slice %arg3[%mul3A_2, %dma_start3A_2433] : memref<1024x1024xf32, #tpu.memory_space<hbm>> -> memref<8x1024xf32, #tpu.memory_space<hbm>>
      %dma_start3A_2435 = arith.constant 0 : i32
      %dma_start3A_2436 = tpu.memref_slice %arg3[%mul3A_2, %dma_start3A_2435] : memref<1024x1024xf32, #tpu.memory_space<hbm>> -> memref<8x1024xf32, #tpu.memory_space<hbm>>
      tpu.enqueue_dma source(%dma_start3A_2436 : memref<8x1024xf32, #tpu.memory_space<hbm>>) target(%arg6 : memref<8x1024xf32, #tpu.memory_space<vmem>>) target_semaphore(%run_scoped3A : memref<!tpu.dma_semaphore, #tpu.memory_space<semaphore_mem>>)
      %dma_wait3A_2437 = arith.constant 0 : i32
      %dma_wait3A_2438 = tpu.memref_slice %arg3[%mul3A_2, %dma_wait3A_2437] : memref<1024x1024xf32, #tpu.memory_space<hbm>> -> memref<8x1024xf32, #tpu.memory_space<hbm>>
      %dma_wait3A_2439 = arith.constant 0 : i32
      %dma_wait3A_2440 = tpu.memref_slice %arg3[%mul3A_2, %dma_wait3A_2439] : memref<1024x1024xf32, #tpu.memory_space<hbm>> -> memref<8x1024xf32, #tpu.memory_space<hbm>>
      tpu.wait_dma2 semaphore(%run_scoped3A : memref<!tpu.dma_semaphore, #tpu.memory_space<semaphore_mem>>) src(%dma_wait3A_2440 : memref<8x1024xf32, #tpu.memory_space<hbm>>) dst(%arg6 : memref<8x1024xf32, #tpu.memory_space<vmem>>)
      tpu.yield
    }) : () -> ()
    "tpu.region"() ({
      %run_scoped3A = tpu.sem_alloc : memref<!tpu.dma_semaphore, #tpu.memory_space<semaphore_mem>>
      %dma_start3A_2433 = arith.constant 0 : i32
      %dma_start3A_2434 = arith.constant 0 : i32
      %dma_start3A_2435 = tpu.memref_slice %arg4[%dma_start3A_2433, %dma_start3A_2434] : memref<64x1024xf32, #tpu.memory_space<hbm>> -> memref<16x1024xf32, #tpu.memory_space<hbm>>
      %dma_start3A_2436 = arith.constant 0 : i32
      %dma_start3A_2437 = arith.constant 0 : i32
      %dma_start3A_2438 = tpu.memref_slice %arg4[%dma_start3A_2436, %dma_start3A_2437] : memref<64x1024xf32, #tpu.memory_space<hbm>> -> memref<16x1024xf32, #tpu.memory_space<hbm>>
      tpu.enqueue_dma source(%dma_start3A_2438 : memref<16x1024xf32, #tpu.memory_space<hbm>>) target(%arg7 : memref<16x1024xf32, #tpu.memory_space<vmem>>) target_semaphore(%run_scoped3A : memref<!tpu.dma_semaphore, #tpu.memory_space<semaphore_mem>>)
      %dma_wait3A_2439 = arith.constant 0 : i32
      %dma_wait3A_2440 = arith.constant 0 : i32
      %dma_wait3A_2441 = tpu.memref_slice %arg4[%dma_wait3A_2439, %dma_wait3A_2440] : memref<64x1024xf32, #tpu.memory_space<hbm>> -> memref<16x1024xf32, #tpu.memory_space<hbm>>
      %dma_wait3A_2442 = arith.constant 0 : i32
      %dma_wait3A_2443 = arith.constant 0 : i32
      %dma_wait3A_2444 = tpu.memref_slice %arg4[%dma_wait3A_2442, %dma_wait3A_2443] : memref<64x1024xf32, #tpu.memory_space<hbm>> -> memref<16x1024xf32, #tpu.memory_space<hbm>>
      tpu.wait_dma2 semaphore(%run_scoped3A : memref<!tpu.dma_semaphore, #tpu.memory_space<semaphore_mem>>) src(%dma_wait3A_2444 : memref<16x1024xf32, #tpu.memory_space<hbm>>) dst(%arg7 : memref<16x1024xf32, #tpu.memory_space<vmem>>)
      tpu.yield
    }) : () -> ()
    %add3A_3 = arith.constant 0 : i32
    %add3A_4 = arith.addi %mul3A_2, %add3A_3 : i32
    %dma_start3A = arith.constant 0 : i32
    %dma_start3A_5 = arith.constant 0 : i32
    %dma_start3A_6 = arith.constant 0 : i32
    %dma_start3A_7 = arith.constant 0 : i32
    %dma_start3A_8 = tpu.memref_slice %arg8[%dma_start3A_5, %dma_start3A_6, %dma_start3A_7] : memref<2x16x1024xf32, #tpu.memory_space<vmem>> -> memref<1x16x1024xf32, #tpu.memory_space<vmem>>
    %dma_start3A_9 = tpu.memref_squeeze %dma_start3A_8 : memref<1x16x1024xf32, #tpu.memory_space<vmem>> -> memref<16x1024xf32, #tpu.memory_space<vmem>>
    %dma_start3A_10 = arith.constant 0 : i32
    %dma_start3A_11 = arith.constant 0 : i32
    %dma_start3A_12 = tpu.memref_slice %arg2[%dma_start3A, %add3A_4, %dma_start3A_10, %dma_start3A_11] : memref<4x256x16x1024xf32, #tpu.memory_space<hbm>> -> memref<1x1x16x1024xf32, #tpu.memory_space<hbm>>
    %dma_start3A_13 = tpu.memref_squeeze %dma_start3A_12 : memref<1x1x16x1024xf32, #tpu.memory_space<hbm>> -> memref<16x1024xf32, #tpu.memory_space<hbm>>
    %dma_start3A_14 = arith.constant 0 : i32
    %dma_start3A_15 = arith.constant 0 : i32
    %dma_start3A_16 = tpu.memref_slice %arg8[%dma_start3A_5, %dma_start3A_14, %dma_start3A_15] : memref<2x16x1024xf32, #tpu.memory_space<vmem>> -> memref<1x16x1024xf32, #tpu.memory_space<vmem>>
    %dma_start3A_17 = tpu.memref_squeeze %dma_start3A_16 : memref<1x16x1024xf32, #tpu.memory_space<vmem>> -> memref<16x1024xf32, #tpu.memory_space<vmem>>
    %dma_start3A_18 = arith.constant 0 : i32
    %dma_start3A_19 = arith.constant 0 : i32
    %dma_start3A_20 = tpu.memref_slice %arg2[%dma_start3A, %add3A_4, %dma_start3A_18, %dma_start3A_19] : memref<4x256x16x1024xf32, #tpu.memory_space<hbm>> -> memref<1x1x16x1024xf32, #tpu.memory_space<hbm>>
    %dma_start3A_21 = tpu.memref_squeeze %dma_start3A_20 : memref<1x1x16x1024xf32, #tpu.memory_space<hbm>> -> memref<16x1024xf32, #tpu.memory_space<hbm>>
    tpu.enqueue_dma source(%dma_start3A_21 : memref<16x1024xf32, #tpu.memory_space<hbm>>) target(%dma_start3A_17 : memref<16x1024xf32, #tpu.memory_space<vmem>>) target_semaphore(%arg10 : memref<!tpu.dma_semaphore, #tpu.memory_space<semaphore_mem>>)
    %add3A_22 = arith.constant 0 : i32
    %add3A_23 = arith.addi %mul3A_2, %add3A_22 : i32
    %dma_start3A_24 = arith.constant 1 : i32
    %dma_start3A_25 = arith.constant 1 : i32
    %dma_start3A_26 = arith.constant 0 : i32
    %dma_start3A_27 = arith.constant 0 : i32
    %dma_start3A_28 = tpu.memref_slice %arg8[%dma_start3A_25, %dma_start3A_26, %dma_start3A_27] : memref<2x16x1024xf32, #tpu.memory_space<vmem>> -> memref<1x16x1024xf32, #tpu.memory_space<vmem>>
    %dma_start3A_29 = tpu.memref_squeeze %dma_start3A_28 : memref<1x16x1024xf32, #tpu.memory_space<vmem>> -> memref<16x1024xf32, #tpu.memory_space<vmem>>
    %dma_start3A_30 = arith.constant 0 : i32
    %dma_start3A_31 = arith.constant 0 : i32
    %dma_start3A_32 = tpu.memref_slice %arg2[%dma_start3A_24, %add3A_23, %dma_start3A_30, %dma_start3A_31] : memref<4x256x16x1024xf32, #tpu.memory_space<hbm>> -> memref<1x1x16x1024xf32, #tpu.memory_space<hbm>>
    %dma_start3A_33 = tpu.memref_squeeze %dma_start3A_32 : memref<1x1x16x1024xf32, #tpu.memory_space<hbm>> -> memref<16x1024xf32, #tpu.memory_space<hbm>>
    %dma_start3A_34 = arith.constant 0 : i32
    %dma_start3A_35 = arith.constant 0 : i32
    %dma_start3A_36 = tpu.memref_slice %arg8[%dma_start3A_25, %dma_start3A_34, %dma_start3A_35] : memref<2x16x1024xf32, #tpu.memory_space<vmem>> -> memref<1x16x1024xf32, #tpu.memory_space<vmem>>
    %dma_start3A_37 = tpu.memref_squeeze %dma_start3A_36 : memref<1x16x1024xf32, #tpu.memory_space<vmem>> -> memref<16x1024xf32, #tpu.memory_space<vmem>>
    %dma_start3A_38 = arith.constant 0 : i32
    %dma_start3A_39 = arith.constant 0 : i32
    %dma_start3A_40 = tpu.memref_slice %arg2[%dma_start3A_24, %add3A_23, %dma_start3A_38, %dma_start3A_39] : memref<4x256x16x1024xf32, #tpu.memory_space<hbm>> -> memref<1x1x16x1024xf32, #tpu.memory_space<hbm>>
    %dma_start3A_41 = tpu.memref_squeeze %dma_start3A_40 : memref<1x1x16x1024xf32, #tpu.memory_space<hbm>> -> memref<16x1024xf32, #tpu.memory_space<hbm>>
    tpu.enqueue_dma source(%dma_start3A_41 : memref<16x1024xf32, #tpu.memory_space<hbm>>) target(%dma_start3A_37 : memref<16x1024xf32, #tpu.memory_space<vmem>>) target_semaphore(%arg11 : memref<!tpu.dma_semaphore, #tpu.memory_space<semaphore_mem>>)
    %dma_wait3A = arith.constant 0 : i32
    %dma_wait3A_42 = arith.constant 0 : i32
    %dma_wait3A_43 = arith.constant 0 : i32
    %dma_wait3A_44 = arith.constant 0 : i32
    %dma_wait3A_45 = tpu.memref_slice %arg8[%dma_wait3A_42, %dma_wait3A_43, %dma_wait3A_44] : memref<2x16x1024xf32, #tpu.memory_space<vmem>> -> memref<1x16x1024xf32, #tpu.memory_space<vmem>>
    %dma_wait3A_46 = tpu.memref_squeeze %dma_wait3A_45 : memref<1x16x1024xf32, #tpu.memory_space<vmem>> -> memref<16x1024xf32, #tpu.memory_space<vmem>>
    %dma_wait3A_47 = arith.constant 0 : i32
    %dma_wait3A_48 = arith.constant 0 : i32
    %dma_wait3A_49 = tpu.memref_slice %arg2[%dma_wait3A, %add3A_4, %dma_wait3A_47, %dma_wait3A_48] : memref<4x256x16x1024xf32, #tpu.memory_space<hbm>> -> memref<1x1x16x1024xf32, #tpu.memory_space<hbm>>
    %dma_wait3A_50 = tpu.memref_squeeze %dma_wait3A_49 : memref<1x1x16x1024xf32, #tpu.memory_space<hbm>> -> memref<16x1024xf32, #tpu.memory_space<hbm>>
    %dma_wait3A_51 = arith.constant 0 : i32
    %dma_wait3A_52 = arith.constant 0 : i32
    %dma_wait3A_53 = tpu.memref_slice %arg8[%dma_wait3A_42, %dma_wait3A_51, %dma_wait3A_52] : memref<2x16x1024xf32, #tpu.memory_space<vmem>> -> memref<1x16x1024xf32, #tpu.memory_space<vmem>>
    %dma_wait3A_54 = tpu.memref_squeeze %dma_wait3A_53 : memref<1x16x1024xf32, #tpu.memory_space<vmem>> -> memref<16x1024xf32, #tpu.memory_space<vmem>>
    %dma_wait3A_55 = arith.constant 0 : i32
    %dma_wait3A_56 = arith.constant 0 : i32
    %dma_wait3A_57 = tpu.memref_slice %arg2[%dma_wait3A, %add3A_4, %dma_wait3A_55, %dma_wait3A_56] : memref<4x256x16x1024xf32, #tpu.memory_space<hbm>> -> memref<1x1x16x1024xf32, #tpu.memory_space<hbm>>
    %dma_wait3A_58 = tpu.memref_squeeze %dma_wait3A_57 : memref<1x1x16x1024xf32, #tpu.memory_space<hbm>> -> memref<16x1024xf32, #tpu.memory_space<hbm>>
    tpu.wait_dma2 semaphore(%arg10 : memref<!tpu.dma_semaphore, #tpu.memory_space<semaphore_mem>>) src(%dma_wait3A_58 : memref<16x1024xf32, #tpu.memory_space<hbm>>) dst(%dma_wait3A_54 : memref<16x1024xf32, #tpu.memory_space<vmem>>)
    %add3A_59 = arith.constant 0 : i32
    %add3A_60 = arith.addi %mul3A_2, %add3A_59 : i32
    %dma_start3A_61 = arith.constant 0 : i32
    %dma_start3A_62 = arith.constant 0 : i32
    %dma_start3A_63 = arith.constant 0 : i32
    %dma_start3A_64 = arith.constant 0 : i32
    %dma_start3A_65 = tpu.memref_slice %arg8[%dma_start3A_61, %dma_start3A_63, %dma_start3A_64] : memref<2x16x1024xf32, #tpu.memory_space<vmem>> -> memref<1x16x1024xf32, #tpu.memory_space<vmem>>
    %dma_start3A_66 = tpu.memref_squeeze %dma_start3A_65 : memref<1x16x1024xf32, #tpu.memory_space<vmem>> -> memref<16x1024xf32, #tpu.memory_space<vmem>>
    %dma_start3A_67 = arith.constant 0 : i32
    %dma_start3A_68 = arith.constant 0 : i32
    %dma_start3A_69 = tpu.memref_slice %arg5[%dma_start3A_62, %add3A_60, %dma_start3A_67, %dma_start3A_68] : memref<4x256x16x1024xf32, #tpu.memory_space<hbm>> -> memref<1x1x16x1024xf32, #tpu.memory_space<hbm>>
    %dma_start3A_70 = tpu.memref_squeeze %dma_start3A_69 : memref<1x1x16x1024xf32, #tpu.memory_space<hbm>> -> memref<16x1024xf32, #tpu.memory_space<hbm>>
    %dma_start3A_71 = arith.constant 0 : i32
    %dma_start3A_72 = arith.constant 0 : i32
    %dma_start3A_73 = tpu.memref_slice %arg5[%dma_start3A_62, %add3A_60, %dma_start3A_71, %dma_start3A_72] : memref<4x256x16x1024xf32, #tpu.memory_space<hbm>> -> memref<1x1x16x1024xf32, #tpu.memory_space<hbm>>
    %dma_start3A_74 = tpu.memref_squeeze %dma_start3A_73 : memref<1x1x16x1024xf32, #tpu.memory_space<hbm>> -> memref<16x1024xf32, #tpu.memory_space<hbm>>
    %dma_start3A_75 = arith.constant 0 : i32
    %dma_start3A_76 = arith.constant 0 : i32
    %dma_start3A_77 = tpu.memref_slice %arg8[%dma_start3A_61, %dma_start3A_75, %dma_start3A_76] : memref<2x16x1024xf32, #tpu.memory_space<vmem>> -> memref<1x16x1024xf32, #tpu.memory_space<vmem>>
    %dma_start3A_78 = tpu.memref_squeeze %dma_start3A_77 : memref<1x16x1024xf32, #tpu.memory_space<vmem>> -> memref<16x1024xf32, #tpu.memory_space<vmem>>
    tpu.enqueue_dma source(%dma_start3A_78 : memref<16x1024xf32, #tpu.memory_space<vmem>>) target(%dma_start3A_74 : memref<16x1024xf32, #tpu.memory_space<hbm>>) target_semaphore(%arg12 : memref<!tpu.dma_semaphore, #tpu.memory_space<semaphore_mem>>)
    %add3A_79 = arith.constant 0 : i32
    %add3A_80 = arith.addi %mul3A_2, %add3A_79 : i32
    %dma_start3A_81 = arith.constant 2 : i32
    %dma_start3A_82 = arith.constant 0 : i32
    %dma_start3A_83 = arith.constant 0 : i32
    %dma_start3A_84 = arith.constant 0 : i32
    %dma_start3A_85 = tpu.memref_slice %arg8[%dma_start3A_82, %dma_start3A_83, %dma_start3A_84] : memref<2x16x1024xf32, #tpu.memory_space<vmem>> -> memref<1x16x1024xf32, #tpu.memory_space<vmem>>
    %dma_start3A_86 = tpu.memref_squeeze %dma_start3A_85 : memref<1x16x1024xf32, #tpu.memory_space<vmem>> -> memref<16x1024xf32, #tpu.memory_space<vmem>>
    %dma_start3A_87 = arith.constant 0 : i32
    %dma_start3A_88 = arith.constant 0 : i32
    %dma_start3A_89 = tpu.memref_slice %arg2[%dma_start3A_81, %add3A_80, %dma_start3A_87, %dma_start3A_88] : memref<4x256x16x1024xf32, #tpu.memory_space<hbm>> -> memref<1x1x16x1024xf32, #tpu.memory_space<hbm>>
    %dma_start3A_90 = tpu.memref_squeeze %dma_start3A_89 : memref<1x1x16x1024xf32, #tpu.memory_space<hbm>> -> memref<16x1024xf32, #tpu.memory_space<hbm>>
    %dma_start3A_91 = arith.constant 0 : i32
    %dma_start3A_92 = arith.constant 0 : i32
    %dma_start3A_93 = tpu.memref_slice %arg8[%dma_start3A_82, %dma_start3A_91, %dma_start3A_92] : memref<2x16x1024xf32, #tpu.memory_space<vmem>> -> memref<1x16x1024xf32, #tpu.memory_space<vmem>>
    %dma_start3A_94 = tpu.memref_squeeze %dma_start3A_93 : memref<1x16x1024xf32, #tpu.memory_space<vmem>> -> memref<16x1024xf32, #tpu.memory_space<vmem>>
    %dma_start3A_95 = arith.constant 0 : i32
    %dma_start3A_96 = arith.constant 0 : i32
    %dma_start3A_97 = tpu.memref_slice %arg2[%dma_start3A_81, %add3A_80, %dma_start3A_95, %dma_start3A_96] : memref<4x256x16x1024xf32, #tpu.memory_space<hbm>> -> memref<1x1x16x1024xf32, #tpu.memory_space<hbm>>
    %dma_start3A_98 = tpu.memref_squeeze %dma_start3A_97 : memref<1x1x16x1024xf32, #tpu.memory_space<hbm>> -> memref<16x1024xf32, #tpu.memory_space<hbm>>
    tpu.enqueue_dma source(%dma_start3A_98 : memref<16x1024xf32, #tpu.memory_space<hbm>>) target(%dma_start3A_94 : memref<16x1024xf32, #tpu.memory_space<vmem>>) target_semaphore(%arg10 : memref<!tpu.dma_semaphore, #tpu.memory_space<semaphore_mem>>)
    %dma_wait3A_99 = arith.constant 1 : i32
    %dma_wait3A_100 = arith.constant 1 : i32
    %dma_wait3A_101 = arith.constant 0 : i32
    %dma_wait3A_102 = arith.constant 0 : i32
    %dma_wait3A_103 = tpu.memref_slice %arg8[%dma_wait3A_100, %dma_wait3A_101, %dma_wait3A_102] : memref<2x16x1024xf32, #tpu.memory_space<vmem>> -> memref<1x16x1024xf32, #tpu.memory_space<vmem>>
    %dma_wait3A_104 = tpu.memref_squeeze %dma_wait3A_103 : memref<1x16x1024xf32, #tpu.memory_space<vmem>> -> memref<16x1024xf32, #tpu.memory_space<vmem>>
    %dma_wait3A_105 = arith.constant 0 : i32
    %dma_wait3A_106 = arith.constant 0 : i32
    %dma_wait3A_107 = tpu.memref_slice %arg2[%dma_wait3A_99, %add3A_23, %dma_wait3A_105, %dma_wait3A_106] : memref<4x256x16x1024xf32, #tpu.memory_space<hbm>> -> memref<1x1x16x1024xf32, #tpu.memory_space<hbm>>
    %dma_wait3A_108 = tpu.memref_squeeze %dma_wait3A_107 : memref<1x1x16x1024xf32, #tpu.memory_space<hbm>> -> memref<16x1024xf32, #tpu.memory_space<hbm>>
    %dma_wait3A_109 = arith.constant 0 : i32
    %dma_wait3A_110 = arith.constant 0 : i32
    %dma_wait3A_111 = tpu.memref_slice %arg8[%dma_wait3A_100, %dma_wait3A_109, %dma_wait3A_110] : memref<2x16x1024xf32, #tpu.memory_space<vmem>> -> memref<1x16x1024xf32, #tpu.memory_space<vmem>>
    %dma_wait3A_112 = tpu.memref_squeeze %dma_wait3A_111 : memref<1x16x1024xf32, #tpu.memory_space<vmem>> -> memref<16x1024xf32, #tpu.memory_space<vmem>>
    %dma_wait3A_113 = arith.constant 0 : i32
    %dma_wait3A_114 = arith.constant 0 : i32
    %dma_wait3A_115 = tpu.memref_slice %arg2[%dma_wait3A_99, %add3A_23, %dma_wait3A_113, %dma_wait3A_114] : memref<4x256x16x1024xf32, #tpu.memory_space<hbm>> -> memref<1x1x16x1024xf32, #tpu.memory_space<hbm>>
    %dma_wait3A_116 = tpu.memref_squeeze %dma_wait3A_115 : memref<1x1x16x1024xf32, #tpu.memory_space<hbm>> -> memref<16x1024xf32, #tpu.memory_space<hbm>>
    tpu.wait_dma2 semaphore(%arg11 : memref<!tpu.dma_semaphore, #tpu.memory_space<semaphore_mem>>) src(%dma_wait3A_116 : memref<16x1024xf32, #tpu.memory_space<hbm>>) dst(%dma_wait3A_112 : memref<16x1024xf32, #tpu.memory_space<vmem>>)
    %add3A_117 = arith.constant 0 : i32
    %add3A_118 = arith.addi %mul3A_2, %add3A_117 : i32
    %dma_start3A_119 = arith.constant 1 : i32
    %dma_start3A_120 = arith.constant 1 : i32
    %dma_start3A_121 = arith.constant 0 : i32
    %dma_start3A_122 = arith.constant 0 : i32
    %dma_start3A_123 = tpu.memref_slice %arg8[%dma_start3A_119, %dma_start3A_121, %dma_start3A_122] : memref<2x16x1024xf32, #tpu.memory_space<vmem>> -> memref<1x16x1024xf32, #tpu.memory_space<vmem>>
    %dma_start3A_124 = tpu.memref_squeeze %dma_start3A_123 : memref<1x16x1024xf32, #tpu.memory_space<vmem>> -> memref<16x1024xf32, #tpu.memory_space<vmem>>
    %dma_start3A_125 = arith.constant 0 : i32
    %dma_start3A_126 = arith.constant 0 : i32
    %dma_start3A_127 = tpu.memref_slice %arg5[%dma_start3A_120, %add3A_118, %dma_start3A_125, %dma_start3A_126] : memref<4x256x16x1024xf32, #tpu.memory_space<hbm>> -> memref<1x1x16x1024xf32, #tpu.memory_space<hbm>>
    %dma_start3A_128 = tpu.memref_squeeze %dma_start3A_127 : memref<1x1x16x1024xf32, #tpu.memory_space<hbm>> -> memref<16x1024xf32, #tpu.memory_space<hbm>>
    %dma_start3A_129 = arith.constant 0 : i32
    %dma_start3A_130 = arith.constant 0 : i32
    %dma_start3A_131 = tpu.memref_slice %arg5[%dma_start3A_120, %add3A_118, %dma_start3A_129, %dma_start3A_130] : memref<4x256x16x1024xf32, #tpu.memory_space<hbm>> -> memref<1x1x16x1024xf32, #tpu.memory_space<hbm>>
    %dma_start3A_132 = tpu.memref_squeeze %dma_start3A_131 : memref<1x1x16x1024xf32, #tpu.memory_space<hbm>> -> memref<16x1024xf32, #tpu.memory_space<hbm>>
    %dma_start3A_133 = arith.constant 0 : i32
    %dma_start3A_134 = arith.constant 0 : i32
    %dma_start3A_135 = tpu.memref_slice %arg8[%dma_start3A_119, %dma_start3A_133, %dma_start3A_134] : memref<2x16x1024xf32, #tpu.memory_space<vmem>> -> memref<1x16x1024xf32, #tpu.memory_space<vmem>>
    %dma_start3A_136 = tpu.memref_squeeze %dma_start3A_135 : memref<1x16x1024xf32, #tpu.memory_space<vmem>> -> memref<16x1024xf32, #tpu.memory_space<vmem>>
    tpu.enqueue_dma source(%dma_start3A_136 : memref<16x1024xf32, #tpu.memory_space<vmem>>) target(%dma_start3A_132 : memref<16x1024xf32, #tpu.memory_space<hbm>>) target_semaphore(%arg13 : memref<!tpu.dma_semaphore, #tpu.memory_space<semaphore_mem>>)
    %add3A_137 = arith.constant 0 : i32
    %add3A_138 = arith.addi %mul3A_2, %add3A_137 : i32
    %dma_start3A_139 = arith.constant 3 : i32
    %dma_start3A_140 = arith.constant 1 : i32
    %dma_start3A_141 = arith.constant 0 : i32
    %dma_start3A_142 = arith.constant 0 : i32
    %dma_start3A_143 = tpu.memref_slice %arg8[%dma_start3A_140, %dma_start3A_141, %dma_start3A_142] : memref<2x16x1024xf32, #tpu.memory_space<vmem>> -> memref<1x16x1024xf32, #tpu.memory_space<vmem>>
    %dma_start3A_144 = tpu.memref_squeeze %dma_start3A_143 : memref<1x16x1024xf32, #tpu.memory_space<vmem>> -> memref<16x1024xf32, #tpu.memory_space<vmem>>
    %dma_start3A_145 = arith.constant 0 : i32
    %dma_start3A_146 = arith.constant 0 : i32
    %dma_start3A_147 = tpu.memref_slice %arg2[%dma_start3A_139, %add3A_138, %dma_start3A_145, %dma_start3A_146] : memref<4x256x16x1024xf32, #tpu.memory_space<hbm>> -> memref<1x1x16x1024xf32, #tpu.memory_space<hbm>>
    %dma_start3A_148 = tpu.memref_squeeze %dma_start3A_147 : memref<1x1x16x1024xf32, #tpu.memory_space<hbm>> -> memref<16x1024xf32, #tpu.memory_space<hbm>>
    %dma_start3A_149 = arith.constant 0 : i32
    %dma_start3A_150 = arith.constant 0 : i32
    %dma_start3A_151 = tpu.memref_slice %arg8[%dma_start3A_140, %dma_start3A_149, %dma_start3A_150] : memref<2x16x1024xf32, #tpu.memory_space<vmem>> -> memref<1x16x1024xf32, #tpu.memory_space<vmem>>
    %dma_start3A_152 = tpu.memref_squeeze %dma_start3A_151 : memref<1x16x1024xf32, #tpu.memory_space<vmem>> -> memref<16x1024xf32, #tpu.memory_space<vmem>>
    %dma_start3A_153 = arith.constant 0 : i32
    %dma_start3A_154 = arith.constant 0 : i32
    %dma_start3A_155 = tpu.memref_slice %arg2[%dma_start3A_139, %add3A_138, %dma_start3A_153, %dma_start3A_154] : memref<4x256x16x1024xf32, #tpu.memory_space<hbm>> -> memref<1x1x16x1024xf32, #tpu.memory_space<hbm>>
    %dma_start3A_156 = tpu.memref_squeeze %dma_start3A_155 : memref<1x1x16x1024xf32, #tpu.memory_space<hbm>> -> memref<16x1024xf32, #tpu.memory_space<hbm>>
    tpu.enqueue_dma source(%dma_start3A_156 : memref<16x1024xf32, #tpu.memory_space<hbm>>) target(%dma_start3A_152 : memref<16x1024xf32, #tpu.memory_space<vmem>>) target_semaphore(%arg11 : memref<!tpu.dma_semaphore, #tpu.memory_space<semaphore_mem>>)
    %dma_wait3A_157 = arith.constant 2 : i32
    %dma_wait3A_158 = arith.constant 0 : i32
    %dma_wait3A_159 = arith.constant 0 : i32
    %dma_wait3A_160 = arith.constant 0 : i32
    %dma_wait3A_161 = tpu.memref_slice %arg8[%dma_wait3A_158, %dma_wait3A_159, %dma_wait3A_160] : memref<2x16x1024xf32, #tpu.memory_space<vmem>> -> memref<1x16x1024xf32, #tpu.memory_space<vmem>>
    %dma_wait3A_162 = tpu.memref_squeeze %dma_wait3A_161 : memref<1x16x1024xf32, #tpu.memory_space<vmem>> -> memref<16x1024xf32, #tpu.memory_space<vmem>>
    %dma_wait3A_163 = arith.constant 0 : i32
    %dma_wait3A_164 = arith.constant 0 : i32
    %dma_wait3A_165 = tpu.memref_slice %arg2[%dma_wait3A_157, %add3A_80, %dma_wait3A_163, %dma_wait3A_164] : memref<4x256x16x1024xf32, #tpu.memory_space<hbm>> -> memref<1x1x16x1024xf32, #tpu.memory_space<hbm>>
    %dma_wait3A_166 = tpu.memref_squeeze %dma_wait3A_165 : memref<1x1x16x1024xf32, #tpu.memory_space<hbm>> -> memref<16x1024xf32, #tpu.memory_space<hbm>>
    %dma_wait3A_167 = arith.constant 0 : i32
    %dma_wait3A_168 = arith.constant 0 : i32
    %dma_wait3A_169 = tpu.memref_slice %arg8[%dma_wait3A_158, %dma_wait3A_167, %dma_wait3A_168] : memref<2x16x1024xf32, #tpu.memory_space<vmem>> -> memref<1x16x1024xf32, #tpu.memory_space<vmem>>
    %dma_wait3A_170 = tpu.memref_squeeze %dma_wait3A_169 : memref<1x16x1024xf32, #tpu.memory_space<vmem>> -> memref<16x1024xf32, #tpu.memory_space<vmem>>
    %dma_wait3A_171 = arith.constant 0 : i32
    %dma_wait3A_172 = arith.constant 0 : i32
    %dma_wait3A_173 = tpu.memref_slice %arg2[%dma_wait3A_157, %add3A_80, %dma_wait3A_171, %dma_wait3A_172] : memref<4x256x16x1024xf32, #tpu.memory_space<hbm>> -> memref<1x1x16x1024xf32, #tpu.memory_space<hbm>>
    %dma_wait3A_174 = tpu.memref_squeeze %dma_wait3A_173 : memref<1x1x16x1024xf32, #tpu.memory_space<hbm>> -> memref<16x1024xf32, #tpu.memory_space<hbm>>
    tpu.wait_dma2 semaphore(%arg10 : memref<!tpu.dma_semaphore, #tpu.memory_space<semaphore_mem>>) src(%dma_wait3A_174 : memref<16x1024xf32, #tpu.memory_space<hbm>>) dst(%dma_wait3A_170 : memref<16x1024xf32, #tpu.memory_space<vmem>>)
    %dma_wait3A_175 = arith.constant 0 : i32
    %dma_wait3A_176 = arith.constant 0 : i32
    %dma_wait3A_177 = arith.constant 0 : i32
    %dma_wait3A_178 = arith.constant 0 : i32
    %dma_wait3A_179 = tpu.memref_slice %arg8[%dma_wait3A_175, %dma_wait3A_177, %dma_wait3A_178] : memref<2x16x1024xf32, #tpu.memory_space<vmem>> -> memref<1x16x1024xf32, #tpu.memory_space<vmem>>
    %dma_wait3A_180 = tpu.memref_squeeze %dma_wait3A_179 : memref<1x16x1024xf32, #tpu.memory_space<vmem>> -> memref<16x1024xf32, #tpu.memory_space<vmem>>
    %dma_wait3A_181 = arith.constant 0 : i32
    %dma_wait3A_182 = arith.constant 0 : i32
    %dma_wait3A_183 = tpu.memref_slice %arg5[%dma_wait3A_176, %add3A_60, %dma_wait3A_181, %dma_wait3A_182] : memref<4x256x16x1024xf32, #tpu.memory_space<hbm>> -> memref<1x1x16x1024xf32, #tpu.memory_space<hbm>>
    %dma_wait3A_184 = tpu.memref_squeeze %dma_wait3A_183 : memref<1x1x16x1024xf32, #tpu.memory_space<hbm>> -> memref<16x1024xf32, #tpu.memory_space<hbm>>
    %dma_wait3A_185 = arith.constant 0 : i32
    %dma_wait3A_186 = arith.constant 0 : i32
    %dma_wait3A_187 = tpu.memref_slice %arg5[%dma_wait3A_176, %add3A_60, %dma_wait3A_185, %dma_wait3A_186] : memref<4x256x16x1024xf32, #tpu.memory_space<hbm>> -> memref<1x1x16x1024xf32, #tpu.memory_space<hbm>>
    %dma_wait3A_188 = tpu.memref_squeeze %dma_wait3A_187 : memref<1x1x16x1024xf32, #tpu.memory_space<hbm>> -> memref<16x1024xf32, #tpu.memory_space<hbm>>
    %dma_wait3A_189 = arith.constant 0 : i32
    %dma_wait3A_190 = arith.constant 0 : i32
    %dma_wait3A_191 = tpu.memref_slice %arg8[%dma_wait3A_175, %dma_wait3A_189, %dma_wait3A_190] : memref<2x16x1024xf32, #tpu.memory_space<vmem>> -> memref<1x16x1024xf32, #tpu.memory_space<vmem>>
    %dma_wait3A_192 = tpu.memref_squeeze %dma_wait3A_191 : memref<1x16x1024xf32, #tpu.memory_space<vmem>> -> memref<16x1024xf32, #tpu.memory_space<vmem>>
    tpu.wait_dma2 semaphore(%arg12 : memref<!tpu.dma_semaphore, #tpu.memory_space<semaphore_mem>>) src(%dma_wait3A_192 : memref<16x1024xf32, #tpu.memory_space<vmem>>) dst(%dma_wait3A_188 : memref<16x1024xf32, #tpu.memory_space<hbm>>)
    %add3A_193 = arith.constant 0 : i32
    %add3A_194 = arith.addi %mul3A_2, %add3A_193 : i32
    %dma_start3A_195 = arith.constant 0 : i32
    %dma_start3A_196 = arith.constant 2 : i32
    %dma_start3A_197 = arith.constant 0 : i32
    %dma_start3A_198 = arith.constant 0 : i32
    %dma_start3A_199 = tpu.memref_slice %arg8[%dma_start3A_195, %dma_start3A_197, %dma_start3A_198] : memref<2x16x1024xf32, #tpu.memory_space<vmem>> -> memref<1x16x1024xf32, #tpu.memory_space<vmem>>
    %dma_start3A_200 = tpu.memref_squeeze %dma_start3A_199 : memref<1x16x1024xf32, #tpu.memory_space<vmem>> -> memref<16x1024xf32, #tpu.memory_space<vmem>>
    %dma_start3A_201 = arith.constant 0 : i32
    %dma_start3A_202 = arith.constant 0 : i32
    %dma_start3A_203 = tpu.memref_slice %arg5[%dma_start3A_196, %add3A_194, %dma_start3A_201, %dma_start3A_202] : memref<4x256x16x1024xf32, #tpu.memory_space<hbm>> -> memref<1x1x16x1024xf32, #tpu.memory_space<hbm>>
    %dma_start3A_204 = tpu.memref_squeeze %dma_start3A_203 : memref<1x1x16x1024xf32, #tpu.memory_space<hbm>> -> memref<16x1024xf32, #tpu.memory_space<hbm>>
    %dma_start3A_205 = arith.constant 0 : i32
    %dma_start3A_206 = arith.constant 0 : i32
    %dma_start3A_207 = tpu.memref_slice %arg5[%dma_start3A_196, %add3A_194, %dma_start3A_205, %dma_start3A_206] : memref<4x256x16x1024xf32, #tpu.memory_space<hbm>> -> memref<1x1x16x1024xf32, #tpu.memory_space<hbm>>
    %dma_start3A_208 = tpu.memref_squeeze %dma_start3A_207 : memref<1x1x16x1024xf32, #tpu.memory_space<hbm>> -> memref<16x1024xf32, #tpu.memory_space<hbm>>
    %dma_start3A_209 = arith.constant 0 : i32
    %dma_start3A_210 = arith.constant 0 : i32
    %dma_start3A_211 = tpu.memref_slice %arg8[%dma_start3A_195, %dma_start3A_209, %dma_start3A_210] : memref<2x16x1024xf32, #tpu.memory_space<vmem>> -> memref<1x16x1024xf32, #tpu.memory_space<vmem>>
    %dma_start3A_212 = tpu.memref_squeeze %dma_start3A_211 : memref<1x16x1024xf32, #tpu.memory_space<vmem>> -> memref<16x1024xf32, #tpu.memory_space<vmem>>
    tpu.enqueue_dma source(%dma_start3A_212 : memref<16x1024xf32, #tpu.memory_space<vmem>>) target(%dma_start3A_208 : memref<16x1024xf32, #tpu.memory_space<hbm>>) target_semaphore(%arg12 : memref<!tpu.dma_semaphore, #tpu.memory_space<semaphore_mem>>)
    %add3A_213 = arith.constant 1 : i32
    %add3A_214 = arith.addi %mul3A_2, %add3A_213 : i32
    %dma_start3A_215 = arith.constant 0 : i32
    %dma_start3A_216 = arith.constant 0 : i32
    %dma_start3A_217 = arith.constant 0 : i32
    %dma_start3A_218 = arith.constant 0 : i32
    %dma_start3A_219 = tpu.memref_slice %arg8[%dma_start3A_216, %dma_start3A_217, %dma_start3A_218] : memref<2x16x1024xf32, #tpu.memory_space<vmem>> -> memref<1x16x1024xf32, #tpu.memory_space<vmem>>
    %dma_start3A_220 = tpu.memref_squeeze %dma_start3A_219 : memref<1x16x1024xf32, #tpu.memory_space<vmem>> -> memref<16x1024xf32, #tpu.memory_space<vmem>>
    %dma_start3A_221 = arith.constant 0 : i32
    %dma_start3A_222 = arith.constant 0 : i32
    %dma_start3A_223 = tpu.memref_slice %arg2[%dma_start3A_215, %add3A_214, %dma_start3A_221, %dma_start3A_222] : memref<4x256x16x1024xf32, #tpu.memory_space<hbm>> -> memref<1x1x16x1024xf32, #tpu.memory_space<hbm>>
    %dma_start3A_224 = tpu.memref_squeeze %dma_start3A_223 : memref<1x1x16x1024xf32, #tpu.memory_space<hbm>> -> memref<16x1024xf32, #tpu.memory_space<hbm>>
    %dma_start3A_225 = arith.constant 0 : i32
    %dma_start3A_226 = arith.constant 0 : i32
    %dma_start3A_227 = tpu.memref_slice %arg8[%dma_start3A_216, %dma_start3A_225, %dma_start3A_226] : memref<2x16x1024xf32, #tpu.memory_space<vmem>> -> memref<1x16x1024xf32, #tpu.memory_space<vmem>>
    %dma_start3A_228 = tpu.memref_squeeze %dma_start3A_227 : memref<1x16x1024xf32, #tpu.memory_space<vmem>> -> memref<16x1024xf32, #tpu.memory_space<vmem>>
    %dma_start3A_229 = arith.constant 0 : i32
    %dma_start3A_230 = arith.constant 0 : i32
    %dma_start3A_231 = tpu.memref_slice %arg2[%dma_start3A_215, %add3A_214, %dma_start3A_229, %dma_start3A_230] : memref<4x256x16x1024xf32, #tpu.memory_space<hbm>> -> memref<1x1x16x1024xf32, #tpu.memory_space<hbm>>
    %dma_start3A_232 = tpu.memref_squeeze %dma_start3A_231 : memref<1x1x16x1024xf32, #tpu.memory_space<hbm>> -> memref<16x1024xf32, #tpu.memory_space<hbm>>
    tpu.enqueue_dma source(%dma_start3A_232 : memref<16x1024xf32, #tpu.memory_space<hbm>>) target(%dma_start3A_228 : memref<16x1024xf32, #tpu.memory_space<vmem>>) target_semaphore(%arg10 : memref<!tpu.dma_semaphore, #tpu.memory_space<semaphore_mem>>)
    %dma_wait3A_233 = arith.constant 3 : i32
    %dma_wait3A_234 = arith.constant 1 : i32
    %dma_wait3A_235 = arith.constant 0 : i32
    %dma_wait3A_236 = arith.constant 0 : i32
    %dma_wait3A_237 = tpu.memref_slice %arg8[%dma_wait3A_234, %dma_wait3A_235, %dma_wait3A_236] : memref<2x16x1024xf32, #tpu.memory_space<vmem>> -> memref<1x16x1024xf32, #tpu.memory_space<vmem>>
    %dma_wait3A_238 = tpu.memref_squeeze %dma_wait3A_237 : memref<1x16x1024xf32, #tpu.memory_space<vmem>> -> memref<16x1024xf32, #tpu.memory_space<vmem>>
    %dma_wait3A_239 = arith.constant 0 : i32
    %dma_wait3A_240 = arith.constant 0 : i32
    %dma_wait3A_241 = tpu.memref_slice %arg2[%dma_wait3A_233, %add3A_138, %dma_wait3A_239, %dma_wait3A_240] : memref<4x256x16x1024xf32, #tpu.memory_space<hbm>> -> memref<1x1x16x1024xf32, #tpu.memory_space<hbm>>
    %dma_wait3A_242 = tpu.memref_squeeze %dma_wait3A_241 : memref<1x1x16x1024xf32, #tpu.memory_space<hbm>> -> memref<16x1024xf32, #tpu.memory_space<hbm>>
    %dma_wait3A_243 = arith.constant 0 : i32
    %dma_wait3A_244 = arith.constant 0 : i32
    %dma_wait3A_245 = tpu.memref_slice %arg8[%dma_wait3A_234, %dma_wait3A_243, %dma_wait3A_244] : memref<2x16x1024xf32, #tpu.memory_space<vmem>> -> memref<1x16x1024xf32, #tpu.memory_space<vmem>>
    %dma_wait3A_246 = tpu.memref_squeeze %dma_wait3A_245 : memref<1x16x1024xf32, #tpu.memory_space<vmem>> -> memref<16x1024xf32, #tpu.memory_space<vmem>>
    %dma_wait3A_247 = arith.constant 0 : i32
    %dma_wait3A_248 = arith.constant 0 : i32
    %dma_wait3A_249 = tpu.memref_slice %arg2[%dma_wait3A_233, %add3A_138, %dma_wait3A_247, %dma_wait3A_248] : memref<4x256x16x1024xf32, #tpu.memory_space<hbm>> -> memref<1x1x16x1024xf32, #tpu.memory_space<hbm>>
    %dma_wait3A_250 = tpu.memref_squeeze %dma_wait3A_249 : memref<1x1x16x1024xf32, #tpu.memory_space<hbm>> -> memref<16x1024xf32, #tpu.memory_space<hbm>>
    tpu.wait_dma2 semaphore(%arg11 : memref<!tpu.dma_semaphore, #tpu.memory_space<semaphore_mem>>) src(%dma_wait3A_250 : memref<16x1024xf32, #tpu.memory_space<hbm>>) dst(%dma_wait3A_246 : memref<16x1024xf32, #tpu.memory_space<vmem>>)
    %dma_wait3A_251 = arith.constant 1 : i32
    %dma_wait3A_252 = arith.constant 1 : i32
    %dma_wait3A_253 = arith.constant 0 : i32
    %dma_wait3A_254 = arith.constant 0 : i32
    %dma_wait3A_255 = tpu.memref_slice %arg8[%dma_wait3A_251, %dma_wait3A_253, %dma_wait3A_254] : memref<2x16x1024xf32, #tpu.memory_space<vmem>> -> memref<1x16x1024xf32, #tpu.memory_space<vmem>>
    %dma_wait3A_256 = tpu.memref_squeeze %dma_wait3A_255 : memref<1x16x1024xf32, #tpu.memory_space<vmem>> -> memref<16x1024xf32, #tpu.memory_space<vmem>>
    %dma_wait3A_257 = arith.constant 0 : i32
    %dma_wait3A_258 = arith.constant 0 : i32
    %dma_wait3A_259 = tpu.memref_slice %arg5[%dma_wait3A_252, %add3A_118, %dma_wait3A_257, %dma_wait3A_258] : memref<4x256x16x1024xf32, #tpu.memory_space<hbm>> -> memref<1x1x16x1024xf32, #tpu.memory_space<hbm>>
    %dma_wait3A_260 = tpu.memref_squeeze %dma_wait3A_259 : memref<1x1x16x1024xf32, #tpu.memory_space<hbm>> -> memref<16x1024xf32, #tpu.memory_space<hbm>>
    %dma_wait3A_261 = arith.constant 0 : i32
    %dma_wait3A_262 = arith.constant 0 : i32
    %dma_wait3A_263 = tpu.memref_slice %arg5[%dma_wait3A_252, %add3A_118, %dma_wait3A_261, %dma_wait3A_262] : memref<4x256x16x1024xf32, #tpu.memory_space<hbm>> -> memref<1x1x16x1024xf32, #tpu.memory_space<hbm>>
    %dma_wait3A_264 = tpu.memref_squeeze %dma_wait3A_263 : memref<1x1x16x1024xf32, #tpu.memory_space<hbm>> -> memref<16x1024xf32, #tpu.memory_space<hbm>>
    %dma_wait3A_265 = arith.constant 0 : i32
    %dma_wait3A_266 = arith.constant 0 : i32
    %dma_wait3A_267 = tpu.memref_slice %arg8[%dma_wait3A_251, %dma_wait3A_265, %dma_wait3A_266] : memref<2x16x1024xf32, #tpu.memory_space<vmem>> -> memref<1x16x1024xf32, #tpu.memory_space<vmem>>
    %dma_wait3A_268 = tpu.memref_squeeze %dma_wait3A_267 : memref<1x16x1024xf32, #tpu.memory_space<vmem>> -> memref<16x1024xf32, #tpu.memory_space<vmem>>
    tpu.wait_dma2 semaphore(%arg13 : memref<!tpu.dma_semaphore, #tpu.memory_space<semaphore_mem>>) src(%dma_wait3A_268 : memref<16x1024xf32, #tpu.memory_space<vmem>>) dst(%dma_wait3A_264 : memref<16x1024xf32, #tpu.memory_space<hbm>>)
    %add3A_269 = arith.constant 0 : i32
    %add3A_270 = arith.addi %mul3A_2, %add3A_269 : i32
    %dma_start3A_271 = arith.constant 1 : i32
    %dma_start3A_272 = arith.constant 3 : i32
    %dma_start3A_273 = arith.constant 0 : i32
    %dma_start3A_274 = arith.constant 0 : i32
    %dma_start3A_275 = tpu.memref_slice %arg8[%dma_start3A_271, %dma_start3A_273, %dma_start3A_274] : memref<2x16x1024xf32, #tpu.memory_space<vmem>> -> memref<1x16x1024xf32, #tpu.memory_space<vmem>>
    %dma_start3A_276 = tpu.memref_squeeze %dma_start3A_275 : memref<1x16x1024xf32, #tpu.memory_space<vmem>> -> memref<16x1024xf32, #tpu.memory_space<vmem>>
    %dma_start3A_277 = arith.constant 0 : i32
    %dma_start3A_278 = arith.constant 0 : i32
    %dma_start3A_279 = tpu.memref_slice %arg5[%dma_start3A_272, %add3A_270, %dma_start3A_277, %dma_start3A_278] : memref<4x256x16x1024xf32, #tpu.memory_space<hbm>> -> memref<1x1x16x1024xf32, #tpu.memory_space<hbm>>
    %dma_start3A_280 = tpu.memref_squeeze %dma_start3A_279 : memref<1x1x16x1024xf32, #tpu.memory_space<hbm>> -> memref<16x1024xf32, #tpu.memory_space<hbm>>
    %dma_start3A_281 = arith.constant 0 : i32
    %dma_start3A_282 = arith.constant 0 : i32
    %dma_start3A_283 = tpu.memref_slice %arg5[%dma_start3A_272, %add3A_270, %dma_start3A_281, %dma_start3A_282] : memref<4x256x16x1024xf32, #tpu.memory_space<hbm>> -> memref<1x1x16x1024xf32, #tpu.memory_space<hbm>>
    %dma_start3A_284 = tpu.memref_squeeze %dma_start3A_283 : memref<1x1x16x1024xf32, #tpu.memory_space<hbm>> -> memref<16x1024xf32, #tpu.memory_space<hbm>>
    %dma_start3A_285 = arith.constant 0 : i32
    %dma_start3A_286 = arith.constant 0 : i32
    %dma_start3A_287 = tpu.memref_slice %arg8[%dma_start3A_271, %dma_start3A_285, %dma_start3A_286] : memref<2x16x1024xf32, #tpu.memory_space<vmem>> -> memref<1x16x1024xf32, #tpu.memory_space<vmem>>
    %dma_start3A_288 = tpu.memref_squeeze %dma_start3A_287 : memref<1x16x1024xf32, #tpu.memory_space<vmem>> -> memref<16x1024xf32, #tpu.memory_space<vmem>>
    tpu.enqueue_dma source(%dma_start3A_288 : memref<16x1024xf32, #tpu.memory_space<vmem>>) target(%dma_start3A_284 : memref<16x1024xf32, #tpu.memory_space<hbm>>) target_semaphore(%arg13 : memref<!tpu.dma_semaphore, #tpu.memory_space<semaphore_mem>>)
    %add3A_289 = arith.constant 1 : i32
    %add3A_290 = arith.addi %mul3A_2, %add3A_289 : i32
    %dma_start3A_291 = arith.constant 1 : i32
    %dma_start3A_292 = arith.constant 1 : i32
    %dma_start3A_293 = arith.constant 0 : i32
    %dma_start3A_294 = arith.constant 0 : i32
    %dma_start3A_295 = tpu.memref_slice %arg8[%dma_start3A_292, %dma_start3A_293, %dma_start3A_294] : memref<2x16x1024xf32, #tpu.memory_space<vmem>> -> memref<1x16x1024xf32, #tpu.memory_space<vmem>>
    %dma_start3A_296 = tpu.memref_squeeze %dma_start3A_295 : memref<1x16x1024xf32, #tpu.memory_space<vmem>> -> memref<16x1024xf32, #tpu.memory_space<vmem>>
    %dma_start3A_297 = arith.constant 0 : i32
    %dma_start3A_298 = arith.constant 0 : i32
    %dma_start3A_299 = tpu.memref_slice %arg2[%dma_start3A_291, %add3A_290, %dma_start3A_297, %dma_start3A_298] : memref<4x256x16x1024xf32, #tpu.memory_space<hbm>> -> memref<1x1x16x1024xf32, #tpu.memory_space<hbm>>
    %dma_start3A_300 = tpu.memref_squeeze %dma_start3A_299 : memref<1x1x16x1024xf32, #tpu.memory_space<hbm>> -> memref<16x1024xf32, #tpu.memory_space<hbm>>
    %dma_start3A_301 = arith.constant 0 : i32
    %dma_start3A_302 = arith.constant 0 : i32
    %dma_start3A_303 = tpu.memref_slice %arg8[%dma_start3A_292, %dma_start3A_301, %dma_start3A_302] : memref<2x16x1024xf32, #tpu.memory_space<vmem>> -> memref<1x16x1024xf32, #tpu.memory_space<vmem>>
    %dma_start3A_304 = tpu.memref_squeeze %dma_start3A_303 : memref<1x16x1024xf32, #tpu.memory_space<vmem>> -> memref<16x1024xf32, #tpu.memory_space<vmem>>
    %dma_start3A_305 = arith.constant 0 : i32
    %dma_start3A_306 = arith.constant 0 : i32
    %dma_start3A_307 = tpu.memref_slice %arg2[%dma_start3A_291, %add3A_290, %dma_start3A_305, %dma_start3A_306] : memref<4x256x16x1024xf32, #tpu.memory_space<hbm>> -> memref<1x1x16x1024xf32, #tpu.memory_space<hbm>>
    %dma_start3A_308 = tpu.memref_squeeze %dma_start3A_307 : memref<1x1x16x1024xf32, #tpu.memory_space<hbm>> -> memref<16x1024xf32, #tpu.memory_space<hbm>>
    tpu.enqueue_dma source(%dma_start3A_308 : memref<16x1024xf32, #tpu.memory_space<hbm>>) target(%dma_start3A_304 : memref<16x1024xf32, #tpu.memory_space<vmem>>) target_semaphore(%arg11 : memref<!tpu.dma_semaphore, #tpu.memory_space<semaphore_mem>>)
    %dma_wait3A_309 = arith.constant 0 : i32
    %dma_wait3A_310 = arith.constant 0 : i32
    %dma_wait3A_311 = arith.constant 0 : i32
    %dma_wait3A_312 = arith.constant 0 : i32
    %dma_wait3A_313 = tpu.memref_slice %arg8[%dma_wait3A_310, %dma_wait3A_311, %dma_wait3A_312] : memref<2x16x1024xf32, #tpu.memory_space<vmem>> -> memref<1x16x1024xf32, #tpu.memory_space<vmem>>
    %dma_wait3A_314 = tpu.memref_squeeze %dma_wait3A_313 : memref<1x16x1024xf32, #tpu.memory_space<vmem>> -> memref<16x1024xf32, #tpu.memory_space<vmem>>
    %dma_wait3A_315 = arith.constant 0 : i32
    %dma_wait3A_316 = arith.constant 0 : i32
    %dma_wait3A_317 = tpu.memref_slice %arg2[%dma_wait3A_309, %add3A_214, %dma_wait3A_315, %dma_wait3A_316] : memref<4x256x16x1024xf32, #tpu.memory_space<hbm>> -> memref<1x1x16x1024xf32, #tpu.memory_space<hbm>>
    %dma_wait3A_318 = tpu.memref_squeeze %dma_wait3A_317 : memref<1x1x16x1024xf32, #tpu.memory_space<hbm>> -> memref<16x1024xf32, #tpu.memory_space<hbm>>
    %dma_wait3A_319 = arith.constant 0 : i32
    %dma_wait3A_320 = arith.constant 0 : i32
    %dma_wait3A_321 = tpu.memref_slice %arg8[%dma_wait3A_310, %dma_wait3A_319, %dma_wait3A_320] : memref<2x16x1024xf32, #tpu.memory_space<vmem>> -> memref<1x16x1024xf32, #tpu.memory_space<vmem>>
    %dma_wait3A_322 = tpu.memref_squeeze %dma_wait3A_321 : memref<1x16x1024xf32, #tpu.memory_space<vmem>> -> memref<16x1024xf32, #tpu.memory_space<vmem>>
    %dma_wait3A_323 = arith.constant 0 : i32
    %dma_wait3A_324 = arith.constant 0 : i32
    %dma_wait3A_325 = tpu.memref_slice %arg2[%dma_wait3A_309, %add3A_214, %dma_wait3A_323, %dma_wait3A_324] : memref<4x256x16x1024xf32, #tpu.memory_space<hbm>> -> memref<1x1x16x1024xf32, #tpu.memory_space<hbm>>
    %dma_wait3A_326 = tpu.memref_squeeze %dma_wait3A_325 : memref<1x1x16x1024xf32, #tpu.memory_space<hbm>> -> memref<16x1024xf32, #tpu.memory_space<hbm>>
    tpu.wait_dma2 semaphore(%arg10 : memref<!tpu.dma_semaphore, #tpu.memory_space<semaphore_mem>>) src(%dma_wait3A_326 : memref<16x1024xf32, #tpu.memory_space<hbm>>) dst(%dma_wait3A_322 : memref<16x1024xf32, #tpu.memory_space<vmem>>)
    %dma_wait3A_327 = arith.constant 0 : i32
    %dma_wait3A_328 = arith.constant 2 : i32
    %dma_wait3A_329 = arith.constant 0 : i32
    %dma_wait3A_330 = arith.constant 0 : i32
    %dma_wait3A_331 = tpu.memref_slice %arg8[%dma_wait3A_327, %dma_wait3A_329, %dma_wait3A_330] : memref<2x16x1024xf32, #tpu.memory_space<vmem>> -> memref<1x16x1024xf32, #tpu.memory_space<vmem>>
    %dma_wait3A_332 = tpu.memref_squeeze %dma_wait3A_331 : memref<1x16x1024xf32, #tpu.memory_space<vmem>> -> memref<16x1024xf32, #tpu.memory_space<vmem>>
    %dma_wait3A_333 = arith.constant 0 : i32
    %dma_wait3A_334 = arith.constant 0 : i32
    %dma_wait3A_335 = tpu.memref_slice %arg5[%dma_wait3A_328, %add3A_194, %dma_wait3A_333, %dma_wait3A_334] : memref<4x256x16x1024xf32, #tpu.memory_space<hbm>> -> memref<1x1x16x1024xf32, #tpu.memory_space<hbm>>
    %dma_wait3A_336 = tpu.memref_squeeze %dma_wait3A_335 : memref<1x1x16x1024xf32, #tpu.memory_space<hbm>> -> memref<16x1024xf32, #tpu.memory_space<hbm>>
    %dma_wait3A_337 = arith.constant 0 : i32
    %dma_wait3A_338 = arith.constant 0 : i32
    %dma_wait3A_339 = tpu.memref_slice %arg5[%dma_wait3A_328, %add3A_194, %dma_wait3A_337, %dma_wait3A_338] : memref<4x256x16x1024xf32, #tpu.memory_space<hbm>> -> memref<1x1x16x1024xf32, #tpu.memory_space<hbm>>
    %dma_wait3A_340 = tpu.memref_squeeze %dma_wait3A_339 : memref<1x1x16x1024xf32, #tpu.memory_space<hbm>> -> memref<16x1024xf32, #tpu.memory_space<hbm>>
    %dma_wait3A_341 = arith.constant 0 : i32
    %dma_wait3A_342 = arith.constant 0 : i32
    %dma_wait3A_343 = tpu.memref_slice %arg8[%dma_wait3A_327, %dma_wait3A_341, %dma_wait3A_342] : memref<2x16x1024xf32, #tpu.memory_space<vmem>> -> memref<1x16x1024xf32, #tpu.memory_space<vmem>>
    %dma_wait3A_344 = tpu.memref_squeeze %dma_wait3A_343 : memref<1x16x1024xf32, #tpu.memory_space<vmem>> -> memref<16x1024xf32, #tpu.memory_space<vmem>>
    tpu.wait_dma2 semaphore(%arg12 : memref<!tpu.dma_semaphore, #tpu.memory_space<semaphore_mem>>) src(%dma_wait3A_344 : memref<16x1024xf32, #tpu.memory_space<vmem>>) dst(%dma_wait3A_340 : memref<16x1024xf32, #tpu.memory_space<hbm>>)
    %add3A_345 = arith.constant 1 : i32
    %add3A_346 = arith.addi %mul3A_2, %add3A_345 : i32
    %dma_start3A_347 = arith.constant 0 : i32
    %dma_start3A_348 = arith.constant 0 : i32
    %dma_start3A_349 = arith.constant 0 : i32
    %dma_start3A_350 = arith.constant 0 : i32
    %dma_start3A_351 = tpu.memref_slice %arg8[%dma_start3A_347, %dma_start3A_349, %dma_start3A_350] : memref<2x16x1024xf32, #tpu.memory_space<vmem>> -> memref<1x16x1024xf32, #tpu.memory_space<vmem>>
    %dma_start3A_352 = tpu.memref_squeeze %dma_start3A_351 : memref<1x16x1024xf32, #tpu.memory_space<vmem>> -> memref<16x1024xf32, #tpu.memory_space<vmem>>
    %dma_start3A_353 = arith.constant 0 : i32
    %dma_start3A_354 = arith.constant 0 : i32
    %dma_start3A_355 = tpu.memref_slice %arg5[%dma_start3A_348, %add3A_346, %dma_start3A_353, %dma_start3A_354] : memref<4x256x16x1024xf32, #tpu.memory_space<hbm>> -> memref<1x1x16x1024xf32, #tpu.memory_space<hbm>>
    %dma_start3A_356 = tpu.memref_squeeze %dma_start3A_355 : memref<1x1x16x1024xf32, #tpu.memory_space<hbm>> -> memref<16x1024xf32, #tpu.memory_space<hbm>>
    %dma_start3A_357 = arith.constant 0 : i32
    %dma_start3A_358 = arith.constant 0 : i32
    %dma_start3A_359 = tpu.memref_slice %arg5[%dma_start3A_348, %add3A_346, %dma_start3A_357, %dma_start3A_358] : memref<4x256x16x1024xf32, #tpu.memory_space<hbm>> -> memref<1x1x16x1024xf32, #tpu.memory_space<hbm>>
    %dma_start3A_360 = tpu.memref_squeeze %dma_start3A_359 : memref<1x1x16x1024xf32, #tpu.memory_space<hbm>> -> memref<16x1024xf32, #tpu.memory_space<hbm>>
    %dma_start3A_361 = arith.constant 0 : i32
    %dma_start3A_362 = arith.constant 0 : i32
    %dma_start3A_363 = tpu.memref_slice %arg8[%dma_start3A_347, %dma_start3A_361, %dma_start3A_362] : memref<2x16x1024xf32, #tpu.memory_space<vmem>> -> memref<1x16x1024xf32, #tpu.memory_space<vmem>>
    %dma_start3A_364 = tpu.memref_squeeze %dma_start3A_363 : memref<1x16x1024xf32, #tpu.memory_space<vmem>> -> memref<16x1024xf32, #tpu.memory_space<vmem>>
    tpu.enqueue_dma source(%dma_start3A_364 : memref<16x1024xf32, #tpu.memory_space<vmem>>) target(%dma_start3A_360 : memref<16x1024xf32, #tpu.memory_space<hbm>>) target_semaphore(%arg12 : memref<!tpu.dma_semaphore, #tpu.memory_space<semaphore_mem>>)
    %add3A_365 = arith.constant 1 : i32
    %add3A_366 = arith.addi %mul3A_2, %add3A_365 : i32
    %dma_start3A_367 = arith.constant 2 : i32
    %dma_start3A_368 = arith.constant 0 : i32
    %dma_start3A_369 = arith.constant 0 : i32
    %dma_start3A_370 = arith.constant 0 : i32
    %dma_start3A_371 = tpu.memref_slice %arg8[%dma_start3A_368, %dma_start3A_369, %dma_start3A_370] : memref<2x16x1024xf32, #tpu.memory_space<vmem>> -> memref<1x16x1024xf32, #tpu.memory_space<vmem>>
    %dma_start3A_372 = tpu.memref_squeeze %dma_start3A_371 : memref<1x16x1024xf32, #tpu.memory_space<vmem>> -> memref<16x1024xf32, #tpu.memory_space<vmem>>
    %dma_start3A_373 = arith.constant 0 : i32
    %dma_start3A_374 = arith.constant 0 : i32
    %dma_start3A_375 = tpu.memref_slice %arg2[%dma_start3A_367, %add3A_366, %dma_start3A_373, %dma_start3A_374] : memref<4x256x16x1024xf32, #tpu.memory_space<hbm>> -> memref<1x1x16x1024xf32, #tpu.memory_space<hbm>>
    %dma_start3A_376 = tpu.memref_squeeze %dma_start3A_375 : memref<1x1x16x1024xf32, #tpu.memory_space<hbm>> -> memref<16x1024xf32, #tpu.memory_space<hbm>>
    %dma_start3A_377 = arith.constant 0 : i32
    %dma_start3A_378 = arith.constant 0 : i32
    %dma_start3A_379 = tpu.memref_slice %arg8[%dma_start3A_368, %dma_start3A_377, %dma_start3A_378] : memref<2x16x1024xf32, #tpu.memory_space<vmem>> -> memref<1x16x1024xf32, #tpu.memory_space<vmem>>
    %dma_start3A_380 = tpu.memref_squeeze %dma_start3A_379 : memref<1x16x1024xf32, #tpu.memory_space<vmem>> -> memref<16x1024xf32, #tpu.memory_space<vmem>>
    %dma_start3A_381 = arith.constant 0 : i32
    %dma_start3A_382 = arith.constant 0 : i32
    %dma_start3A_383 = tpu.memref_slice %arg2[%dma_start3A_367, %add3A_366, %dma_start3A_381, %dma_start3A_382] : memref<4x256x16x1024xf32, #tpu.memory_space<hbm>> -> memref<1x1x16x1024xf32, #tpu.memory_space<hbm>>
    %dma_start3A_384 = tpu.memref_squeeze %dma_start3A_383 : memref<1x1x16x1024xf32, #tpu.memory_space<hbm>> -> memref<16x1024xf32, #tpu.memory_space<hbm>>
    tpu.enqueue_dma source(%dma_start3A_384 : memref<16x1024xf32, #tpu.memory_space<hbm>>) target(%dma_start3A_380 : memref<16x1024xf32, #tpu.memory_space<vmem>>) target_semaphore(%arg10 : memref<!tpu.dma_semaphore, #tpu.memory_space<semaphore_mem>>)
    %dma_wait3A_385 = arith.constant 1 : i32
    %dma_wait3A_386 = arith.constant 1 : i32
    %dma_wait3A_387 = arith.constant 0 : i32
    %dma_wait3A_388 = arith.constant 0 : i32
    %dma_wait3A_389 = tpu.memref_slice %arg8[%dma_wait3A_386, %dma_wait3A_387, %dma_wait3A_388] : memref<2x16x1024xf32, #tpu.memory_space<vmem>> -> memref<1x16x1024xf32, #tpu.memory_space<vmem>>
    %dma_wait3A_390 = tpu.memref_squeeze %dma_wait3A_389 : memref<1x16x1024xf32, #tpu.memory_space<vmem>> -> memref<16x1024xf32, #tpu.memory_space<vmem>>
    %dma_wait3A_391 = arith.constant 0 : i32
    %dma_wait3A_392 = arith.constant 0 : i32
    %dma_wait3A_393 = tpu.memref_slice %arg2[%dma_wait3A_385, %add3A_290, %dma_wait3A_391, %dma_wait3A_392] : memref<4x256x16x1024xf32, #tpu.memory_space<hbm>> -> memref<1x1x16x1024xf32, #tpu.memory_space<hbm>>
    %dma_wait3A_394 = tpu.memref_squeeze %dma_wait3A_393 : memref<1x1x16x1024xf32, #tpu.memory_space<hbm>> -> memref<16x1024xf32, #tpu.memory_space<hbm>>
    %dma_wait3A_395 = arith.constant 0 : i32
    %dma_wait3A_396 = arith.constant 0 : i32
    %dma_wait3A_397 = tpu.memref_slice %arg8[%dma_wait3A_386, %dma_wait3A_395, %dma_wait3A_396] : memref<2x16x1024xf32, #tpu.memory_space<vmem>> -> memref<1x16x1024xf32, #tpu.memory_space<vmem>>
    %dma_wait3A_398 = tpu.memref_squeeze %dma_wait3A_397 : memref<1x16x1024xf32, #tpu.memory_space<vmem>> -> memref<16x1024xf32, #tpu.memory_space<vmem>>
    %dma_wait3A_399 = arith.constant 0 : i32
    %dma_wait3A_400 = arith.constant 0 : i32
    %dma_wait3A_401 = tpu.memref_slice %arg2[%dma_wait3A_385, %add3A_290, %dma_wait3A_399, %dma_wait3A_400] : memref<4x256x16x1024xf32, #tpu.memory_space<hbm>> -> memref<1x1x16x1024xf32, #tpu.memory_space<hbm>>
    %dma_wait3A_402 = tpu.memref_squeeze %dma_wait3A_401 : memref<1x1x16x1024xf32, #tpu.memory_space<hbm>> -> memref<16x1024xf32, #tpu.memory_space<hbm>>
    tpu.wait_dma2 semaphore(%arg11 : memref<!tpu.dma_semaphore, #tpu.memory_space<semaphore_mem>>) src(%dma_wait3A_402 : memref<16x1024xf32, #tpu.memory_space<hbm>>) dst(%dma_wait3A_398 : memref<16x1024xf32, #tpu.memory_space<vmem>>)
    %dma_wait3A_403 = arith.constant 1 : i32
    %dma_wait3A_404 = arith.constant 3 : i32
    %dma_wait3A_405 = arith.constant 0 : i32
    %dma_wait3A_406 = arith.constant 0 : i32
    %dma_wait3A_407 = tpu.memref_slice %arg8[%dma_wait3A_403, %dma_wait3A_405, %dma_wait3A_406] : memref<2x16x1024xf32, #tpu.memory_space<vmem>> -> memref<1x16x1024xf32, #tpu.memory_space<vmem>>
    %dma_wait3A_408 = tpu.memref_squeeze %dma_wait3A_407 : memref<1x16x1024xf32, #tpu.memory_space<vmem>> -> memref<16x1024xf32, #tpu.memory_space<vmem>>
    %dma_wait3A_409 = arith.constant 0 : i32
    %dma_wait3A_410 = arith.constant 0 : i32
    %dma_wait3A_411 = tpu.memref_slice %arg5[%dma_wait3A_404, %add3A_270, %dma_wait3A_409, %dma_wait3A_410] : memref<4x256x16x1024xf32, #tpu.memory_space<hbm>> -> memref<1x1x16x1024xf32, #tpu.memory_space<hbm>>
    %dma_wait3A_412 = tpu.memref_squeeze %dma_wait3A_411 : memref<1x1x16x1024xf32, #tpu.memory_space<hbm>> -> memref<16x1024xf32, #tpu.memory_space<hbm>>
    %dma_wait3A_413 = arith.constant 0 : i32
    %dma_wait3A_414 = arith.constant 0 : i32
    %dma_wait3A_415 = tpu.memref_slice %arg5[%dma_wait3A_404, %add3A_270, %dma_wait3A_413, %dma_wait3A_414] : memref<4x256x16x1024xf32, #tpu.memory_space<hbm>> -> memref<1x1x16x1024xf32, #tpu.memory_space<hbm>>
    %dma_wait3A_416 = tpu.memref_squeeze %dma_wait3A_415 : memref<1x1x16x1024xf32, #tpu.memory_space<hbm>> -> memref<16x1024xf32, #tpu.memory_space<hbm>>
    %dma_wait3A_417 = arith.constant 0 : i32
    %dma_wait3A_418 = arith.constant 0 : i32
    %dma_wait3A_419 = tpu.memref_slice %arg8[%dma_wait3A_403, %dma_wait3A_417, %dma_wait3A_418] : memref<2x16x1024xf32, #tpu.memory_space<vmem>> -> memref<1x16x1024xf32, #tpu.memory_space<vmem>>
    %dma_wait3A_420 = tpu.memref_squeeze %dma_wait3A_419 : memref<1x16x1024xf32, #tpu.memory_space<vmem>> -> memref<16x1024xf32, #tpu.memory_space<vmem>>
    tpu.wait_dma2 semaphore(%arg13 : memref<!tpu.dma_semaphore, #tpu.memory_space<semaphore_mem>>) src(%dma_wait3A_420 : memref<16x1024xf32, #tpu.memory_space<vmem>>) dst(%dma_wait3A_416 : memref<16x1024xf32, #tpu.memory_space<hbm>>)
    %add3A_421 = arith.constant 1 : i32
    %add3A_422 = arith.addi %mul3A_2, %add3A_421 : i32
    %dma_start3A_423 = arith.constant 1 : i32
    %dma_start3A_424 = arith.constant 1 : i32
    %dma_start3A_425 = arith.constant 0 : i32
    %dma_start3A_426 = arith.constant 0 : i32
    %dma_start3A_427 = tpu.memref_slice %arg8[%dma_start3A_423, %dma_start3A_425, %dma_start3A_426] : memref<2x16x1024xf32, #tpu.memory_space<vmem>> -> memref<1x16x1024xf32, #tpu.memory_space<vmem>>
    %dma_start3A_428 = tpu.memref_squeeze %dma_start3A_427 : memref<1x16x1024xf32, #tpu.memory_space<vmem>> -> memref<16x1024xf32, #tpu.memory_space<vmem>>
    %dma_start3A_429 = arith.constant 0 : i32
    %dma_start3A_430 = arith.constant 0 : i32
    %dma_start3A_431 = tpu.memref_slice %arg5[%dma_start3A_424, %add3A_422, %dma_start3A_429, %dma_start3A_430] : memref<4x256x16x1024xf32, #tpu.memory_space<hbm>> -> memref<1x1x16x1024xf32, #tpu.memory_space<hbm>>
    %dma_start3A_432 = tpu.memref_squeeze %dma_start3A_431 : memref<1x1x16x1024xf32, #tpu.memory_space<hbm>> -> memref<16x1024xf32, #tpu.memory_space<hbm>>
    %dma_start3A_433 = arith.constant 0 : i32
    %dma_start3A_434 = arith.constant 0 : i32
    %dma_start3A_435 = tpu.memref_slice %arg5[%dma_start3A_424, %add3A_422, %dma_start3A_433, %dma_start3A_434] : memref<4x256x16x1024xf32, #tpu.memory_space<hbm>> -> memref<1x1x16x1024xf32, #tpu.memory_space<hbm>>
    %dma_start3A_436 = tpu.memref_squeeze %dma_start3A_435 : memref<1x1x16x1024xf32, #tpu.memory_space<hbm>> -> memref<16x1024xf32, #tpu.memory_space<hbm>>
    %dma_start3A_437 = arith.constant 0 : i32
    %dma_start3A_438 = arith.constant 0 : i32
    %dma_start3A_439 = tpu.memref_slice %arg8[%dma_start3A_423, %dma_start3A_437, %dma_start3A_438] : memref<2x16x1024xf32, #tpu.memory_space<vmem>> -> memref<1x16x1024xf32, #tpu.memory_space<vmem>>
    %dma_start3A_440 = tpu.memref_squeeze %dma_start3A_439 : memref<1x16x1024xf32, #tpu.memory_space<vmem>> -> memref<16x1024xf32, #tpu.memory_space<vmem>>
    tpu.enqueue_dma source(%dma_start3A_440 : memref<16x1024xf32, #tpu.memory_space<vmem>>) target(%dma_start3A_436 : memref<16x1024xf32, #tpu.memory_space<hbm>>) target_semaphore(%arg13 : memref<!tpu.dma_semaphore, #tpu.memory_space<semaphore_mem>>)
    %add3A_441 = arith.constant 1 : i32
    %add3A_442 = arith.addi %mul3A_2, %add3A_441 : i32
    %dma_start3A_443 = arith.constant 3 : i32
    %dma_start3A_444 = arith.constant 1 : i32
    %dma_start3A_445 = arith.constant 0 : i32
    %dma_start3A_446 = arith.constant 0 : i32
    %dma_start3A_447 = tpu.memref_slice %arg8[%dma_start3A_444, %dma_start3A_445, %dma_start3A_446] : memref<2x16x1024xf32, #tpu.memory_space<vmem>> -> memref<1x16x1024xf32, #tpu.memory_space<vmem>>
    %dma_start3A_448 = tpu.memref_squeeze %dma_start3A_447 : memref<1x16x1024xf32, #tpu.memory_space<vmem>> -> memref<16x1024xf32, #tpu.memory_space<vmem>>
    %dma_start3A_449 = arith.constant 0 : i32
    %dma_start3A_450 = arith.constant 0 : i32
    %dma_start3A_451 = tpu.memref_slice %arg2[%dma_start3A_443, %add3A_442, %dma_start3A_449, %dma_start3A_450] : memref<4x256x16x1024xf32, #tpu.memory_space<hbm>> -> memref<1x1x16x1024xf32, #tpu.memory_space<hbm>>
    %dma_start3A_452 = tpu.memref_squeeze %dma_start3A_451 : memref<1x1x16x1024xf32, #tpu.memory_space<hbm>> -> memref<16x1024xf32, #tpu.memory_space<hbm>>
    %dma_start3A_453 = arith.constant 0 : i32
    %dma_start3A_454 = arith.constant 0 : i32
    %dma_start3A_455 = tpu.memref_slice %arg8[%dma_start3A_444, %dma_start3A_453, %dma_start3A_454] : memref<2x16x1024xf32, #tpu.memory_space<vmem>> -> memref<1x16x1024xf32, #tpu.memory_space<vmem>>
    %dma_start3A_456 = tpu.memref_squeeze %dma_start3A_455 : memref<1x16x1024xf32, #tpu.memory_space<vmem>> -> memref<16x1024xf32, #tpu.memory_space<vmem>>
    %dma_start3A_457 = arith.constant 0 : i32
    %dma_start3A_458 = arith.constant 0 : i32
    %dma_start3A_459 = tpu.memref_slice %arg2[%dma_start3A_443, %add3A_442, %dma_start3A_457, %dma_start3A_458] : memref<4x256x16x1024xf32, #tpu.memory_space<hbm>> -> memref<1x1x16x1024xf32, #tpu.memory_space<hbm>>
    %dma_start3A_460 = tpu.memref_squeeze %dma_start3A_459 : memref<1x1x16x1024xf32, #tpu.memory_space<hbm>> -> memref<16x1024xf32, #tpu.memory_space<hbm>>
    tpu.enqueue_dma source(%dma_start3A_460 : memref<16x1024xf32, #tpu.memory_space<hbm>>) target(%dma_start3A_456 : memref<16x1024xf32, #tpu.memory_space<vmem>>) target_semaphore(%arg11 : memref<!tpu.dma_semaphore, #tpu.memory_space<semaphore_mem>>)
    %dma_wait3A_461 = arith.constant 2 : i32
    %dma_wait3A_462 = arith.constant 0 : i32
    %dma_wait3A_463 = arith.constant 0 : i32
    %dma_wait3A_464 = arith.constant 0 : i32
    %dma_wait3A_465 = tpu.memref_slice %arg8[%dma_wait3A_462, %dma_wait3A_463, %dma_wait3A_464] : memref<2x16x1024xf32, #tpu.memory_space<vmem>> -> memref<1x16x1024xf32, #tpu.memory_space<vmem>>
    %dma_wait3A_466 = tpu.memref_squeeze %dma_wait3A_465 : memref<1x16x1024xf32, #tpu.memory_space<vmem>> -> memref<16x1024xf32, #tpu.memory_space<vmem>>
    %dma_wait3A_467 = arith.constant 0 : i32
    %dma_wait3A_468 = arith.constant 0 : i32
    %dma_wait3A_469 = tpu.memref_slice %arg2[%dma_wait3A_461, %add3A_366, %dma_wait3A_467, %dma_wait3A_468] : memref<4x256x16x1024xf32, #tpu.memory_space<hbm>> -> memref<1x1x16x1024xf32, #tpu.memory_space<hbm>>
    %dma_wait3A_470 = tpu.memref_squeeze %dma_wait3A_469 : memref<1x1x16x1024xf32, #tpu.memory_space<hbm>> -> memref<16x1024xf32, #tpu.memory_space<hbm>>
    %dma_wait3A_471 = arith.constant 0 : i32
    %dma_wait3A_472 = arith.constant 0 : i32
    %dma_wait3A_473 = tpu.memref_slice %arg8[%dma_wait3A_462, %dma_wait3A_471, %dma_wait3A_472] : memref<2x16x1024xf32, #tpu.memory_space<vmem>> -> memref<1x16x1024xf32, #tpu.memory_space<vmem>>
    %dma_wait3A_474 = tpu.memref_squeeze %dma_wait3A_473 : memref<1x16x1024xf32, #tpu.memory_space<vmem>> -> memref<16x1024xf32, #tpu.memory_space<vmem>>
    %dma_wait3A_475 = arith.constant 0 : i32
    %dma_wait3A_476 = arith.constant 0 : i32
    %dma_wait3A_477 = tpu.memref_slice %arg2[%dma_wait3A_461, %add3A_366, %dma_wait3A_475, %dma_wait3A_476] : memref<4x256x16x1024xf32, #tpu.memory_space<hbm>> -> memref<1x1x16x1024xf32, #tpu.memory_space<hbm>>
    %dma_wait3A_478 = tpu.memref_squeeze %dma_wait3A_477 : memref<1x1x16x1024xf32, #tpu.memory_space<hbm>> -> memref<16x1024xf32, #tpu.memory_space<hbm>>
    tpu.wait_dma2 semaphore(%arg10 : memref<!tpu.dma_semaphore, #tpu.memory_space<semaphore_mem>>) src(%dma_wait3A_478 : memref<16x1024xf32, #tpu.memory_space<hbm>>) dst(%dma_wait3A_474 : memref<16x1024xf32, #tpu.memory_space<vmem>>)
    %dma_wait3A_479 = arith.constant 0 : i32
    %dma_wait3A_480 = arith.constant 0 : i32
    %dma_wait3A_481 = arith.constant 0 : i32
    %dma_wait3A_482 = arith.constant 0 : i32
    %dma_wait3A_483 = tpu.memref_slice %arg8[%dma_wait3A_479, %dma_wait3A_481, %dma_wait3A_482] : memref<2x16x1024xf32, #tpu.memory_space<vmem>> -> memref<1x16x1024xf32, #tpu.memory_space<vmem>>
    %dma_wait3A_484 = tpu.memref_squeeze %dma_wait3A_483 : memref<1x16x1024xf32, #tpu.memory_space<vmem>> -> memref<16x1024xf32, #tpu.memory_space<vmem>>
    %dma_wait3A_485 = arith.constant 0 : i32
    %dma_wait3A_486 = arith.constant 0 : i32
    %dma_wait3A_487 = tpu.memref_slice %arg5[%dma_wait3A_480, %add3A_346, %dma_wait3A_485, %dma_wait3A_486] : memref<4x256x16x1024xf32, #tpu.memory_space<hbm>> -> memref<1x1x16x1024xf32, #tpu.memory_space<hbm>>
    %dma_wait3A_488 = tpu.memref_squeeze %dma_wait3A_487 : memref<1x1x16x1024xf32, #tpu.memory_space<hbm>> -> memref<16x1024xf32, #tpu.memory_space<hbm>>
    %dma_wait3A_489 = arith.constant 0 : i32
    %dma_wait3A_490 = arith.constant 0 : i32
    %dma_wait3A_491 = tpu.memref_slice %arg5[%dma_wait3A_480, %add3A_346, %dma_wait3A_489, %dma_wait3A_490] : memref<4x256x16x1024xf32, #tpu.memory_space<hbm>> -> memref<1x1x16x1024xf32, #tpu.memory_space<hbm>>
    %dma_wait3A_492 = tpu.memref_squeeze %dma_wait3A_491 : memref<1x1x16x1024xf32, #tpu.memory_space<hbm>> -> memref<16x1024xf32, #tpu.memory_space<hbm>>
    %dma_wait3A_493 = arith.constant 0 : i32
    %dma_wait3A_494 = arith.constant 0 : i32
    %dma_wait3A_495 = tpu.memref_slice %arg8[%dma_wait3A_479, %dma_wait3A_493, %dma_wait3A_494] : memref<2x16x1024xf32, #tpu.memory_space<vmem>> -> memref<1x16x1024xf32, #tpu.memory_space<vmem>>
    %dma_wait3A_496 = tpu.memref_squeeze %dma_wait3A_495 : memref<1x16x1024xf32, #tpu.memory_space<vmem>> -> memref<16x1024xf32, #tpu.memory_space<vmem>>
    tpu.wait_dma2 semaphore(%arg12 : memref<!tpu.dma_semaphore, #tpu.memory_space<semaphore_mem>>) src(%dma_wait3A_496 : memref<16x1024xf32, #tpu.memory_space<vmem>>) dst(%dma_wait3A_492 : memref<16x1024xf32, #tpu.memory_space<hbm>>)
    %add3A_497 = arith.constant 1 : i32
    %add3A_498 = arith.addi %mul3A_2, %add3A_497 : i32
    %dma_start3A_499 = arith.constant 0 : i32
    %dma_start3A_500 = arith.constant 2 : i32
    %dma_start3A_501 = arith.constant 0 : i32
    %dma_start3A_502 = arith.constant 0 : i32
    %dma_start3A_503 = tpu.memref_slice %arg8[%dma_start3A_499, %dma_start3A_501, %dma_start3A_502] : memref<2x16x1024xf32, #tpu.memory_space<vmem>> -> memref<1x16x1024xf32, #tpu.memory_space<vmem>>
    %dma_start3A_504 = tpu.memref_squeeze %dma_start3A_503 : memref<1x16x1024xf32, #tpu.memory_space<vmem>> -> memref<16x1024xf32, #tpu.memory_space<vmem>>
    %dma_start3A_505 = arith.constant 0 : i32
    %dma_start3A_506 = arith.constant 0 : i32
    %dma_start3A_507 = tpu.memref_slice %arg5[%dma_start3A_500, %add3A_498, %dma_start3A_505, %dma_start3A_506] : memref<4x256x16x1024xf32, #tpu.memory_space<hbm>> -> memref<1x1x16x1024xf32, #tpu.memory_space<hbm>>
    %dma_start3A_508 = tpu.memref_squeeze %dma_start3A_507 : memref<1x1x16x1024xf32, #tpu.memory_space<hbm>> -> memref<16x1024xf32, #tpu.memory_space<hbm>>
    %dma_start3A_509 = arith.constant 0 : i32
    %dma_start3A_510 = arith.constant 0 : i32
    %dma_start3A_511 = tpu.memref_slice %arg5[%dma_start3A_500, %add3A_498, %dma_start3A_509, %dma_start3A_510] : memref<4x256x16x1024xf32, #tpu.memory_space<hbm>> -> memref<1x1x16x1024xf32, #tpu.memory_space<hbm>>
    %dma_start3A_512 = tpu.memref_squeeze %dma_start3A_511 : memref<1x1x16x1024xf32, #tpu.memory_space<hbm>> -> memref<16x1024xf32, #tpu.memory_space<hbm>>
    %dma_start3A_513 = arith.constant 0 : i32
    %dma_start3A_514 = arith.constant 0 : i32
    %dma_start3A_515 = tpu.memref_slice %arg8[%dma_start3A_499, %dma_start3A_513, %dma_start3A_514] : memref<2x16x1024xf32, #tpu.memory_space<vmem>> -> memref<1x16x1024xf32, #tpu.memory_space<vmem>>
    %dma_start3A_516 = tpu.memref_squeeze %dma_start3A_515 : memref<1x16x1024xf32, #tpu.memory_space<vmem>> -> memref<16x1024xf32, #tpu.memory_space<vmem>>
    tpu.enqueue_dma source(%dma_start3A_516 : memref<16x1024xf32, #tpu.memory_space<vmem>>) target(%dma_start3A_512 : memref<16x1024xf32, #tpu.memory_space<hbm>>) target_semaphore(%arg12 : memref<!tpu.dma_semaphore, #tpu.memory_space<semaphore_mem>>)
    %add3A_517 = arith.constant 2 : i32
    %add3A_518 = arith.addi %mul3A_2, %add3A_517 : i32
    %dma_start3A_519 = arith.constant 0 : i32
    %dma_start3A_520 = arith.constant 0 : i32
    %dma_start3A_521 = arith.constant 0 : i32
    %dma_start3A_522 = arith.constant 0 : i32
    %dma_start3A_523 = tpu.memref_slice %arg8[%dma_start3A_520, %dma_start3A_521, %dma_start3A_522] : memref<2x16x1024xf32, #tpu.memory_space<vmem>> -> memref<1x16x1024xf32, #tpu.memory_space<vmem>>
    %dma_start3A_524 = tpu.memref_squeeze %dma_start3A_523 : memref<1x16x1024xf32, #tpu.memory_space<vmem>> -> memref<16x1024xf32, #tpu.memory_space<vmem>>
    %dma_start3A_525 = arith.constant 0 : i32
    %dma_start3A_526 = arith.constant 0 : i32
    %dma_start3A_527 = tpu.memref_slice %arg2[%dma_start3A_519, %add3A_518, %dma_start3A_525, %dma_start3A_526] : memref<4x256x16x1024xf32, #tpu.memory_space<hbm>> -> memref<1x1x16x1024xf32, #tpu.memory_space<hbm>>
    %dma_start3A_528 = tpu.memref_squeeze %dma_start3A_527 : memref<1x1x16x1024xf32, #tpu.memory_space<hbm>> -> memref<16x1024xf32, #tpu.memory_space<hbm>>
    %dma_start3A_529 = arith.constant 0 : i32
    %dma_start3A_530 = arith.constant 0 : i32
    %dma_start3A_531 = tpu.memref_slice %arg8[%dma_start3A_520, %dma_start3A_529, %dma_start3A_530] : memref<2x16x1024xf32, #tpu.memory_space<vmem>> -> memref<1x16x1024xf32, #tpu.memory_space<vmem>>
    %dma_start3A_532 = tpu.memref_squeeze %dma_start3A_531 : memref<1x16x1024xf32, #tpu.memory_space<vmem>> -> memref<16x1024xf32, #tpu.memory_space<vmem>>
    %dma_start3A_533 = arith.constant 0 : i32
    %dma_start3A_534 = arith.constant 0 : i32
    %dma_start3A_535 = tpu.memref_slice %arg2[%dma_start3A_519, %add3A_518, %dma_start3A_533, %dma_start3A_534] : memref<4x256x16x1024xf32, #tpu.memory_space<hbm>> -> memref<1x1x16x1024xf32, #tpu.memory_space<hbm>>
    %dma_start3A_536 = tpu.memref_squeeze %dma_start3A_535 : memref<1x1x16x1024xf32, #tpu.memory_space<hbm>> -> memref<16x1024xf32, #tpu.memory_space<hbm>>
    tpu.enqueue_dma source(%dma_start3A_536 : memref<16x1024xf32, #tpu.memory_space<hbm>>) target(%dma_start3A_532 : memref<16x1024xf32, #tpu.memory_space<vmem>>) target_semaphore(%arg10 : memref<!tpu.dma_semaphore, #tpu.memory_space<semaphore_mem>>)
    %dma_wait3A_537 = arith.constant 3 : i32
    %dma_wait3A_538 = arith.constant 1 : i32
    %dma_wait3A_539 = arith.constant 0 : i32
    %dma_wait3A_540 = arith.constant 0 : i32
    %dma_wait3A_541 = tpu.memref_slice %arg8[%dma_wait3A_538, %dma_wait3A_539, %dma_wait3A_540] : memref<2x16x1024xf32, #tpu.memory_space<vmem>> -> memref<1x16x1024xf32, #tpu.memory_space<vmem>>
    %dma_wait3A_542 = tpu.memref_squeeze %dma_wait3A_541 : memref<1x16x1024xf32, #tpu.memory_space<vmem>> -> memref<16x1024xf32, #tpu.memory_space<vmem>>
    %dma_wait3A_543 = arith.constant 0 : i32
    %dma_wait3A_544 = arith.constant 0 : i32
    %dma_wait3A_545 = tpu.memref_slice %arg2[%dma_wait3A_537, %add3A_442, %dma_wait3A_543, %dma_wait3A_544] : memref<4x256x16x1024xf32, #tpu.memory_space<hbm>> -> memref<1x1x16x1024xf32, #tpu.memory_space<hbm>>
    %dma_wait3A_546 = tpu.memref_squeeze %dma_wait3A_545 : memref<1x1x16x1024xf32, #tpu.memory_space<hbm>> -> memref<16x1024xf32, #tpu.memory_space<hbm>>
    %dma_wait3A_547 = arith.constant 0 : i32
    %dma_wait3A_548 = arith.constant 0 : i32
    %dma_wait3A_549 = tpu.memref_slice %arg8[%dma_wait3A_538, %dma_wait3A_547, %dma_wait3A_548] : memref<2x16x1024xf32, #tpu.memory_space<vmem>> -> memref<1x16x1024xf32, #tpu.memory_space<vmem>>
    %dma_wait3A_550 = tpu.memref_squeeze %dma_wait3A_549 : memref<1x16x1024xf32, #tpu.memory_space<vmem>> -> memref<16x1024xf32, #tpu.memory_space<vmem>>
    %dma_wait3A_551 = arith.constant 0 : i32
    %dma_wait3A_552 = arith.constant 0 : i32
    %dma_wait3A_553 = tpu.memref_slice %arg2[%dma_wait3A_537, %add3A_442, %dma_wait3A_551, %dma_wait3A_552] : memref<4x256x16x1024xf32, #tpu.memory_space<hbm>> -> memref<1x1x16x1024xf32, #tpu.memory_space<hbm>>
    %dma_wait3A_554 = tpu.memref_squeeze %dma_wait3A_553 : memref<1x1x16x1024xf32, #tpu.memory_space<hbm>> -> memref<16x1024xf32, #tpu.memory_space<hbm>>
    tpu.wait_dma2 semaphore(%arg11 : memref<!tpu.dma_semaphore, #tpu.memory_space<semaphore_mem>>) src(%dma_wait3A_554 : memref<16x1024xf32, #tpu.memory_space<hbm>>) dst(%dma_wait3A_550 : memref<16x1024xf32, #tpu.memory_space<vmem>>)
    %dma_wait3A_555 = arith.constant 1 : i32
    %dma_wait3A_556 = arith.constant 1 : i32
    %dma_wait3A_557 = arith.constant 0 : i32
    %dma_wait3A_558 = arith.constant 0 : i32
    %dma_wait3A_559 = tpu.memref_slice %arg8[%dma_wait3A_555, %dma_wait3A_557, %dma_wait3A_558] : memref<2x16x1024xf32, #tpu.memory_space<vmem>> -> memref<1x16x1024xf32, #tpu.memory_space<vmem>>
    %dma_wait3A_560 = tpu.memref_squeeze %dma_wait3A_559 : memref<1x16x1024xf32, #tpu.memory_space<vmem>> -> memref<16x1024xf32, #tpu.memory_space<vmem>>
    %dma_wait3A_561 = arith.constant 0 : i32
    %dma_wait3A_562 = arith.constant 0 : i32
    %dma_wait3A_563 = tpu.memref_slice %arg5[%dma_wait3A_556, %add3A_422, %dma_wait3A_561, %dma_wait3A_562] : memref<4x256x16x1024xf32, #tpu.memory_space<hbm>> -> memref<1x1x16x1024xf32, #tpu.memory_space<hbm>>
    %dma_wait3A_564 = tpu.memref_squeeze %dma_wait3A_563 : memref<1x1x16x1024xf32, #tpu.memory_space<hbm>> -> memref<16x1024xf32, #tpu.memory_space<hbm>>
    %dma_wait3A_565 = arith.constant 0 : i32
    %dma_wait3A_566 = arith.constant 0 : i32
    %dma_wait3A_567 = tpu.memref_slice %arg5[%dma_wait3A_556, %add3A_422, %dma_wait3A_565, %dma_wait3A_566] : memref<4x256x16x1024xf32, #tpu.memory_space<hbm>> -> memref<1x1x16x1024xf32, #tpu.memory_space<hbm>>
    %dma_wait3A_568 = tpu.memref_squeeze %dma_wait3A_567 : memref<1x1x16x1024xf32, #tpu.memory_space<hbm>> -> memref<16x1024xf32, #tpu.memory_space<hbm>>
    %dma_wait3A_569 = arith.constant 0 : i32
    %dma_wait3A_570 = arith.constant 0 : i32
    %dma_wait3A_571 = tpu.memref_slice %arg8[%dma_wait3A_555, %dma_wait3A_569, %dma_wait3A_570] : memref<2x16x1024xf32, #tpu.memory_space<vmem>> -> memref<1x16x1024xf32, #tpu.memory_space<vmem>>
    %dma_wait3A_572 = tpu.memref_squeeze %dma_wait3A_571 : memref<1x16x1024xf32, #tpu.memory_space<vmem>> -> memref<16x1024xf32, #tpu.memory_space<vmem>>
    tpu.wait_dma2 semaphore(%arg13 : memref<!tpu.dma_semaphore, #tpu.memory_space<semaphore_mem>>) src(%dma_wait3A_572 : memref<16x1024xf32, #tpu.memory_space<vmem>>) dst(%dma_wait3A_568 : memref<16x1024xf32, #tpu.memory_space<hbm>>)
    %add3A_573 = arith.constant 1 : i32
    %add3A_574 = arith.addi %mul3A_2, %add3A_573 : i32
    %dma_start3A_575 = arith.constant 1 : i32
    %dma_start3A_576 = arith.constant 3 : i32
    %dma_start3A_577 = arith.constant 0 : i32
    %dma_start3A_578 = arith.constant 0 : i32
    %dma_start3A_579 = tpu.memref_slice %arg8[%dma_start3A_575, %dma_start3A_577, %dma_start3A_578] : memref<2x16x1024xf32, #tpu.memory_space<vmem>> -> memref<1x16x1024xf32, #tpu.memory_space<vmem>>
    %dma_start3A_580 = tpu.memref_squeeze %dma_start3A_579 : memref<1x16x1024xf32, #tpu.memory_space<vmem>> -> memref<16x1024xf32, #tpu.memory_space<vmem>>
    %dma_start3A_581 = arith.constant 0 : i32
    %dma_start3A_582 = arith.constant 0 : i32
    %dma_start3A_583 = tpu.memref_slice %arg5[%dma_start3A_576, %add3A_574, %dma_start3A_581, %dma_start3A_582] : memref<4x256x16x1024xf32, #tpu.memory_space<hbm>> -> memref<1x1x16x1024xf32, #tpu.memory_space<hbm>>
    %dma_start3A_584 = tpu.memref_squeeze %dma_start3A_583 : memref<1x1x16x1024xf32, #tpu.memory_space<hbm>> -> memref<16x1024xf32, #tpu.memory_space<hbm>>
    %dma_start3A_585 = arith.constant 0 : i32
    %dma_start3A_586 = arith.constant 0 : i32
    %dma_start3A_587 = tpu.memref_slice %arg5[%dma_start3A_576, %add3A_574, %dma_start3A_585, %dma_start3A_586] : memref<4x256x16x1024xf32, #tpu.memory_space<hbm>> -> memref<1x1x16x1024xf32, #tpu.memory_space<hbm>>
    %dma_start3A_588 = tpu.memref_squeeze %dma_start3A_587 : memref<1x1x16x1024xf32, #tpu.memory_space<hbm>> -> memref<16x1024xf32, #tpu.memory_space<hbm>>
    %dma_start3A_589 = arith.constant 0 : i32
    %dma_start3A_590 = arith.constant 0 : i32
    %dma_start3A_591 = tpu.memref_slice %arg8[%dma_start3A_575, %dma_start3A_589, %dma_start3A_590] : memref<2x16x1024xf32, #tpu.memory_space<vmem>> -> memref<1x16x1024xf32, #tpu.memory_space<vmem>>
    %dma_start3A_592 = tpu.memref_squeeze %dma_start3A_591 : memref<1x16x1024xf32, #tpu.memory_space<vmem>> -> memref<16x1024xf32, #tpu.memory_space<vmem>>
    tpu.enqueue_dma source(%dma_start3A_592 : memref<16x1024xf32, #tpu.memory_space<vmem>>) target(%dma_start3A_588 : memref<16x1024xf32, #tpu.memory_space<hbm>>) target_semaphore(%arg13 : memref<!tpu.dma_semaphore, #tpu.memory_space<semaphore_mem>>)
    %add3A_593 = arith.constant 2 : i32
    %add3A_594 = arith.addi %mul3A_2, %add3A_593 : i32
    %dma_start3A_595 = arith.constant 1 : i32
    %dma_start3A_596 = arith.constant 1 : i32
    %dma_start3A_597 = arith.constant 0 : i32
    %dma_start3A_598 = arith.constant 0 : i32
    %dma_start3A_599 = tpu.memref_slice %arg8[%dma_start3A_596, %dma_start3A_597, %dma_start3A_598] : memref<2x16x1024xf32, #tpu.memory_space<vmem>> -> memref<1x16x1024xf32, #tpu.memory_space<vmem>>
    %dma_start3A_600 = tpu.memref_squeeze %dma_start3A_599 : memref<1x16x1024xf32, #tpu.memory_space<vmem>> -> memref<16x1024xf32, #tpu.memory_space<vmem>>
    %dma_start3A_601 = arith.constant 0 : i32
    %dma_start3A_602 = arith.constant 0 : i32
    %dma_start3A_603 = tpu.memref_slice %arg2[%dma_start3A_595, %add3A_594, %dma_start3A_601, %dma_start3A_602] : memref<4x256x16x1024xf32, #tpu.memory_space<hbm>> -> memref<1x1x16x1024xf32, #tpu.memory_space<hbm>>
    %dma_start3A_604 = tpu.memref_squeeze %dma_start3A_603 : memref<1x1x16x1024xf32, #tpu.memory_space<hbm>> -> memref<16x1024xf32, #tpu.memory_space<hbm>>
    %dma_start3A_605 = arith.constant 0 : i32
    %dma_start3A_606 = arith.constant 0 : i32
    %dma_start3A_607 = tpu.memref_slice %arg8[%dma_start3A_596, %dma_start3A_605, %dma_start3A_606] : memref<2x16x1024xf32, #tpu.memory_space<vmem>> -> memref<1x16x1024xf32, #tpu.memory_space<vmem>>
    %dma_start3A_608 = tpu.memref_squeeze %dma_start3A_607 : memref<1x16x1024xf32, #tpu.memory_space<vmem>> -> memref<16x1024xf32, #tpu.memory_space<vmem>>
    %dma_start3A_609 = arith.constant 0 : i32
    %dma_start3A_610 = arith.constant 0 : i32
    %dma_start3A_611 = tpu.memref_slice %arg2[%dma_start3A_595, %add3A_594, %dma_start3A_609, %dma_start3A_610] : memref<4x256x16x1024xf32, #tpu.memory_space<hbm>> -> memref<1x1x16x1024xf32, #tpu.memory_space<hbm>>
    %dma_start3A_612 = tpu.memref_squeeze %dma_start3A_611 : memref<1x1x16x1024xf32, #tpu.memory_space<hbm>> -> memref<16x1024xf32, #tpu.memory_space<hbm>>
    tpu.enqueue_dma source(%dma_start3A_612 : memref<16x1024xf32, #tpu.memory_space<hbm>>) target(%dma_start3A_608 : memref<16x1024xf32, #tpu.memory_space<vmem>>) target_semaphore(%arg11 : memref<!tpu.dma_semaphore, #tpu.memory_space<semaphore_mem>>)
    %dma_wait3A_613 = arith.constant 0 : i32
    %dma_wait3A_614 = arith.constant 0 : i32
    %dma_wait3A_615 = arith.constant 0 : i32
    %dma_wait3A_616 = arith.constant 0 : i32
    %dma_wait3A_617 = tpu.memref_slice %arg8[%dma_wait3A_614, %dma_wait3A_615, %dma_wait3A_616] : memref<2x16x1024xf32, #tpu.memory_space<vmem>> -> memref<1x16x1024xf32, #tpu.memory_space<vmem>>
    %dma_wait3A_618 = tpu.memref_squeeze %dma_wait3A_617 : memref<1x16x1024xf32, #tpu.memory_space<vmem>> -> memref<16x1024xf32, #tpu.memory_space<vmem>>
    %dma_wait3A_619 = arith.constant 0 : i32
    %dma_wait3A_620 = arith.constant 0 : i32
    %dma_wait3A_621 = tpu.memref_slice %arg2[%dma_wait3A_613, %add3A_518, %dma_wait3A_619, %dma_wait3A_620] : memref<4x256x16x1024xf32, #tpu.memory_space<hbm>> -> memref<1x1x16x1024xf32, #tpu.memory_space<hbm>>
    %dma_wait3A_622 = tpu.memref_squeeze %dma_wait3A_621 : memref<1x1x16x1024xf32, #tpu.memory_space<hbm>> -> memref<16x1024xf32, #tpu.memory_space<hbm>>
    %dma_wait3A_623 = arith.constant 0 : i32
    %dma_wait3A_624 = arith.constant 0 : i32
    %dma_wait3A_625 = tpu.memref_slice %arg8[%dma_wait3A_614, %dma_wait3A_623, %dma_wait3A_624] : memref<2x16x1024xf32, #tpu.memory_space<vmem>> -> memref<1x16x1024xf32, #tpu.memory_space<vmem>>
    %dma_wait3A_626 = tpu.memref_squeeze %dma_wait3A_625 : memref<1x16x1024xf32, #tpu.memory_space<vmem>> -> memref<16x1024xf32, #tpu.memory_space<vmem>>
    %dma_wait3A_627 = arith.constant 0 : i32
    %dma_wait3A_628 = arith.constant 0 : i32
    %dma_wait3A_629 = tpu.memref_slice %arg2[%dma_wait3A_613, %add3A_518, %dma_wait3A_627, %dma_wait3A_628] : memref<4x256x16x1024xf32, #tpu.memory_space<hbm>> -> memref<1x1x16x1024xf32, #tpu.memory_space<hbm>>
    %dma_wait3A_630 = tpu.memref_squeeze %dma_wait3A_629 : memref<1x1x16x1024xf32, #tpu.memory_space<hbm>> -> memref<16x1024xf32, #tpu.memory_space<hbm>>
    tpu.wait_dma2 semaphore(%arg10 : memref<!tpu.dma_semaphore, #tpu.memory_space<semaphore_mem>>) src(%dma_wait3A_630 : memref<16x1024xf32, #tpu.memory_space<hbm>>) dst(%dma_wait3A_626 : memref<16x1024xf32, #tpu.memory_space<vmem>>)
    %dma_wait3A_631 = arith.constant 0 : i32
    %dma_wait3A_632 = arith.constant 2 : i32
    %dma_wait3A_633 = arith.constant 0 : i32
    %dma_wait3A_634 = arith.constant 0 : i32
    %dma_wait3A_635 = tpu.memref_slice %arg8[%dma_wait3A_631, %dma_wait3A_633, %dma_wait3A_634] : memref<2x16x1024xf32, #tpu.memory_space<vmem>> -> memref<1x16x1024xf32, #tpu.memory_space<vmem>>
    %dma_wait3A_636 = tpu.memref_squeeze %dma_wait3A_635 : memref<1x16x1024xf32, #tpu.memory_space<vmem>> -> memref<16x1024xf32, #tpu.memory_space<vmem>>
    %dma_wait3A_637 = arith.constant 0 : i32
    %dma_wait3A_638 = arith.constant 0 : i32
    %dma_wait3A_639 = tpu.memref_slice %arg5[%dma_wait3A_632, %add3A_498, %dma_wait3A_637, %dma_wait3A_638] : memref<4x256x16x1024xf32, #tpu.memory_space<hbm>> -> memref<1x1x16x1024xf32, #tpu.memory_space<hbm>>
    %dma_wait3A_640 = tpu.memref_squeeze %dma_wait3A_639 : memref<1x1x16x1024xf32, #tpu.memory_space<hbm>> -> memref<16x1024xf32, #tpu.memory_space<hbm>>
    %dma_wait3A_641 = arith.constant 0 : i32
    %dma_wait3A_642 = arith.constant 0 : i32
    %dma_wait3A_643 = tpu.memref_slice %arg5[%dma_wait3A_632, %add3A_498, %dma_wait3A_641, %dma_wait3A_642] : memref<4x256x16x1024xf32, #tpu.memory_space<hbm>> -> memref<1x1x16x1024xf32, #tpu.memory_space<hbm>>
    %dma_wait3A_644 = tpu.memref_squeeze %dma_wait3A_643 : memref<1x1x16x1024xf32, #tpu.memory_space<hbm>> -> memref<16x1024xf32, #tpu.memory_space<hbm>>
    %dma_wait3A_645 = arith.constant 0 : i32
    %dma_wait3A_646 = arith.constant 0 : i32
    %dma_wait3A_647 = tpu.memref_slice %arg8[%dma_wait3A_631, %dma_wait3A_645, %dma_wait3A_646] : memref<2x16x1024xf32, #tpu.memory_space<vmem>> -> memref<1x16x1024xf32, #tpu.memory_space<vmem>>
    %dma_wait3A_648 = tpu.memref_squeeze %dma_wait3A_647 : memref<1x16x1024xf32, #tpu.memory_space<vmem>> -> memref<16x1024xf32, #tpu.memory_space<vmem>>
    tpu.wait_dma2 semaphore(%arg12 : memref<!tpu.dma_semaphore, #tpu.memory_space<semaphore_mem>>) src(%dma_wait3A_648 : memref<16x1024xf32, #tpu.memory_space<vmem>>) dst(%dma_wait3A_644 : memref<16x1024xf32, #tpu.memory_space<hbm>>)
    %add3A_649 = arith.constant 2 : i32
    %add3A_650 = arith.addi %mul3A_2, %add3A_649 : i32
    %dma_start3A_651 = arith.constant 0 : i32
    %dma_start3A_652 = arith.constant 0 : i32
    %dma_start3A_653 = arith.constant 0 : i32
    %dma_start3A_654 = arith.constant 0 : i32
    %dma_start3A_655 = tpu.memref_slice %arg8[%dma_start3A_651, %dma_start3A_653, %dma_start3A_654] : memref<2x16x1024xf32, #tpu.memory_space<vmem>> -> memref<1x16x1024xf32, #tpu.memory_space<vmem>>
    %dma_start3A_656 = tpu.memref_squeeze %dma_start3A_655 : memref<1x16x1024xf32, #tpu.memory_space<vmem>> -> memref<16x1024xf32, #tpu.memory_space<vmem>>
    %dma_start3A_657 = arith.constant 0 : i32
    %dma_start3A_658 = arith.constant 0 : i32
    %dma_start3A_659 = tpu.memref_slice %arg5[%dma_start3A_652, %add3A_650, %dma_start3A_657, %dma_start3A_658] : memref<4x256x16x1024xf32, #tpu.memory_space<hbm>> -> memref<1x1x16x1024xf32, #tpu.memory_space<hbm>>
    %dma_start3A_660 = tpu.memref_squeeze %dma_start3A_659 : memref<1x1x16x1024xf32, #tpu.memory_space<hbm>> -> memref<16x1024xf32, #tpu.memory_space<hbm>>
    %dma_start3A_661 = arith.constant 0 : i32
    %dma_start3A_662 = arith.constant 0 : i32
    %dma_start3A_663 = tpu.memref_slice %arg5[%dma_start3A_652, %add3A_650, %dma_start3A_661, %dma_start3A_662] : memref<4x256x16x1024xf32, #tpu.memory_space<hbm>> -> memref<1x1x16x1024xf32, #tpu.memory_space<hbm>>
    %dma_start3A_664 = tpu.memref_squeeze %dma_start3A_663 : memref<1x1x16x1024xf32, #tpu.memory_space<hbm>> -> memref<16x1024xf32, #tpu.memory_space<hbm>>
    %dma_start3A_665 = arith.constant 0 : i32
    %dma_start3A_666 = arith.constant 0 : i32
    %dma_start3A_667 = tpu.memref_slice %arg8[%dma_start3A_651, %dma_start3A_665, %dma_start3A_666] : memref<2x16x1024xf32, #tpu.memory_space<vmem>> -> memref<1x16x1024xf32, #tpu.memory_space<vmem>>
    %dma_start3A_668 = tpu.memref_squeeze %dma_start3A_667 : memref<1x16x1024xf32, #tpu.memory_space<vmem>> -> memref<16x1024xf32, #tpu.memory_space<vmem>>
    tpu.enqueue_dma source(%dma_start3A_668 : memref<16x1024xf32, #tpu.memory_space<vmem>>) target(%dma_start3A_664 : memref<16x1024xf32, #tpu.memory_space<hbm>>) target_semaphore(%arg12 : memref<!tpu.dma_semaphore, #tpu.memory_space<semaphore_mem>>)
    %add3A_669 = arith.constant 2 : i32
    %add3A_670 = arith.addi %mul3A_2, %add3A_669 : i32
    %dma_start3A_671 = arith.constant 2 : i32
    %dma_start3A_672 = arith.constant 0 : i32
    %dma_start3A_673 = arith.constant 0 : i32
    %dma_start3A_674 = arith.constant 0 : i32
    %dma_start3A_675 = tpu.memref_slice %arg8[%dma_start3A_672, %dma_start3A_673, %dma_start3A_674] : memref<2x16x1024xf32, #tpu.memory_space<vmem>> -> memref<1x16x1024xf32, #tpu.memory_space<vmem>>
    %dma_start3A_676 = tpu.memref_squeeze %dma_start3A_675 : memref<1x16x1024xf32, #tpu.memory_space<vmem>> -> memref<16x1024xf32, #tpu.memory_space<vmem>>
    %dma_start3A_677 = arith.constant 0 : i32
    %dma_start3A_678 = arith.constant 0 : i32
    %dma_start3A_679 = tpu.memref_slice %arg2[%dma_start3A_671, %add3A_670, %dma_start3A_677, %dma_start3A_678] : memref<4x256x16x1024xf32, #tpu.memory_space<hbm>> -> memref<1x1x16x1024xf32, #tpu.memory_space<hbm>>
    %dma_start3A_680 = tpu.memref_squeeze %dma_start3A_679 : memref<1x1x16x1024xf32, #tpu.memory_space<hbm>> -> memref<16x1024xf32, #tpu.memory_space<hbm>>
    %dma_start3A_681 = arith.constant 0 : i32
    %dma_start3A_682 = arith.constant 0 : i32
    %dma_start3A_683 = tpu.memref_slice %arg8[%dma_start3A_672, %dma_start3A_681, %dma_start3A_682] : memref<2x16x1024xf32, #tpu.memory_space<vmem>> -> memref<1x16x1024xf32, #tpu.memory_space<vmem>>
    %dma_start3A_684 = tpu.memref_squeeze %dma_start3A_683 : memref<1x16x1024xf32, #tpu.memory_space<vmem>> -> memref<16x1024xf32, #tpu.memory_space<vmem>>
    %dma_start3A_685 = arith.constant 0 : i32
    %dma_start3A_686 = arith.constant 0 : i32
    %dma_start3A_687 = tpu.memref_slice %arg2[%dma_start3A_671, %add3A_670, %dma_start3A_685, %dma_start3A_686] : memref<4x256x16x1024xf32, #tpu.memory_space<hbm>> -> memref<1x1x16x1024xf32, #tpu.memory_space<hbm>>
    %dma_start3A_688 = tpu.memref_squeeze %dma_start3A_687 : memref<1x1x16x1024xf32, #tpu.memory_space<hbm>> -> memref<16x1024xf32, #tpu.memory_space<hbm>>
    tpu.enqueue_dma source(%dma_start3A_688 : memref<16x1024xf32, #tpu.memory_space<hbm>>) target(%dma_start3A_684 : memref<16x1024xf32, #tpu.memory_space<vmem>>) target_semaphore(%arg10 : memref<!tpu.dma_semaphore, #tpu.memory_space<semaphore_mem>>)
    %dma_wait3A_689 = arith.constant 1 : i32
    %dma_wait3A_690 = arith.constant 1 : i32
    %dma_wait3A_691 = arith.constant 0 : i32
    %dma_wait3A_692 = arith.constant 0 : i32
    %dma_wait3A_693 = tpu.memref_slice %arg8[%dma_wait3A_690, %dma_wait3A_691, %dma_wait3A_692] : memref<2x16x1024xf32, #tpu.memory_space<vmem>> -> memref<1x16x1024xf32, #tpu.memory_space<vmem>>
    %dma_wait3A_694 = tpu.memref_squeeze %dma_wait3A_693 : memref<1x16x1024xf32, #tpu.memory_space<vmem>> -> memref<16x1024xf32, #tpu.memory_space<vmem>>
    %dma_wait3A_695 = arith.constant 0 : i32
    %dma_wait3A_696 = arith.constant 0 : i32
    %dma_wait3A_697 = tpu.memref_slice %arg2[%dma_wait3A_689, %add3A_594, %dma_wait3A_695, %dma_wait3A_696] : memref<4x256x16x1024xf32, #tpu.memory_space<hbm>> -> memref<1x1x16x1024xf32, #tpu.memory_space<hbm>>
    %dma_wait3A_698 = tpu.memref_squeeze %dma_wait3A_697 : memref<1x1x16x1024xf32, #tpu.memory_space<hbm>> -> memref<16x1024xf32, #tpu.memory_space<hbm>>
    %dma_wait3A_699 = arith.constant 0 : i32
    %dma_wait3A_700 = arith.constant 0 : i32
    %dma_wait3A_701 = tpu.memref_slice %arg8[%dma_wait3A_690, %dma_wait3A_699, %dma_wait3A_700] : memref<2x16x1024xf32, #tpu.memory_space<vmem>> -> memref<1x16x1024xf32, #tpu.memory_space<vmem>>
    %dma_wait3A_702 = tpu.memref_squeeze %dma_wait3A_701 : memref<1x16x1024xf32, #tpu.memory_space<vmem>> -> memref<16x1024xf32, #tpu.memory_space<vmem>>
    %dma_wait3A_703 = arith.constant 0 : i32
    %dma_wait3A_704 = arith.constant 0 : i32
    %dma_wait3A_705 = tpu.memref_slice %arg2[%dma_wait3A_689, %add3A_594, %dma_wait3A_703, %dma_wait3A_704] : memref<4x256x16x1024xf32, #tpu.memory_space<hbm>> -> memref<1x1x16x1024xf32, #tpu.memory_space<hbm>>
    %dma_wait3A_706 = tpu.memref_squeeze %dma_wait3A_705 : memref<1x1x16x1024xf32, #tpu.memory_space<hbm>> -> memref<16x1024xf32, #tpu.memory_space<hbm>>
    tpu.wait_dma2 semaphore(%arg11 : memref<!tpu.dma_semaphore, #tpu.memory_space<semaphore_mem>>) src(%dma_wait3A_706 : memref<16x1024xf32, #tpu.memory_space<hbm>>) dst(%dma_wait3A_702 : memref<16x1024xf32, #tpu.memory_space<vmem>>)
    %dma_wait3A_707 = arith.constant 1 : i32
    %dma_wait3A_708 = arith.constant 3 : i32
    %dma_wait3A_709 = arith.constant 0 : i32
    %dma_wait3A_710 = arith.constant 0 : i32
    %dma_wait3A_711 = tpu.memref_slice %arg8[%dma_wait3A_707, %dma_wait3A_709, %dma_wait3A_710] : memref<2x16x1024xf32, #tpu.memory_space<vmem>> -> memref<1x16x1024xf32, #tpu.memory_space<vmem>>
    %dma_wait3A_712 = tpu.memref_squeeze %dma_wait3A_711 : memref<1x16x1024xf32, #tpu.memory_space<vmem>> -> memref<16x1024xf32, #tpu.memory_space<vmem>>
    %dma_wait3A_713 = arith.constant 0 : i32
    %dma_wait3A_714 = arith.constant 0 : i32
    %dma_wait3A_715 = tpu.memref_slice %arg5[%dma_wait3A_708, %add3A_574, %dma_wait3A_713, %dma_wait3A_714] : memref<4x256x16x1024xf32, #tpu.memory_space<hbm>> -> memref<1x1x16x1024xf32, #tpu.memory_space<hbm>>
    %dma_wait3A_716 = tpu.memref_squeeze %dma_wait3A_715 : memref<1x1x16x1024xf32, #tpu.memory_space<hbm>> -> memref<16x1024xf32, #tpu.memory_space<hbm>>
    %dma_wait3A_717 = arith.constant 0 : i32
    %dma_wait3A_718 = arith.constant 0 : i32
    %dma_wait3A_719 = tpu.memref_slice %arg5[%dma_wait3A_708, %add3A_574, %dma_wait3A_717, %dma_wait3A_718] : memref<4x256x16x1024xf32, #tpu.memory_space<hbm>> -> memref<1x1x16x1024xf32, #tpu.memory_space<hbm>>
    %dma_wait3A_720 = tpu.memref_squeeze %dma_wait3A_719 : memref<1x1x16x1024xf32, #tpu.memory_space<hbm>> -> memref<16x1024xf32, #tpu.memory_space<hbm>>
    %dma_wait3A_721 = arith.constant 0 : i32
    %dma_wait3A_722 = arith.constant 0 : i32
    %dma_wait3A_723 = tpu.memref_slice %arg8[%dma_wait3A_707, %dma_wait3A_721, %dma_wait3A_722] : memref<2x16x1024xf32, #tpu.memory_space<vmem>> -> memref<1x16x1024xf32, #tpu.memory_space<vmem>>
    %dma_wait3A_724 = tpu.memref_squeeze %dma_wait3A_723 : memref<1x16x1024xf32, #tpu.memory_space<vmem>> -> memref<16x1024xf32, #tpu.memory_space<vmem>>
    tpu.wait_dma2 semaphore(%arg13 : memref<!tpu.dma_semaphore, #tpu.memory_space<semaphore_mem>>) src(%dma_wait3A_724 : memref<16x1024xf32, #tpu.memory_space<vmem>>) dst(%dma_wait3A_720 : memref<16x1024xf32, #tpu.memory_space<hbm>>)
    %add3A_725 = arith.constant 2 : i32
    %add3A_726 = arith.addi %mul3A_2, %add3A_725 : i32
    %dma_start3A_727 = arith.constant 1 : i32
    %dma_start3A_728 = arith.constant 1 : i32
    %dma_start3A_729 = arith.constant 0 : i32
    %dma_start3A_730 = arith.constant 0 : i32
    %dma_start3A_731 = tpu.memref_slice %arg8[%dma_start3A_727, %dma_start3A_729, %dma_start3A_730] : memref<2x16x1024xf32, #tpu.memory_space<vmem>> -> memref<1x16x1024xf32, #tpu.memory_space<vmem>>
    %dma_start3A_732 = tpu.memref_squeeze %dma_start3A_731 : memref<1x16x1024xf32, #tpu.memory_space<vmem>> -> memref<16x1024xf32, #tpu.memory_space<vmem>>
    %dma_start3A_733 = arith.constant 0 : i32
    %dma_start3A_734 = arith.constant 0 : i32
    %dma_start3A_735 = tpu.memref_slice %arg5[%dma_start3A_728, %add3A_726, %dma_start3A_733, %dma_start3A_734] : memref<4x256x16x1024xf32, #tpu.memory_space<hbm>> -> memref<1x1x16x1024xf32, #tpu.memory_space<hbm>>
    %dma_start3A_736 = tpu.memref_squeeze %dma_start3A_735 : memref<1x1x16x1024xf32, #tpu.memory_space<hbm>> -> memref<16x1024xf32, #tpu.memory_space<hbm>>
    %dma_start3A_737 = arith.constant 0 : i32
    %dma_start3A_738 = arith.constant 0 : i32
    %dma_start3A_739 = tpu.memref_slice %arg5[%dma_start3A_728, %add3A_726, %dma_start3A_737, %dma_start3A_738] : memref<4x256x16x1024xf32, #tpu.memory_space<hbm>> -> memref<1x1x16x1024xf32, #tpu.memory_space<hbm>>
    %dma_start3A_740 = tpu.memref_squeeze %dma_start3A_739 : memref<1x1x16x1024xf32, #tpu.memory_space<hbm>> -> memref<16x1024xf32, #tpu.memory_space<hbm>>
    %dma_start3A_741 = arith.constant 0 : i32
    %dma_start3A_742 = arith.constant 0 : i32
    %dma_start3A_743 = tpu.memref_slice %arg8[%dma_start3A_727, %dma_start3A_741, %dma_start3A_742] : memref<2x16x1024xf32, #tpu.memory_space<vmem>> -> memref<1x16x1024xf32, #tpu.memory_space<vmem>>
    %dma_start3A_744 = tpu.memref_squeeze %dma_start3A_743 : memref<1x16x1024xf32, #tpu.memory_space<vmem>> -> memref<16x1024xf32, #tpu.memory_space<vmem>>
    tpu.enqueue_dma source(%dma_start3A_744 : memref<16x1024xf32, #tpu.memory_space<vmem>>) target(%dma_start3A_740 : memref<16x1024xf32, #tpu.memory_space<hbm>>) target_semaphore(%arg13 : memref<!tpu.dma_semaphore, #tpu.memory_space<semaphore_mem>>)
    %add3A_745 = arith.constant 2 : i32
    %add3A_746 = arith.addi %mul3A_2, %add3A_745 : i32
    %dma_start3A_747 = arith.constant 3 : i32
    %dma_start3A_748 = arith.constant 1 : i32
    %dma_start3A_749 = arith.constant 0 : i32
    %dma_start3A_750 = arith.constant 0 : i32
    %dma_start3A_751 = tpu.memref_slice %arg8[%dma_start3A_748, %dma_start3A_749, %dma_start3A_750] : memref<2x16x1024xf32, #tpu.memory_space<vmem>> -> memref<1x16x1024xf32, #tpu.memory_space<vmem>>
    %dma_start3A_752 = tpu.memref_squeeze %dma_start3A_751 : memref<1x16x1024xf32, #tpu.memory_space<vmem>> -> memref<16x1024xf32, #tpu.memory_space<vmem>>
    %dma_start3A_753 = arith.constant 0 : i32
    %dma_start3A_754 = arith.constant 0 : i32
    %dma_start3A_755 = tpu.memref_slice %arg2[%dma_start3A_747, %add3A_746, %dma_start3A_753, %dma_start3A_754] : memref<4x256x16x1024xf32, #tpu.memory_space<hbm>> -> memref<1x1x16x1024xf32, #tpu.memory_space<hbm>>
    %dma_start3A_756 = tpu.memref_squeeze %dma_start3A_755 : memref<1x1x16x1024xf32, #tpu.memory_space<hbm>> -> memref<16x1024xf32, #tpu.memory_space<hbm>>
    %dma_start3A_757 = arith.constant 0 : i32
    %dma_start3A_758 = arith.constant 0 : i32
    %dma_start3A_759 = tpu.memref_slice %arg8[%dma_start3A_748, %dma_start3A_757, %dma_start3A_758] : memref<2x16x1024xf32, #tpu.memory_space<vmem>> -> memref<1x16x1024xf32, #tpu.memory_space<vmem>>
    %dma_start3A_760 = tpu.memref_squeeze %dma_start3A_759 : memref<1x16x1024xf32, #tpu.memory_space<vmem>> -> memref<16x1024xf32, #tpu.memory_space<vmem>>
    %dma_start3A_761 = arith.constant 0 : i32
    %dma_start3A_762 = arith.constant 0 : i32
    %dma_start3A_763 = tpu.memref_slice %arg2[%dma_start3A_747, %add3A_746, %dma_start3A_761, %dma_start3A_762] : memref<4x256x16x1024xf32, #tpu.memory_space<hbm>> -> memref<1x1x16x1024xf32, #tpu.memory_space<hbm>>
    %dma_start3A_764 = tpu.memref_squeeze %dma_start3A_763 : memref<1x1x16x1024xf32, #tpu.memory_space<hbm>> -> memref<16x1024xf32, #tpu.memory_space<hbm>>
    tpu.enqueue_dma source(%dma_start3A_764 : memref<16x1024xf32, #tpu.memory_space<hbm>>) target(%dma_start3A_760 : memref<16x1024xf32, #tpu.memory_space<vmem>>) target_semaphore(%arg11 : memref<!tpu.dma_semaphore, #tpu.memory_space<semaphore_mem>>)
    %dma_wait3A_765 = arith.constant 2 : i32
    %dma_wait3A_766 = arith.constant 0 : i32
    %dma_wait3A_767 = arith.constant 0 : i32
    %dma_wait3A_768 = arith.constant 0 : i32
    %dma_wait3A_769 = tpu.memref_slice %arg8[%dma_wait3A_766, %dma_wait3A_767, %dma_wait3A_768] : memref<2x16x1024xf32, #tpu.memory_space<vmem>> -> memref<1x16x1024xf32, #tpu.memory_space<vmem>>
    %dma_wait3A_770 = tpu.memref_squeeze %dma_wait3A_769 : memref<1x16x1024xf32, #tpu.memory_space<vmem>> -> memref<16x1024xf32, #tpu.memory_space<vmem>>
    %dma_wait3A_771 = arith.constant 0 : i32
    %dma_wait3A_772 = arith.constant 0 : i32
    %dma_wait3A_773 = tpu.memref_slice %arg2[%dma_wait3A_765, %add3A_670, %dma_wait3A_771, %dma_wait3A_772] : memref<4x256x16x1024xf32, #tpu.memory_space<hbm>> -> memref<1x1x16x1024xf32, #tpu.memory_space<hbm>>
    %dma_wait3A_774 = tpu.memref_squeeze %dma_wait3A_773 : memref<1x1x16x1024xf32, #tpu.memory_space<hbm>> -> memref<16x1024xf32, #tpu.memory_space<hbm>>
    %dma_wait3A_775 = arith.constant 0 : i32
    %dma_wait3A_776 = arith.constant 0 : i32
    %dma_wait3A_777 = tpu.memref_slice %arg8[%dma_wait3A_766, %dma_wait3A_775, %dma_wait3A_776] : memref<2x16x1024xf32, #tpu.memory_space<vmem>> -> memref<1x16x1024xf32, #tpu.memory_space<vmem>>
    %dma_wait3A_778 = tpu.memref_squeeze %dma_wait3A_777 : memref<1x16x1024xf32, #tpu.memory_space<vmem>> -> memref<16x1024xf32, #tpu.memory_space<vmem>>
    %dma_wait3A_779 = arith.constant 0 : i32
    %dma_wait3A_780 = arith.constant 0 : i32
    %dma_wait3A_781 = tpu.memref_slice %arg2[%dma_wait3A_765, %add3A_670, %dma_wait3A_779, %dma_wait3A_780] : memref<4x256x16x1024xf32, #tpu.memory_space<hbm>> -> memref<1x1x16x1024xf32, #tpu.memory_space<hbm>>
    %dma_wait3A_782 = tpu.memref_squeeze %dma_wait3A_781 : memref<1x1x16x1024xf32, #tpu.memory_space<hbm>> -> memref<16x1024xf32, #tpu.memory_space<hbm>>
    tpu.wait_dma2 semaphore(%arg10 : memref<!tpu.dma_semaphore, #tpu.memory_space<semaphore_mem>>) src(%dma_wait3A_782 : memref<16x1024xf32, #tpu.memory_space<hbm>>) dst(%dma_wait3A_778 : memref<16x1024xf32, #tpu.memory_space<vmem>>)
    %dma_wait3A_783 = arith.constant 0 : i32
    %dma_wait3A_784 = arith.constant 0 : i32
    %dma_wait3A_785 = arith.constant 0 : i32
    %dma_wait3A_786 = arith.constant 0 : i32
    %dma_wait3A_787 = tpu.memref_slice %arg8[%dma_wait3A_783, %dma_wait3A_785, %dma_wait3A_786] : memref<2x16x1024xf32, #tpu.memory_space<vmem>> -> memref<1x16x1024xf32, #tpu.memory_space<vmem>>
    %dma_wait3A_788 = tpu.memref_squeeze %dma_wait3A_787 : memref<1x16x1024xf32, #tpu.memory_space<vmem>> -> memref<16x1024xf32, #tpu.memory_space<vmem>>
    %dma_wait3A_789 = arith.constant 0 : i32
    %dma_wait3A_790 = arith.constant 0 : i32
    %dma_wait3A_791 = tpu.memref_slice %arg5[%dma_wait3A_784, %add3A_650, %dma_wait3A_789, %dma_wait3A_790] : memref<4x256x16x1024xf32, #tpu.memory_space<hbm>> -> memref<1x1x16x1024xf32, #tpu.memory_space<hbm>>
    %dma_wait3A_792 = tpu.memref_squeeze %dma_wait3A_791 : memref<1x1x16x1024xf32, #tpu.memory_space<hbm>> -> memref<16x1024xf32, #tpu.memory_space<hbm>>
    %dma_wait3A_793 = arith.constant 0 : i32
    %dma_wait3A_794 = arith.constant 0 : i32
    %dma_wait3A_795 = tpu.memref_slice %arg5[%dma_wait3A_784, %add3A_650, %dma_wait3A_793, %dma_wait3A_794] : memref<4x256x16x1024xf32, #tpu.memory_space<hbm>> -> memref<1x1x16x1024xf32, #tpu.memory_space<hbm>>
    %dma_wait3A_796 = tpu.memref_squeeze %dma_wait3A_795 : memref<1x1x16x1024xf32, #tpu.memory_space<hbm>> -> memref<16x1024xf32, #tpu.memory_space<hbm>>
    %dma_wait3A_797 = arith.constant 0 : i32
    %dma_wait3A_798 = arith.constant 0 : i32
    %dma_wait3A_799 = tpu.memref_slice %arg8[%dma_wait3A_783, %dma_wait3A_797, %dma_wait3A_798] : memref<2x16x1024xf32, #tpu.memory_space<vmem>> -> memref<1x16x1024xf32, #tpu.memory_space<vmem>>
    %dma_wait3A_800 = tpu.memref_squeeze %dma_wait3A_799 : memref<1x16x1024xf32, #tpu.memory_space<vmem>> -> memref<16x1024xf32, #tpu.memory_space<vmem>>
    tpu.wait_dma2 semaphore(%arg12 : memref<!tpu.dma_semaphore, #tpu.memory_space<semaphore_mem>>) src(%dma_wait3A_800 : memref<16x1024xf32, #tpu.memory_space<vmem>>) dst(%dma_wait3A_796 : memref<16x1024xf32, #tpu.memory_space<hbm>>)
    %add3A_801 = arith.constant 2 : i32
    %add3A_802 = arith.addi %mul3A_2, %add3A_801 : i32
    %dma_start3A_803 = arith.constant 0 : i32
    %dma_start3A_804 = arith.constant 2 : i32
    %dma_start3A_805 = arith.constant 0 : i32
    %dma_start3A_806 = arith.constant 0 : i32
    %dma_start3A_807 = tpu.memref_slice %arg8[%dma_start3A_803, %dma_start3A_805, %dma_start3A_806] : memref<2x16x1024xf32, #tpu.memory_space<vmem>> -> memref<1x16x1024xf32, #tpu.memory_space<vmem>>
    %dma_start3A_808 = tpu.memref_squeeze %dma_start3A_807 : memref<1x16x1024xf32, #tpu.memory_space<vmem>> -> memref<16x1024xf32, #tpu.memory_space<vmem>>
    %dma_start3A_809 = arith.constant 0 : i32
    %dma_start3A_810 = arith.constant 0 : i32
    %dma_start3A_811 = tpu.memref_slice %arg5[%dma_start3A_804, %add3A_802, %dma_start3A_809, %dma_start3A_810] : memref<4x256x16x1024xf32, #tpu.memory_space<hbm>> -> memref<1x1x16x1024xf32, #tpu.memory_space<hbm>>
    %dma_start3A_812 = tpu.memref_squeeze %dma_start3A_811 : memref<1x1x16x1024xf32, #tpu.memory_space<hbm>> -> memref<16x1024xf32, #tpu.memory_space<hbm>>
    %dma_start3A_813 = arith.constant 0 : i32
    %dma_start3A_814 = arith.constant 0 : i32
    %dma_start3A_815 = tpu.memref_slice %arg5[%dma_start3A_804, %add3A_802, %dma_start3A_813, %dma_start3A_814] : memref<4x256x16x1024xf32, #tpu.memory_space<hbm>> -> memref<1x1x16x1024xf32, #tpu.memory_space<hbm>>
    %dma_start3A_816 = tpu.memref_squeeze %dma_start3A_815 : memref<1x1x16x1024xf32, #tpu.memory_space<hbm>> -> memref<16x1024xf32, #tpu.memory_space<hbm>>
    %dma_start3A_817 = arith.constant 0 : i32
    %dma_start3A_818 = arith.constant 0 : i32
    %dma_start3A_819 = tpu.memref_slice %arg8[%dma_start3A_803, %dma_start3A_817, %dma_start3A_818] : memref<2x16x1024xf32, #tpu.memory_space<vmem>> -> memref<1x16x1024xf32, #tpu.memory_space<vmem>>
    %dma_start3A_820 = tpu.memref_squeeze %dma_start3A_819 : memref<1x16x1024xf32, #tpu.memory_space<vmem>> -> memref<16x1024xf32, #tpu.memory_space<vmem>>
    tpu.enqueue_dma source(%dma_start3A_820 : memref<16x1024xf32, #tpu.memory_space<vmem>>) target(%dma_start3A_816 : memref<16x1024xf32, #tpu.memory_space<hbm>>) target_semaphore(%arg12 : memref<!tpu.dma_semaphore, #tpu.memory_space<semaphore_mem>>)
    %add3A_821 = arith.constant 3 : i32
    %add3A_822 = arith.addi %mul3A_2, %add3A_821 : i32
    %dma_start3A_823 = arith.constant 0 : i32
    %dma_start3A_824 = arith.constant 0 : i32
    %dma_start3A_825 = arith.constant 0 : i32
    %dma_start3A_826 = arith.constant 0 : i32
    %dma_start3A_827 = tpu.memref_slice %arg8[%dma_start3A_824, %dma_start3A_825, %dma_start3A_826] : memref<2x16x1024xf32, #tpu.memory_space<vmem>> -> memref<1x16x1024xf32, #tpu.memory_space<vmem>>
    %dma_start3A_828 = tpu.memref_squeeze %dma_start3A_827 : memref<1x16x1024xf32, #tpu.memory_space<vmem>> -> memref<16x1024xf32, #tpu.memory_space<vmem>>
    %dma_start3A_829 = arith.constant 0 : i32
    %dma_start3A_830 = arith.constant 0 : i32
    %dma_start3A_831 = tpu.memref_slice %arg2[%dma_start3A_823, %add3A_822, %dma_start3A_829, %dma_start3A_830] : memref<4x256x16x1024xf32, #tpu.memory_space<hbm>> -> memref<1x1x16x1024xf32, #tpu.memory_space<hbm>>
    %dma_start3A_832 = tpu.memref_squeeze %dma_start3A_831 : memref<1x1x16x1024xf32, #tpu.memory_space<hbm>> -> memref<16x1024xf32, #tpu.memory_space<hbm>>
    %dma_start3A_833 = arith.constant 0 : i32
    %dma_start3A_834 = arith.constant 0 : i32
    %dma_start3A_835 = tpu.memref_slice %arg8[%dma_start3A_824, %dma_start3A_833, %dma_start3A_834] : memref<2x16x1024xf32, #tpu.memory_space<vmem>> -> memref<1x16x1024xf32, #tpu.memory_space<vmem>>
    %dma_start3A_836 = tpu.memref_squeeze %dma_start3A_835 : memref<1x16x1024xf32, #tpu.memory_space<vmem>> -> memref<16x1024xf32, #tpu.memory_space<vmem>>
    %dma_start3A_837 = arith.constant 0 : i32
    %dma_start3A_838 = arith.constant 0 : i32
    %dma_start3A_839 = tpu.memref_slice %arg2[%dma_start3A_823, %add3A_822, %dma_start3A_837, %dma_start3A_838] : memref<4x256x16x1024xf32, #tpu.memory_space<hbm>> -> memref<1x1x16x1024xf32, #tpu.memory_space<hbm>>
    %dma_start3A_840 = tpu.memref_squeeze %dma_start3A_839 : memref<1x1x16x1024xf32, #tpu.memory_space<hbm>> -> memref<16x1024xf32, #tpu.memory_space<hbm>>
    tpu.enqueue_dma source(%dma_start3A_840 : memref<16x1024xf32, #tpu.memory_space<hbm>>) target(%dma_start3A_836 : memref<16x1024xf32, #tpu.memory_space<vmem>>) target_semaphore(%arg10 : memref<!tpu.dma_semaphore, #tpu.memory_space<semaphore_mem>>)
    %dma_wait3A_841 = arith.constant 3 : i32
    %dma_wait3A_842 = arith.constant 1 : i32
    %dma_wait3A_843 = arith.constant 0 : i32
    %dma_wait3A_844 = arith.constant 0 : i32
    %dma_wait3A_845 = tpu.memref_slice %arg8[%dma_wait3A_842, %dma_wait3A_843, %dma_wait3A_844] : memref<2x16x1024xf32, #tpu.memory_space<vmem>> -> memref<1x16x1024xf32, #tpu.memory_space<vmem>>
    %dma_wait3A_846 = tpu.memref_squeeze %dma_wait3A_845 : memref<1x16x1024xf32, #tpu.memory_space<vmem>> -> memref<16x1024xf32, #tpu.memory_space<vmem>>
    %dma_wait3A_847 = arith.constant 0 : i32
    %dma_wait3A_848 = arith.constant 0 : i32
    %dma_wait3A_849 = tpu.memref_slice %arg2[%dma_wait3A_841, %add3A_746, %dma_wait3A_847, %dma_wait3A_848] : memref<4x256x16x1024xf32, #tpu.memory_space<hbm>> -> memref<1x1x16x1024xf32, #tpu.memory_space<hbm>>
    %dma_wait3A_850 = tpu.memref_squeeze %dma_wait3A_849 : memref<1x1x16x1024xf32, #tpu.memory_space<hbm>> -> memref<16x1024xf32, #tpu.memory_space<hbm>>
    %dma_wait3A_851 = arith.constant 0 : i32
    %dma_wait3A_852 = arith.constant 0 : i32
    %dma_wait3A_853 = tpu.memref_slice %arg8[%dma_wait3A_842, %dma_wait3A_851, %dma_wait3A_852] : memref<2x16x1024xf32, #tpu.memory_space<vmem>> -> memref<1x16x1024xf32, #tpu.memory_space<vmem>>
    %dma_wait3A_854 = tpu.memref_squeeze %dma_wait3A_853 : memref<1x16x1024xf32, #tpu.memory_space<vmem>> -> memref<16x1024xf32, #tpu.memory_space<vmem>>
    %dma_wait3A_855 = arith.constant 0 : i32
    %dma_wait3A_856 = arith.constant 0 : i32
    %dma_wait3A_857 = tpu.memref_slice %arg2[%dma_wait3A_841, %add3A_746, %dma_wait3A_855, %dma_wait3A_856] : memref<4x256x16x1024xf32, #tpu.memory_space<hbm>> -> memref<1x1x16x1024xf32, #tpu.memory_space<hbm>>
    %dma_wait3A_858 = tpu.memref_squeeze %dma_wait3A_857 : memref<1x1x16x1024xf32, #tpu.memory_space<hbm>> -> memref<16x1024xf32, #tpu.memory_space<hbm>>
    tpu.wait_dma2 semaphore(%arg11 : memref<!tpu.dma_semaphore, #tpu.memory_space<semaphore_mem>>) src(%dma_wait3A_858 : memref<16x1024xf32, #tpu.memory_space<hbm>>) dst(%dma_wait3A_854 : memref<16x1024xf32, #tpu.memory_space<vmem>>)
    %dma_wait3A_859 = arith.constant 1 : i32
    %dma_wait3A_860 = arith.constant 1 : i32
    %dma_wait3A_861 = arith.constant 0 : i32
    %dma_wait3A_862 = arith.constant 0 : i32
    %dma_wait3A_863 = tpu.memref_slice %arg8[%dma_wait3A_859, %dma_wait3A_861, %dma_wait3A_862] : memref<2x16x1024xf32, #tpu.memory_space<vmem>> -> memref<1x16x1024xf32, #tpu.memory_space<vmem>>
    %dma_wait3A_864 = tpu.memref_squeeze %dma_wait3A_863 : memref<1x16x1024xf32, #tpu.memory_space<vmem>> -> memref<16x1024xf32, #tpu.memory_space<vmem>>
    %dma_wait3A_865 = arith.constant 0 : i32
    %dma_wait3A_866 = arith.constant 0 : i32
    %dma_wait3A_867 = tpu.memref_slice %arg5[%dma_wait3A_860, %add3A_726, %dma_wait3A_865, %dma_wait3A_866] : memref<4x256x16x1024xf32, #tpu.memory_space<hbm>> -> memref<1x1x16x1024xf32, #tpu.memory_space<hbm>>
    %dma_wait3A_868 = tpu.memref_squeeze %dma_wait3A_867 : memref<1x1x16x1024xf32, #tpu.memory_space<hbm>> -> memref<16x1024xf32, #tpu.memory_space<hbm>>
    %dma_wait3A_869 = arith.constant 0 : i32
    %dma_wait3A_870 = arith.constant 0 : i32
    %dma_wait3A_871 = tpu.memref_slice %arg5[%dma_wait3A_860, %add3A_726, %dma_wait3A_869, %dma_wait3A_870] : memref<4x256x16x1024xf32, #tpu.memory_space<hbm>> -> memref<1x1x16x1024xf32, #tpu.memory_space<hbm>>
    %dma_wait3A_872 = tpu.memref_squeeze %dma_wait3A_871 : memref<1x1x16x1024xf32, #tpu.memory_space<hbm>> -> memref<16x1024xf32, #tpu.memory_space<hbm>>
    %dma_wait3A_873 = arith.constant 0 : i32
    %dma_wait3A_874 = arith.constant 0 : i32
    %dma_wait3A_875 = tpu.memref_slice %arg8[%dma_wait3A_859, %dma_wait3A_873, %dma_wait3A_874] : memref<2x16x1024xf32, #tpu.memory_space<vmem>> -> memref<1x16x1024xf32, #tpu.memory_space<vmem>>
    %dma_wait3A_876 = tpu.memref_squeeze %dma_wait3A_875 : memref<1x16x1024xf32, #tpu.memory_space<vmem>> -> memref<16x1024xf32, #tpu.memory_space<vmem>>
    tpu.wait_dma2 semaphore(%arg13 : memref<!tpu.dma_semaphore, #tpu.memory_space<semaphore_mem>>) src(%dma_wait3A_876 : memref<16x1024xf32, #tpu.memory_space<vmem>>) dst(%dma_wait3A_872 : memref<16x1024xf32, #tpu.memory_space<hbm>>)
    %add3A_877 = arith.constant 2 : i32
    %add3A_878 = arith.addi %mul3A_2, %add3A_877 : i32
    %dma_start3A_879 = arith.constant 1 : i32
    %dma_start3A_880 = arith.constant 3 : i32
    %dma_start3A_881 = arith.constant 0 : i32
    %dma_start3A_882 = arith.constant 0 : i32
    %dma_start3A_883 = tpu.memref_slice %arg8[%dma_start3A_879, %dma_start3A_881, %dma_start3A_882] : memref<2x16x1024xf32, #tpu.memory_space<vmem>> -> memref<1x16x1024xf32, #tpu.memory_space<vmem>>
    %dma_start3A_884 = tpu.memref_squeeze %dma_start3A_883 : memref<1x16x1024xf32, #tpu.memory_space<vmem>> -> memref<16x1024xf32, #tpu.memory_space<vmem>>
    %dma_start3A_885 = arith.constant 0 : i32
    %dma_start3A_886 = arith.constant 0 : i32
    %dma_start3A_887 = tpu.memref_slice %arg5[%dma_start3A_880, %add3A_878, %dma_start3A_885, %dma_start3A_886] : memref<4x256x16x1024xf32, #tpu.memory_space<hbm>> -> memref<1x1x16x1024xf32, #tpu.memory_space<hbm>>
    %dma_start3A_888 = tpu.memref_squeeze %dma_start3A_887 : memref<1x1x16x1024xf32, #tpu.memory_space<hbm>> -> memref<16x1024xf32, #tpu.memory_space<hbm>>
    %dma_start3A_889 = arith.constant 0 : i32
    %dma_start3A_890 = arith.constant 0 : i32
    %dma_start3A_891 = tpu.memref_slice %arg5[%dma_start3A_880, %add3A_878, %dma_start3A_889, %dma_start3A_890] : memref<4x256x16x1024xf32, #tpu.memory_space<hbm>> -> memref<1x1x16x1024xf32, #tpu.memory_space<hbm>>
    %dma_start3A_892 = tpu.memref_squeeze %dma_start3A_891 : memref<1x1x16x1024xf32, #tpu.memory_space<hbm>> -> memref<16x1024xf32, #tpu.memory_space<hbm>>
    %dma_start3A_893 = arith.constant 0 : i32
    %dma_start3A_894 = arith.constant 0 : i32
    %dma_start3A_895 = tpu.memref_slice %arg8[%dma_start3A_879, %dma_start3A_893, %dma_start3A_894] : memref<2x16x1024xf32, #tpu.memory_space<vmem>> -> memref<1x16x1024xf32, #tpu.memory_space<vmem>>
    %dma_start3A_896 = tpu.memref_squeeze %dma_start3A_895 : memref<1x16x1024xf32, #tpu.memory_space<vmem>> -> memref<16x1024xf32, #tpu.memory_space<vmem>>
    tpu.enqueue_dma source(%dma_start3A_896 : memref<16x1024xf32, #tpu.memory_space<vmem>>) target(%dma_start3A_892 : memref<16x1024xf32, #tpu.memory_space<hbm>>) target_semaphore(%arg13 : memref<!tpu.dma_semaphore, #tpu.memory_space<semaphore_mem>>)
    %add3A_897 = arith.constant 3 : i32
    %add3A_898 = arith.addi %mul3A_2, %add3A_897 : i32
    %dma_start3A_899 = arith.constant 1 : i32
    %dma_start3A_900 = arith.constant 1 : i32
    %dma_start3A_901 = arith.constant 0 : i32
    %dma_start3A_902 = arith.constant 0 : i32
    %dma_start3A_903 = tpu.memref_slice %arg8[%dma_start3A_900, %dma_start3A_901, %dma_start3A_902] : memref<2x16x1024xf32, #tpu.memory_space<vmem>> -> memref<1x16x1024xf32, #tpu.memory_space<vmem>>
    %dma_start3A_904 = tpu.memref_squeeze %dma_start3A_903 : memref<1x16x1024xf32, #tpu.memory_space<vmem>> -> memref<16x1024xf32, #tpu.memory_space<vmem>>
    %dma_start3A_905 = arith.constant 0 : i32
    %dma_start3A_906 = arith.constant 0 : i32
    %dma_start3A_907 = tpu.memref_slice %arg2[%dma_start3A_899, %add3A_898, %dma_start3A_905, %dma_start3A_906] : memref<4x256x16x1024xf32, #tpu.memory_space<hbm>> -> memref<1x1x16x1024xf32, #tpu.memory_space<hbm>>
    %dma_start3A_908 = tpu.memref_squeeze %dma_start3A_907 : memref<1x1x16x1024xf32, #tpu.memory_space<hbm>> -> memref<16x1024xf32, #tpu.memory_space<hbm>>
    %dma_start3A_909 = arith.constant 0 : i32
    %dma_start3A_910 = arith.constant 0 : i32
    %dma_start3A_911 = tpu.memref_slice %arg8[%dma_start3A_900, %dma_start3A_909, %dma_start3A_910] : memref<2x16x1024xf32, #tpu.memory_space<vmem>> -> memref<1x16x1024xf32, #tpu.memory_space<vmem>>
    %dma_start3A_912 = tpu.memref_squeeze %dma_start3A_911 : memref<1x16x1024xf32, #tpu.memory_space<vmem>> -> memref<16x1024xf32, #tpu.memory_space<vmem>>
    %dma_start3A_913 = arith.constant 0 : i32
    %dma_start3A_914 = arith.constant 0 : i32
    %dma_start3A_915 = tpu.memref_slice %arg2[%dma_start3A_899, %add3A_898, %dma_start3A_913, %dma_start3A_914] : memref<4x256x16x1024xf32, #tpu.memory_space<hbm>> -> memref<1x1x16x1024xf32, #tpu.memory_space<hbm>>
    %dma_start3A_916 = tpu.memref_squeeze %dma_start3A_915 : memref<1x1x16x1024xf32, #tpu.memory_space<hbm>> -> memref<16x1024xf32, #tpu.memory_space<hbm>>
    tpu.enqueue_dma source(%dma_start3A_916 : memref<16x1024xf32, #tpu.memory_space<hbm>>) target(%dma_start3A_912 : memref<16x1024xf32, #tpu.memory_space<vmem>>) target_semaphore(%arg11 : memref<!tpu.dma_semaphore, #tpu.memory_space<semaphore_mem>>)
    %dma_wait3A_917 = arith.constant 0 : i32
    %dma_wait3A_918 = arith.constant 0 : i32
    %dma_wait3A_919 = arith.constant 0 : i32
    %dma_wait3A_920 = arith.constant 0 : i32
    %dma_wait3A_921 = tpu.memref_slice %arg8[%dma_wait3A_918, %dma_wait3A_919, %dma_wait3A_920] : memref<2x16x1024xf32, #tpu.memory_space<vmem>> -> memref<1x16x1024xf32, #tpu.memory_space<vmem>>
    %dma_wait3A_922 = tpu.memref_squeeze %dma_wait3A_921 : memref<1x16x1024xf32, #tpu.memory_space<vmem>> -> memref<16x1024xf32, #tpu.memory_space<vmem>>
    %dma_wait3A_923 = arith.constant 0 : i32
    %dma_wait3A_924 = arith.constant 0 : i32
    %dma_wait3A_925 = tpu.memref_slice %arg2[%dma_wait3A_917, %add3A_822, %dma_wait3A_923, %dma_wait3A_924] : memref<4x256x16x1024xf32, #tpu.memory_space<hbm>> -> memref<1x1x16x1024xf32, #tpu.memory_space<hbm>>
    %dma_wait3A_926 = tpu.memref_squeeze %dma_wait3A_925 : memref<1x1x16x1024xf32, #tpu.memory_space<hbm>> -> memref<16x1024xf32, #tpu.memory_space<hbm>>
    %dma_wait3A_927 = arith.constant 0 : i32
    %dma_wait3A_928 = arith.constant 0 : i32
    %dma_wait3A_929 = tpu.memref_slice %arg8[%dma_wait3A_918, %dma_wait3A_927, %dma_wait3A_928] : memref<2x16x1024xf32, #tpu.memory_space<vmem>> -> memref<1x16x1024xf32, #tpu.memory_space<vmem>>
    %dma_wait3A_930 = tpu.memref_squeeze %dma_wait3A_929 : memref<1x16x1024xf32, #tpu.memory_space<vmem>> -> memref<16x1024xf32, #tpu.memory_space<vmem>>
    %dma_wait3A_931 = arith.constant 0 : i32
    %dma_wait3A_932 = arith.constant 0 : i32
    %dma_wait3A_933 = tpu.memref_slice %arg2[%dma_wait3A_917, %add3A_822, %dma_wait3A_931, %dma_wait3A_932] : memref<4x256x16x1024xf32, #tpu.memory_space<hbm>> -> memref<1x1x16x1024xf32, #tpu.memory_space<hbm>>
    %dma_wait3A_934 = tpu.memref_squeeze %dma_wait3A_933 : memref<1x1x16x1024xf32, #tpu.memory_space<hbm>> -> memref<16x1024xf32, #tpu.memory_space<hbm>>
    tpu.wait_dma2 semaphore(%arg10 : memref<!tpu.dma_semaphore, #tpu.memory_space<semaphore_mem>>) src(%dma_wait3A_934 : memref<16x1024xf32, #tpu.memory_space<hbm>>) dst(%dma_wait3A_930 : memref<16x1024xf32, #tpu.memory_space<vmem>>)
    %dma_wait3A_935 = arith.constant 0 : i32
    %dma_wait3A_936 = arith.constant 2 : i32
    %dma_wait3A_937 = arith.constant 0 : i32
    %dma_wait3A_938 = arith.constant 0 : i32
    %dma_wait3A_939 = tpu.memref_slice %arg8[%dma_wait3A_935, %dma_wait3A_937, %dma_wait3A_938] : memref<2x16x1024xf32, #tpu.memory_space<vmem>> -> memref<1x16x1024xf32, #tpu.memory_space<vmem>>
    %dma_wait3A_940 = tpu.memref_squeeze %dma_wait3A_939 : memref<1x16x1024xf32, #tpu.memory_space<vmem>> -> memref<16x1024xf32, #tpu.memory_space<vmem>>
    %dma_wait3A_941 = arith.constant 0 : i32
    %dma_wait3A_942 = arith.constant 0 : i32
    %dma_wait3A_943 = tpu.memref_slice %arg5[%dma_wait3A_936, %add3A_802, %dma_wait3A_941, %dma_wait3A_942] : memref<4x256x16x1024xf32, #tpu.memory_space<hbm>> -> memref<1x1x16x1024xf32, #tpu.memory_space<hbm>>
    %dma_wait3A_944 = tpu.memref_squeeze %dma_wait3A_943 : memref<1x1x16x1024xf32, #tpu.memory_space<hbm>> -> memref<16x1024xf32, #tpu.memory_space<hbm>>
    %dma_wait3A_945 = arith.constant 0 : i32
    %dma_wait3A_946 = arith.constant 0 : i32
    %dma_wait3A_947 = tpu.memref_slice %arg5[%dma_wait3A_936, %add3A_802, %dma_wait3A_945, %dma_wait3A_946] : memref<4x256x16x1024xf32, #tpu.memory_space<hbm>> -> memref<1x1x16x1024xf32, #tpu.memory_space<hbm>>
    %dma_wait3A_948 = tpu.memref_squeeze %dma_wait3A_947 : memref<1x1x16x1024xf32, #tpu.memory_space<hbm>> -> memref<16x1024xf32, #tpu.memory_space<hbm>>
    %dma_wait3A_949 = arith.constant 0 : i32
    %dma_wait3A_950 = arith.constant 0 : i32
    %dma_wait3A_951 = tpu.memref_slice %arg8[%dma_wait3A_935, %dma_wait3A_949, %dma_wait3A_950] : memref<2x16x1024xf32, #tpu.memory_space<vmem>> -> memref<1x16x1024xf32, #tpu.memory_space<vmem>>
    %dma_wait3A_952 = tpu.memref_squeeze %dma_wait3A_951 : memref<1x16x1024xf32, #tpu.memory_space<vmem>> -> memref<16x1024xf32, #tpu.memory_space<vmem>>
    tpu.wait_dma2 semaphore(%arg12 : memref<!tpu.dma_semaphore, #tpu.memory_space<semaphore_mem>>) src(%dma_wait3A_952 : memref<16x1024xf32, #tpu.memory_space<vmem>>) dst(%dma_wait3A_948 : memref<16x1024xf32, #tpu.memory_space<hbm>>)
    %add3A_953 = arith.constant 3 : i32
    %add3A_954 = arith.addi %mul3A_2, %add3A_953 : i32
    %dma_start3A_955 = arith.constant 0 : i32
    %dma_start3A_956 = arith.constant 0 : i32
    %dma_start3A_957 = arith.constant 0 : i32
    %dma_start3A_958 = arith.constant 0 : i32
    %dma_start3A_959 = tpu.memref_slice %arg8[%dma_start3A_955, %dma_start3A_957, %dma_start3A_958] : memref<2x16x1024xf32, #tpu.memory_space<vmem>> -> memref<1x16x1024xf32, #tpu.memory_space<vmem>>
    %dma_start3A_960 = tpu.memref_squeeze %dma_start3A_959 : memref<1x16x1024xf32, #tpu.memory_space<vmem>> -> memref<16x1024xf32, #tpu.memory_space<vmem>>
    %dma_start3A_961 = arith.constant 0 : i32
    %dma_start3A_962 = arith.constant 0 : i32
    %dma_start3A_963 = tpu.memref_slice %arg5[%dma_start3A_956, %add3A_954, %dma_start3A_961, %dma_start3A_962] : memref<4x256x16x1024xf32, #tpu.memory_space<hbm>> -> memref<1x1x16x1024xf32, #tpu.memory_space<hbm>>
    %dma_start3A_964 = tpu.memref_squeeze %dma_start3A_963 : memref<1x1x16x1024xf32, #tpu.memory_space<hbm>> -> memref<16x1024xf32, #tpu.memory_space<hbm>>
    %dma_start3A_965 = arith.constant 0 : i32
    %dma_start3A_966 = arith.constant 0 : i32
    %dma_start3A_967 = tpu.memref_slice %arg5[%dma_start3A_956, %add3A_954, %dma_start3A_965, %dma_start3A_966] : memref<4x256x16x1024xf32, #tpu.memory_space<hbm>> -> memref<1x1x16x1024xf32, #tpu.memory_space<hbm>>
    %dma_start3A_968 = tpu.memref_squeeze %dma_start3A_967 : memref<1x1x16x1024xf32, #tpu.memory_space<hbm>> -> memref<16x1024xf32, #tpu.memory_space<hbm>>
    %dma_start3A_969 = arith.constant 0 : i32
    %dma_start3A_970 = arith.constant 0 : i32
    %dma_start3A_971 = tpu.memref_slice %arg8[%dma_start3A_955, %dma_start3A_969, %dma_start3A_970] : memref<2x16x1024xf32, #tpu.memory_space<vmem>> -> memref<1x16x1024xf32, #tpu.memory_space<vmem>>
    %dma_start3A_972 = tpu.memref_squeeze %dma_start3A_971 : memref<1x16x1024xf32, #tpu.memory_space<vmem>> -> memref<16x1024xf32, #tpu.memory_space<vmem>>
    tpu.enqueue_dma source(%dma_start3A_972 : memref<16x1024xf32, #tpu.memory_space<vmem>>) target(%dma_start3A_968 : memref<16x1024xf32, #tpu.memory_space<hbm>>) target_semaphore(%arg12 : memref<!tpu.dma_semaphore, #tpu.memory_space<semaphore_mem>>)
    %add3A_973 = arith.constant 3 : i32
    %add3A_974 = arith.addi %mul3A_2, %add3A_973 : i32
    %dma_start3A_975 = arith.constant 2 : i32
    %dma_start3A_976 = arith.constant 0 : i32
    %dma_start3A_977 = arith.constant 0 : i32
    %dma_start3A_978 = arith.constant 0 : i32
    %dma_start3A_979 = tpu.memref_slice %arg8[%dma_start3A_976, %dma_start3A_977, %dma_start3A_978] : memref<2x16x1024xf32, #tpu.memory_space<vmem>> -> memref<1x16x1024xf32, #tpu.memory_space<vmem>>
    %dma_start3A_980 = tpu.memref_squeeze %dma_start3A_979 : memref<1x16x1024xf32, #tpu.memory_space<vmem>> -> memref<16x1024xf32, #tpu.memory_space<vmem>>
    %dma_start3A_981 = arith.constant 0 : i32
    %dma_start3A_982 = arith.constant 0 : i32
    %dma_start3A_983 = tpu.memref_slice %arg2[%dma_start3A_975, %add3A_974, %dma_start3A_981, %dma_start3A_982] : memref<4x256x16x1024xf32, #tpu.memory_space<hbm>> -> memref<1x1x16x1024xf32, #tpu.memory_space<hbm>>
    %dma_start3A_984 = tpu.memref_squeeze %dma_start3A_983 : memref<1x1x16x1024xf32, #tpu.memory_space<hbm>> -> memref<16x1024xf32, #tpu.memory_space<hbm>>
    %dma_start3A_985 = arith.constant 0 : i32
    %dma_start3A_986 = arith.constant 0 : i32
    %dma_start3A_987 = tpu.memref_slice %arg8[%dma_start3A_976, %dma_start3A_985, %dma_start3A_986] : memref<2x16x1024xf32, #tpu.memory_space<vmem>> -> memref<1x16x1024xf32, #tpu.memory_space<vmem>>
    %dma_start3A_988 = tpu.memref_squeeze %dma_start3A_987 : memref<1x16x1024xf32, #tpu.memory_space<vmem>> -> memref<16x1024xf32, #tpu.memory_space<vmem>>
    %dma_start3A_989 = arith.constant 0 : i32
    %dma_start3A_990 = arith.constant 0 : i32
    %dma_start3A_991 = tpu.memref_slice %arg2[%dma_start3A_975, %add3A_974, %dma_start3A_989, %dma_start3A_990] : memref<4x256x16x1024xf32, #tpu.memory_space<hbm>> -> memref<1x1x16x1024xf32, #tpu.memory_space<hbm>>
    %dma_start3A_992 = tpu.memref_squeeze %dma_start3A_991 : memref<1x1x16x1024xf32, #tpu.memory_space<hbm>> -> memref<16x1024xf32, #tpu.memory_space<hbm>>
    tpu.enqueue_dma source(%dma_start3A_992 : memref<16x1024xf32, #tpu.memory_space<hbm>>) target(%dma_start3A_988 : memref<16x1024xf32, #tpu.memory_space<vmem>>) target_semaphore(%arg10 : memref<!tpu.dma_semaphore, #tpu.memory_space<semaphore_mem>>)
    %dma_wait3A_993 = arith.constant 1 : i32
    %dma_wait3A_994 = arith.constant 1 : i32
    %dma_wait3A_995 = arith.constant 0 : i32
    %dma_wait3A_996 = arith.constant 0 : i32
    %dma_wait3A_997 = tpu.memref_slice %arg8[%dma_wait3A_994, %dma_wait3A_995, %dma_wait3A_996] : memref<2x16x1024xf32, #tpu.memory_space<vmem>> -> memref<1x16x1024xf32, #tpu.memory_space<vmem>>
    %dma_wait3A_998 = tpu.memref_squeeze %dma_wait3A_997 : memref<1x16x1024xf32, #tpu.memory_space<vmem>> -> memref<16x1024xf32, #tpu.memory_space<vmem>>
    %dma_wait3A_999 = arith.constant 0 : i32
    %dma_wait3A_1000 = arith.constant 0 : i32
    %dma_wait3A_1001 = tpu.memref_slice %arg2[%dma_wait3A_993, %add3A_898, %dma_wait3A_999, %dma_wait3A_1000] : memref<4x256x16x1024xf32, #tpu.memory_space<hbm>> -> memref<1x1x16x1024xf32, #tpu.memory_space<hbm>>
    %dma_wait3A_1002 = tpu.memref_squeeze %dma_wait3A_1001 : memref<1x1x16x1024xf32, #tpu.memory_space<hbm>> -> memref<16x1024xf32, #tpu.memory_space<hbm>>
    %dma_wait3A_1003 = arith.constant 0 : i32
    %dma_wait3A_1004 = arith.constant 0 : i32
    %dma_wait3A_1005 = tpu.memref_slice %arg8[%dma_wait3A_994, %dma_wait3A_1003, %dma_wait3A_1004] : memref<2x16x1024xf32, #tpu.memory_space<vmem>> -> memref<1x16x1024xf32, #tpu.memory_space<vmem>>
    %dma_wait3A_1006 = tpu.memref_squeeze %dma_wait3A_1005 : memref<1x16x1024xf32, #tpu.memory_space<vmem>> -> memref<16x1024xf32, #tpu.memory_space<vmem>>
    %dma_wait3A_1007 = arith.constant 0 : i32
    %dma_wait3A_1008 = arith.constant 0 : i32
    %dma_wait3A_1009 = tpu.memref_slice %arg2[%dma_wait3A_993, %add3A_898, %dma_wait3A_1007, %dma_wait3A_1008] : memref<4x256x16x1024xf32, #tpu.memory_space<hbm>> -> memref<1x1x16x1024xf32, #tpu.memory_space<hbm>>
    %dma_wait3A_1010 = tpu.memref_squeeze %dma_wait3A_1009 : memref<1x1x16x1024xf32, #tpu.memory_space<hbm>> -> memref<16x1024xf32, #tpu.memory_space<hbm>>
    tpu.wait_dma2 semaphore(%arg11 : memref<!tpu.dma_semaphore, #tpu.memory_space<semaphore_mem>>) src(%dma_wait3A_1010 : memref<16x1024xf32, #tpu.memory_space<hbm>>) dst(%dma_wait3A_1006 : memref<16x1024xf32, #tpu.memory_space<vmem>>)
    %dma_wait3A_1011 = arith.constant 1 : i32
    %dma_wait3A_1012 = arith.constant 3 : i32
    %dma_wait3A_1013 = arith.constant 0 : i32
    %dma_wait3A_1014 = arith.constant 0 : i32
    %dma_wait3A_1015 = tpu.memref_slice %arg8[%dma_wait3A_1011, %dma_wait3A_1013, %dma_wait3A_1014] : memref<2x16x1024xf32, #tpu.memory_space<vmem>> -> memref<1x16x1024xf32, #tpu.memory_space<vmem>>
    %dma_wait3A_1016 = tpu.memref_squeeze %dma_wait3A_1015 : memref<1x16x1024xf32, #tpu.memory_space<vmem>> -> memref<16x1024xf32, #tpu.memory_space<vmem>>
    %dma_wait3A_1017 = arith.constant 0 : i32
    %dma_wait3A_1018 = arith.constant 0 : i32
    %dma_wait3A_1019 = tpu.memref_slice %arg5[%dma_wait3A_1012, %add3A_878, %dma_wait3A_1017, %dma_wait3A_1018] : memref<4x256x16x1024xf32, #tpu.memory_space<hbm>> -> memref<1x1x16x1024xf32, #tpu.memory_space<hbm>>
    %dma_wait3A_1020 = tpu.memref_squeeze %dma_wait3A_1019 : memref<1x1x16x1024xf32, #tpu.memory_space<hbm>> -> memref<16x1024xf32, #tpu.memory_space<hbm>>
    %dma_wait3A_1021 = arith.constant 0 : i32
    %dma_wait3A_1022 = arith.constant 0 : i32
    %dma_wait3A_1023 = tpu.memref_slice %arg5[%dma_wait3A_1012, %add3A_878, %dma_wait3A_1021, %dma_wait3A_1022] : memref<4x256x16x1024xf32, #tpu.memory_space<hbm>> -> memref<1x1x16x1024xf32, #tpu.memory_space<hbm>>
    %dma_wait3A_1024 = tpu.memref_squeeze %dma_wait3A_1023 : memref<1x1x16x1024xf32, #tpu.memory_space<hbm>> -> memref<16x1024xf32, #tpu.memory_space<hbm>>
    %dma_wait3A_1025 = arith.constant 0 : i32
    %dma_wait3A_1026 = arith.constant 0 : i32
    %dma_wait3A_1027 = tpu.memref_slice %arg8[%dma_wait3A_1011, %dma_wait3A_1025, %dma_wait3A_1026] : memref<2x16x1024xf32, #tpu.memory_space<vmem>> -> memref<1x16x1024xf32, #tpu.memory_space<vmem>>
    %dma_wait3A_1028 = tpu.memref_squeeze %dma_wait3A_1027 : memref<1x16x1024xf32, #tpu.memory_space<vmem>> -> memref<16x1024xf32, #tpu.memory_space<vmem>>
    tpu.wait_dma2 semaphore(%arg13 : memref<!tpu.dma_semaphore, #tpu.memory_space<semaphore_mem>>) src(%dma_wait3A_1028 : memref<16x1024xf32, #tpu.memory_space<vmem>>) dst(%dma_wait3A_1024 : memref<16x1024xf32, #tpu.memory_space<hbm>>)
    %add3A_1029 = arith.constant 3 : i32
    %add3A_1030 = arith.addi %mul3A_2, %add3A_1029 : i32
    %dma_start3A_1031 = arith.constant 1 : i32
    %dma_start3A_1032 = arith.constant 1 : i32
    %dma_start3A_1033 = arith.constant 0 : i32
    %dma_start3A_1034 = arith.constant 0 : i32
    %dma_start3A_1035 = tpu.memref_slice %arg8[%dma_start3A_1031, %dma_start3A_1033, %dma_start3A_1034] : memref<2x16x1024xf32, #tpu.memory_space<vmem>> -> memref<1x16x1024xf32, #tpu.memory_space<vmem>>
    %dma_start3A_1036 = tpu.memref_squeeze %dma_start3A_1035 : memref<1x16x1024xf32, #tpu.memory_space<vmem>> -> memref<16x1024xf32, #tpu.memory_space<vmem>>
    %dma_start3A_1037 = arith.constant 0 : i32
    %dma_start3A_1038 = arith.constant 0 : i32
    %dma_start3A_1039 = tpu.memref_slice %arg5[%dma_start3A_1032, %add3A_1030, %dma_start3A_1037, %dma_start3A_1038] : memref<4x256x16x1024xf32, #tpu.memory_space<hbm>> -> memref<1x1x16x1024xf32, #tpu.memory_space<hbm>>
    %dma_start3A_1040 = tpu.memref_squeeze %dma_start3A_1039 : memref<1x1x16x1024xf32, #tpu.memory_space<hbm>> -> memref<16x1024xf32, #tpu.memory_space<hbm>>
    %dma_start3A_1041 = arith.constant 0 : i32
    %dma_start3A_1042 = arith.constant 0 : i32
    %dma_start3A_1043 = tpu.memref_slice %arg5[%dma_start3A_1032, %add3A_1030, %dma_start3A_1041, %dma_start3A_1042] : memref<4x256x16x1024xf32, #tpu.memory_space<hbm>> -> memref<1x1x16x1024xf32, #tpu.memory_space<hbm>>
    %dma_start3A_1044 = tpu.memref_squeeze %dma_start3A_1043 : memref<1x1x16x1024xf32, #tpu.memory_space<hbm>> -> memref<16x1024xf32, #tpu.memory_space<hbm>>
    %dma_start3A_1045 = arith.constant 0 : i32
    %dma_start3A_1046 = arith.constant 0 : i32
    %dma_start3A_1047 = tpu.memref_slice %arg8[%dma_start3A_1031, %dma_start3A_1045, %dma_start3A_1046] : memref<2x16x1024xf32, #tpu.memory_space<vmem>> -> memref<1x16x1024xf32, #tpu.memory_space<vmem>>
    %dma_start3A_1048 = tpu.memref_squeeze %dma_start3A_1047 : memref<1x16x1024xf32, #tpu.memory_space<vmem>> -> memref<16x1024xf32, #tpu.memory_space<vmem>>
    tpu.enqueue_dma source(%dma_start3A_1048 : memref<16x1024xf32, #tpu.memory_space<vmem>>) target(%dma_start3A_1044 : memref<16x1024xf32, #tpu.memory_space<hbm>>) target_semaphore(%arg13 : memref<!tpu.dma_semaphore, #tpu.memory_space<semaphore_mem>>)
    %add3A_1049 = arith.constant 3 : i32
    %add3A_1050 = arith.addi %mul3A_2, %add3A_1049 : i32
    %dma_start3A_1051 = arith.constant 3 : i32
    %dma_start3A_1052 = arith.constant 1 : i32
    %dma_start3A_1053 = arith.constant 0 : i32
    %dma_start3A_1054 = arith.constant 0 : i32
    %dma_start3A_1055 = tpu.memref_slice %arg8[%dma_start3A_1052, %dma_start3A_1053, %dma_start3A_1054] : memref<2x16x1024xf32, #tpu.memory_space<vmem>> -> memref<1x16x1024xf32, #tpu.memory_space<vmem>>
    %dma_start3A_1056 = tpu.memref_squeeze %dma_start3A_1055 : memref<1x16x1024xf32, #tpu.memory_space<vmem>> -> memref<16x1024xf32, #tpu.memory_space<vmem>>
    %dma_start3A_1057 = arith.constant 0 : i32
    %dma_start3A_1058 = arith.constant 0 : i32
    %dma_start3A_1059 = tpu.memref_slice %arg2[%dma_start3A_1051, %add3A_1050, %dma_start3A_1057, %dma_start3A_1058] : memref<4x256x16x1024xf32, #tpu.memory_space<hbm>> -> memref<1x1x16x1024xf32, #tpu.memory_space<hbm>>
    %dma_start3A_1060 = tpu.memref_squeeze %dma_start3A_1059 : memref<1x1x16x1024xf32, #tpu.memory_space<hbm>> -> memref<16x1024xf32, #tpu.memory_space<hbm>>
    %dma_start3A_1061 = arith.constant 0 : i32
    %dma_start3A_1062 = arith.constant 0 : i32
    %dma_start3A_1063 = tpu.memref_slice %arg8[%dma_start3A_1052, %dma_start3A_1061, %dma_start3A_1062] : memref<2x16x1024xf32, #tpu.memory_space<vmem>> -> memref<1x16x1024xf32, #tpu.memory_space<vmem>>
    %dma_start3A_1064 = tpu.memref_squeeze %dma_start3A_1063 : memref<1x16x1024xf32, #tpu.memory_space<vmem>> -> memref<16x1024xf32, #tpu.memory_space<vmem>>
    %dma_start3A_1065 = arith.constant 0 : i32
    %dma_start3A_1066 = arith.constant 0 : i32
    %dma_start3A_1067 = tpu.memref_slice %arg2[%dma_start3A_1051, %add3A_1050, %dma_start3A_1065, %dma_start3A_1066] : memref<4x256x16x1024xf32, #tpu.memory_space<hbm>> -> memref<1x1x16x1024xf32, #tpu.memory_space<hbm>>
    %dma_start3A_1068 = tpu.memref_squeeze %dma_start3A_1067 : memref<1x1x16x1024xf32, #tpu.memory_space<hbm>> -> memref<16x1024xf32, #tpu.memory_space<hbm>>
    tpu.enqueue_dma source(%dma_start3A_1068 : memref<16x1024xf32, #tpu.memory_space<hbm>>) target(%dma_start3A_1064 : memref<16x1024xf32, #tpu.memory_space<vmem>>) target_semaphore(%arg11 : memref<!tpu.dma_semaphore, #tpu.memory_space<semaphore_mem>>)
    %dma_wait3A_1069 = arith.constant 2 : i32
    %dma_wait3A_1070 = arith.constant 0 : i32
    %dma_wait3A_1071 = arith.constant 0 : i32
    %dma_wait3A_1072 = arith.constant 0 : i32
    %dma_wait3A_1073 = tpu.memref_slice %arg8[%dma_wait3A_1070, %dma_wait3A_1071, %dma_wait3A_1072] : memref<2x16x1024xf32, #tpu.memory_space<vmem>> -> memref<1x16x1024xf32, #tpu.memory_space<vmem>>
    %dma_wait3A_1074 = tpu.memref_squeeze %dma_wait3A_1073 : memref<1x16x1024xf32, #tpu.memory_space<vmem>> -> memref<16x1024xf32, #tpu.memory_space<vmem>>
    %dma_wait3A_1075 = arith.constant 0 : i32
    %dma_wait3A_1076 = arith.constant 0 : i32
    %dma_wait3A_1077 = tpu.memref_slice %arg2[%dma_wait3A_1069, %add3A_974, %dma_wait3A_1075, %dma_wait3A_1076] : memref<4x256x16x1024xf32, #tpu.memory_space<hbm>> -> memref<1x1x16x1024xf32, #tpu.memory_space<hbm>>
    %dma_wait3A_1078 = tpu.memref_squeeze %dma_wait3A_1077 : memref<1x1x16x1024xf32, #tpu.memory_space<hbm>> -> memref<16x1024xf32, #tpu.memory_space<hbm>>
    %dma_wait3A_1079 = arith.constant 0 : i32
    %dma_wait3A_1080 = arith.constant 0 : i32
    %dma_wait3A_1081 = tpu.memref_slice %arg8[%dma_wait3A_1070, %dma_wait3A_1079, %dma_wait3A_1080] : memref<2x16x1024xf32, #tpu.memory_space<vmem>> -> memref<1x16x1024xf32, #tpu.memory_space<vmem>>
    %dma_wait3A_1082 = tpu.memref_squeeze %dma_wait3A_1081 : memref<1x16x1024xf32, #tpu.memory_space<vmem>> -> memref<16x1024xf32, #tpu.memory_space<vmem>>
    %dma_wait3A_1083 = arith.constant 0 : i32
    %dma_wait3A_1084 = arith.constant 0 : i32
    %dma_wait3A_1085 = tpu.memref_slice %arg2[%dma_wait3A_1069, %add3A_974, %dma_wait3A_1083, %dma_wait3A_1084] : memref<4x256x16x1024xf32, #tpu.memory_space<hbm>> -> memref<1x1x16x1024xf32, #tpu.memory_space<hbm>>
    %dma_wait3A_1086 = tpu.memref_squeeze %dma_wait3A_1085 : memref<1x1x16x1024xf32, #tpu.memory_space<hbm>> -> memref<16x1024xf32, #tpu.memory_space<hbm>>
    tpu.wait_dma2 semaphore(%arg10 : memref<!tpu.dma_semaphore, #tpu.memory_space<semaphore_mem>>) src(%dma_wait3A_1086 : memref<16x1024xf32, #tpu.memory_space<hbm>>) dst(%dma_wait3A_1082 : memref<16x1024xf32, #tpu.memory_space<vmem>>)
    %dma_wait3A_1087 = arith.constant 0 : i32
    %dma_wait3A_1088 = arith.constant 0 : i32
    %dma_wait3A_1089 = arith.constant 0 : i32
    %dma_wait3A_1090 = arith.constant 0 : i32
    %dma_wait3A_1091 = tpu.memref_slice %arg8[%dma_wait3A_1087, %dma_wait3A_1089, %dma_wait3A_1090] : memref<2x16x1024xf32, #tpu.memory_space<vmem>> -> memref<1x16x1024xf32, #tpu.memory_space<vmem>>
    %dma_wait3A_1092 = tpu.memref_squeeze %dma_wait3A_1091 : memref<1x16x1024xf32, #tpu.memory_space<vmem>> -> memref<16x1024xf32, #tpu.memory_space<vmem>>
    %dma_wait3A_1093 = arith.constant 0 : i32
    %dma_wait3A_1094 = arith.constant 0 : i32
    %dma_wait3A_1095 = tpu.memref_slice %arg5[%dma_wait3A_1088, %add3A_954, %dma_wait3A_1093, %dma_wait3A_1094] : memref<4x256x16x1024xf32, #tpu.memory_space<hbm>> -> memref<1x1x16x1024xf32, #tpu.memory_space<hbm>>
    %dma_wait3A_1096 = tpu.memref_squeeze %dma_wait3A_1095 : memref<1x1x16x1024xf32, #tpu.memory_space<hbm>> -> memref<16x1024xf32, #tpu.memory_space<hbm>>
    %dma_wait3A_1097 = arith.constant 0 : i32
    %dma_wait3A_1098 = arith.constant 0 : i32
    %dma_wait3A_1099 = tpu.memref_slice %arg5[%dma_wait3A_1088, %add3A_954, %dma_wait3A_1097, %dma_wait3A_1098] : memref<4x256x16x1024xf32, #tpu.memory_space<hbm>> -> memref<1x1x16x1024xf32, #tpu.memory_space<hbm>>
    %dma_wait3A_1100 = tpu.memref_squeeze %dma_wait3A_1099 : memref<1x1x16x1024xf32, #tpu.memory_space<hbm>> -> memref<16x1024xf32, #tpu.memory_space<hbm>>
    %dma_wait3A_1101 = arith.constant 0 : i32
    %dma_wait3A_1102 = arith.constant 0 : i32
    %dma_wait3A_1103 = tpu.memref_slice %arg8[%dma_wait3A_1087, %dma_wait3A_1101, %dma_wait3A_1102] : memref<2x16x1024xf32, #tpu.memory_space<vmem>> -> memref<1x16x1024xf32, #tpu.memory_space<vmem>>
    %dma_wait3A_1104 = tpu.memref_squeeze %dma_wait3A_1103 : memref<1x16x1024xf32, #tpu.memory_space<vmem>> -> memref<16x1024xf32, #tpu.memory_space<vmem>>
    tpu.wait_dma2 semaphore(%arg12 : memref<!tpu.dma_semaphore, #tpu.memory_space<semaphore_mem>>) src(%dma_wait3A_1104 : memref<16x1024xf32, #tpu.memory_space<vmem>>) dst(%dma_wait3A_1100 : memref<16x1024xf32, #tpu.memory_space<hbm>>)
    %add3A_1105 = arith.constant 3 : i32
    %add3A_1106 = arith.addi %mul3A_2, %add3A_1105 : i32
    %dma_start3A_1107 = arith.constant 0 : i32
    %dma_start3A_1108 = arith.constant 2 : i32
    %dma_start3A_1109 = arith.constant 0 : i32
    %dma_start3A_1110 = arith.constant 0 : i32
    %dma_start3A_1111 = tpu.memref_slice %arg8[%dma_start3A_1107, %dma_start3A_1109, %dma_start3A_1110] : memref<2x16x1024xf32, #tpu.memory_space<vmem>> -> memref<1x16x1024xf32, #tpu.memory_space<vmem>>
    %dma_start3A_1112 = tpu.memref_squeeze %dma_start3A_1111 : memref<1x16x1024xf32, #tpu.memory_space<vmem>> -> memref<16x1024xf32, #tpu.memory_space<vmem>>
    %dma_start3A_1113 = arith.constant 0 : i32
    %dma_start3A_1114 = arith.constant 0 : i32
    %dma_start3A_1115 = tpu.memref_slice %arg5[%dma_start3A_1108, %add3A_1106, %dma_start3A_1113, %dma_start3A_1114] : memref<4x256x16x1024xf32, #tpu.memory_space<hbm>> -> memref<1x1x16x1024xf32, #tpu.memory_space<hbm>>
    %dma_start3A_1116 = tpu.memref_squeeze %dma_start3A_1115 : memref<1x1x16x1024xf32, #tpu.memory_space<hbm>> -> memref<16x1024xf32, #tpu.memory_space<hbm>>
    %dma_start3A_1117 = arith.constant 0 : i32
    %dma_start3A_1118 = arith.constant 0 : i32
    %dma_start3A_1119 = tpu.memref_slice %arg5[%dma_start3A_1108, %add3A_1106, %dma_start3A_1117, %dma_start3A_1118] : memref<4x256x16x1024xf32, #tpu.memory_space<hbm>> -> memref<1x1x16x1024xf32, #tpu.memory_space<hbm>>
    %dma_start3A_1120 = tpu.memref_squeeze %dma_start3A_1119 : memref<1x1x16x1024xf32, #tpu.memory_space<hbm>> -> memref<16x1024xf32, #tpu.memory_space<hbm>>
    %dma_start3A_1121 = arith.constant 0 : i32
    %dma_start3A_1122 = arith.constant 0 : i32
    %dma_start3A_1123 = tpu.memref_slice %arg8[%dma_start3A_1107, %dma_start3A_1121, %dma_start3A_1122] : memref<2x16x1024xf32, #tpu.memory_space<vmem>> -> memref<1x16x1024xf32, #tpu.memory_space<vmem>>
    %dma_start3A_1124 = tpu.memref_squeeze %dma_start3A_1123 : memref<1x16x1024xf32, #tpu.memory_space<vmem>> -> memref<16x1024xf32, #tpu.memory_space<vmem>>
    tpu.enqueue_dma source(%dma_start3A_1124 : memref<16x1024xf32, #tpu.memory_space<vmem>>) target(%dma_start3A_1120 : memref<16x1024xf32, #tpu.memory_space<hbm>>) target_semaphore(%arg12 : memref<!tpu.dma_semaphore, #tpu.memory_space<semaphore_mem>>)
    %add3A_1125 = arith.constant 4 : i32
    %add3A_1126 = arith.addi %mul3A_2, %add3A_1125 : i32
    %dma_start3A_1127 = arith.constant 0 : i32
    %dma_start3A_1128 = arith.constant 0 : i32
    %dma_start3A_1129 = arith.constant 0 : i32
    %dma_start3A_1130 = arith.constant 0 : i32
    %dma_start3A_1131 = tpu.memref_slice %arg8[%dma_start3A_1128, %dma_start3A_1129, %dma_start3A_1130] : memref<2x16x1024xf32, #tpu.memory_space<vmem>> -> memref<1x16x1024xf32, #tpu.memory_space<vmem>>
    %dma_start3A_1132 = tpu.memref_squeeze %dma_start3A_1131 : memref<1x16x1024xf32, #tpu.memory_space<vmem>> -> memref<16x1024xf32, #tpu.memory_space<vmem>>
    %dma_start3A_1133 = arith.constant 0 : i32
    %dma_start3A_1134 = arith.constant 0 : i32
    %dma_start3A_1135 = tpu.memref_slice %arg2[%dma_start3A_1127, %add3A_1126, %dma_start3A_1133, %dma_start3A_1134] : memref<4x256x16x1024xf32, #tpu.memory_space<hbm>> -> memref<1x1x16x1024xf32, #tpu.memory_space<hbm>>
    %dma_start3A_1136 = tpu.memref_squeeze %dma_start3A_1135 : memref<1x1x16x1024xf32, #tpu.memory_space<hbm>> -> memref<16x1024xf32, #tpu.memory_space<hbm>>
    %dma_start3A_1137 = arith.constant 0 : i32
    %dma_start3A_1138 = arith.constant 0 : i32
    %dma_start3A_1139 = tpu.memref_slice %arg8[%dma_start3A_1128, %dma_start3A_1137, %dma_start3A_1138] : memref<2x16x1024xf32, #tpu.memory_space<vmem>> -> memref<1x16x1024xf32, #tpu.memory_space<vmem>>
    %dma_start3A_1140 = tpu.memref_squeeze %dma_start3A_1139 : memref<1x16x1024xf32, #tpu.memory_space<vmem>> -> memref<16x1024xf32, #tpu.memory_space<vmem>>
    %dma_start3A_1141 = arith.constant 0 : i32
    %dma_start3A_1142 = arith.constant 0 : i32
    %dma_start3A_1143 = tpu.memref_slice %arg2[%dma_start3A_1127, %add3A_1126, %dma_start3A_1141, %dma_start3A_1142] : memref<4x256x16x1024xf32, #tpu.memory_space<hbm>> -> memref<1x1x16x1024xf32, #tpu.memory_space<hbm>>
    %dma_start3A_1144 = tpu.memref_squeeze %dma_start3A_1143 : memref<1x1x16x1024xf32, #tpu.memory_space<hbm>> -> memref<16x1024xf32, #tpu.memory_space<hbm>>
    tpu.enqueue_dma source(%dma_start3A_1144 : memref<16x1024xf32, #tpu.memory_space<hbm>>) target(%dma_start3A_1140 : memref<16x1024xf32, #tpu.memory_space<vmem>>) target_semaphore(%arg10 : memref<!tpu.dma_semaphore, #tpu.memory_space<semaphore_mem>>)
    %dma_wait3A_1145 = arith.constant 3 : i32
    %dma_wait3A_1146 = arith.constant 1 : i32
    %dma_wait3A_1147 = arith.constant 0 : i32
    %dma_wait3A_1148 = arith.constant 0 : i32
    %dma_wait3A_1149 = tpu.memref_slice %arg8[%dma_wait3A_1146, %dma_wait3A_1147, %dma_wait3A_1148] : memref<2x16x1024xf32, #tpu.memory_space<vmem>> -> memref<1x16x1024xf32, #tpu.memory_space<vmem>>
    %dma_wait3A_1150 = tpu.memref_squeeze %dma_wait3A_1149 : memref<1x16x1024xf32, #tpu.memory_space<vmem>> -> memref<16x1024xf32, #tpu.memory_space<vmem>>
    %dma_wait3A_1151 = arith.constant 0 : i32
    %dma_wait3A_1152 = arith.constant 0 : i32
    %dma_wait3A_1153 = tpu.memref_slice %arg2[%dma_wait3A_1145, %add3A_1050, %dma_wait3A_1151, %dma_wait3A_1152] : memref<4x256x16x1024xf32, #tpu.memory_space<hbm>> -> memref<1x1x16x1024xf32, #tpu.memory_space<hbm>>
    %dma_wait3A_1154 = tpu.memref_squeeze %dma_wait3A_1153 : memref<1x1x16x1024xf32, #tpu.memory_space<hbm>> -> memref<16x1024xf32, #tpu.memory_space<hbm>>
    %dma_wait3A_1155 = arith.constant 0 : i32
    %dma_wait3A_1156 = arith.constant 0 : i32
    %dma_wait3A_1157 = tpu.memref_slice %arg8[%dma_wait3A_1146, %dma_wait3A_1155, %dma_wait3A_1156] : memref<2x16x1024xf32, #tpu.memory_space<vmem>> -> memref<1x16x1024xf32, #tpu.memory_space<vmem>>
    %dma_wait3A_1158 = tpu.memref_squeeze %dma_wait3A_1157 : memref<1x16x1024xf32, #tpu.memory_space<vmem>> -> memref<16x1024xf32, #tpu.memory_space<vmem>>
    %dma_wait3A_1159 = arith.constant 0 : i32
    %dma_wait3A_1160 = arith.constant 0 : i32
    %dma_wait3A_1161 = tpu.memref_slice %arg2[%dma_wait3A_1145, %add3A_1050, %dma_wait3A_1159, %dma_wait3A_1160] : memref<4x256x16x1024xf32, #tpu.memory_space<hbm>> -> memref<1x1x16x1024xf32, #tpu.memory_space<hbm>>
    %dma_wait3A_1162 = tpu.memref_squeeze %dma_wait3A_1161 : memref<1x1x16x1024xf32, #tpu.memory_space<hbm>> -> memref<16x1024xf32, #tpu.memory_space<hbm>>
    tpu.wait_dma2 semaphore(%arg11 : memref<!tpu.dma_semaphore, #tpu.memory_space<semaphore_mem>>) src(%dma_wait3A_1162 : memref<16x1024xf32, #tpu.memory_space<hbm>>) dst(%dma_wait3A_1158 : memref<16x1024xf32, #tpu.memory_space<vmem>>)
    %dma_wait3A_1163 = arith.constant 1 : i32
    %dma_wait3A_1164 = arith.constant 1 : i32
    %dma_wait3A_1165 = arith.constant 0 : i32
    %dma_wait3A_1166 = arith.constant 0 : i32
    %dma_wait3A_1167 = tpu.memref_slice %arg8[%dma_wait3A_1163, %dma_wait3A_1165, %dma_wait3A_1166] : memref<2x16x1024xf32, #tpu.memory_space<vmem>> -> memref<1x16x1024xf32, #tpu.memory_space<vmem>>
    %dma_wait3A_1168 = tpu.memref_squeeze %dma_wait3A_1167 : memref<1x16x1024xf32, #tpu.memory_space<vmem>> -> memref<16x1024xf32, #tpu.memory_space<vmem>>
    %dma_wait3A_1169 = arith.constant 0 : i32
    %dma_wait3A_1170 = arith.constant 0 : i32
    %dma_wait3A_1171 = tpu.memref_slice %arg5[%dma_wait3A_1164, %add3A_1030, %dma_wait3A_1169, %dma_wait3A_1170] : memref<4x256x16x1024xf32, #tpu.memory_space<hbm>> -> memref<1x1x16x1024xf32, #tpu.memory_space<hbm>>
    %dma_wait3A_1172 = tpu.memref_squeeze %dma_wait3A_1171 : memref<1x1x16x1024xf32, #tpu.memory_space<hbm>> -> memref<16x1024xf32, #tpu.memory_space<hbm>>
    %dma_wait3A_1173 = arith.constant 0 : i32
    %dma_wait3A_1174 = arith.constant 0 : i32
    %dma_wait3A_1175 = tpu.memref_slice %arg5[%dma_wait3A_1164, %add3A_1030, %dma_wait3A_1173, %dma_wait3A_1174] : memref<4x256x16x1024xf32, #tpu.memory_space<hbm>> -> memref<1x1x16x1024xf32, #tpu.memory_space<hbm>>
    %dma_wait3A_1176 = tpu.memref_squeeze %dma_wait3A_1175 : memref<1x1x16x1024xf32, #tpu.memory_space<hbm>> -> memref<16x1024xf32, #tpu.memory_space<hbm>>
    %dma_wait3A_1177 = arith.constant 0 : i32
    %dma_wait3A_1178 = arith.constant 0 : i32
    %dma_wait3A_1179 = tpu.memref_slice %arg8[%dma_wait3A_1163, %dma_wait3A_1177, %dma_wait3A_1178] : memref<2x16x1024xf32, #tpu.memory_space<vmem>> -> memref<1x16x1024xf32, #tpu.memory_space<vmem>>
    %dma_wait3A_1180 = tpu.memref_squeeze %dma_wait3A_1179 : memref<1x16x1024xf32, #tpu.memory_space<vmem>> -> memref<16x1024xf32, #tpu.memory_space<vmem>>
    tpu.wait_dma2 semaphore(%arg13 : memref<!tpu.dma_semaphore, #tpu.memory_space<semaphore_mem>>) src(%dma_wait3A_1180 : memref<16x1024xf32, #tpu.memory_space<vmem>>) dst(%dma_wait3A_1176 : memref<16x1024xf32, #tpu.memory_space<hbm>>)
    %add3A_1181 = arith.constant 3 : i32
    %add3A_1182 = arith.addi %mul3A_2, %add3A_1181 : i32
    %dma_start3A_1183 = arith.constant 1 : i32
    %dma_start3A_1184 = arith.constant 3 : i32
    %dma_start3A_1185 = arith.constant 0 : i32
    %dma_start3A_1186 = arith.constant 0 : i32
    %dma_start3A_1187 = tpu.memref_slice %arg8[%dma_start3A_1183, %dma_start3A_1185, %dma_start3A_1186] : memref<2x16x1024xf32, #tpu.memory_space<vmem>> -> memref<1x16x1024xf32, #tpu.memory_space<vmem>>
    %dma_start3A_1188 = tpu.memref_squeeze %dma_start3A_1187 : memref<1x16x1024xf32, #tpu.memory_space<vmem>> -> memref<16x1024xf32, #tpu.memory_space<vmem>>
    %dma_start3A_1189 = arith.constant 0 : i32
    %dma_start3A_1190 = arith.constant 0 : i32
    %dma_start3A_1191 = tpu.memref_slice %arg5[%dma_start3A_1184, %add3A_1182, %dma_start3A_1189, %dma_start3A_1190] : memref<4x256x16x1024xf32, #tpu.memory_space<hbm>> -> memref<1x1x16x1024xf32, #tpu.memory_space<hbm>>
    %dma_start3A_1192 = tpu.memref_squeeze %dma_start3A_1191 : memref<1x1x16x1024xf32, #tpu.memory_space<hbm>> -> memref<16x1024xf32, #tpu.memory_space<hbm>>
    %dma_start3A_1193 = arith.constant 0 : i32
    %dma_start3A_1194 = arith.constant 0 : i32
    %dma_start3A_1195 = tpu.memref_slice %arg5[%dma_start3A_1184, %add3A_1182, %dma_start3A_1193, %dma_start3A_1194] : memref<4x256x16x1024xf32, #tpu.memory_space<hbm>> -> memref<1x1x16x1024xf32, #tpu.memory_space<hbm>>
    %dma_start3A_1196 = tpu.memref_squeeze %dma_start3A_1195 : memref<1x1x16x1024xf32, #tpu.memory_space<hbm>> -> memref<16x1024xf32, #tpu.memory_space<hbm>>
    %dma_start3A_1197 = arith.constant 0 : i32
    %dma_start3A_1198 = arith.constant 0 : i32
    %dma_start3A_1199 = tpu.memref_slice %arg8[%dma_start3A_1183, %dma_start3A_1197, %dma_start3A_1198] : memref<2x16x1024xf32, #tpu.memory_space<vmem>> -> memref<1x16x1024xf32, #tpu.memory_space<vmem>>
    %dma_start3A_1200 = tpu.memref_squeeze %dma_start3A_1199 : memref<1x16x1024xf32, #tpu.memory_space<vmem>> -> memref<16x1024xf32, #tpu.memory_space<vmem>>
    tpu.enqueue_dma source(%dma_start3A_1200 : memref<16x1024xf32, #tpu.memory_space<vmem>>) target(%dma_start3A_1196 : memref<16x1024xf32, #tpu.memory_space<hbm>>) target_semaphore(%arg13 : memref<!tpu.dma_semaphore, #tpu.memory_space<semaphore_mem>>)
    %add3A_1201 = arith.constant 4 : i32
    %add3A_1202 = arith.addi %mul3A_2, %add3A_1201 : i32
    %dma_start3A_1203 = arith.constant 1 : i32
    %dma_start3A_1204 = arith.constant 1 : i32
    %dma_start3A_1205 = arith.constant 0 : i32
    %dma_start3A_1206 = arith.constant 0 : i32
    %dma_start3A_1207 = tpu.memref_slice %arg8[%dma_start3A_1204, %dma_start3A_1205, %dma_start3A_1206] : memref<2x16x1024xf32, #tpu.memory_space<vmem>> -> memref<1x16x1024xf32, #tpu.memory_space<vmem>>
    %dma_start3A_1208 = tpu.memref_squeeze %dma_start3A_1207 : memref<1x16x1024xf32, #tpu.memory_space<vmem>> -> memref<16x1024xf32, #tpu.memory_space<vmem>>
    %dma_start3A_1209 = arith.constant 0 : i32
    %dma_start3A_1210 = arith.constant 0 : i32
    %dma_start3A_1211 = tpu.memref_slice %arg2[%dma_start3A_1203, %add3A_1202, %dma_start3A_1209, %dma_start3A_1210] : memref<4x256x16x1024xf32, #tpu.memory_space<hbm>> -> memref<1x1x16x1024xf32, #tpu.memory_space<hbm>>
    %dma_start3A_1212 = tpu.memref_squeeze %dma_start3A_1211 : memref<1x1x16x1024xf32, #tpu.memory_space<hbm>> -> memref<16x1024xf32, #tpu.memory_space<hbm>>
    %dma_start3A_1213 = arith.constant 0 : i32
    %dma_start3A_1214 = arith.constant 0 : i32
    %dma_start3A_1215 = tpu.memref_slice %arg8[%dma_start3A_1204, %dma_start3A_1213, %dma_start3A_1214] : memref<2x16x1024xf32, #tpu.memory_space<vmem>> -> memref<1x16x1024xf32, #tpu.memory_space<vmem>>
    %dma_start3A_1216 = tpu.memref_squeeze %dma_start3A_1215 : memref<1x16x1024xf32, #tpu.memory_space<vmem>> -> memref<16x1024xf32, #tpu.memory_space<vmem>>
    %dma_start3A_1217 = arith.constant 0 : i32
    %dma_start3A_1218 = arith.constant 0 : i32
    %dma_start3A_1219 = tpu.memref_slice %arg2[%dma_start3A_1203, %add3A_1202, %dma_start3A_1217, %dma_start3A_1218] : memref<4x256x16x1024xf32, #tpu.memory_space<hbm>> -> memref<1x1x16x1024xf32, #tpu.memory_space<hbm>>
    %dma_start3A_1220 = tpu.memref_squeeze %dma_start3A_1219 : memref<1x1x16x1024xf32, #tpu.memory_space<hbm>> -> memref<16x1024xf32, #tpu.memory_space<hbm>>
    tpu.enqueue_dma source(%dma_start3A_1220 : memref<16x1024xf32, #tpu.memory_space<hbm>>) target(%dma_start3A_1216 : memref<16x1024xf32, #tpu.memory_space<vmem>>) target_semaphore(%arg11 : memref<!tpu.dma_semaphore, #tpu.memory_space<semaphore_mem>>)
    %dma_wait3A_1221 = arith.constant 0 : i32
    %dma_wait3A_1222 = arith.constant 0 : i32
    %dma_wait3A_1223 = arith.constant 0 : i32
    %dma_wait3A_1224 = arith.constant 0 : i32
    %dma_wait3A_1225 = tpu.memref_slice %arg8[%dma_wait3A_1222, %dma_wait3A_1223, %dma_wait3A_1224] : memref<2x16x1024xf32, #tpu.memory_space<vmem>> -> memref<1x16x1024xf32, #tpu.memory_space<vmem>>
    %dma_wait3A_1226 = tpu.memref_squeeze %dma_wait3A_1225 : memref<1x16x1024xf32, #tpu.memory_space<vmem>> -> memref<16x1024xf32, #tpu.memory_space<vmem>>
    %dma_wait3A_1227 = arith.constant 0 : i32
    %dma_wait3A_1228 = arith.constant 0 : i32
    %dma_wait3A_1229 = tpu.memref_slice %arg2[%dma_wait3A_1221, %add3A_1126, %dma_wait3A_1227, %dma_wait3A_1228] : memref<4x256x16x1024xf32, #tpu.memory_space<hbm>> -> memref<1x1x16x1024xf32, #tpu.memory_space<hbm>>
    %dma_wait3A_1230 = tpu.memref_squeeze %dma_wait3A_1229 : memref<1x1x16x1024xf32, #tpu.memory_space<hbm>> -> memref<16x1024xf32, #tpu.memory_space<hbm>>
    %dma_wait3A_1231 = arith.constant 0 : i32
    %dma_wait3A_1232 = arith.constant 0 : i32
    %dma_wait3A_1233 = tpu.memref_slice %arg8[%dma_wait3A_1222, %dma_wait3A_1231, %dma_wait3A_1232] : memref<2x16x1024xf32, #tpu.memory_space<vmem>> -> memref<1x16x1024xf32, #tpu.memory_space<vmem>>
    %dma_wait3A_1234 = tpu.memref_squeeze %dma_wait3A_1233 : memref<1x16x1024xf32, #tpu.memory_space<vmem>> -> memref<16x1024xf32, #tpu.memory_space<vmem>>
    %dma_wait3A_1235 = arith.constant 0 : i32
    %dma_wait3A_1236 = arith.constant 0 : i32
    %dma_wait3A_1237 = tpu.memref_slice %arg2[%dma_wait3A_1221, %add3A_1126, %dma_wait3A_1235, %dma_wait3A_1236] : memref<4x256x16x1024xf32, #tpu.memory_space<hbm>> -> memref<1x1x16x1024xf32, #tpu.memory_space<hbm>>
    %dma_wait3A_1238 = tpu.memref_squeeze %dma_wait3A_1237 : memref<1x1x16x1024xf32, #tpu.memory_space<hbm>> -> memref<16x1024xf32, #tpu.memory_space<hbm>>
    tpu.wait_dma2 semaphore(%arg10 : memref<!tpu.dma_semaphore, #tpu.memory_space<semaphore_mem>>) src(%dma_wait3A_1238 : memref<16x1024xf32, #tpu.memory_space<hbm>>) dst(%dma_wait3A_1234 : memref<16x1024xf32, #tpu.memory_space<vmem>>)
    %dma_wait3A_1239 = arith.constant 0 : i32
    %dma_wait3A_1240 = arith.constant 2 : i32
    %dma_wait3A_1241 = arith.constant 0 : i32
    %dma_wait3A_1242 = arith.constant 0 : i32
    %dma_wait3A_1243 = tpu.memref_slice %arg8[%dma_wait3A_1239, %dma_wait3A_1241, %dma_wait3A_1242] : memref<2x16x1024xf32, #tpu.memory_space<vmem>> -> memref<1x16x1024xf32, #tpu.memory_space<vmem>>
    %dma_wait3A_1244 = tpu.memref_squeeze %dma_wait3A_1243 : memref<1x16x1024xf32, #tpu.memory_space<vmem>> -> memref<16x1024xf32, #tpu.memory_space<vmem>>
    %dma_wait3A_1245 = arith.constant 0 : i32
    %dma_wait3A_1246 = arith.constant 0 : i32
    %dma_wait3A_1247 = tpu.memref_slice %arg5[%dma_wait3A_1240, %add3A_1106, %dma_wait3A_1245, %dma_wait3A_1246] : memref<4x256x16x1024xf32, #tpu.memory_space<hbm>> -> memref<1x1x16x1024xf32, #tpu.memory_space<hbm>>
    %dma_wait3A_1248 = tpu.memref_squeeze %dma_wait3A_1247 : memref<1x1x16x1024xf32, #tpu.memory_space<hbm>> -> memref<16x1024xf32, #tpu.memory_space<hbm>>
    %dma_wait3A_1249 = arith.constant 0 : i32
    %dma_wait3A_1250 = arith.constant 0 : i32
    %dma_wait3A_1251 = tpu.memref_slice %arg5[%dma_wait3A_1240, %add3A_1106, %dma_wait3A_1249, %dma_wait3A_1250] : memref<4x256x16x1024xf32, #tpu.memory_space<hbm>> -> memref<1x1x16x1024xf32, #tpu.memory_space<hbm>>
    %dma_wait3A_1252 = tpu.memref_squeeze %dma_wait3A_1251 : memref<1x1x16x1024xf32, #tpu.memory_space<hbm>> -> memref<16x1024xf32, #tpu.memory_space<hbm>>
    %dma_wait3A_1253 = arith.constant 0 : i32
    %dma_wait3A_1254 = arith.constant 0 : i32
    %dma_wait3A_1255 = tpu.memref_slice %arg8[%dma_wait3A_1239, %dma_wait3A_1253, %dma_wait3A_1254] : memref<2x16x1024xf32, #tpu.memory_space<vmem>> -> memref<1x16x1024xf32, #tpu.memory_space<vmem>>
    %dma_wait3A_1256 = tpu.memref_squeeze %dma_wait3A_1255 : memref<1x16x1024xf32, #tpu.memory_space<vmem>> -> memref<16x1024xf32, #tpu.memory_space<vmem>>
    tpu.wait_dma2 semaphore(%arg12 : memref<!tpu.dma_semaphore, #tpu.memory_space<semaphore_mem>>) src(%dma_wait3A_1256 : memref<16x1024xf32, #tpu.memory_space<vmem>>) dst(%dma_wait3A_1252 : memref<16x1024xf32, #tpu.memory_space<hbm>>)
    %add3A_1257 = arith.constant 4 : i32
    %add3A_1258 = arith.addi %mul3A_2, %add3A_1257 : i32
    %dma_start3A_1259 = arith.constant 0 : i32
    %dma_start3A_1260 = arith.constant 0 : i32
    %dma_start3A_1261 = arith.constant 0 : i32
    %dma_start3A_1262 = arith.constant 0 : i32
    %dma_start3A_1263 = tpu.memref_slice %arg8[%dma_start3A_1259, %dma_start3A_1261, %dma_start3A_1262] : memref<2x16x1024xf32, #tpu.memory_space<vmem>> -> memref<1x16x1024xf32, #tpu.memory_space<vmem>>
    %dma_start3A_1264 = tpu.memref_squeeze %dma_start3A_1263 : memref<1x16x1024xf32, #tpu.memory_space<vmem>> -> memref<16x1024xf32, #tpu.memory_space<vmem>>
    %dma_start3A_1265 = arith.constant 0 : i32
    %dma_start3A_1266 = arith.constant 0 : i32
    %dma_start3A_1267 = tpu.memref_slice %arg5[%dma_start3A_1260, %add3A_1258, %dma_start3A_1265, %dma_start3A_1266] : memref<4x256x16x1024xf32, #tpu.memory_space<hbm>> -> memref<1x1x16x1024xf32, #tpu.memory_space<hbm>>
    %dma_start3A_1268 = tpu.memref_squeeze %dma_start3A_1267 : memref<1x1x16x1024xf32, #tpu.memory_space<hbm>> -> memref<16x1024xf32, #tpu.memory_space<hbm>>
    %dma_start3A_1269 = arith.constant 0 : i32
    %dma_start3A_1270 = arith.constant 0 : i32
    %dma_start3A_1271 = tpu.memref_slice %arg5[%dma_start3A_1260, %add3A_1258, %dma_start3A_1269, %dma_start3A_1270] : memref<4x256x16x1024xf32, #tpu.memory_space<hbm>> -> memref<1x1x16x1024xf32, #tpu.memory_space<hbm>>
    %dma_start3A_1272 = tpu.memref_squeeze %dma_start3A_1271 : memref<1x1x16x1024xf32, #tpu.memory_space<hbm>> -> memref<16x1024xf32, #tpu.memory_space<hbm>>
    %dma_start3A_1273 = arith.constant 0 : i32
    %dma_start3A_1274 = arith.constant 0 : i32
    %dma_start3A_1275 = tpu.memref_slice %arg8[%dma_start3A_1259, %dma_start3A_1273, %dma_start3A_1274] : memref<2x16x1024xf32, #tpu.memory_space<vmem>> -> memref<1x16x1024xf32, #tpu.memory_space<vmem>>
    %dma_start3A_1276 = tpu.memref_squeeze %dma_start3A_1275 : memref<1x16x1024xf32, #tpu.memory_space<vmem>> -> memref<16x1024xf32, #tpu.memory_space<vmem>>
    tpu.enqueue_dma source(%dma_start3A_1276 : memref<16x1024xf32, #tpu.memory_space<vmem>>) target(%dma_start3A_1272 : memref<16x1024xf32, #tpu.memory_space<hbm>>) target_semaphore(%arg12 : memref<!tpu.dma_semaphore, #tpu.memory_space<semaphore_mem>>)
    %add3A_1277 = arith.constant 4 : i32
    %add3A_1278 = arith.addi %mul3A_2, %add3A_1277 : i32
    %dma_start3A_1279 = arith.constant 2 : i32
    %dma_start3A_1280 = arith.constant 0 : i32
    %dma_start3A_1281 = arith.constant 0 : i32
    %dma_start3A_1282 = arith.constant 0 : i32
    %dma_start3A_1283 = tpu.memref_slice %arg8[%dma_start3A_1280, %dma_start3A_1281, %dma_start3A_1282] : memref<2x16x1024xf32, #tpu.memory_space<vmem>> -> memref<1x16x1024xf32, #tpu.memory_space<vmem>>
    %dma_start3A_1284 = tpu.memref_squeeze %dma_start3A_1283 : memref<1x16x1024xf32, #tpu.memory_space<vmem>> -> memref<16x1024xf32, #tpu.memory_space<vmem>>
    %dma_start3A_1285 = arith.constant 0 : i32
    %dma_start3A_1286 = arith.constant 0 : i32
    %dma_start3A_1287 = tpu.memref_slice %arg2[%dma_start3A_1279, %add3A_1278, %dma_start3A_1285, %dma_start3A_1286] : memref<4x256x16x1024xf32, #tpu.memory_space<hbm>> -> memref<1x1x16x1024xf32, #tpu.memory_space<hbm>>
    %dma_start3A_1288 = tpu.memref_squeeze %dma_start3A_1287 : memref<1x1x16x1024xf32, #tpu.memory_space<hbm>> -> memref<16x1024xf32, #tpu.memory_space<hbm>>
    %dma_start3A_1289 = arith.constant 0 : i32
    %dma_start3A_1290 = arith.constant 0 : i32
    %dma_start3A_1291 = tpu.memref_slice %arg8[%dma_start3A_1280, %dma_start3A_1289, %dma_start3A_1290] : memref<2x16x1024xf32, #tpu.memory_space<vmem>> -> memref<1x16x1024xf32, #tpu.memory_space<vmem>>
    %dma_start3A_1292 = tpu.memref_squeeze %dma_start3A_1291 : memref<1x16x1024xf32, #tpu.memory_space<vmem>> -> memref<16x1024xf32, #tpu.memory_space<vmem>>
    %dma_start3A_1293 = arith.constant 0 : i32
    %dma_start3A_1294 = arith.constant 0 : i32
    %dma_start3A_1295 = tpu.memref_slice %arg2[%dma_start3A_1279, %add3A_1278, %dma_start3A_1293, %dma_start3A_1294] : memref<4x256x16x1024xf32, #tpu.memory_space<hbm>> -> memref<1x1x16x1024xf32, #tpu.memory_space<hbm>>
    %dma_start3A_1296 = tpu.memref_squeeze %dma_start3A_1295 : memref<1x1x16x1024xf32, #tpu.memory_space<hbm>> -> memref<16x1024xf32, #tpu.memory_space<hbm>>
    tpu.enqueue_dma source(%dma_start3A_1296 : memref<16x1024xf32, #tpu.memory_space<hbm>>) target(%dma_start3A_1292 : memref<16x1024xf32, #tpu.memory_space<vmem>>) target_semaphore(%arg10 : memref<!tpu.dma_semaphore, #tpu.memory_space<semaphore_mem>>)
    %dma_wait3A_1297 = arith.constant 1 : i32
    %dma_wait3A_1298 = arith.constant 1 : i32
    %dma_wait3A_1299 = arith.constant 0 : i32
    %dma_wait3A_1300 = arith.constant 0 : i32
    %dma_wait3A_1301 = tpu.memref_slice %arg8[%dma_wait3A_1298, %dma_wait3A_1299, %dma_wait3A_1300] : memref<2x16x1024xf32, #tpu.memory_space<vmem>> -> memref<1x16x1024xf32, #tpu.memory_space<vmem>>
    %dma_wait3A_1302 = tpu.memref_squeeze %dma_wait3A_1301 : memref<1x16x1024xf32, #tpu.memory_space<vmem>> -> memref<16x1024xf32, #tpu.memory_space<vmem>>
    %dma_wait3A_1303 = arith.constant 0 : i32
    %dma_wait3A_1304 = arith.constant 0 : i32
    %dma_wait3A_1305 = tpu.memref_slice %arg2[%dma_wait3A_1297, %add3A_1202, %dma_wait3A_1303, %dma_wait3A_1304] : memref<4x256x16x1024xf32, #tpu.memory_space<hbm>> -> memref<1x1x16x1024xf32, #tpu.memory_space<hbm>>
    %dma_wait3A_1306 = tpu.memref_squeeze %dma_wait3A_1305 : memref<1x1x16x1024xf32, #tpu.memory_space<hbm>> -> memref<16x1024xf32, #tpu.memory_space<hbm>>
    %dma_wait3A_1307 = arith.constant 0 : i32
    %dma_wait3A_1308 = arith.constant 0 : i32
    %dma_wait3A_1309 = tpu.memref_slice %arg8[%dma_wait3A_1298, %dma_wait3A_1307, %dma_wait3A_1308] : memref<2x16x1024xf32, #tpu.memory_space<vmem>> -> memref<1x16x1024xf32, #tpu.memory_space<vmem>>
    %dma_wait3A_1310 = tpu.memref_squeeze %dma_wait3A_1309 : memref<1x16x1024xf32, #tpu.memory_space<vmem>> -> memref<16x1024xf32, #tpu.memory_space<vmem>>
    %dma_wait3A_1311 = arith.constant 0 : i32
    %dma_wait3A_1312 = arith.constant 0 : i32
    %dma_wait3A_1313 = tpu.memref_slice %arg2[%dma_wait3A_1297, %add3A_1202, %dma_wait3A_1311, %dma_wait3A_1312] : memref<4x256x16x1024xf32, #tpu.memory_space<hbm>> -> memref<1x1x16x1024xf32, #tpu.memory_space<hbm>>
    %dma_wait3A_1314 = tpu.memref_squeeze %dma_wait3A_1313 : memref<1x1x16x1024xf32, #tpu.memory_space<hbm>> -> memref<16x1024xf32, #tpu.memory_space<hbm>>
    tpu.wait_dma2 semaphore(%arg11 : memref<!tpu.dma_semaphore, #tpu.memory_space<semaphore_mem>>) src(%dma_wait3A_1314 : memref<16x1024xf32, #tpu.memory_space<hbm>>) dst(%dma_wait3A_1310 : memref<16x1024xf32, #tpu.memory_space<vmem>>)
    %dma_wait3A_1315 = arith.constant 1 : i32
    %dma_wait3A_1316 = arith.constant 3 : i32
    %dma_wait3A_1317 = arith.constant 0 : i32
    %dma_wait3A_1318 = arith.constant 0 : i32
    %dma_wait3A_1319 = tpu.memref_slice %arg8[%dma_wait3A_1315, %dma_wait3A_1317, %dma_wait3A_1318] : memref<2x16x1024xf32, #tpu.memory_space<vmem>> -> memref<1x16x1024xf32, #tpu.memory_space<vmem>>
    %dma_wait3A_1320 = tpu.memref_squeeze %dma_wait3A_1319 : memref<1x16x1024xf32, #tpu.memory_space<vmem>> -> memref<16x1024xf32, #tpu.memory_space<vmem>>
    %dma_wait3A_1321 = arith.constant 0 : i32
    %dma_wait3A_1322 = arith.constant 0 : i32
    %dma_wait3A_1323 = tpu.memref_slice %arg5[%dma_wait3A_1316, %add3A_1182, %dma_wait3A_1321, %dma_wait3A_1322] : memref<4x256x16x1024xf32, #tpu.memory_space<hbm>> -> memref<1x1x16x1024xf32, #tpu.memory_space<hbm>>
    %dma_wait3A_1324 = tpu.memref_squeeze %dma_wait3A_1323 : memref<1x1x16x1024xf32, #tpu.memory_space<hbm>> -> memref<16x1024xf32, #tpu.memory_space<hbm>>
    %dma_wait3A_1325 = arith.constant 0 : i32
    %dma_wait3A_1326 = arith.constant 0 : i32
    %dma_wait3A_1327 = tpu.memref_slice %arg5[%dma_wait3A_1316, %add3A_1182, %dma_wait3A_1325, %dma_wait3A_1326] : memref<4x256x16x1024xf32, #tpu.memory_space<hbm>> -> memref<1x1x16x1024xf32, #tpu.memory_space<hbm>>
    %dma_wait3A_1328 = tpu.memref_squeeze %dma_wait3A_1327 : memref<1x1x16x1024xf32, #tpu.memory_space<hbm>> -> memref<16x1024xf32, #tpu.memory_space<hbm>>
    %dma_wait3A_1329 = arith.constant 0 : i32
    %dma_wait3A_1330 = arith.constant 0 : i32
    %dma_wait3A_1331 = tpu.memref_slice %arg8[%dma_wait3A_1315, %dma_wait3A_1329, %dma_wait3A_1330] : memref<2x16x1024xf32, #tpu.memory_space<vmem>> -> memref<1x16x1024xf32, #tpu.memory_space<vmem>>
    %dma_wait3A_1332 = tpu.memref_squeeze %dma_wait3A_1331 : memref<1x16x1024xf32, #tpu.memory_space<vmem>> -> memref<16x1024xf32, #tpu.memory_space<vmem>>
    tpu.wait_dma2 semaphore(%arg13 : memref<!tpu.dma_semaphore, #tpu.memory_space<semaphore_mem>>) src(%dma_wait3A_1332 : memref<16x1024xf32, #tpu.memory_space<vmem>>) dst(%dma_wait3A_1328 : memref<16x1024xf32, #tpu.memory_space<hbm>>)
    %add3A_1333 = arith.constant 4 : i32
    %add3A_1334 = arith.addi %mul3A_2, %add3A_1333 : i32
    %dma_start3A_1335 = arith.constant 1 : i32
    %dma_start3A_1336 = arith.constant 1 : i32
    %dma_start3A_1337 = arith.constant 0 : i32
    %dma_start3A_1338 = arith.constant 0 : i32
    %dma_start3A_1339 = tpu.memref_slice %arg8[%dma_start3A_1335, %dma_start3A_1337, %dma_start3A_1338] : memref<2x16x1024xf32, #tpu.memory_space<vmem>> -> memref<1x16x1024xf32, #tpu.memory_space<vmem>>
    %dma_start3A_1340 = tpu.memref_squeeze %dma_start3A_1339 : memref<1x16x1024xf32, #tpu.memory_space<vmem>> -> memref<16x1024xf32, #tpu.memory_space<vmem>>
    %dma_start3A_1341 = arith.constant 0 : i32
    %dma_start3A_1342 = arith.constant 0 : i32
    %dma_start3A_1343 = tpu.memref_slice %arg5[%dma_start3A_1336, %add3A_1334, %dma_start3A_1341, %dma_start3A_1342] : memref<4x256x16x1024xf32, #tpu.memory_space<hbm>> -> memref<1x1x16x1024xf32, #tpu.memory_space<hbm>>
    %dma_start3A_1344 = tpu.memref_squeeze %dma_start3A_1343 : memref<1x1x16x1024xf32, #tpu.memory_space<hbm>> -> memref<16x1024xf32, #tpu.memory_space<hbm>>
    %dma_start3A_1345 = arith.constant 0 : i32
    %dma_start3A_1346 = arith.constant 0 : i32
    %dma_start3A_1347 = tpu.memref_slice %arg5[%dma_start3A_1336, %add3A_1334, %dma_start3A_1345, %dma_start3A_1346] : memref<4x256x16x1024xf32, #tpu.memory_space<hbm>> -> memref<1x1x16x1024xf32, #tpu.memory_space<hbm>>
    %dma_start3A_1348 = tpu.memref_squeeze %dma_start3A_1347 : memref<1x1x16x1024xf32, #tpu.memory_space<hbm>> -> memref<16x1024xf32, #tpu.memory_space<hbm>>
    %dma_start3A_1349 = arith.constant 0 : i32
    %dma_start3A_1350 = arith.constant 0 : i32
    %dma_start3A_1351 = tpu.memref_slice %arg8[%dma_start3A_1335, %dma_start3A_1349, %dma_start3A_1350] : memref<2x16x1024xf32, #tpu.memory_space<vmem>> -> memref<1x16x1024xf32, #tpu.memory_space<vmem>>
    %dma_start3A_1352 = tpu.memref_squeeze %dma_start3A_1351 : memref<1x16x1024xf32, #tpu.memory_space<vmem>> -> memref<16x1024xf32, #tpu.memory_space<vmem>>
    tpu.enqueue_dma source(%dma_start3A_1352 : memref<16x1024xf32, #tpu.memory_space<vmem>>) target(%dma_start3A_1348 : memref<16x1024xf32, #tpu.memory_space<hbm>>) target_semaphore(%arg13 : memref<!tpu.dma_semaphore, #tpu.memory_space<semaphore_mem>>)
    %add3A_1353 = arith.constant 4 : i32
    %add3A_1354 = arith.addi %mul3A_2, %add3A_1353 : i32
    %dma_start3A_1355 = arith.constant 3 : i32
    %dma_start3A_1356 = arith.constant 1 : i32
    %dma_start3A_1357 = arith.constant 0 : i32
    %dma_start3A_1358 = arith.constant 0 : i32
    %dma_start3A_1359 = tpu.memref_slice %arg8[%dma_start3A_1356, %dma_start3A_1357, %dma_start3A_1358] : memref<2x16x1024xf32, #tpu.memory_space<vmem>> -> memref<1x16x1024xf32, #tpu.memory_space<vmem>>
    %dma_start3A_1360 = tpu.memref_squeeze %dma_start3A_1359 : memref<1x16x1024xf32, #tpu.memory_space<vmem>> -> memref<16x1024xf32, #tpu.memory_space<vmem>>
    %dma_start3A_1361 = arith.constant 0 : i32
    %dma_start3A_1362 = arith.constant 0 : i32
    %dma_start3A_1363 = tpu.memref_slice %arg2[%dma_start3A_1355, %add3A_1354, %dma_start3A_1361, %dma_start3A_1362] : memref<4x256x16x1024xf32, #tpu.memory_space<hbm>> -> memref<1x1x16x1024xf32, #tpu.memory_space<hbm>>
    %dma_start3A_1364 = tpu.memref_squeeze %dma_start3A_1363 : memref<1x1x16x1024xf32, #tpu.memory_space<hbm>> -> memref<16x1024xf32, #tpu.memory_space<hbm>>
    %dma_start3A_1365 = arith.constant 0 : i32
    %dma_start3A_1366 = arith.constant 0 : i32
    %dma_start3A_1367 = tpu.memref_slice %arg8[%dma_start3A_1356, %dma_start3A_1365, %dma_start3A_1366] : memref<2x16x1024xf32, #tpu.memory_space<vmem>> -> memref<1x16x1024xf32, #tpu.memory_space<vmem>>
    %dma_start3A_1368 = tpu.memref_squeeze %dma_start3A_1367 : memref<1x16x1024xf32, #tpu.memory_space<vmem>> -> memref<16x1024xf32, #tpu.memory_space<vmem>>
    %dma_start3A_1369 = arith.constant 0 : i32
    %dma_start3A_1370 = arith.constant 0 : i32
    %dma_start3A_1371 = tpu.memref_slice %arg2[%dma_start3A_1355, %add3A_1354, %dma_start3A_1369, %dma_start3A_1370] : memref<4x256x16x1024xf32, #tpu.memory_space<hbm>> -> memref<1x1x16x1024xf32, #tpu.memory_space<hbm>>
    %dma_start3A_1372 = tpu.memref_squeeze %dma_start3A_1371 : memref<1x1x16x1024xf32, #tpu.memory_space<hbm>> -> memref<16x1024xf32, #tpu.memory_space<hbm>>
    tpu.enqueue_dma source(%dma_start3A_1372 : memref<16x1024xf32, #tpu.memory_space<hbm>>) target(%dma_start3A_1368 : memref<16x1024xf32, #tpu.memory_space<vmem>>) target_semaphore(%arg11 : memref<!tpu.dma_semaphore, #tpu.memory_space<semaphore_mem>>)
    %dma_wait3A_1373 = arith.constant 2 : i32
    %dma_wait3A_1374 = arith.constant 0 : i32
    %dma_wait3A_1375 = arith.constant 0 : i32
    %dma_wait3A_1376 = arith.constant 0 : i32
    %dma_wait3A_1377 = tpu.memref_slice %arg8[%dma_wait3A_1374, %dma_wait3A_1375, %dma_wait3A_1376] : memref<2x16x1024xf32, #tpu.memory_space<vmem>> -> memref<1x16x1024xf32, #tpu.memory_space<vmem>>
    %dma_wait3A_1378 = tpu.memref_squeeze %dma_wait3A_1377 : memref<1x16x1024xf32, #tpu.memory_space<vmem>> -> memref<16x1024xf32, #tpu.memory_space<vmem>>
    %dma_wait3A_1379 = arith.constant 0 : i32
    %dma_wait3A_1380 = arith.constant 0 : i32
    %dma_wait3A_1381 = tpu.memref_slice %arg2[%dma_wait3A_1373, %add3A_1278, %dma_wait3A_1379, %dma_wait3A_1380] : memref<4x256x16x1024xf32, #tpu.memory_space<hbm>> -> memref<1x1x16x1024xf32, #tpu.memory_space<hbm>>
    %dma_wait3A_1382 = tpu.memref_squeeze %dma_wait3A_1381 : memref<1x1x16x1024xf32, #tpu.memory_space<hbm>> -> memref<16x1024xf32, #tpu.memory_space<hbm>>
    %dma_wait3A_1383 = arith.constant 0 : i32
    %dma_wait3A_1384 = arith.constant 0 : i32
    %dma_wait3A_1385 = tpu.memref_slice %arg8[%dma_wait3A_1374, %dma_wait3A_1383, %dma_wait3A_1384] : memref<2x16x1024xf32, #tpu.memory_space<vmem>> -> memref<1x16x1024xf32, #tpu.memory_space<vmem>>
    %dma_wait3A_1386 = tpu.memref_squeeze %dma_wait3A_1385 : memref<1x16x1024xf32, #tpu.memory_space<vmem>> -> memref<16x1024xf32, #tpu.memory_space<vmem>>
    %dma_wait3A_1387 = arith.constant 0 : i32
    %dma_wait3A_1388 = arith.constant 0 : i32
    %dma_wait3A_1389 = tpu.memref_slice %arg2[%dma_wait3A_1373, %add3A_1278, %dma_wait3A_1387, %dma_wait3A_1388] : memref<4x256x16x1024xf32, #tpu.memory_space<hbm>> -> memref<1x1x16x1024xf32, #tpu.memory_space<hbm>>
    %dma_wait3A_1390 = tpu.memref_squeeze %dma_wait3A_1389 : memref<1x1x16x1024xf32, #tpu.memory_space<hbm>> -> memref<16x1024xf32, #tpu.memory_space<hbm>>
    tpu.wait_dma2 semaphore(%arg10 : memref<!tpu.dma_semaphore, #tpu.memory_space<semaphore_mem>>) src(%dma_wait3A_1390 : memref<16x1024xf32, #tpu.memory_space<hbm>>) dst(%dma_wait3A_1386 : memref<16x1024xf32, #tpu.memory_space<vmem>>)
    %dma_wait3A_1391 = arith.constant 0 : i32
    %dma_wait3A_1392 = arith.constant 0 : i32
    %dma_wait3A_1393 = arith.constant 0 : i32
    %dma_wait3A_1394 = arith.constant 0 : i32
    %dma_wait3A_1395 = tpu.memref_slice %arg8[%dma_wait3A_1391, %dma_wait3A_1393, %dma_wait3A_1394] : memref<2x16x1024xf32, #tpu.memory_space<vmem>> -> memref<1x16x1024xf32, #tpu.memory_space<vmem>>
    %dma_wait3A_1396 = tpu.memref_squeeze %dma_wait3A_1395 : memref<1x16x1024xf32, #tpu.memory_space<vmem>> -> memref<16x1024xf32, #tpu.memory_space<vmem>>
    %dma_wait3A_1397 = arith.constant 0 : i32
    %dma_wait3A_1398 = arith.constant 0 : i32
    %dma_wait3A_1399 = tpu.memref_slice %arg5[%dma_wait3A_1392, %add3A_1258, %dma_wait3A_1397, %dma_wait3A_1398] : memref<4x256x16x1024xf32, #tpu.memory_space<hbm>> -> memref<1x1x16x1024xf32, #tpu.memory_space<hbm>>
    %dma_wait3A_1400 = tpu.memref_squeeze %dma_wait3A_1399 : memref<1x1x16x1024xf32, #tpu.memory_space<hbm>> -> memref<16x1024xf32, #tpu.memory_space<hbm>>
    %dma_wait3A_1401 = arith.constant 0 : i32
    %dma_wait3A_1402 = arith.constant 0 : i32
    %dma_wait3A_1403 = tpu.memref_slice %arg5[%dma_wait3A_1392, %add3A_1258, %dma_wait3A_1401, %dma_wait3A_1402] : memref<4x256x16x1024xf32, #tpu.memory_space<hbm>> -> memref<1x1x16x1024xf32, #tpu.memory_space<hbm>>
    %dma_wait3A_1404 = tpu.memref_squeeze %dma_wait3A_1403 : memref<1x1x16x1024xf32, #tpu.memory_space<hbm>> -> memref<16x1024xf32, #tpu.memory_space<hbm>>
    %dma_wait3A_1405 = arith.constant 0 : i32
    %dma_wait3A_1406 = arith.constant 0 : i32
    %dma_wait3A_1407 = tpu.memref_slice %arg8[%dma_wait3A_1391, %dma_wait3A_1405, %dma_wait3A_1406] : memref<2x16x1024xf32, #tpu.memory_space<vmem>> -> memref<1x16x1024xf32, #tpu.memory_space<vmem>>
    %dma_wait3A_1408 = tpu.memref_squeeze %dma_wait3A_1407 : memref<1x16x1024xf32, #tpu.memory_space<vmem>> -> memref<16x1024xf32, #tpu.memory_space<vmem>>
    tpu.wait_dma2 semaphore(%arg12 : memref<!tpu.dma_semaphore, #tpu.memory_space<semaphore_mem>>) src(%dma_wait3A_1408 : memref<16x1024xf32, #tpu.memory_space<vmem>>) dst(%dma_wait3A_1404 : memref<16x1024xf32, #tpu.memory_space<hbm>>)
    %add3A_1409 = arith.constant 4 : i32
    %add3A_1410 = arith.addi %mul3A_2, %add3A_1409 : i32
    %dma_start3A_1411 = arith.constant 0 : i32
    %dma_start3A_1412 = arith.constant 2 : i32
    %dma_start3A_1413 = arith.constant 0 : i32
    %dma_start3A_1414 = arith.constant 0 : i32
    %dma_start3A_1415 = tpu.memref_slice %arg8[%dma_start3A_1411, %dma_start3A_1413, %dma_start3A_1414] : memref<2x16x1024xf32, #tpu.memory_space<vmem>> -> memref<1x16x1024xf32, #tpu.memory_space<vmem>>
    %dma_start3A_1416 = tpu.memref_squeeze %dma_start3A_1415 : memref<1x16x1024xf32, #tpu.memory_space<vmem>> -> memref<16x1024xf32, #tpu.memory_space<vmem>>
    %dma_start3A_1417 = arith.constant 0 : i32
    %dma_start3A_1418 = arith.constant 0 : i32
    %dma_start3A_1419 = tpu.memref_slice %arg5[%dma_start3A_1412, %add3A_1410, %dma_start3A_1417, %dma_start3A_1418] : memref<4x256x16x1024xf32, #tpu.memory_space<hbm>> -> memref<1x1x16x1024xf32, #tpu.memory_space<hbm>>
    %dma_start3A_1420 = tpu.memref_squeeze %dma_start3A_1419 : memref<1x1x16x1024xf32, #tpu.memory_space<hbm>> -> memref<16x1024xf32, #tpu.memory_space<hbm>>
    %dma_start3A_1421 = arith.constant 0 : i32
    %dma_start3A_1422 = arith.constant 0 : i32
    %dma_start3A_1423 = tpu.memref_slice %arg5[%dma_start3A_1412, %add3A_1410, %dma_start3A_1421, %dma_start3A_1422] : memref<4x256x16x1024xf32, #tpu.memory_space<hbm>> -> memref<1x1x16x1024xf32, #tpu.memory_space<hbm>>
    %dma_start3A_1424 = tpu.memref_squeeze %dma_start3A_1423 : memref<1x1x16x1024xf32, #tpu.memory_space<hbm>> -> memref<16x1024xf32, #tpu.memory_space<hbm>>
    %dma_start3A_1425 = arith.constant 0 : i32
    %dma_start3A_1426 = arith.constant 0 : i32
    %dma_start3A_1427 = tpu.memref_slice %arg8[%dma_start3A_1411, %dma_start3A_1425, %dma_start3A_1426] : memref<2x16x1024xf32, #tpu.memory_space<vmem>> -> memref<1x16x1024xf32, #tpu.memory_space<vmem>>
    %dma_start3A_1428 = tpu.memref_squeeze %dma_start3A_1427 : memref<1x16x1024xf32, #tpu.memory_space<vmem>> -> memref<16x1024xf32, #tpu.memory_space<vmem>>
    tpu.enqueue_dma source(%dma_start3A_1428 : memref<16x1024xf32, #tpu.memory_space<vmem>>) target(%dma_start3A_1424 : memref<16x1024xf32, #tpu.memory_space<hbm>>) target_semaphore(%arg12 : memref<!tpu.dma_semaphore, #tpu.memory_space<semaphore_mem>>)
    %add3A_1429 = arith.constant 5 : i32
    %add3A_1430 = arith.addi %mul3A_2, %add3A_1429 : i32
    %dma_start3A_1431 = arith.constant 0 : i32
    %dma_start3A_1432 = arith.constant 0 : i32
    %dma_start3A_1433 = arith.constant 0 : i32
    %dma_start3A_1434 = arith.constant 0 : i32
    %dma_start3A_1435 = tpu.memref_slice %arg8[%dma_start3A_1432, %dma_start3A_1433, %dma_start3A_1434] : memref<2x16x1024xf32, #tpu.memory_space<vmem>> -> memref<1x16x1024xf32, #tpu.memory_space<vmem>>
    %dma_start3A_1436 = tpu.memref_squeeze %dma_start3A_1435 : memref<1x16x1024xf32, #tpu.memory_space<vmem>> -> memref<16x1024xf32, #tpu.memory_space<vmem>>
    %dma_start3A_1437 = arith.constant 0 : i32
    %dma_start3A_1438 = arith.constant 0 : i32
    %dma_start3A_1439 = tpu.memref_slice %arg2[%dma_start3A_1431, %add3A_1430, %dma_start3A_1437, %dma_start3A_1438] : memref<4x256x16x1024xf32, #tpu.memory_space<hbm>> -> memref<1x1x16x1024xf32, #tpu.memory_space<hbm>>
    %dma_start3A_1440 = tpu.memref_squeeze %dma_start3A_1439 : memref<1x1x16x1024xf32, #tpu.memory_space<hbm>> -> memref<16x1024xf32, #tpu.memory_space<hbm>>
    %dma_start3A_1441 = arith.constant 0 : i32
    %dma_start3A_1442 = arith.constant 0 : i32
    %dma_start3A_1443 = tpu.memref_slice %arg8[%dma_start3A_1432, %dma_start3A_1441, %dma_start3A_1442] : memref<2x16x1024xf32, #tpu.memory_space<vmem>> -> memref<1x16x1024xf32, #tpu.memory_space<vmem>>
    %dma_start3A_1444 = tpu.memref_squeeze %dma_start3A_1443 : memref<1x16x1024xf32, #tpu.memory_space<vmem>> -> memref<16x1024xf32, #tpu.memory_space<vmem>>
    %dma_start3A_1445 = arith.constant 0 : i32
    %dma_start3A_1446 = arith.constant 0 : i32
    %dma_start3A_1447 = tpu.memref_slice %arg2[%dma_start3A_1431, %add3A_1430, %dma_start3A_1445, %dma_start3A_1446] : memref<4x256x16x1024xf32, #tpu.memory_space<hbm>> -> memref<1x1x16x1024xf32, #tpu.memory_space<hbm>>
    %dma_start3A_1448 = tpu.memref_squeeze %dma_start3A_1447 : memref<1x1x16x1024xf32, #tpu.memory_space<hbm>> -> memref<16x1024xf32, #tpu.memory_space<hbm>>
    tpu.enqueue_dma source(%dma_start3A_1448 : memref<16x1024xf32, #tpu.memory_space<hbm>>) target(%dma_start3A_1444 : memref<16x1024xf32, #tpu.memory_space<vmem>>) target_semaphore(%arg10 : memref<!tpu.dma_semaphore, #tpu.memory_space<semaphore_mem>>)
    %dma_wait3A_1449 = arith.constant 3 : i32
    %dma_wait3A_1450 = arith.constant 1 : i32
    %dma_wait3A_1451 = arith.constant 0 : i32
    %dma_wait3A_1452 = arith.constant 0 : i32
    %dma_wait3A_1453 = tpu.memref_slice %arg8[%dma_wait3A_1450, %dma_wait3A_1451, %dma_wait3A_1452] : memref<2x16x1024xf32, #tpu.memory_space<vmem>> -> memref<1x16x1024xf32, #tpu.memory_space<vmem>>
    %dma_wait3A_1454 = tpu.memref_squeeze %dma_wait3A_1453 : memref<1x16x1024xf32, #tpu.memory_space<vmem>> -> memref<16x1024xf32, #tpu.memory_space<vmem>>
    %dma_wait3A_1455 = arith.constant 0 : i32
    %dma_wait3A_1456 = arith.constant 0 : i32
    %dma_wait3A_1457 = tpu.memref_slice %arg2[%dma_wait3A_1449, %add3A_1354, %dma_wait3A_1455, %dma_wait3A_1456] : memref<4x256x16x1024xf32, #tpu.memory_space<hbm>> -> memref<1x1x16x1024xf32, #tpu.memory_space<hbm>>
    %dma_wait3A_1458 = tpu.memref_squeeze %dma_wait3A_1457 : memref<1x1x16x1024xf32, #tpu.memory_space<hbm>> -> memref<16x1024xf32, #tpu.memory_space<hbm>>
    %dma_wait3A_1459 = arith.constant 0 : i32
    %dma_wait3A_1460 = arith.constant 0 : i32
    %dma_wait3A_1461 = tpu.memref_slice %arg8[%dma_wait3A_1450, %dma_wait3A_1459, %dma_wait3A_1460] : memref<2x16x1024xf32, #tpu.memory_space<vmem>> -> memref<1x16x1024xf32, #tpu.memory_space<vmem>>
    %dma_wait3A_1462 = tpu.memref_squeeze %dma_wait3A_1461 : memref<1x16x1024xf32, #tpu.memory_space<vmem>> -> memref<16x1024xf32, #tpu.memory_space<vmem>>
    %dma_wait3A_1463 = arith.constant 0 : i32
    %dma_wait3A_1464 = arith.constant 0 : i32
    %dma_wait3A_1465 = tpu.memref_slice %arg2[%dma_wait3A_1449, %add3A_1354, %dma_wait3A_1463, %dma_wait3A_1464] : memref<4x256x16x1024xf32, #tpu.memory_space<hbm>> -> memref<1x1x16x1024xf32, #tpu.memory_space<hbm>>
    %dma_wait3A_1466 = tpu.memref_squeeze %dma_wait3A_1465 : memref<1x1x16x1024xf32, #tpu.memory_space<hbm>> -> memref<16x1024xf32, #tpu.memory_space<hbm>>
    tpu.wait_dma2 semaphore(%arg11 : memref<!tpu.dma_semaphore, #tpu.memory_space<semaphore_mem>>) src(%dma_wait3A_1466 : memref<16x1024xf32, #tpu.memory_space<hbm>>) dst(%dma_wait3A_1462 : memref<16x1024xf32, #tpu.memory_space<vmem>>)
    %dma_wait3A_1467 = arith.constant 1 : i32
    %dma_wait3A_1468 = arith.constant 1 : i32
    %dma_wait3A_1469 = arith.constant 0 : i32
    %dma_wait3A_1470 = arith.constant 0 : i32
    %dma_wait3A_1471 = tpu.memref_slice %arg8[%dma_wait3A_1467, %dma_wait3A_1469, %dma_wait3A_1470] : memref<2x16x1024xf32, #tpu.memory_space<vmem>> -> memref<1x16x1024xf32, #tpu.memory_space<vmem>>
    %dma_wait3A_1472 = tpu.memref_squeeze %dma_wait3A_1471 : memref<1x16x1024xf32, #tpu.memory_space<vmem>> -> memref<16x1024xf32, #tpu.memory_space<vmem>>
    %dma_wait3A_1473 = arith.constant 0 : i32
    %dma_wait3A_1474 = arith.constant 0 : i32
    %dma_wait3A_1475 = tpu.memref_slice %arg5[%dma_wait3A_1468, %add3A_1334, %dma_wait3A_1473, %dma_wait3A_1474] : memref<4x256x16x1024xf32, #tpu.memory_space<hbm>> -> memref<1x1x16x1024xf32, #tpu.memory_space<hbm>>
    %dma_wait3A_1476 = tpu.memref_squeeze %dma_wait3A_1475 : memref<1x1x16x1024xf32, #tpu.memory_space<hbm>> -> memref<16x1024xf32, #tpu.memory_space<hbm>>
    %dma_wait3A_1477 = arith.constant 0 : i32
    %dma_wait3A_1478 = arith.constant 0 : i32
    %dma_wait3A_1479 = tpu.memref_slice %arg5[%dma_wait3A_1468, %add3A_1334, %dma_wait3A_1477, %dma_wait3A_1478] : memref<4x256x16x1024xf32, #tpu.memory_space<hbm>> -> memref<1x1x16x1024xf32, #tpu.memory_space<hbm>>
    %dma_wait3A_1480 = tpu.memref_squeeze %dma_wait3A_1479 : memref<1x1x16x1024xf32, #tpu.memory_space<hbm>> -> memref<16x1024xf32, #tpu.memory_space<hbm>>
    %dma_wait3A_1481 = arith.constant 0 : i32
    %dma_wait3A_1482 = arith.constant 0 : i32
    %dma_wait3A_1483 = tpu.memref_slice %arg8[%dma_wait3A_1467, %dma_wait3A_1481, %dma_wait3A_1482] : memref<2x16x1024xf32, #tpu.memory_space<vmem>> -> memref<1x16x1024xf32, #tpu.memory_space<vmem>>
    %dma_wait3A_1484 = tpu.memref_squeeze %dma_wait3A_1483 : memref<1x16x1024xf32, #tpu.memory_space<vmem>> -> memref<16x1024xf32, #tpu.memory_space<vmem>>
    tpu.wait_dma2 semaphore(%arg13 : memref<!tpu.dma_semaphore, #tpu.memory_space<semaphore_mem>>) src(%dma_wait3A_1484 : memref<16x1024xf32, #tpu.memory_space<vmem>>) dst(%dma_wait3A_1480 : memref<16x1024xf32, #tpu.memory_space<hbm>>)
    %add3A_1485 = arith.constant 4 : i32
    %add3A_1486 = arith.addi %mul3A_2, %add3A_1485 : i32
    %dma_start3A_1487 = arith.constant 1 : i32
    %dma_start3A_1488 = arith.constant 3 : i32
    %dma_start3A_1489 = arith.constant 0 : i32
    %dma_start3A_1490 = arith.constant 0 : i32
    %dma_start3A_1491 = tpu.memref_slice %arg8[%dma_start3A_1487, %dma_start3A_1489, %dma_start3A_1490] : memref<2x16x1024xf32, #tpu.memory_space<vmem>> -> memref<1x16x1024xf32, #tpu.memory_space<vmem>>
    %dma_start3A_1492 = tpu.memref_squeeze %dma_start3A_1491 : memref<1x16x1024xf32, #tpu.memory_space<vmem>> -> memref<16x1024xf32, #tpu.memory_space<vmem>>
    %dma_start3A_1493 = arith.constant 0 : i32
    %dma_start3A_1494 = arith.constant 0 : i32
    %dma_start3A_1495 = tpu.memref_slice %arg5[%dma_start3A_1488, %add3A_1486, %dma_start3A_1493, %dma_start3A_1494] : memref<4x256x16x1024xf32, #tpu.memory_space<hbm>> -> memref<1x1x16x1024xf32, #tpu.memory_space<hbm>>
    %dma_start3A_1496 = tpu.memref_squeeze %dma_start3A_1495 : memref<1x1x16x1024xf32, #tpu.memory_space<hbm>> -> memref<16x1024xf32, #tpu.memory_space<hbm>>
    %dma_start3A_1497 = arith.constant 0 : i32
    %dma_start3A_1498 = arith.constant 0 : i32
    %dma_start3A_1499 = tpu.memref_slice %arg5[%dma_start3A_1488, %add3A_1486, %dma_start3A_1497, %dma_start3A_1498] : memref<4x256x16x1024xf32, #tpu.memory_space<hbm>> -> memref<1x1x16x1024xf32, #tpu.memory_space<hbm>>
    %dma_start3A_1500 = tpu.memref_squeeze %dma_start3A_1499 : memref<1x1x16x1024xf32, #tpu.memory_space<hbm>> -> memref<16x1024xf32, #tpu.memory_space<hbm>>
    %dma_start3A_1501 = arith.constant 0 : i32
    %dma_start3A_1502 = arith.constant 0 : i32
    %dma_start3A_1503 = tpu.memref_slice %arg8[%dma_start3A_1487, %dma_start3A_1501, %dma_start3A_1502] : memref<2x16x1024xf32, #tpu.memory_space<vmem>> -> memref<1x16x1024xf32, #tpu.memory_space<vmem>>
    %dma_start3A_1504 = tpu.memref_squeeze %dma_start3A_1503 : memref<1x16x1024xf32, #tpu.memory_space<vmem>> -> memref<16x1024xf32, #tpu.memory_space<vmem>>
    tpu.enqueue_dma source(%dma_start3A_1504 : memref<16x1024xf32, #tpu.memory_space<vmem>>) target(%dma_start3A_1500 : memref<16x1024xf32, #tpu.memory_space<hbm>>) target_semaphore(%arg13 : memref<!tpu.dma_semaphore, #tpu.memory_space<semaphore_mem>>)
    %add3A_1505 = arith.constant 5 : i32
    %add3A_1506 = arith.addi %mul3A_2, %add3A_1505 : i32
    %dma_start3A_1507 = arith.constant 1 : i32
    %dma_start3A_1508 = arith.constant 1 : i32
    %dma_start3A_1509 = arith.constant 0 : i32
    %dma_start3A_1510 = arith.constant 0 : i32
    %dma_start3A_1511 = tpu.memref_slice %arg8[%dma_start3A_1508, %dma_start3A_1509, %dma_start3A_1510] : memref<2x16x1024xf32, #tpu.memory_space<vmem>> -> memref<1x16x1024xf32, #tpu.memory_space<vmem>>
    %dma_start3A_1512 = tpu.memref_squeeze %dma_start3A_1511 : memref<1x16x1024xf32, #tpu.memory_space<vmem>> -> memref<16x1024xf32, #tpu.memory_space<vmem>>
    %dma_start3A_1513 = arith.constant 0 : i32
    %dma_start3A_1514 = arith.constant 0 : i32
    %dma_start3A_1515 = tpu.memref_slice %arg2[%dma_start3A_1507, %add3A_1506, %dma_start3A_1513, %dma_start3A_1514] : memref<4x256x16x1024xf32, #tpu.memory_space<hbm>> -> memref<1x1x16x1024xf32, #tpu.memory_space<hbm>>
    %dma_start3A_1516 = tpu.memref_squeeze %dma_start3A_1515 : memref<1x1x16x1024xf32, #tpu.memory_space<hbm>> -> memref<16x1024xf32, #tpu.memory_space<hbm>>
    %dma_start3A_1517 = arith.constant 0 : i32
    %dma_start3A_1518 = arith.constant 0 : i32
    %dma_start3A_1519 = tpu.memref_slice %arg8[%dma_start3A_1508, %dma_start3A_1517, %dma_start3A_1518] : memref<2x16x1024xf32, #tpu.memory_space<vmem>> -> memref<1x16x1024xf32, #tpu.memory_space<vmem>>
    %dma_start3A_1520 = tpu.memref_squeeze %dma_start3A_1519 : memref<1x16x1024xf32, #tpu.memory_space<vmem>> -> memref<16x1024xf32, #tpu.memory_space<vmem>>
    %dma_start3A_1521 = arith.constant 0 : i32
    %dma_start3A_1522 = arith.constant 0 : i32
    %dma_start3A_1523 = tpu.memref_slice %arg2[%dma_start3A_1507, %add3A_1506, %dma_start3A_1521, %dma_start3A_1522] : memref<4x256x16x1024xf32, #tpu.memory_space<hbm>> -> memref<1x1x16x1024xf32, #tpu.memory_space<hbm>>
    %dma_start3A_1524 = tpu.memref_squeeze %dma_start3A_1523 : memref<1x1x16x1024xf32, #tpu.memory_space<hbm>> -> memref<16x1024xf32, #tpu.memory_space<hbm>>
    tpu.enqueue_dma source(%dma_start3A_1524 : memref<16x1024xf32, #tpu.memory_space<hbm>>) target(%dma_start3A_1520 : memref<16x1024xf32, #tpu.memory_space<vmem>>) target_semaphore(%arg11 : memref<!tpu.dma_semaphore, #tpu.memory_space<semaphore_mem>>)
    %dma_wait3A_1525 = arith.constant 0 : i32
    %dma_wait3A_1526 = arith.constant 0 : i32
    %dma_wait3A_1527 = arith.constant 0 : i32
    %dma_wait3A_1528 = arith.constant 0 : i32
    %dma_wait3A_1529 = tpu.memref_slice %arg8[%dma_wait3A_1526, %dma_wait3A_1527, %dma_wait3A_1528] : memref<2x16x1024xf32, #tpu.memory_space<vmem>> -> memref<1x16x1024xf32, #tpu.memory_space<vmem>>
    %dma_wait3A_1530 = tpu.memref_squeeze %dma_wait3A_1529 : memref<1x16x1024xf32, #tpu.memory_space<vmem>> -> memref<16x1024xf32, #tpu.memory_space<vmem>>
    %dma_wait3A_1531 = arith.constant 0 : i32
    %dma_wait3A_1532 = arith.constant 0 : i32
    %dma_wait3A_1533 = tpu.memref_slice %arg2[%dma_wait3A_1525, %add3A_1430, %dma_wait3A_1531, %dma_wait3A_1532] : memref<4x256x16x1024xf32, #tpu.memory_space<hbm>> -> memref<1x1x16x1024xf32, #tpu.memory_space<hbm>>
    %dma_wait3A_1534 = tpu.memref_squeeze %dma_wait3A_1533 : memref<1x1x16x1024xf32, #tpu.memory_space<hbm>> -> memref<16x1024xf32, #tpu.memory_space<hbm>>
    %dma_wait3A_1535 = arith.constant 0 : i32
    %dma_wait3A_1536 = arith.constant 0 : i32
    %dma_wait3A_1537 = tpu.memref_slice %arg8[%dma_wait3A_1526, %dma_wait3A_1535, %dma_wait3A_1536] : memref<2x16x1024xf32, #tpu.memory_space<vmem>> -> memref<1x16x1024xf32, #tpu.memory_space<vmem>>
    %dma_wait3A_1538 = tpu.memref_squeeze %dma_wait3A_1537 : memref<1x16x1024xf32, #tpu.memory_space<vmem>> -> memref<16x1024xf32, #tpu.memory_space<vmem>>
    %dma_wait3A_1539 = arith.constant 0 : i32
    %dma_wait3A_1540 = arith.constant 0 : i32
    %dma_wait3A_1541 = tpu.memref_slice %arg2[%dma_wait3A_1525, %add3A_1430, %dma_wait3A_1539, %dma_wait3A_1540] : memref<4x256x16x1024xf32, #tpu.memory_space<hbm>> -> memref<1x1x16x1024xf32, #tpu.memory_space<hbm>>
    %dma_wait3A_1542 = tpu.memref_squeeze %dma_wait3A_1541 : memref<1x1x16x1024xf32, #tpu.memory_space<hbm>> -> memref<16x1024xf32, #tpu.memory_space<hbm>>
    tpu.wait_dma2 semaphore(%arg10 : memref<!tpu.dma_semaphore, #tpu.memory_space<semaphore_mem>>) src(%dma_wait3A_1542 : memref<16x1024xf32, #tpu.memory_space<hbm>>) dst(%dma_wait3A_1538 : memref<16x1024xf32, #tpu.memory_space<vmem>>)
    %dma_wait3A_1543 = arith.constant 0 : i32
    %dma_wait3A_1544 = arith.constant 2 : i32
    %dma_wait3A_1545 = arith.constant 0 : i32
    %dma_wait3A_1546 = arith.constant 0 : i32
    %dma_wait3A_1547 = tpu.memref_slice %arg8[%dma_wait3A_1543, %dma_wait3A_1545, %dma_wait3A_1546] : memref<2x16x1024xf32, #tpu.memory_space<vmem>> -> memref<1x16x1024xf32, #tpu.memory_space<vmem>>
    %dma_wait3A_1548 = tpu.memref_squeeze %dma_wait3A_1547 : memref<1x16x1024xf32, #tpu.memory_space<vmem>> -> memref<16x1024xf32, #tpu.memory_space<vmem>>
    %dma_wait3A_1549 = arith.constant 0 : i32
    %dma_wait3A_1550 = arith.constant 0 : i32
    %dma_wait3A_1551 = tpu.memref_slice %arg5[%dma_wait3A_1544, %add3A_1410, %dma_wait3A_1549, %dma_wait3A_1550] : memref<4x256x16x1024xf32, #tpu.memory_space<hbm>> -> memref<1x1x16x1024xf32, #tpu.memory_space<hbm>>
    %dma_wait3A_1552 = tpu.memref_squeeze %dma_wait3A_1551 : memref<1x1x16x1024xf32, #tpu.memory_space<hbm>> -> memref<16x1024xf32, #tpu.memory_space<hbm>>
    %dma_wait3A_1553 = arith.constant 0 : i32
    %dma_wait3A_1554 = arith.constant 0 : i32
    %dma_wait3A_1555 = tpu.memref_slice %arg5[%dma_wait3A_1544, %add3A_1410, %dma_wait3A_1553, %dma_wait3A_1554] : memref<4x256x16x1024xf32, #tpu.memory_space<hbm>> -> memref<1x1x16x1024xf32, #tpu.memory_space<hbm>>
    %dma_wait3A_1556 = tpu.memref_squeeze %dma_wait3A_1555 : memref<1x1x16x1024xf32, #tpu.memory_space<hbm>> -> memref<16x1024xf32, #tpu.memory_space<hbm>>
    %dma_wait3A_1557 = arith.constant 0 : i32
    %dma_wait3A_1558 = arith.constant 0 : i32
    %dma_wait3A_1559 = tpu.memref_slice %arg8[%dma_wait3A_1543, %dma_wait3A_1557, %dma_wait3A_1558] : memref<2x16x1024xf32, #tpu.memory_space<vmem>> -> memref<1x16x1024xf32, #tpu.memory_space<vmem>>
    %dma_wait3A_1560 = tpu.memref_squeeze %dma_wait3A_1559 : memref<1x16x1024xf32, #tpu.memory_space<vmem>> -> memref<16x1024xf32, #tpu.memory_space<vmem>>
    tpu.wait_dma2 semaphore(%arg12 : memref<!tpu.dma_semaphore, #tpu.memory_space<semaphore_mem>>) src(%dma_wait3A_1560 : memref<16x1024xf32, #tpu.memory_space<vmem>>) dst(%dma_wait3A_1556 : memref<16x1024xf32, #tpu.memory_space<hbm>>)
    %add3A_1561 = arith.constant 5 : i32
    %add3A_1562 = arith.addi %mul3A_2, %add3A_1561 : i32
    %dma_start3A_1563 = arith.constant 0 : i32
    %dma_start3A_1564 = arith.constant 0 : i32
    %dma_start3A_1565 = arith.constant 0 : i32
    %dma_start3A_1566 = arith.constant 0 : i32
    %dma_start3A_1567 = tpu.memref_slice %arg8[%dma_start3A_1563, %dma_start3A_1565, %dma_start3A_1566] : memref<2x16x1024xf32, #tpu.memory_space<vmem>> -> memref<1x16x1024xf32, #tpu.memory_space<vmem>>
    %dma_start3A_1568 = tpu.memref_squeeze %dma_start3A_1567 : memref<1x16x1024xf32, #tpu.memory_space<vmem>> -> memref<16x1024xf32, #tpu.memory_space<vmem>>
    %dma_start3A_1569 = arith.constant 0 : i32
    %dma_start3A_1570 = arith.constant 0 : i32
    %dma_start3A_1571 = tpu.memref_slice %arg5[%dma_start3A_1564, %add3A_1562, %dma_start3A_1569, %dma_start3A_1570] : memref<4x256x16x1024xf32, #tpu.memory_space<hbm>> -> memref<1x1x16x1024xf32, #tpu.memory_space<hbm>>
    %dma_start3A_1572 = tpu.memref_squeeze %dma_start3A_1571 : memref<1x1x16x1024xf32, #tpu.memory_space<hbm>> -> memref<16x1024xf32, #tpu.memory_space<hbm>>
    %dma_start3A_1573 = arith.constant 0 : i32
    %dma_start3A_1574 = arith.constant 0 : i32
    %dma_start3A_1575 = tpu.memref_slice %arg5[%dma_start3A_1564, %add3A_1562, %dma_start3A_1573, %dma_start3A_1574] : memref<4x256x16x1024xf32, #tpu.memory_space<hbm>> -> memref<1x1x16x1024xf32, #tpu.memory_space<hbm>>
    %dma_start3A_1576 = tpu.memref_squeeze %dma_start3A_1575 : memref<1x1x16x1024xf32, #tpu.memory_space<hbm>> -> memref<16x1024xf32, #tpu.memory_space<hbm>>
    %dma_start3A_1577 = arith.constant 0 : i32
    %dma_start3A_1578 = arith.constant 0 : i32
    %dma_start3A_1579 = tpu.memref_slice %arg8[%dma_start3A_1563, %dma_start3A_1577, %dma_start3A_1578] : memref<2x16x1024xf32, #tpu.memory_space<vmem>> -> memref<1x16x1024xf32, #tpu.memory_space<vmem>>
    %dma_start3A_1580 = tpu.memref_squeeze %dma_start3A_1579 : memref<1x16x1024xf32, #tpu.memory_space<vmem>> -> memref<16x1024xf32, #tpu.memory_space<vmem>>
    tpu.enqueue_dma source(%dma_start3A_1580 : memref<16x1024xf32, #tpu.memory_space<vmem>>) target(%dma_start3A_1576 : memref<16x1024xf32, #tpu.memory_space<hbm>>) target_semaphore(%arg12 : memref<!tpu.dma_semaphore, #tpu.memory_space<semaphore_mem>>)
    %add3A_1581 = arith.constant 5 : i32
    %add3A_1582 = arith.addi %mul3A_2, %add3A_1581 : i32
    %dma_start3A_1583 = arith.constant 2 : i32
    %dma_start3A_1584 = arith.constant 0 : i32
    %dma_start3A_1585 = arith.constant 0 : i32
    %dma_start3A_1586 = arith.constant 0 : i32
    %dma_start3A_1587 = tpu.memref_slice %arg8[%dma_start3A_1584, %dma_start3A_1585, %dma_start3A_1586] : memref<2x16x1024xf32, #tpu.memory_space<vmem>> -> memref<1x16x1024xf32, #tpu.memory_space<vmem>>
    %dma_start3A_1588 = tpu.memref_squeeze %dma_start3A_1587 : memref<1x16x1024xf32, #tpu.memory_space<vmem>> -> memref<16x1024xf32, #tpu.memory_space<vmem>>
    %dma_start3A_1589 = arith.constant 0 : i32
    %dma_start3A_1590 = arith.constant 0 : i32
    %dma_start3A_1591 = tpu.memref_slice %arg2[%dma_start3A_1583, %add3A_1582, %dma_start3A_1589, %dma_start3A_1590] : memref<4x256x16x1024xf32, #tpu.memory_space<hbm>> -> memref<1x1x16x1024xf32, #tpu.memory_space<hbm>>
    %dma_start3A_1592 = tpu.memref_squeeze %dma_start3A_1591 : memref<1x1x16x1024xf32, #tpu.memory_space<hbm>> -> memref<16x1024xf32, #tpu.memory_space<hbm>>
    %dma_start3A_1593 = arith.constant 0 : i32
    %dma_start3A_1594 = arith.constant 0 : i32
    %dma_start3A_1595 = tpu.memref_slice %arg8[%dma_start3A_1584, %dma_start3A_1593, %dma_start3A_1594] : memref<2x16x1024xf32, #tpu.memory_space<vmem>> -> memref<1x16x1024xf32, #tpu.memory_space<vmem>>
    %dma_start3A_1596 = tpu.memref_squeeze %dma_start3A_1595 : memref<1x16x1024xf32, #tpu.memory_space<vmem>> -> memref<16x1024xf32, #tpu.memory_space<vmem>>
    %dma_start3A_1597 = arith.constant 0 : i32
    %dma_start3A_1598 = arith.constant 0 : i32
    %dma_start3A_1599 = tpu.memref_slice %arg2[%dma_start3A_1583, %add3A_1582, %dma_start3A_1597, %dma_start3A_1598] : memref<4x256x16x1024xf32, #tpu.memory_space<hbm>> -> memref<1x1x16x1024xf32, #tpu.memory_space<hbm>>
    %dma_start3A_1600 = tpu.memref_squeeze %dma_start3A_1599 : memref<1x1x16x1024xf32, #tpu.memory_space<hbm>> -> memref<16x1024xf32, #tpu.memory_space<hbm>>
    tpu.enqueue_dma source(%dma_start3A_1600 : memref<16x1024xf32, #tpu.memory_space<hbm>>) target(%dma_start3A_1596 : memref<16x1024xf32, #tpu.memory_space<vmem>>) target_semaphore(%arg10 : memref<!tpu.dma_semaphore, #tpu.memory_space<semaphore_mem>>)
    %dma_wait3A_1601 = arith.constant 1 : i32
    %dma_wait3A_1602 = arith.constant 1 : i32
    %dma_wait3A_1603 = arith.constant 0 : i32
    %dma_wait3A_1604 = arith.constant 0 : i32
    %dma_wait3A_1605 = tpu.memref_slice %arg8[%dma_wait3A_1602, %dma_wait3A_1603, %dma_wait3A_1604] : memref<2x16x1024xf32, #tpu.memory_space<vmem>> -> memref<1x16x1024xf32, #tpu.memory_space<vmem>>
    %dma_wait3A_1606 = tpu.memref_squeeze %dma_wait3A_1605 : memref<1x16x1024xf32, #tpu.memory_space<vmem>> -> memref<16x1024xf32, #tpu.memory_space<vmem>>
    %dma_wait3A_1607 = arith.constant 0 : i32
    %dma_wait3A_1608 = arith.constant 0 : i32
    %dma_wait3A_1609 = tpu.memref_slice %arg2[%dma_wait3A_1601, %add3A_1506, %dma_wait3A_1607, %dma_wait3A_1608] : memref<4x256x16x1024xf32, #tpu.memory_space<hbm>> -> memref<1x1x16x1024xf32, #tpu.memory_space<hbm>>
    %dma_wait3A_1610 = tpu.memref_squeeze %dma_wait3A_1609 : memref<1x1x16x1024xf32, #tpu.memory_space<hbm>> -> memref<16x1024xf32, #tpu.memory_space<hbm>>
    %dma_wait3A_1611 = arith.constant 0 : i32
    %dma_wait3A_1612 = arith.constant 0 : i32
    %dma_wait3A_1613 = tpu.memref_slice %arg8[%dma_wait3A_1602, %dma_wait3A_1611, %dma_wait3A_1612] : memref<2x16x1024xf32, #tpu.memory_space<vmem>> -> memref<1x16x1024xf32, #tpu.memory_space<vmem>>
    %dma_wait3A_1614 = tpu.memref_squeeze %dma_wait3A_1613 : memref<1x16x1024xf32, #tpu.memory_space<vmem>> -> memref<16x1024xf32, #tpu.memory_space<vmem>>
    %dma_wait3A_1615 = arith.constant 0 : i32
    %dma_wait3A_1616 = arith.constant 0 : i32
    %dma_wait3A_1617 = tpu.memref_slice %arg2[%dma_wait3A_1601, %add3A_1506, %dma_wait3A_1615, %dma_wait3A_1616] : memref<4x256x16x1024xf32, #tpu.memory_space<hbm>> -> memref<1x1x16x1024xf32, #tpu.memory_space<hbm>>
    %dma_wait3A_1618 = tpu.memref_squeeze %dma_wait3A_1617 : memref<1x1x16x1024xf32, #tpu.memory_space<hbm>> -> memref<16x1024xf32, #tpu.memory_space<hbm>>
    tpu.wait_dma2 semaphore(%arg11 : memref<!tpu.dma_semaphore, #tpu.memory_space<semaphore_mem>>) src(%dma_wait3A_1618 : memref<16x1024xf32, #tpu.memory_space<hbm>>) dst(%dma_wait3A_1614 : memref<16x1024xf32, #tpu.memory_space<vmem>>)
    %dma_wait3A_1619 = arith.constant 1 : i32
    %dma_wait3A_1620 = arith.constant 3 : i32
    %dma_wait3A_1621 = arith.constant 0 : i32
    %dma_wait3A_1622 = arith.constant 0 : i32
    %dma_wait3A_1623 = tpu.memref_slice %arg8[%dma_wait3A_1619, %dma_wait3A_1621, %dma_wait3A_1622] : memref<2x16x1024xf32, #tpu.memory_space<vmem>> -> memref<1x16x1024xf32, #tpu.memory_space<vmem>>
    %dma_wait3A_1624 = tpu.memref_squeeze %dma_wait3A_1623 : memref<1x16x1024xf32, #tpu.memory_space<vmem>> -> memref<16x1024xf32, #tpu.memory_space<vmem>>
    %dma_wait3A_1625 = arith.constant 0 : i32
    %dma_wait3A_1626 = arith.constant 0 : i32
    %dma_wait3A_1627 = tpu.memref_slice %arg5[%dma_wait3A_1620, %add3A_1486, %dma_wait3A_1625, %dma_wait3A_1626] : memref<4x256x16x1024xf32, #tpu.memory_space<hbm>> -> memref<1x1x16x1024xf32, #tpu.memory_space<hbm>>
    %dma_wait3A_1628 = tpu.memref_squeeze %dma_wait3A_1627 : memref<1x1x16x1024xf32, #tpu.memory_space<hbm>> -> memref<16x1024xf32, #tpu.memory_space<hbm>>
    %dma_wait3A_1629 = arith.constant 0 : i32
    %dma_wait3A_1630 = arith.constant 0 : i32
    %dma_wait3A_1631 = tpu.memref_slice %arg5[%dma_wait3A_1620, %add3A_1486, %dma_wait3A_1629, %dma_wait3A_1630] : memref<4x256x16x1024xf32, #tpu.memory_space<hbm>> -> memref<1x1x16x1024xf32, #tpu.memory_space<hbm>>
    %dma_wait3A_1632 = tpu.memref_squeeze %dma_wait3A_1631 : memref<1x1x16x1024xf32, #tpu.memory_space<hbm>> -> memref<16x1024xf32, #tpu.memory_space<hbm>>
    %dma_wait3A_1633 = arith.constant 0 : i32
    %dma_wait3A_1634 = arith.constant 0 : i32
    %dma_wait3A_1635 = tpu.memref_slice %arg8[%dma_wait3A_1619, %dma_wait3A_1633, %dma_wait3A_1634] : memref<2x16x1024xf32, #tpu.memory_space<vmem>> -> memref<1x16x1024xf32, #tpu.memory_space<vmem>>
    %dma_wait3A_1636 = tpu.memref_squeeze %dma_wait3A_1635 : memref<1x16x1024xf32, #tpu.memory_space<vmem>> -> memref<16x1024xf32, #tpu.memory_space<vmem>>
    tpu.wait_dma2 semaphore(%arg13 : memref<!tpu.dma_semaphore, #tpu.memory_space<semaphore_mem>>) src(%dma_wait3A_1636 : memref<16x1024xf32, #tpu.memory_space<vmem>>) dst(%dma_wait3A_1632 : memref<16x1024xf32, #tpu.memory_space<hbm>>)
    %add3A_1637 = arith.constant 5 : i32
    %add3A_1638 = arith.addi %mul3A_2, %add3A_1637 : i32
    %dma_start3A_1639 = arith.constant 1 : i32
    %dma_start3A_1640 = arith.constant 1 : i32
    %dma_start3A_1641 = arith.constant 0 : i32
    %dma_start3A_1642 = arith.constant 0 : i32
    %dma_start3A_1643 = tpu.memref_slice %arg8[%dma_start3A_1639, %dma_start3A_1641, %dma_start3A_1642] : memref<2x16x1024xf32, #tpu.memory_space<vmem>> -> memref<1x16x1024xf32, #tpu.memory_space<vmem>>
    %dma_start3A_1644 = tpu.memref_squeeze %dma_start3A_1643 : memref<1x16x1024xf32, #tpu.memory_space<vmem>> -> memref<16x1024xf32, #tpu.memory_space<vmem>>
    %dma_start3A_1645 = arith.constant 0 : i32
    %dma_start3A_1646 = arith.constant 0 : i32
    %dma_start3A_1647 = tpu.memref_slice %arg5[%dma_start3A_1640, %add3A_1638, %dma_start3A_1645, %dma_start3A_1646] : memref<4x256x16x1024xf32, #tpu.memory_space<hbm>> -> memref<1x1x16x1024xf32, #tpu.memory_space<hbm>>
    %dma_start3A_1648 = tpu.memref_squeeze %dma_start3A_1647 : memref<1x1x16x1024xf32, #tpu.memory_space<hbm>> -> memref<16x1024xf32, #tpu.memory_space<hbm>>
    %dma_start3A_1649 = arith.constant 0 : i32
    %dma_start3A_1650 = arith.constant 0 : i32
    %dma_start3A_1651 = tpu.memref_slice %arg5[%dma_start3A_1640, %add3A_1638, %dma_start3A_1649, %dma_start3A_1650] : memref<4x256x16x1024xf32, #tpu.memory_space<hbm>> -> memref<1x1x16x1024xf32, #tpu.memory_space<hbm>>
    %dma_start3A_1652 = tpu.memref_squeeze %dma_start3A_1651 : memref<1x1x16x1024xf32, #tpu.memory_space<hbm>> -> memref<16x1024xf32, #tpu.memory_space<hbm>>
    %dma_start3A_1653 = arith.constant 0 : i32
    %dma_start3A_1654 = arith.constant 0 : i32
    %dma_start3A_1655 = tpu.memref_slice %arg8[%dma_start3A_1639, %dma_start3A_1653, %dma_start3A_1654] : memref<2x16x1024xf32, #tpu.memory_space<vmem>> -> memref<1x16x1024xf32, #tpu.memory_space<vmem>>
    %dma_start3A_1656 = tpu.memref_squeeze %dma_start3A_1655 : memref<1x16x1024xf32, #tpu.memory_space<vmem>> -> memref<16x1024xf32, #tpu.memory_space<vmem>>
    tpu.enqueue_dma source(%dma_start3A_1656 : memref<16x1024xf32, #tpu.memory_space<vmem>>) target(%dma_start3A_1652 : memref<16x1024xf32, #tpu.memory_space<hbm>>) target_semaphore(%arg13 : memref<!tpu.dma_semaphore, #tpu.memory_space<semaphore_mem>>)
    %add3A_1657 = arith.constant 5 : i32
    %add3A_1658 = arith.addi %mul3A_2, %add3A_1657 : i32
    %dma_start3A_1659 = arith.constant 3 : i32
    %dma_start3A_1660 = arith.constant 1 : i32
    %dma_start3A_1661 = arith.constant 0 : i32
    %dma_start3A_1662 = arith.constant 0 : i32
    %dma_start3A_1663 = tpu.memref_slice %arg8[%dma_start3A_1660, %dma_start3A_1661, %dma_start3A_1662] : memref<2x16x1024xf32, #tpu.memory_space<vmem>> -> memref<1x16x1024xf32, #tpu.memory_space<vmem>>
    %dma_start3A_1664 = tpu.memref_squeeze %dma_start3A_1663 : memref<1x16x1024xf32, #tpu.memory_space<vmem>> -> memref<16x1024xf32, #tpu.memory_space<vmem>>
    %dma_start3A_1665 = arith.constant 0 : i32
    %dma_start3A_1666 = arith.constant 0 : i32
    %dma_start3A_1667 = tpu.memref_slice %arg2[%dma_start3A_1659, %add3A_1658, %dma_start3A_1665, %dma_start3A_1666] : memref<4x256x16x1024xf32, #tpu.memory_space<hbm>> -> memref<1x1x16x1024xf32, #tpu.memory_space<hbm>>
    %dma_start3A_1668 = tpu.memref_squeeze %dma_start3A_1667 : memref<1x1x16x1024xf32, #tpu.memory_space<hbm>> -> memref<16x1024xf32, #tpu.memory_space<hbm>>
    %dma_start3A_1669 = arith.constant 0 : i32
    %dma_start3A_1670 = arith.constant 0 : i32
    %dma_start3A_1671 = tpu.memref_slice %arg8[%dma_start3A_1660, %dma_start3A_1669, %dma_start3A_1670] : memref<2x16x1024xf32, #tpu.memory_space<vmem>> -> memref<1x16x1024xf32, #tpu.memory_space<vmem>>
    %dma_start3A_1672 = tpu.memref_squeeze %dma_start3A_1671 : memref<1x16x1024xf32, #tpu.memory_space<vmem>> -> memref<16x1024xf32, #tpu.memory_space<vmem>>
    %dma_start3A_1673 = arith.constant 0 : i32
    %dma_start3A_1674 = arith.constant 0 : i32
    %dma_start3A_1675 = tpu.memref_slice %arg2[%dma_start3A_1659, %add3A_1658, %dma_start3A_1673, %dma_start3A_1674] : memref<4x256x16x1024xf32, #tpu.memory_space<hbm>> -> memref<1x1x16x1024xf32, #tpu.memory_space<hbm>>
    %dma_start3A_1676 = tpu.memref_squeeze %dma_start3A_1675 : memref<1x1x16x1024xf32, #tpu.memory_space<hbm>> -> memref<16x1024xf32, #tpu.memory_space<hbm>>
    tpu.enqueue_dma source(%dma_start3A_1676 : memref<16x1024xf32, #tpu.memory_space<hbm>>) target(%dma_start3A_1672 : memref<16x1024xf32, #tpu.memory_space<vmem>>) target_semaphore(%arg11 : memref<!tpu.dma_semaphore, #tpu.memory_space<semaphore_mem>>)
    %dma_wait3A_1677 = arith.constant 2 : i32
    %dma_wait3A_1678 = arith.constant 0 : i32
    %dma_wait3A_1679 = arith.constant 0 : i32
    %dma_wait3A_1680 = arith.constant 0 : i32
    %dma_wait3A_1681 = tpu.memref_slice %arg8[%dma_wait3A_1678, %dma_wait3A_1679, %dma_wait3A_1680] : memref<2x16x1024xf32, #tpu.memory_space<vmem>> -> memref<1x16x1024xf32, #tpu.memory_space<vmem>>
    %dma_wait3A_1682 = tpu.memref_squeeze %dma_wait3A_1681 : memref<1x16x1024xf32, #tpu.memory_space<vmem>> -> memref<16x1024xf32, #tpu.memory_space<vmem>>
    %dma_wait3A_1683 = arith.constant 0 : i32
    %dma_wait3A_1684 = arith.constant 0 : i32
    %dma_wait3A_1685 = tpu.memref_slice %arg2[%dma_wait3A_1677, %add3A_1582, %dma_wait3A_1683, %dma_wait3A_1684] : memref<4x256x16x1024xf32, #tpu.memory_space<hbm>> -> memref<1x1x16x1024xf32, #tpu.memory_space<hbm>>
    %dma_wait3A_1686 = tpu.memref_squeeze %dma_wait3A_1685 : memref<1x1x16x1024xf32, #tpu.memory_space<hbm>> -> memref<16x1024xf32, #tpu.memory_space<hbm>>
    %dma_wait3A_1687 = arith.constant 0 : i32
    %dma_wait3A_1688 = arith.constant 0 : i32
    %dma_wait3A_1689 = tpu.memref_slice %arg8[%dma_wait3A_1678, %dma_wait3A_1687, %dma_wait3A_1688] : memref<2x16x1024xf32, #tpu.memory_space<vmem>> -> memref<1x16x1024xf32, #tpu.memory_space<vmem>>
    %dma_wait3A_1690 = tpu.memref_squeeze %dma_wait3A_1689 : memref<1x16x1024xf32, #tpu.memory_space<vmem>> -> memref<16x1024xf32, #tpu.memory_space<vmem>>
    %dma_wait3A_1691 = arith.constant 0 : i32
    %dma_wait3A_1692 = arith.constant 0 : i32
    %dma_wait3A_1693 = tpu.memref_slice %arg2[%dma_wait3A_1677, %add3A_1582, %dma_wait3A_1691, %dma_wait3A_1692] : memref<4x256x16x1024xf32, #tpu.memory_space<hbm>> -> memref<1x1x16x1024xf32, #tpu.memory_space<hbm>>
    %dma_wait3A_1694 = tpu.memref_squeeze %dma_wait3A_1693 : memref<1x1x16x1024xf32, #tpu.memory_space<hbm>> -> memref<16x1024xf32, #tpu.memory_space<hbm>>
    tpu.wait_dma2 semaphore(%arg10 : memref<!tpu.dma_semaphore, #tpu.memory_space<semaphore_mem>>) src(%dma_wait3A_1694 : memref<16x1024xf32, #tpu.memory_space<hbm>>) dst(%dma_wait3A_1690 : memref<16x1024xf32, #tpu.memory_space<vmem>>)
    %dma_wait3A_1695 = arith.constant 0 : i32
    %dma_wait3A_1696 = arith.constant 0 : i32
    %dma_wait3A_1697 = arith.constant 0 : i32
    %dma_wait3A_1698 = arith.constant 0 : i32
    %dma_wait3A_1699 = tpu.memref_slice %arg8[%dma_wait3A_1695, %dma_wait3A_1697, %dma_wait3A_1698] : memref<2x16x1024xf32, #tpu.memory_space<vmem>> -> memref<1x16x1024xf32, #tpu.memory_space<vmem>>
    %dma_wait3A_1700 = tpu.memref_squeeze %dma_wait3A_1699 : memref<1x16x1024xf32, #tpu.memory_space<vmem>> -> memref<16x1024xf32, #tpu.memory_space<vmem>>
    %dma_wait3A_1701 = arith.constant 0 : i32
    %dma_wait3A_1702 = arith.constant 0 : i32
    %dma_wait3A_1703 = tpu.memref_slice %arg5[%dma_wait3A_1696, %add3A_1562, %dma_wait3A_1701, %dma_wait3A_1702] : memref<4x256x16x1024xf32, #tpu.memory_space<hbm>> -> memref<1x1x16x1024xf32, #tpu.memory_space<hbm>>
    %dma_wait3A_1704 = tpu.memref_squeeze %dma_wait3A_1703 : memref<1x1x16x1024xf32, #tpu.memory_space<hbm>> -> memref<16x1024xf32, #tpu.memory_space<hbm>>
    %dma_wait3A_1705 = arith.constant 0 : i32
    %dma_wait3A_1706 = arith.constant 0 : i32
    %dma_wait3A_1707 = tpu.memref_slice %arg5[%dma_wait3A_1696, %add3A_1562, %dma_wait3A_1705, %dma_wait3A_1706] : memref<4x256x16x1024xf32, #tpu.memory_space<hbm>> -> memref<1x1x16x1024xf32, #tpu.memory_space<hbm>>
    %dma_wait3A_1708 = tpu.memref_squeeze %dma_wait3A_1707 : memref<1x1x16x1024xf32, #tpu.memory_space<hbm>> -> memref<16x1024xf32, #tpu.memory_space<hbm>>
    %dma_wait3A_1709 = arith.constant 0 : i32
    %dma_wait3A_1710 = arith.constant 0 : i32
    %dma_wait3A_1711 = tpu.memref_slice %arg8[%dma_wait3A_1695, %dma_wait3A_1709, %dma_wait3A_1710] : memref<2x16x1024xf32, #tpu.memory_space<vmem>> -> memref<1x16x1024xf32, #tpu.memory_space<vmem>>
    %dma_wait3A_1712 = tpu.memref_squeeze %dma_wait3A_1711 : memref<1x16x1024xf32, #tpu.memory_space<vmem>> -> memref<16x1024xf32, #tpu.memory_space<vmem>>
    tpu.wait_dma2 semaphore(%arg12 : memref<!tpu.dma_semaphore, #tpu.memory_space<semaphore_mem>>) src(%dma_wait3A_1712 : memref<16x1024xf32, #tpu.memory_space<vmem>>) dst(%dma_wait3A_1708 : memref<16x1024xf32, #tpu.memory_space<hbm>>)
    %add3A_1713 = arith.constant 5 : i32
    %add3A_1714 = arith.addi %mul3A_2, %add3A_1713 : i32
    %dma_start3A_1715 = arith.constant 0 : i32
    %dma_start3A_1716 = arith.constant 2 : i32
    %dma_start3A_1717 = arith.constant 0 : i32
    %dma_start3A_1718 = arith.constant 0 : i32
    %dma_start3A_1719 = tpu.memref_slice %arg8[%dma_start3A_1715, %dma_start3A_1717, %dma_start3A_1718] : memref<2x16x1024xf32, #tpu.memory_space<vmem>> -> memref<1x16x1024xf32, #tpu.memory_space<vmem>>
    %dma_start3A_1720 = tpu.memref_squeeze %dma_start3A_1719 : memref<1x16x1024xf32, #tpu.memory_space<vmem>> -> memref<16x1024xf32, #tpu.memory_space<vmem>>
    %dma_start3A_1721 = arith.constant 0 : i32
    %dma_start3A_1722 = arith.constant 0 : i32
    %dma_start3A_1723 = tpu.memref_slice %arg5[%dma_start3A_1716, %add3A_1714, %dma_start3A_1721, %dma_start3A_1722] : memref<4x256x16x1024xf32, #tpu.memory_space<hbm>> -> memref<1x1x16x1024xf32, #tpu.memory_space<hbm>>
    %dma_start3A_1724 = tpu.memref_squeeze %dma_start3A_1723 : memref<1x1x16x1024xf32, #tpu.memory_space<hbm>> -> memref<16x1024xf32, #tpu.memory_space<hbm>>
    %dma_start3A_1725 = arith.constant 0 : i32
    %dma_start3A_1726 = arith.constant 0 : i32
    %dma_start3A_1727 = tpu.memref_slice %arg5[%dma_start3A_1716, %add3A_1714, %dma_start3A_1725, %dma_start3A_1726] : memref<4x256x16x1024xf32, #tpu.memory_space<hbm>> -> memref<1x1x16x1024xf32, #tpu.memory_space<hbm>>
    %dma_start3A_1728 = tpu.memref_squeeze %dma_start3A_1727 : memref<1x1x16x1024xf32, #tpu.memory_space<hbm>> -> memref<16x1024xf32, #tpu.memory_space<hbm>>
    %dma_start3A_1729 = arith.constant 0 : i32
    %dma_start3A_1730 = arith.constant 0 : i32
    %dma_start3A_1731 = tpu.memref_slice %arg8[%dma_start3A_1715, %dma_start3A_1729, %dma_start3A_1730] : memref<2x16x1024xf32, #tpu.memory_space<vmem>> -> memref<1x16x1024xf32, #tpu.memory_space<vmem>>
    %dma_start3A_1732 = tpu.memref_squeeze %dma_start3A_1731 : memref<1x16x1024xf32, #tpu.memory_space<vmem>> -> memref<16x1024xf32, #tpu.memory_space<vmem>>
    tpu.enqueue_dma source(%dma_start3A_1732 : memref<16x1024xf32, #tpu.memory_space<vmem>>) target(%dma_start3A_1728 : memref<16x1024xf32, #tpu.memory_space<hbm>>) target_semaphore(%arg12 : memref<!tpu.dma_semaphore, #tpu.memory_space<semaphore_mem>>)
    %add3A_1733 = arith.constant 6 : i32
    %add3A_1734 = arith.addi %mul3A_2, %add3A_1733 : i32
    %dma_start3A_1735 = arith.constant 0 : i32
    %dma_start3A_1736 = arith.constant 0 : i32
    %dma_start3A_1737 = arith.constant 0 : i32
    %dma_start3A_1738 = arith.constant 0 : i32
    %dma_start3A_1739 = tpu.memref_slice %arg8[%dma_start3A_1736, %dma_start3A_1737, %dma_start3A_1738] : memref<2x16x1024xf32, #tpu.memory_space<vmem>> -> memref<1x16x1024xf32, #tpu.memory_space<vmem>>
    %dma_start3A_1740 = tpu.memref_squeeze %dma_start3A_1739 : memref<1x16x1024xf32, #tpu.memory_space<vmem>> -> memref<16x1024xf32, #tpu.memory_space<vmem>>
    %dma_start3A_1741 = arith.constant 0 : i32
    %dma_start3A_1742 = arith.constant 0 : i32
    %dma_start3A_1743 = tpu.memref_slice %arg2[%dma_start3A_1735, %add3A_1734, %dma_start3A_1741, %dma_start3A_1742] : memref<4x256x16x1024xf32, #tpu.memory_space<hbm>> -> memref<1x1x16x1024xf32, #tpu.memory_space<hbm>>
    %dma_start3A_1744 = tpu.memref_squeeze %dma_start3A_1743 : memref<1x1x16x1024xf32, #tpu.memory_space<hbm>> -> memref<16x1024xf32, #tpu.memory_space<hbm>>
    %dma_start3A_1745 = arith.constant 0 : i32
    %dma_start3A_1746 = arith.constant 0 : i32
    %dma_start3A_1747 = tpu.memref_slice %arg8[%dma_start3A_1736, %dma_start3A_1745, %dma_start3A_1746] : memref<2x16x1024xf32, #tpu.memory_space<vmem>> -> memref<1x16x1024xf32, #tpu.memory_space<vmem>>
    %dma_start3A_1748 = tpu.memref_squeeze %dma_start3A_1747 : memref<1x16x1024xf32, #tpu.memory_space<vmem>> -> memref<16x1024xf32, #tpu.memory_space<vmem>>
    %dma_start3A_1749 = arith.constant 0 : i32
    %dma_start3A_1750 = arith.constant 0 : i32
    %dma_start3A_1751 = tpu.memref_slice %arg2[%dma_start3A_1735, %add3A_1734, %dma_start3A_1749, %dma_start3A_1750] : memref<4x256x16x1024xf32, #tpu.memory_space<hbm>> -> memref<1x1x16x1024xf32, #tpu.memory_space<hbm>>
    %dma_start3A_1752 = tpu.memref_squeeze %dma_start3A_1751 : memref<1x1x16x1024xf32, #tpu.memory_space<hbm>> -> memref<16x1024xf32, #tpu.memory_space<hbm>>
    tpu.enqueue_dma source(%dma_start3A_1752 : memref<16x1024xf32, #tpu.memory_space<hbm>>) target(%dma_start3A_1748 : memref<16x1024xf32, #tpu.memory_space<vmem>>) target_semaphore(%arg10 : memref<!tpu.dma_semaphore, #tpu.memory_space<semaphore_mem>>)
    %dma_wait3A_1753 = arith.constant 3 : i32
    %dma_wait3A_1754 = arith.constant 1 : i32
    %dma_wait3A_1755 = arith.constant 0 : i32
    %dma_wait3A_1756 = arith.constant 0 : i32
    %dma_wait3A_1757 = tpu.memref_slice %arg8[%dma_wait3A_1754, %dma_wait3A_1755, %dma_wait3A_1756] : memref<2x16x1024xf32, #tpu.memory_space<vmem>> -> memref<1x16x1024xf32, #tpu.memory_space<vmem>>
    %dma_wait3A_1758 = tpu.memref_squeeze %dma_wait3A_1757 : memref<1x16x1024xf32, #tpu.memory_space<vmem>> -> memref<16x1024xf32, #tpu.memory_space<vmem>>
    %dma_wait3A_1759 = arith.constant 0 : i32
    %dma_wait3A_1760 = arith.constant 0 : i32
    %dma_wait3A_1761 = tpu.memref_slice %arg2[%dma_wait3A_1753, %add3A_1658, %dma_wait3A_1759, %dma_wait3A_1760] : memref<4x256x16x1024xf32, #tpu.memory_space<hbm>> -> memref<1x1x16x1024xf32, #tpu.memory_space<hbm>>
    %dma_wait3A_1762 = tpu.memref_squeeze %dma_wait3A_1761 : memref<1x1x16x1024xf32, #tpu.memory_space<hbm>> -> memref<16x1024xf32, #tpu.memory_space<hbm>>
    %dma_wait3A_1763 = arith.constant 0 : i32
    %dma_wait3A_1764 = arith.constant 0 : i32
    %dma_wait3A_1765 = tpu.memref_slice %arg8[%dma_wait3A_1754, %dma_wait3A_1763, %dma_wait3A_1764] : memref<2x16x1024xf32, #tpu.memory_space<vmem>> -> memref<1x16x1024xf32, #tpu.memory_space<vmem>>
    %dma_wait3A_1766 = tpu.memref_squeeze %dma_wait3A_1765 : memref<1x16x1024xf32, #tpu.memory_space<vmem>> -> memref<16x1024xf32, #tpu.memory_space<vmem>>
    %dma_wait3A_1767 = arith.constant 0 : i32
    %dma_wait3A_1768 = arith.constant 0 : i32
    %dma_wait3A_1769 = tpu.memref_slice %arg2[%dma_wait3A_1753, %add3A_1658, %dma_wait3A_1767, %dma_wait3A_1768] : memref<4x256x16x1024xf32, #tpu.memory_space<hbm>> -> memref<1x1x16x1024xf32, #tpu.memory_space<hbm>>
    %dma_wait3A_1770 = tpu.memref_squeeze %dma_wait3A_1769 : memref<1x1x16x1024xf32, #tpu.memory_space<hbm>> -> memref<16x1024xf32, #tpu.memory_space<hbm>>
    tpu.wait_dma2 semaphore(%arg11 : memref<!tpu.dma_semaphore, #tpu.memory_space<semaphore_mem>>) src(%dma_wait3A_1770 : memref<16x1024xf32, #tpu.memory_space<hbm>>) dst(%dma_wait3A_1766 : memref<16x1024xf32, #tpu.memory_space<vmem>>)
    %dma_wait3A_1771 = arith.constant 1 : i32
    %dma_wait3A_1772 = arith.constant 1 : i32
    %dma_wait3A_1773 = arith.constant 0 : i32
    %dma_wait3A_1774 = arith.constant 0 : i32
    %dma_wait3A_1775 = tpu.memref_slice %arg8[%dma_wait3A_1771, %dma_wait3A_1773, %dma_wait3A_1774] : memref<2x16x1024xf32, #tpu.memory_space<vmem>> -> memref<1x16x1024xf32, #tpu.memory_space<vmem>>
    %dma_wait3A_1776 = tpu.memref_squeeze %dma_wait3A_1775 : memref<1x16x1024xf32, #tpu.memory_space<vmem>> -> memref<16x1024xf32, #tpu.memory_space<vmem>>
    %dma_wait3A_1777 = arith.constant 0 : i32
    %dma_wait3A_1778 = arith.constant 0 : i32
    %dma_wait3A_1779 = tpu.memref_slice %arg5[%dma_wait3A_1772, %add3A_1638, %dma_wait3A_1777, %dma_wait3A_1778] : memref<4x256x16x1024xf32, #tpu.memory_space<hbm>> -> memref<1x1x16x1024xf32, #tpu.memory_space<hbm>>
    %dma_wait3A_1780 = tpu.memref_squeeze %dma_wait3A_1779 : memref<1x1x16x1024xf32, #tpu.memory_space<hbm>> -> memref<16x1024xf32, #tpu.memory_space<hbm>>
    %dma_wait3A_1781 = arith.constant 0 : i32
    %dma_wait3A_1782 = arith.constant 0 : i32
    %dma_wait3A_1783 = tpu.memref_slice %arg5[%dma_wait3A_1772, %add3A_1638, %dma_wait3A_1781, %dma_wait3A_1782] : memref<4x256x16x1024xf32, #tpu.memory_space<hbm>> -> memref<1x1x16x1024xf32, #tpu.memory_space<hbm>>
    %dma_wait3A_1784 = tpu.memref_squeeze %dma_wait3A_1783 : memref<1x1x16x1024xf32, #tpu.memory_space<hbm>> -> memref<16x1024xf32, #tpu.memory_space<hbm>>
    %dma_wait3A_1785 = arith.constant 0 : i32
    %dma_wait3A_1786 = arith.constant 0 : i32
    %dma_wait3A_1787 = tpu.memref_slice %arg8[%dma_wait3A_1771, %dma_wait3A_1785, %dma_wait3A_1786] : memref<2x16x1024xf32, #tpu.memory_space<vmem>> -> memref<1x16x1024xf32, #tpu.memory_space<vmem>>
    %dma_wait3A_1788 = tpu.memref_squeeze %dma_wait3A_1787 : memref<1x16x1024xf32, #tpu.memory_space<vmem>> -> memref<16x1024xf32, #tpu.memory_space<vmem>>
    tpu.wait_dma2 semaphore(%arg13 : memref<!tpu.dma_semaphore, #tpu.memory_space<semaphore_mem>>) src(%dma_wait3A_1788 : memref<16x1024xf32, #tpu.memory_space<vmem>>) dst(%dma_wait3A_1784 : memref<16x1024xf32, #tpu.memory_space<hbm>>)
    %add3A_1789 = arith.constant 5 : i32
    %add3A_1790 = arith.addi %mul3A_2, %add3A_1789 : i32
    %dma_start3A_1791 = arith.constant 1 : i32
    %dma_start3A_1792 = arith.constant 3 : i32
    %dma_start3A_1793 = arith.constant 0 : i32
    %dma_start3A_1794 = arith.constant 0 : i32
    %dma_start3A_1795 = tpu.memref_slice %arg8[%dma_start3A_1791, %dma_start3A_1793, %dma_start3A_1794] : memref<2x16x1024xf32, #tpu.memory_space<vmem>> -> memref<1x16x1024xf32, #tpu.memory_space<vmem>>
    %dma_start3A_1796 = tpu.memref_squeeze %dma_start3A_1795 : memref<1x16x1024xf32, #tpu.memory_space<vmem>> -> memref<16x1024xf32, #tpu.memory_space<vmem>>
    %dma_start3A_1797 = arith.constant 0 : i32
    %dma_start3A_1798 = arith.constant 0 : i32
    %dma_start3A_1799 = tpu.memref_slice %arg5[%dma_start3A_1792, %add3A_1790, %dma_start3A_1797, %dma_start3A_1798] : memref<4x256x16x1024xf32, #tpu.memory_space<hbm>> -> memref<1x1x16x1024xf32, #tpu.memory_space<hbm>>
    %dma_start3A_1800 = tpu.memref_squeeze %dma_start3A_1799 : memref<1x1x16x1024xf32, #tpu.memory_space<hbm>> -> memref<16x1024xf32, #tpu.memory_space<hbm>>
    %dma_start3A_1801 = arith.constant 0 : i32
    %dma_start3A_1802 = arith.constant 0 : i32
    %dma_start3A_1803 = tpu.memref_slice %arg5[%dma_start3A_1792, %add3A_1790, %dma_start3A_1801, %dma_start3A_1802] : memref<4x256x16x1024xf32, #tpu.memory_space<hbm>> -> memref<1x1x16x1024xf32, #tpu.memory_space<hbm>>
    %dma_start3A_1804 = tpu.memref_squeeze %dma_start3A_1803 : memref<1x1x16x1024xf32, #tpu.memory_space<hbm>> -> memref<16x1024xf32, #tpu.memory_space<hbm>>
    %dma_start3A_1805 = arith.constant 0 : i32
    %dma_start3A_1806 = arith.constant 0 : i32
    %dma_start3A_1807 = tpu.memref_slice %arg8[%dma_start3A_1791, %dma_start3A_1805, %dma_start3A_1806] : memref<2x16x1024xf32, #tpu.memory_space<vmem>> -> memref<1x16x1024xf32, #tpu.memory_space<vmem>>
    %dma_start3A_1808 = tpu.memref_squeeze %dma_start3A_1807 : memref<1x16x1024xf32, #tpu.memory_space<vmem>> -> memref<16x1024xf32, #tpu.memory_space<vmem>>
    tpu.enqueue_dma source(%dma_start3A_1808 : memref<16x1024xf32, #tpu.memory_space<vmem>>) target(%dma_start3A_1804 : memref<16x1024xf32, #tpu.memory_space<hbm>>) target_semaphore(%arg13 : memref<!tpu.dma_semaphore, #tpu.memory_space<semaphore_mem>>)
    %add3A_1809 = arith.constant 6 : i32
    %add3A_1810 = arith.addi %mul3A_2, %add3A_1809 : i32
    %dma_start3A_1811 = arith.constant 1 : i32
    %dma_start3A_1812 = arith.constant 1 : i32
    %dma_start3A_1813 = arith.constant 0 : i32
    %dma_start3A_1814 = arith.constant 0 : i32
    %dma_start3A_1815 = tpu.memref_slice %arg8[%dma_start3A_1812, %dma_start3A_1813, %dma_start3A_1814] : memref<2x16x1024xf32, #tpu.memory_space<vmem>> -> memref<1x16x1024xf32, #tpu.memory_space<vmem>>
    %dma_start3A_1816 = tpu.memref_squeeze %dma_start3A_1815 : memref<1x16x1024xf32, #tpu.memory_space<vmem>> -> memref<16x1024xf32, #tpu.memory_space<vmem>>
    %dma_start3A_1817 = arith.constant 0 : i32
    %dma_start3A_1818 = arith.constant 0 : i32
    %dma_start3A_1819 = tpu.memref_slice %arg2[%dma_start3A_1811, %add3A_1810, %dma_start3A_1817, %dma_start3A_1818] : memref<4x256x16x1024xf32, #tpu.memory_space<hbm>> -> memref<1x1x16x1024xf32, #tpu.memory_space<hbm>>
    %dma_start3A_1820 = tpu.memref_squeeze %dma_start3A_1819 : memref<1x1x16x1024xf32, #tpu.memory_space<hbm>> -> memref<16x1024xf32, #tpu.memory_space<hbm>>
    %dma_start3A_1821 = arith.constant 0 : i32
    %dma_start3A_1822 = arith.constant 0 : i32
    %dma_start3A_1823 = tpu.memref_slice %arg8[%dma_start3A_1812, %dma_start3A_1821, %dma_start3A_1822] : memref<2x16x1024xf32, #tpu.memory_space<vmem>> -> memref<1x16x1024xf32, #tpu.memory_space<vmem>>
    %dma_start3A_1824 = tpu.memref_squeeze %dma_start3A_1823 : memref<1x16x1024xf32, #tpu.memory_space<vmem>> -> memref<16x1024xf32, #tpu.memory_space<vmem>>
    %dma_start3A_1825 = arith.constant 0 : i32
    %dma_start3A_1826 = arith.constant 0 : i32
    %dma_start3A_1827 = tpu.memref_slice %arg2[%dma_start3A_1811, %add3A_1810, %dma_start3A_1825, %dma_start3A_1826] : memref<4x256x16x1024xf32, #tpu.memory_space<hbm>> -> memref<1x1x16x1024xf32, #tpu.memory_space<hbm>>
    %dma_start3A_1828 = tpu.memref_squeeze %dma_start3A_1827 : memref<1x1x16x1024xf32, #tpu.memory_space<hbm>> -> memref<16x1024xf32, #tpu.memory_space<hbm>>
    tpu.enqueue_dma source(%dma_start3A_1828 : memref<16x1024xf32, #tpu.memory_space<hbm>>) target(%dma_start3A_1824 : memref<16x1024xf32, #tpu.memory_space<vmem>>) target_semaphore(%arg11 : memref<!tpu.dma_semaphore, #tpu.memory_space<semaphore_mem>>)
    %dma_wait3A_1829 = arith.constant 0 : i32
    %dma_wait3A_1830 = arith.constant 0 : i32
    %dma_wait3A_1831 = arith.constant 0 : i32
    %dma_wait3A_1832 = arith.constant 0 : i32
    %dma_wait3A_1833 = tpu.memref_slice %arg8[%dma_wait3A_1830, %dma_wait3A_1831, %dma_wait3A_1832] : memref<2x16x1024xf32, #tpu.memory_space<vmem>> -> memref<1x16x1024xf32, #tpu.memory_space<vmem>>
    %dma_wait3A_1834 = tpu.memref_squeeze %dma_wait3A_1833 : memref<1x16x1024xf32, #tpu.memory_space<vmem>> -> memref<16x1024xf32, #tpu.memory_space<vmem>>
    %dma_wait3A_1835 = arith.constant 0 : i32
    %dma_wait3A_1836 = arith.constant 0 : i32
    %dma_wait3A_1837 = tpu.memref_slice %arg2[%dma_wait3A_1829, %add3A_1734, %dma_wait3A_1835, %dma_wait3A_1836] : memref<4x256x16x1024xf32, #tpu.memory_space<hbm>> -> memref<1x1x16x1024xf32, #tpu.memory_space<hbm>>
    %dma_wait3A_1838 = tpu.memref_squeeze %dma_wait3A_1837 : memref<1x1x16x1024xf32, #tpu.memory_space<hbm>> -> memref<16x1024xf32, #tpu.memory_space<hbm>>
    %dma_wait3A_1839 = arith.constant 0 : i32
    %dma_wait3A_1840 = arith.constant 0 : i32
    %dma_wait3A_1841 = tpu.memref_slice %arg8[%dma_wait3A_1830, %dma_wait3A_1839, %dma_wait3A_1840] : memref<2x16x1024xf32, #tpu.memory_space<vmem>> -> memref<1x16x1024xf32, #tpu.memory_space<vmem>>
    %dma_wait3A_1842 = tpu.memref_squeeze %dma_wait3A_1841 : memref<1x16x1024xf32, #tpu.memory_space<vmem>> -> memref<16x1024xf32, #tpu.memory_space<vmem>>
    %dma_wait3A_1843 = arith.constant 0 : i32
    %dma_wait3A_1844 = arith.constant 0 : i32
    %dma_wait3A_1845 = tpu.memref_slice %arg2[%dma_wait3A_1829, %add3A_1734, %dma_wait3A_1843, %dma_wait3A_1844] : memref<4x256x16x1024xf32, #tpu.memory_space<hbm>> -> memref<1x1x16x1024xf32, #tpu.memory_space<hbm>>
    %dma_wait3A_1846 = tpu.memref_squeeze %dma_wait3A_1845 : memref<1x1x16x1024xf32, #tpu.memory_space<hbm>> -> memref<16x1024xf32, #tpu.memory_space<hbm>>
    tpu.wait_dma2 semaphore(%arg10 : memref<!tpu.dma_semaphore, #tpu.memory_space<semaphore_mem>>) src(%dma_wait3A_1846 : memref<16x1024xf32, #tpu.memory_space<hbm>>) dst(%dma_wait3A_1842 : memref<16x1024xf32, #tpu.memory_space<vmem>>)
    %dma_wait3A_1847 = arith.constant 0 : i32
    %dma_wait3A_1848 = arith.constant 2 : i32
    %dma_wait3A_1849 = arith.constant 0 : i32
    %dma_wait3A_1850 = arith.constant 0 : i32
    %dma_wait3A_1851 = tpu.memref_slice %arg8[%dma_wait3A_1847, %dma_wait3A_1849, %dma_wait3A_1850] : memref<2x16x1024xf32, #tpu.memory_space<vmem>> -> memref<1x16x1024xf32, #tpu.memory_space<vmem>>
    %dma_wait3A_1852 = tpu.memref_squeeze %dma_wait3A_1851 : memref<1x16x1024xf32, #tpu.memory_space<vmem>> -> memref<16x1024xf32, #tpu.memory_space<vmem>>
    %dma_wait3A_1853 = arith.constant 0 : i32
    %dma_wait3A_1854 = arith.constant 0 : i32
    %dma_wait3A_1855 = tpu.memref_slice %arg5[%dma_wait3A_1848, %add3A_1714, %dma_wait3A_1853, %dma_wait3A_1854] : memref<4x256x16x1024xf32, #tpu.memory_space<hbm>> -> memref<1x1x16x1024xf32, #tpu.memory_space<hbm>>
    %dma_wait3A_1856 = tpu.memref_squeeze %dma_wait3A_1855 : memref<1x1x16x1024xf32, #tpu.memory_space<hbm>> -> memref<16x1024xf32, #tpu.memory_space<hbm>>
    %dma_wait3A_1857 = arith.constant 0 : i32
    %dma_wait3A_1858 = arith.constant 0 : i32
    %dma_wait3A_1859 = tpu.memref_slice %arg5[%dma_wait3A_1848, %add3A_1714, %dma_wait3A_1857, %dma_wait3A_1858] : memref<4x256x16x1024xf32, #tpu.memory_space<hbm>> -> memref<1x1x16x1024xf32, #tpu.memory_space<hbm>>
    %dma_wait3A_1860 = tpu.memref_squeeze %dma_wait3A_1859 : memref<1x1x16x1024xf32, #tpu.memory_space<hbm>> -> memref<16x1024xf32, #tpu.memory_space<hbm>>
    %dma_wait3A_1861 = arith.constant 0 : i32
    %dma_wait3A_1862 = arith.constant 0 : i32
    %dma_wait3A_1863 = tpu.memref_slice %arg8[%dma_wait3A_1847, %dma_wait3A_1861, %dma_wait3A_1862] : memref<2x16x1024xf32, #tpu.memory_space<vmem>> -> memref<1x16x1024xf32, #tpu.memory_space<vmem>>
    %dma_wait3A_1864 = tpu.memref_squeeze %dma_wait3A_1863 : memref<1x16x1024xf32, #tpu.memory_space<vmem>> -> memref<16x1024xf32, #tpu.memory_space<vmem>>
    tpu.wait_dma2 semaphore(%arg12 : memref<!tpu.dma_semaphore, #tpu.memory_space<semaphore_mem>>) src(%dma_wait3A_1864 : memref<16x1024xf32, #tpu.memory_space<vmem>>) dst(%dma_wait3A_1860 : memref<16x1024xf32, #tpu.memory_space<hbm>>)
    %add3A_1865 = arith.constant 6 : i32
    %add3A_1866 = arith.addi %mul3A_2, %add3A_1865 : i32
    %dma_start3A_1867 = arith.constant 0 : i32
    %dma_start3A_1868 = arith.constant 0 : i32
    %dma_start3A_1869 = arith.constant 0 : i32
    %dma_start3A_1870 = arith.constant 0 : i32
    %dma_start3A_1871 = tpu.memref_slice %arg8[%dma_start3A_1867, %dma_start3A_1869, %dma_start3A_1870] : memref<2x16x1024xf32, #tpu.memory_space<vmem>> -> memref<1x16x1024xf32, #tpu.memory_space<vmem>>
    %dma_start3A_1872 = tpu.memref_squeeze %dma_start3A_1871 : memref<1x16x1024xf32, #tpu.memory_space<vmem>> -> memref<16x1024xf32, #tpu.memory_space<vmem>>
    %dma_start3A_1873 = arith.constant 0 : i32
    %dma_start3A_1874 = arith.constant 0 : i32
    %dma_start3A_1875 = tpu.memref_slice %arg5[%dma_start3A_1868, %add3A_1866, %dma_start3A_1873, %dma_start3A_1874] : memref<4x256x16x1024xf32, #tpu.memory_space<hbm>> -> memref<1x1x16x1024xf32, #tpu.memory_space<hbm>>
    %dma_start3A_1876 = tpu.memref_squeeze %dma_start3A_1875 : memref<1x1x16x1024xf32, #tpu.memory_space<hbm>> -> memref<16x1024xf32, #tpu.memory_space<hbm>>
    %dma_start3A_1877 = arith.constant 0 : i32
    %dma_start3A_1878 = arith.constant 0 : i32
    %dma_start3A_1879 = tpu.memref_slice %arg5[%dma_start3A_1868, %add3A_1866, %dma_start3A_1877, %dma_start3A_1878] : memref<4x256x16x1024xf32, #tpu.memory_space<hbm>> -> memref<1x1x16x1024xf32, #tpu.memory_space<hbm>>
    %dma_start3A_1880 = tpu.memref_squeeze %dma_start3A_1879 : memref<1x1x16x1024xf32, #tpu.memory_space<hbm>> -> memref<16x1024xf32, #tpu.memory_space<hbm>>
    %dma_start3A_1881 = arith.constant 0 : i32
    %dma_start3A_1882 = arith.constant 0 : i32
    %dma_start3A_1883 = tpu.memref_slice %arg8[%dma_start3A_1867, %dma_start3A_1881, %dma_start3A_1882] : memref<2x16x1024xf32, #tpu.memory_space<vmem>> -> memref<1x16x1024xf32, #tpu.memory_space<vmem>>
    %dma_start3A_1884 = tpu.memref_squeeze %dma_start3A_1883 : memref<1x16x1024xf32, #tpu.memory_space<vmem>> -> memref<16x1024xf32, #tpu.memory_space<vmem>>
    tpu.enqueue_dma source(%dma_start3A_1884 : memref<16x1024xf32, #tpu.memory_space<vmem>>) target(%dma_start3A_1880 : memref<16x1024xf32, #tpu.memory_space<hbm>>) target_semaphore(%arg12 : memref<!tpu.dma_semaphore, #tpu.memory_space<semaphore_mem>>)
    %add3A_1885 = arith.constant 6 : i32
    %add3A_1886 = arith.addi %mul3A_2, %add3A_1885 : i32
    %dma_start3A_1887 = arith.constant 2 : i32
    %dma_start3A_1888 = arith.constant 0 : i32
    %dma_start3A_1889 = arith.constant 0 : i32
    %dma_start3A_1890 = arith.constant 0 : i32
    %dma_start3A_1891 = tpu.memref_slice %arg8[%dma_start3A_1888, %dma_start3A_1889, %dma_start3A_1890] : memref<2x16x1024xf32, #tpu.memory_space<vmem>> -> memref<1x16x1024xf32, #tpu.memory_space<vmem>>
    %dma_start3A_1892 = tpu.memref_squeeze %dma_start3A_1891 : memref<1x16x1024xf32, #tpu.memory_space<vmem>> -> memref<16x1024xf32, #tpu.memory_space<vmem>>
    %dma_start3A_1893 = arith.constant 0 : i32
    %dma_start3A_1894 = arith.constant 0 : i32
    %dma_start3A_1895 = tpu.memref_slice %arg2[%dma_start3A_1887, %add3A_1886, %dma_start3A_1893, %dma_start3A_1894] : memref<4x256x16x1024xf32, #tpu.memory_space<hbm>> -> memref<1x1x16x1024xf32, #tpu.memory_space<hbm>>
    %dma_start3A_1896 = tpu.memref_squeeze %dma_start3A_1895 : memref<1x1x16x1024xf32, #tpu.memory_space<hbm>> -> memref<16x1024xf32, #tpu.memory_space<hbm>>
    %dma_start3A_1897 = arith.constant 0 : i32
    %dma_start3A_1898 = arith.constant 0 : i32
    %dma_start3A_1899 = tpu.memref_slice %arg8[%dma_start3A_1888, %dma_start3A_1897, %dma_start3A_1898] : memref<2x16x1024xf32, #tpu.memory_space<vmem>> -> memref<1x16x1024xf32, #tpu.memory_space<vmem>>
    %dma_start3A_1900 = tpu.memref_squeeze %dma_start3A_1899 : memref<1x16x1024xf32, #tpu.memory_space<vmem>> -> memref<16x1024xf32, #tpu.memory_space<vmem>>
    %dma_start3A_1901 = arith.constant 0 : i32
    %dma_start3A_1902 = arith.constant 0 : i32
    %dma_start3A_1903 = tpu.memref_slice %arg2[%dma_start3A_1887, %add3A_1886, %dma_start3A_1901, %dma_start3A_1902] : memref<4x256x16x1024xf32, #tpu.memory_space<hbm>> -> memref<1x1x16x1024xf32, #tpu.memory_space<hbm>>
    %dma_start3A_1904 = tpu.memref_squeeze %dma_start3A_1903 : memref<1x1x16x1024xf32, #tpu.memory_space<hbm>> -> memref<16x1024xf32, #tpu.memory_space<hbm>>
    tpu.enqueue_dma source(%dma_start3A_1904 : memref<16x1024xf32, #tpu.memory_space<hbm>>) target(%dma_start3A_1900 : memref<16x1024xf32, #tpu.memory_space<vmem>>) target_semaphore(%arg10 : memref<!tpu.dma_semaphore, #tpu.memory_space<semaphore_mem>>)
    %dma_wait3A_1905 = arith.constant 1 : i32
    %dma_wait3A_1906 = arith.constant 1 : i32
    %dma_wait3A_1907 = arith.constant 0 : i32
    %dma_wait3A_1908 = arith.constant 0 : i32
    %dma_wait3A_1909 = tpu.memref_slice %arg8[%dma_wait3A_1906, %dma_wait3A_1907, %dma_wait3A_1908] : memref<2x16x1024xf32, #tpu.memory_space<vmem>> -> memref<1x16x1024xf32, #tpu.memory_space<vmem>>
    %dma_wait3A_1910 = tpu.memref_squeeze %dma_wait3A_1909 : memref<1x16x1024xf32, #tpu.memory_space<vmem>> -> memref<16x1024xf32, #tpu.memory_space<vmem>>
    %dma_wait3A_1911 = arith.constant 0 : i32
    %dma_wait3A_1912 = arith.constant 0 : i32
    %dma_wait3A_1913 = tpu.memref_slice %arg2[%dma_wait3A_1905, %add3A_1810, %dma_wait3A_1911, %dma_wait3A_1912] : memref<4x256x16x1024xf32, #tpu.memory_space<hbm>> -> memref<1x1x16x1024xf32, #tpu.memory_space<hbm>>
    %dma_wait3A_1914 = tpu.memref_squeeze %dma_wait3A_1913 : memref<1x1x16x1024xf32, #tpu.memory_space<hbm>> -> memref<16x1024xf32, #tpu.memory_space<hbm>>
    %dma_wait3A_1915 = arith.constant 0 : i32
    %dma_wait3A_1916 = arith.constant 0 : i32
    %dma_wait3A_1917 = tpu.memref_slice %arg8[%dma_wait3A_1906, %dma_wait3A_1915, %dma_wait3A_1916] : memref<2x16x1024xf32, #tpu.memory_space<vmem>> -> memref<1x16x1024xf32, #tpu.memory_space<vmem>>
    %dma_wait3A_1918 = tpu.memref_squeeze %dma_wait3A_1917 : memref<1x16x1024xf32, #tpu.memory_space<vmem>> -> memref<16x1024xf32, #tpu.memory_space<vmem>>
    %dma_wait3A_1919 = arith.constant 0 : i32
    %dma_wait3A_1920 = arith.constant 0 : i32
    %dma_wait3A_1921 = tpu.memref_slice %arg2[%dma_wait3A_1905, %add3A_1810, %dma_wait3A_1919, %dma_wait3A_1920] : memref<4x256x16x1024xf32, #tpu.memory_space<hbm>> -> memref<1x1x16x1024xf32, #tpu.memory_space<hbm>>
    %dma_wait3A_1922 = tpu.memref_squeeze %dma_wait3A_1921 : memref<1x1x16x1024xf32, #tpu.memory_space<hbm>> -> memref<16x1024xf32, #tpu.memory_space<hbm>>
    tpu.wait_dma2 semaphore(%arg11 : memref<!tpu.dma_semaphore, #tpu.memory_space<semaphore_mem>>) src(%dma_wait3A_1922 : memref<16x1024xf32, #tpu.memory_space<hbm>>) dst(%dma_wait3A_1918 : memref<16x1024xf32, #tpu.memory_space<vmem>>)
    %dma_wait3A_1923 = arith.constant 1 : i32
    %dma_wait3A_1924 = arith.constant 3 : i32
    %dma_wait3A_1925 = arith.constant 0 : i32
    %dma_wait3A_1926 = arith.constant 0 : i32
    %dma_wait3A_1927 = tpu.memref_slice %arg8[%dma_wait3A_1923, %dma_wait3A_1925, %dma_wait3A_1926] : memref<2x16x1024xf32, #tpu.memory_space<vmem>> -> memref<1x16x1024xf32, #tpu.memory_space<vmem>>
    %dma_wait3A_1928 = tpu.memref_squeeze %dma_wait3A_1927 : memref<1x16x1024xf32, #tpu.memory_space<vmem>> -> memref<16x1024xf32, #tpu.memory_space<vmem>>
    %dma_wait3A_1929 = arith.constant 0 : i32
    %dma_wait3A_1930 = arith.constant 0 : i32
    %dma_wait3A_1931 = tpu.memref_slice %arg5[%dma_wait3A_1924, %add3A_1790, %dma_wait3A_1929, %dma_wait3A_1930] : memref<4x256x16x1024xf32, #tpu.memory_space<hbm>> -> memref<1x1x16x1024xf32, #tpu.memory_space<hbm>>
    %dma_wait3A_1932 = tpu.memref_squeeze %dma_wait3A_1931 : memref<1x1x16x1024xf32, #tpu.memory_space<hbm>> -> memref<16x1024xf32, #tpu.memory_space<hbm>>
    %dma_wait3A_1933 = arith.constant 0 : i32
    %dma_wait3A_1934 = arith.constant 0 : i32
    %dma_wait3A_1935 = tpu.memref_slice %arg5[%dma_wait3A_1924, %add3A_1790, %dma_wait3A_1933, %dma_wait3A_1934] : memref<4x256x16x1024xf32, #tpu.memory_space<hbm>> -> memref<1x1x16x1024xf32, #tpu.memory_space<hbm>>
    %dma_wait3A_1936 = tpu.memref_squeeze %dma_wait3A_1935 : memref<1x1x16x1024xf32, #tpu.memory_space<hbm>> -> memref<16x1024xf32, #tpu.memory_space<hbm>>
    %dma_wait3A_1937 = arith.constant 0 : i32
    %dma_wait3A_1938 = arith.constant 0 : i32
    %dma_wait3A_1939 = tpu.memref_slice %arg8[%dma_wait3A_1923, %dma_wait3A_1937, %dma_wait3A_1938] : memref<2x16x1024xf32, #tpu.memory_space<vmem>> -> memref<1x16x1024xf32, #tpu.memory_space<vmem>>
    %dma_wait3A_1940 = tpu.memref_squeeze %dma_wait3A_1939 : memref<1x16x1024xf32, #tpu.memory_space<vmem>> -> memref<16x1024xf32, #tpu.memory_space<vmem>>
    tpu.wait_dma2 semaphore(%arg13 : memref<!tpu.dma_semaphore, #tpu.memory_space<semaphore_mem>>) src(%dma_wait3A_1940 : memref<16x1024xf32, #tpu.memory_space<vmem>>) dst(%dma_wait3A_1936 : memref<16x1024xf32, #tpu.memory_space<hbm>>)
    %add3A_1941 = arith.constant 6 : i32
    %add3A_1942 = arith.addi %mul3A_2, %add3A_1941 : i32
    %dma_start3A_1943 = arith.constant 1 : i32
    %dma_start3A_1944 = arith.constant 1 : i32
    %dma_start3A_1945 = arith.constant 0 : i32
    %dma_start3A_1946 = arith.constant 0 : i32
    %dma_start3A_1947 = tpu.memref_slice %arg8[%dma_start3A_1943, %dma_start3A_1945, %dma_start3A_1946] : memref<2x16x1024xf32, #tpu.memory_space<vmem>> -> memref<1x16x1024xf32, #tpu.memory_space<vmem>>
    %dma_start3A_1948 = tpu.memref_squeeze %dma_start3A_1947 : memref<1x16x1024xf32, #tpu.memory_space<vmem>> -> memref<16x1024xf32, #tpu.memory_space<vmem>>
    %dma_start3A_1949 = arith.constant 0 : i32
    %dma_start3A_1950 = arith.constant 0 : i32
    %dma_start3A_1951 = tpu.memref_slice %arg5[%dma_start3A_1944, %add3A_1942, %dma_start3A_1949, %dma_start3A_1950] : memref<4x256x16x1024xf32, #tpu.memory_space<hbm>> -> memref<1x1x16x1024xf32, #tpu.memory_space<hbm>>
    %dma_start3A_1952 = tpu.memref_squeeze %dma_start3A_1951 : memref<1x1x16x1024xf32, #tpu.memory_space<hbm>> -> memref<16x1024xf32, #tpu.memory_space<hbm>>
    %dma_start3A_1953 = arith.constant 0 : i32
    %dma_start3A_1954 = arith.constant 0 : i32
    %dma_start3A_1955 = tpu.memref_slice %arg5[%dma_start3A_1944, %add3A_1942, %dma_start3A_1953, %dma_start3A_1954] : memref<4x256x16x1024xf32, #tpu.memory_space<hbm>> -> memref<1x1x16x1024xf32, #tpu.memory_space<hbm>>
    %dma_start3A_1956 = tpu.memref_squeeze %dma_start3A_1955 : memref<1x1x16x1024xf32, #tpu.memory_space<hbm>> -> memref<16x1024xf32, #tpu.memory_space<hbm>>
    %dma_start3A_1957 = arith.constant 0 : i32
    %dma_start3A_1958 = arith.constant 0 : i32
    %dma_start3A_1959 = tpu.memref_slice %arg8[%dma_start3A_1943, %dma_start3A_1957, %dma_start3A_1958] : memref<2x16x1024xf32, #tpu.memory_space<vmem>> -> memref<1x16x1024xf32, #tpu.memory_space<vmem>>
    %dma_start3A_1960 = tpu.memref_squeeze %dma_start3A_1959 : memref<1x16x1024xf32, #tpu.memory_space<vmem>> -> memref<16x1024xf32, #tpu.memory_space<vmem>>
    tpu.enqueue_dma source(%dma_start3A_1960 : memref<16x1024xf32, #tpu.memory_space<vmem>>) target(%dma_start3A_1956 : memref<16x1024xf32, #tpu.memory_space<hbm>>) target_semaphore(%arg13 : memref<!tpu.dma_semaphore, #tpu.memory_space<semaphore_mem>>)
    %add3A_1961 = arith.constant 6 : i32
    %add3A_1962 = arith.addi %mul3A_2, %add3A_1961 : i32
    %dma_start3A_1963 = arith.constant 3 : i32
    %dma_start3A_1964 = arith.constant 1 : i32
    %dma_start3A_1965 = arith.constant 0 : i32
    %dma_start3A_1966 = arith.constant 0 : i32
    %dma_start3A_1967 = tpu.memref_slice %arg8[%dma_start3A_1964, %dma_start3A_1965, %dma_start3A_1966] : memref<2x16x1024xf32, #tpu.memory_space<vmem>> -> memref<1x16x1024xf32, #tpu.memory_space<vmem>>
    %dma_start3A_1968 = tpu.memref_squeeze %dma_start3A_1967 : memref<1x16x1024xf32, #tpu.memory_space<vmem>> -> memref<16x1024xf32, #tpu.memory_space<vmem>>
    %dma_start3A_1969 = arith.constant 0 : i32
    %dma_start3A_1970 = arith.constant 0 : i32
    %dma_start3A_1971 = tpu.memref_slice %arg2[%dma_start3A_1963, %add3A_1962, %dma_start3A_1969, %dma_start3A_1970] : memref<4x256x16x1024xf32, #tpu.memory_space<hbm>> -> memref<1x1x16x1024xf32, #tpu.memory_space<hbm>>
    %dma_start3A_1972 = tpu.memref_squeeze %dma_start3A_1971 : memref<1x1x16x1024xf32, #tpu.memory_space<hbm>> -> memref<16x1024xf32, #tpu.memory_space<hbm>>
    %dma_start3A_1973 = arith.constant 0 : i32
    %dma_start3A_1974 = arith.constant 0 : i32
    %dma_start3A_1975 = tpu.memref_slice %arg8[%dma_start3A_1964, %dma_start3A_1973, %dma_start3A_1974] : memref<2x16x1024xf32, #tpu.memory_space<vmem>> -> memref<1x16x1024xf32, #tpu.memory_space<vmem>>
    %dma_start3A_1976 = tpu.memref_squeeze %dma_start3A_1975 : memref<1x16x1024xf32, #tpu.memory_space<vmem>> -> memref<16x1024xf32, #tpu.memory_space<vmem>>
    %dma_start3A_1977 = arith.constant 0 : i32
    %dma_start3A_1978 = arith.constant 0 : i32
    %dma_start3A_1979 = tpu.memref_slice %arg2[%dma_start3A_1963, %add3A_1962, %dma_start3A_1977, %dma_start3A_1978] : memref<4x256x16x1024xf32, #tpu.memory_space<hbm>> -> memref<1x1x16x1024xf32, #tpu.memory_space<hbm>>
    %dma_start3A_1980 = tpu.memref_squeeze %dma_start3A_1979 : memref<1x1x16x1024xf32, #tpu.memory_space<hbm>> -> memref<16x1024xf32, #tpu.memory_space<hbm>>
    tpu.enqueue_dma source(%dma_start3A_1980 : memref<16x1024xf32, #tpu.memory_space<hbm>>) target(%dma_start3A_1976 : memref<16x1024xf32, #tpu.memory_space<vmem>>) target_semaphore(%arg11 : memref<!tpu.dma_semaphore, #tpu.memory_space<semaphore_mem>>)
    %dma_wait3A_1981 = arith.constant 2 : i32
    %dma_wait3A_1982 = arith.constant 0 : i32
    %dma_wait3A_1983 = arith.constant 0 : i32
    %dma_wait3A_1984 = arith.constant 0 : i32
    %dma_wait3A_1985 = tpu.memref_slice %arg8[%dma_wait3A_1982, %dma_wait3A_1983, %dma_wait3A_1984] : memref<2x16x1024xf32, #tpu.memory_space<vmem>> -> memref<1x16x1024xf32, #tpu.memory_space<vmem>>
    %dma_wait3A_1986 = tpu.memref_squeeze %dma_wait3A_1985 : memref<1x16x1024xf32, #tpu.memory_space<vmem>> -> memref<16x1024xf32, #tpu.memory_space<vmem>>
    %dma_wait3A_1987 = arith.constant 0 : i32
    %dma_wait3A_1988 = arith.constant 0 : i32
    %dma_wait3A_1989 = tpu.memref_slice %arg2[%dma_wait3A_1981, %add3A_1886, %dma_wait3A_1987, %dma_wait3A_1988] : memref<4x256x16x1024xf32, #tpu.memory_space<hbm>> -> memref<1x1x16x1024xf32, #tpu.memory_space<hbm>>
    %dma_wait3A_1990 = tpu.memref_squeeze %dma_wait3A_1989 : memref<1x1x16x1024xf32, #tpu.memory_space<hbm>> -> memref<16x1024xf32, #tpu.memory_space<hbm>>
    %dma_wait3A_1991 = arith.constant 0 : i32
    %dma_wait3A_1992 = arith.constant 0 : i32
    %dma_wait3A_1993 = tpu.memref_slice %arg8[%dma_wait3A_1982, %dma_wait3A_1991, %dma_wait3A_1992] : memref<2x16x1024xf32, #tpu.memory_space<vmem>> -> memref<1x16x1024xf32, #tpu.memory_space<vmem>>
    %dma_wait3A_1994 = tpu.memref_squeeze %dma_wait3A_1993 : memref<1x16x1024xf32, #tpu.memory_space<vmem>> -> memref<16x1024xf32, #tpu.memory_space<vmem>>
    %dma_wait3A_1995 = arith.constant 0 : i32
    %dma_wait3A_1996 = arith.constant 0 : i32
    %dma_wait3A_1997 = tpu.memref_slice %arg2[%dma_wait3A_1981, %add3A_1886, %dma_wait3A_1995, %dma_wait3A_1996] : memref<4x256x16x1024xf32, #tpu.memory_space<hbm>> -> memref<1x1x16x1024xf32, #tpu.memory_space<hbm>>
    %dma_wait3A_1998 = tpu.memref_squeeze %dma_wait3A_1997 : memref<1x1x16x1024xf32, #tpu.memory_space<hbm>> -> memref<16x1024xf32, #tpu.memory_space<hbm>>
    tpu.wait_dma2 semaphore(%arg10 : memref<!tpu.dma_semaphore, #tpu.memory_space<semaphore_mem>>) src(%dma_wait3A_1998 : memref<16x1024xf32, #tpu.memory_space<hbm>>) dst(%dma_wait3A_1994 : memref<16x1024xf32, #tpu.memory_space<vmem>>)
    %dma_wait3A_1999 = arith.constant 0 : i32
    %dma_wait3A_2000 = arith.constant 0 : i32
    %dma_wait3A_2001 = arith.constant 0 : i32
    %dma_wait3A_2002 = arith.constant 0 : i32
    %dma_wait3A_2003 = tpu.memref_slice %arg8[%dma_wait3A_1999, %dma_wait3A_2001, %dma_wait3A_2002] : memref<2x16x1024xf32, #tpu.memory_space<vmem>> -> memref<1x16x1024xf32, #tpu.memory_space<vmem>>
    %dma_wait3A_2004 = tpu.memref_squeeze %dma_wait3A_2003 : memref<1x16x1024xf32, #tpu.memory_space<vmem>> -> memref<16x1024xf32, #tpu.memory_space<vmem>>
    %dma_wait3A_2005 = arith.constant 0 : i32
    %dma_wait3A_2006 = arith.constant 0 : i32
    %dma_wait3A_2007 = tpu.memref_slice %arg5[%dma_wait3A_2000, %add3A_1866, %dma_wait3A_2005, %dma_wait3A_2006] : memref<4x256x16x1024xf32, #tpu.memory_space<hbm>> -> memref<1x1x16x1024xf32, #tpu.memory_space<hbm>>
    %dma_wait3A_2008 = tpu.memref_squeeze %dma_wait3A_2007 : memref<1x1x16x1024xf32, #tpu.memory_space<hbm>> -> memref<16x1024xf32, #tpu.memory_space<hbm>>
    %dma_wait3A_2009 = arith.constant 0 : i32
    %dma_wait3A_2010 = arith.constant 0 : i32
    %dma_wait3A_2011 = tpu.memref_slice %arg5[%dma_wait3A_2000, %add3A_1866, %dma_wait3A_2009, %dma_wait3A_2010] : memref<4x256x16x1024xf32, #tpu.memory_space<hbm>> -> memref<1x1x16x1024xf32, #tpu.memory_space<hbm>>
    %dma_wait3A_2012 = tpu.memref_squeeze %dma_wait3A_2011 : memref<1x1x16x1024xf32, #tpu.memory_space<hbm>> -> memref<16x1024xf32, #tpu.memory_space<hbm>>
    %dma_wait3A_2013 = arith.constant 0 : i32
    %dma_wait3A_2014 = arith.constant 0 : i32
    %dma_wait3A_2015 = tpu.memref_slice %arg8[%dma_wait3A_1999, %dma_wait3A_2013, %dma_wait3A_2014] : memref<2x16x1024xf32, #tpu.memory_space<vmem>> -> memref<1x16x1024xf32, #tpu.memory_space<vmem>>
    %dma_wait3A_2016 = tpu.memref_squeeze %dma_wait3A_2015 : memref<1x16x1024xf32, #tpu.memory_space<vmem>> -> memref<16x1024xf32, #tpu.memory_space<vmem>>
    tpu.wait_dma2 semaphore(%arg12 : memref<!tpu.dma_semaphore, #tpu.memory_space<semaphore_mem>>) src(%dma_wait3A_2016 : memref<16x1024xf32, #tpu.memory_space<vmem>>) dst(%dma_wait3A_2012 : memref<16x1024xf32, #tpu.memory_space<hbm>>)
    %add3A_2017 = arith.constant 6 : i32
    %add3A_2018 = arith.addi %mul3A_2, %add3A_2017 : i32
    %dma_start3A_2019 = arith.constant 0 : i32
    %dma_start3A_2020 = arith.constant 2 : i32
    %dma_start3A_2021 = arith.constant 0 : i32
    %dma_start3A_2022 = arith.constant 0 : i32
    %dma_start3A_2023 = tpu.memref_slice %arg8[%dma_start3A_2019, %dma_start3A_2021, %dma_start3A_2022] : memref<2x16x1024xf32, #tpu.memory_space<vmem>> -> memref<1x16x1024xf32, #tpu.memory_space<vmem>>
    %dma_start3A_2024 = tpu.memref_squeeze %dma_start3A_2023 : memref<1x16x1024xf32, #tpu.memory_space<vmem>> -> memref<16x1024xf32, #tpu.memory_space<vmem>>
    %dma_start3A_2025 = arith.constant 0 : i32
    %dma_start3A_2026 = arith.constant 0 : i32
    %dma_start3A_2027 = tpu.memref_slice %arg5[%dma_start3A_2020, %add3A_2018, %dma_start3A_2025, %dma_start3A_2026] : memref<4x256x16x1024xf32, #tpu.memory_space<hbm>> -> memref<1x1x16x1024xf32, #tpu.memory_space<hbm>>
    %dma_start3A_2028 = tpu.memref_squeeze %dma_start3A_2027 : memref<1x1x16x1024xf32, #tpu.memory_space<hbm>> -> memref<16x1024xf32, #tpu.memory_space<hbm>>
    %dma_start3A_2029 = arith.constant 0 : i32
    %dma_start3A_2030 = arith.constant 0 : i32
    %dma_start3A_2031 = tpu.memref_slice %arg5[%dma_start3A_2020, %add3A_2018, %dma_start3A_2029, %dma_start3A_2030] : memref<4x256x16x1024xf32, #tpu.memory_space<hbm>> -> memref<1x1x16x1024xf32, #tpu.memory_space<hbm>>
    %dma_start3A_2032 = tpu.memref_squeeze %dma_start3A_2031 : memref<1x1x16x1024xf32, #tpu.memory_space<hbm>> -> memref<16x1024xf32, #tpu.memory_space<hbm>>
    %dma_start3A_2033 = arith.constant 0 : i32
    %dma_start3A_2034 = arith.constant 0 : i32
    %dma_start3A_2035 = tpu.memref_slice %arg8[%dma_start3A_2019, %dma_start3A_2033, %dma_start3A_2034] : memref<2x16x1024xf32, #tpu.memory_space<vmem>> -> memref<1x16x1024xf32, #tpu.memory_space<vmem>>
    %dma_start3A_2036 = tpu.memref_squeeze %dma_start3A_2035 : memref<1x16x1024xf32, #tpu.memory_space<vmem>> -> memref<16x1024xf32, #tpu.memory_space<vmem>>
    tpu.enqueue_dma source(%dma_start3A_2036 : memref<16x1024xf32, #tpu.memory_space<vmem>>) target(%dma_start3A_2032 : memref<16x1024xf32, #tpu.memory_space<hbm>>) target_semaphore(%arg12 : memref<!tpu.dma_semaphore, #tpu.memory_space<semaphore_mem>>)
    %add3A_2037 = arith.constant 7 : i32
    %add3A_2038 = arith.addi %mul3A_2, %add3A_2037 : i32
    %dma_start3A_2039 = arith.constant 0 : i32
    %dma_start3A_2040 = arith.constant 0 : i32
    %dma_start3A_2041 = arith.constant 0 : i32
    %dma_start3A_2042 = arith.constant 0 : i32
    %dma_start3A_2043 = tpu.memref_slice %arg8[%dma_start3A_2040, %dma_start3A_2041, %dma_start3A_2042] : memref<2x16x1024xf32, #tpu.memory_space<vmem>> -> memref<1x16x1024xf32, #tpu.memory_space<vmem>>
    %dma_start3A_2044 = tpu.memref_squeeze %dma_start3A_2043 : memref<1x16x1024xf32, #tpu.memory_space<vmem>> -> memref<16x1024xf32, #tpu.memory_space<vmem>>
    %dma_start3A_2045 = arith.constant 0 : i32
    %dma_start3A_2046 = arith.constant 0 : i32
    %dma_start3A_2047 = tpu.memref_slice %arg2[%dma_start3A_2039, %add3A_2038, %dma_start3A_2045, %dma_start3A_2046] : memref<4x256x16x1024xf32, #tpu.memory_space<hbm>> -> memref<1x1x16x1024xf32, #tpu.memory_space<hbm>>
    %dma_start3A_2048 = tpu.memref_squeeze %dma_start3A_2047 : memref<1x1x16x1024xf32, #tpu.memory_space<hbm>> -> memref<16x1024xf32, #tpu.memory_space<hbm>>
    %dma_start3A_2049 = arith.constant 0 : i32
    %dma_start3A_2050 = arith.constant 0 : i32
    %dma_start3A_2051 = tpu.memref_slice %arg8[%dma_start3A_2040, %dma_start3A_2049, %dma_start3A_2050] : memref<2x16x1024xf32, #tpu.memory_space<vmem>> -> memref<1x16x1024xf32, #tpu.memory_space<vmem>>
    %dma_start3A_2052 = tpu.memref_squeeze %dma_start3A_2051 : memref<1x16x1024xf32, #tpu.memory_space<vmem>> -> memref<16x1024xf32, #tpu.memory_space<vmem>>
    %dma_start3A_2053 = arith.constant 0 : i32
    %dma_start3A_2054 = arith.constant 0 : i32
    %dma_start3A_2055 = tpu.memref_slice %arg2[%dma_start3A_2039, %add3A_2038, %dma_start3A_2053, %dma_start3A_2054] : memref<4x256x16x1024xf32, #tpu.memory_space<hbm>> -> memref<1x1x16x1024xf32, #tpu.memory_space<hbm>>
    %dma_start3A_2056 = tpu.memref_squeeze %dma_start3A_2055 : memref<1x1x16x1024xf32, #tpu.memory_space<hbm>> -> memref<16x1024xf32, #tpu.memory_space<hbm>>
    tpu.enqueue_dma source(%dma_start3A_2056 : memref<16x1024xf32, #tpu.memory_space<hbm>>) target(%dma_start3A_2052 : memref<16x1024xf32, #tpu.memory_space<vmem>>) target_semaphore(%arg10 : memref<!tpu.dma_semaphore, #tpu.memory_space<semaphore_mem>>)
    %dma_wait3A_2057 = arith.constant 3 : i32
    %dma_wait3A_2058 = arith.constant 1 : i32
    %dma_wait3A_2059 = arith.constant 0 : i32
    %dma_wait3A_2060 = arith.constant 0 : i32
    %dma_wait3A_2061 = tpu.memref_slice %arg8[%dma_wait3A_2058, %dma_wait3A_2059, %dma_wait3A_2060] : memref<2x16x1024xf32, #tpu.memory_space<vmem>> -> memref<1x16x1024xf32, #tpu.memory_space<vmem>>
    %dma_wait3A_2062 = tpu.memref_squeeze %dma_wait3A_2061 : memref<1x16x1024xf32, #tpu.memory_space<vmem>> -> memref<16x1024xf32, #tpu.memory_space<vmem>>
    %dma_wait3A_2063 = arith.constant 0 : i32
    %dma_wait3A_2064 = arith.constant 0 : i32
    %dma_wait3A_2065 = tpu.memref_slice %arg2[%dma_wait3A_2057, %add3A_1962, %dma_wait3A_2063, %dma_wait3A_2064] : memref<4x256x16x1024xf32, #tpu.memory_space<hbm>> -> memref<1x1x16x1024xf32, #tpu.memory_space<hbm>>
    %dma_wait3A_2066 = tpu.memref_squeeze %dma_wait3A_2065 : memref<1x1x16x1024xf32, #tpu.memory_space<hbm>> -> memref<16x1024xf32, #tpu.memory_space<hbm>>
    %dma_wait3A_2067 = arith.constant 0 : i32
    %dma_wait3A_2068 = arith.constant 0 : i32
    %dma_wait3A_2069 = tpu.memref_slice %arg8[%dma_wait3A_2058, %dma_wait3A_2067, %dma_wait3A_2068] : memref<2x16x1024xf32, #tpu.memory_space<vmem>> -> memref<1x16x1024xf32, #tpu.memory_space<vmem>>
    %dma_wait3A_2070 = tpu.memref_squeeze %dma_wait3A_2069 : memref<1x16x1024xf32, #tpu.memory_space<vmem>> -> memref<16x1024xf32, #tpu.memory_space<vmem>>
    %dma_wait3A_2071 = arith.constant 0 : i32
    %dma_wait3A_2072 = arith.constant 0 : i32
    %dma_wait3A_2073 = tpu.memref_slice %arg2[%dma_wait3A_2057, %add3A_1962, %dma_wait3A_2071, %dma_wait3A_2072] : memref<4x256x16x1024xf32, #tpu.memory_space<hbm>> -> memref<1x1x16x1024xf32, #tpu.memory_space<hbm>>
    %dma_wait3A_2074 = tpu.memref_squeeze %dma_wait3A_2073 : memref<1x1x16x1024xf32, #tpu.memory_space<hbm>> -> memref<16x1024xf32, #tpu.memory_space<hbm>>
    tpu.wait_dma2 semaphore(%arg11 : memref<!tpu.dma_semaphore, #tpu.memory_space<semaphore_mem>>) src(%dma_wait3A_2074 : memref<16x1024xf32, #tpu.memory_space<hbm>>) dst(%dma_wait3A_2070 : memref<16x1024xf32, #tpu.memory_space<vmem>>)
    %dma_wait3A_2075 = arith.constant 1 : i32
    %dma_wait3A_2076 = arith.constant 1 : i32
    %dma_wait3A_2077 = arith.constant 0 : i32
    %dma_wait3A_2078 = arith.constant 0 : i32
    %dma_wait3A_2079 = tpu.memref_slice %arg8[%dma_wait3A_2075, %dma_wait3A_2077, %dma_wait3A_2078] : memref<2x16x1024xf32, #tpu.memory_space<vmem>> -> memref<1x16x1024xf32, #tpu.memory_space<vmem>>
    %dma_wait3A_2080 = tpu.memref_squeeze %dma_wait3A_2079 : memref<1x16x1024xf32, #tpu.memory_space<vmem>> -> memref<16x1024xf32, #tpu.memory_space<vmem>>
    %dma_wait3A_2081 = arith.constant 0 : i32
    %dma_wait3A_2082 = arith.constant 0 : i32
    %dma_wait3A_2083 = tpu.memref_slice %arg5[%dma_wait3A_2076, %add3A_1942, %dma_wait3A_2081, %dma_wait3A_2082] : memref<4x256x16x1024xf32, #tpu.memory_space<hbm>> -> memref<1x1x16x1024xf32, #tpu.memory_space<hbm>>
    %dma_wait3A_2084 = tpu.memref_squeeze %dma_wait3A_2083 : memref<1x1x16x1024xf32, #tpu.memory_space<hbm>> -> memref<16x1024xf32, #tpu.memory_space<hbm>>
    %dma_wait3A_2085 = arith.constant 0 : i32
    %dma_wait3A_2086 = arith.constant 0 : i32
    %dma_wait3A_2087 = tpu.memref_slice %arg5[%dma_wait3A_2076, %add3A_1942, %dma_wait3A_2085, %dma_wait3A_2086] : memref<4x256x16x1024xf32, #tpu.memory_space<hbm>> -> memref<1x1x16x1024xf32, #tpu.memory_space<hbm>>
    %dma_wait3A_2088 = tpu.memref_squeeze %dma_wait3A_2087 : memref<1x1x16x1024xf32, #tpu.memory_space<hbm>> -> memref<16x1024xf32, #tpu.memory_space<hbm>>
    %dma_wait3A_2089 = arith.constant 0 : i32
    %dma_wait3A_2090 = arith.constant 0 : i32
    %dma_wait3A_2091 = tpu.memref_slice %arg8[%dma_wait3A_2075, %dma_wait3A_2089, %dma_wait3A_2090] : memref<2x16x1024xf32, #tpu.memory_space<vmem>> -> memref<1x16x1024xf32, #tpu.memory_space<vmem>>
    %dma_wait3A_2092 = tpu.memref_squeeze %dma_wait3A_2091 : memref<1x16x1024xf32, #tpu.memory_space<vmem>> -> memref<16x1024xf32, #tpu.memory_space<vmem>>
    tpu.wait_dma2 semaphore(%arg13 : memref<!tpu.dma_semaphore, #tpu.memory_space<semaphore_mem>>) src(%dma_wait3A_2092 : memref<16x1024xf32, #tpu.memory_space<vmem>>) dst(%dma_wait3A_2088 : memref<16x1024xf32, #tpu.memory_space<hbm>>)
    %add3A_2093 = arith.constant 6 : i32
    %add3A_2094 = arith.addi %mul3A_2, %add3A_2093 : i32
    %dma_start3A_2095 = arith.constant 1 : i32
    %dma_start3A_2096 = arith.constant 3 : i32
    %dma_start3A_2097 = arith.constant 0 : i32
    %dma_start3A_2098 = arith.constant 0 : i32
    %dma_start3A_2099 = tpu.memref_slice %arg8[%dma_start3A_2095, %dma_start3A_2097, %dma_start3A_2098] : memref<2x16x1024xf32, #tpu.memory_space<vmem>> -> memref<1x16x1024xf32, #tpu.memory_space<vmem>>
    %dma_start3A_2100 = tpu.memref_squeeze %dma_start3A_2099 : memref<1x16x1024xf32, #tpu.memory_space<vmem>> -> memref<16x1024xf32, #tpu.memory_space<vmem>>
    %dma_start3A_2101 = arith.constant 0 : i32
    %dma_start3A_2102 = arith.constant 0 : i32
    %dma_start3A_2103 = tpu.memref_slice %arg5[%dma_start3A_2096, %add3A_2094, %dma_start3A_2101, %dma_start3A_2102] : memref<4x256x16x1024xf32, #tpu.memory_space<hbm>> -> memref<1x1x16x1024xf32, #tpu.memory_space<hbm>>
    %dma_start3A_2104 = tpu.memref_squeeze %dma_start3A_2103 : memref<1x1x16x1024xf32, #tpu.memory_space<hbm>> -> memref<16x1024xf32, #tpu.memory_space<hbm>>
    %dma_start3A_2105 = arith.constant 0 : i32
    %dma_start3A_2106 = arith.constant 0 : i32
    %dma_start3A_2107 = tpu.memref_slice %arg5[%dma_start3A_2096, %add3A_2094, %dma_start3A_2105, %dma_start3A_2106] : memref<4x256x16x1024xf32, #tpu.memory_space<hbm>> -> memref<1x1x16x1024xf32, #tpu.memory_space<hbm>>
    %dma_start3A_2108 = tpu.memref_squeeze %dma_start3A_2107 : memref<1x1x16x1024xf32, #tpu.memory_space<hbm>> -> memref<16x1024xf32, #tpu.memory_space<hbm>>
    %dma_start3A_2109 = arith.constant 0 : i32
    %dma_start3A_2110 = arith.constant 0 : i32
    %dma_start3A_2111 = tpu.memref_slice %arg8[%dma_start3A_2095, %dma_start3A_2109, %dma_start3A_2110] : memref<2x16x1024xf32, #tpu.memory_space<vmem>> -> memref<1x16x1024xf32, #tpu.memory_space<vmem>>
    %dma_start3A_2112 = tpu.memref_squeeze %dma_start3A_2111 : memref<1x16x1024xf32, #tpu.memory_space<vmem>> -> memref<16x1024xf32, #tpu.memory_space<vmem>>
    tpu.enqueue_dma source(%dma_start3A_2112 : memref<16x1024xf32, #tpu.memory_space<vmem>>) target(%dma_start3A_2108 : memref<16x1024xf32, #tpu.memory_space<hbm>>) target_semaphore(%arg13 : memref<!tpu.dma_semaphore, #tpu.memory_space<semaphore_mem>>)
    %add3A_2113 = arith.constant 7 : i32
    %add3A_2114 = arith.addi %mul3A_2, %add3A_2113 : i32
    %dma_start3A_2115 = arith.constant 1 : i32
    %dma_start3A_2116 = arith.constant 1 : i32
    %dma_start3A_2117 = arith.constant 0 : i32
    %dma_start3A_2118 = arith.constant 0 : i32
    %dma_start3A_2119 = tpu.memref_slice %arg8[%dma_start3A_2116, %dma_start3A_2117, %dma_start3A_2118] : memref<2x16x1024xf32, #tpu.memory_space<vmem>> -> memref<1x16x1024xf32, #tpu.memory_space<vmem>>
    %dma_start3A_2120 = tpu.memref_squeeze %dma_start3A_2119 : memref<1x16x1024xf32, #tpu.memory_space<vmem>> -> memref<16x1024xf32, #tpu.memory_space<vmem>>
    %dma_start3A_2121 = arith.constant 0 : i32
    %dma_start3A_2122 = arith.constant 0 : i32
    %dma_start3A_2123 = tpu.memref_slice %arg2[%dma_start3A_2115, %add3A_2114, %dma_start3A_2121, %dma_start3A_2122] : memref<4x256x16x1024xf32, #tpu.memory_space<hbm>> -> memref<1x1x16x1024xf32, #tpu.memory_space<hbm>>
    %dma_start3A_2124 = tpu.memref_squeeze %dma_start3A_2123 : memref<1x1x16x1024xf32, #tpu.memory_space<hbm>> -> memref<16x1024xf32, #tpu.memory_space<hbm>>
    %dma_start3A_2125 = arith.constant 0 : i32
    %dma_start3A_2126 = arith.constant 0 : i32
    %dma_start3A_2127 = tpu.memref_slice %arg8[%dma_start3A_2116, %dma_start3A_2125, %dma_start3A_2126] : memref<2x16x1024xf32, #tpu.memory_space<vmem>> -> memref<1x16x1024xf32, #tpu.memory_space<vmem>>
    %dma_start3A_2128 = tpu.memref_squeeze %dma_start3A_2127 : memref<1x16x1024xf32, #tpu.memory_space<vmem>> -> memref<16x1024xf32, #tpu.memory_space<vmem>>
    %dma_start3A_2129 = arith.constant 0 : i32
    %dma_start3A_2130 = arith.constant 0 : i32
    %dma_start3A_2131 = tpu.memref_slice %arg2[%dma_start3A_2115, %add3A_2114, %dma_start3A_2129, %dma_start3A_2130] : memref<4x256x16x1024xf32, #tpu.memory_space<hbm>> -> memref<1x1x16x1024xf32, #tpu.memory_space<hbm>>
    %dma_start3A_2132 = tpu.memref_squeeze %dma_start3A_2131 : memref<1x1x16x1024xf32, #tpu.memory_space<hbm>> -> memref<16x1024xf32, #tpu.memory_space<hbm>>
    tpu.enqueue_dma source(%dma_start3A_2132 : memref<16x1024xf32, #tpu.memory_space<hbm>>) target(%dma_start3A_2128 : memref<16x1024xf32, #tpu.memory_space<vmem>>) target_semaphore(%arg11 : memref<!tpu.dma_semaphore, #tpu.memory_space<semaphore_mem>>)
    %dma_wait3A_2133 = arith.constant 0 : i32
    %dma_wait3A_2134 = arith.constant 0 : i32
    %dma_wait3A_2135 = arith.constant 0 : i32
    %dma_wait3A_2136 = arith.constant 0 : i32
    %dma_wait3A_2137 = tpu.memref_slice %arg8[%dma_wait3A_2134, %dma_wait3A_2135, %dma_wait3A_2136] : memref<2x16x1024xf32, #tpu.memory_space<vmem>> -> memref<1x16x1024xf32, #tpu.memory_space<vmem>>
    %dma_wait3A_2138 = tpu.memref_squeeze %dma_wait3A_2137 : memref<1x16x1024xf32, #tpu.memory_space<vmem>> -> memref<16x1024xf32, #tpu.memory_space<vmem>>
    %dma_wait3A_2139 = arith.constant 0 : i32
    %dma_wait3A_2140 = arith.constant 0 : i32
    %dma_wait3A_2141 = tpu.memref_slice %arg2[%dma_wait3A_2133, %add3A_2038, %dma_wait3A_2139, %dma_wait3A_2140] : memref<4x256x16x1024xf32, #tpu.memory_space<hbm>> -> memref<1x1x16x1024xf32, #tpu.memory_space<hbm>>
    %dma_wait3A_2142 = tpu.memref_squeeze %dma_wait3A_2141 : memref<1x1x16x1024xf32, #tpu.memory_space<hbm>> -> memref<16x1024xf32, #tpu.memory_space<hbm>>
    %dma_wait3A_2143 = arith.constant 0 : i32
    %dma_wait3A_2144 = arith.constant 0 : i32
    %dma_wait3A_2145 = tpu.memref_slice %arg8[%dma_wait3A_2134, %dma_wait3A_2143, %dma_wait3A_2144] : memref<2x16x1024xf32, #tpu.memory_space<vmem>> -> memref<1x16x1024xf32, #tpu.memory_space<vmem>>
    %dma_wait3A_2146 = tpu.memref_squeeze %dma_wait3A_2145 : memref<1x16x1024xf32, #tpu.memory_space<vmem>> -> memref<16x1024xf32, #tpu.memory_space<vmem>>
    %dma_wait3A_2147 = arith.constant 0 : i32
    %dma_wait3A_2148 = arith.constant 0 : i32
    %dma_wait3A_2149 = tpu.memref_slice %arg2[%dma_wait3A_2133, %add3A_2038, %dma_wait3A_2147, %dma_wait3A_2148] : memref<4x256x16x1024xf32, #tpu.memory_space<hbm>> -> memref<1x1x16x1024xf32, #tpu.memory_space<hbm>>
    %dma_wait3A_2150 = tpu.memref_squeeze %dma_wait3A_2149 : memref<1x1x16x1024xf32, #tpu.memory_space<hbm>> -> memref<16x1024xf32, #tpu.memory_space<hbm>>
    tpu.wait_dma2 semaphore(%arg10 : memref<!tpu.dma_semaphore, #tpu.memory_space<semaphore_mem>>) src(%dma_wait3A_2150 : memref<16x1024xf32, #tpu.memory_space<hbm>>) dst(%dma_wait3A_2146 : memref<16x1024xf32, #tpu.memory_space<vmem>>)
    %dma_wait3A_2151 = arith.constant 0 : i32
    %dma_wait3A_2152 = arith.constant 2 : i32
    %dma_wait3A_2153 = arith.constant 0 : i32
    %dma_wait3A_2154 = arith.constant 0 : i32
    %dma_wait3A_2155 = tpu.memref_slice %arg8[%dma_wait3A_2151, %dma_wait3A_2153, %dma_wait3A_2154] : memref<2x16x1024xf32, #tpu.memory_space<vmem>> -> memref<1x16x1024xf32, #tpu.memory_space<vmem>>
    %dma_wait3A_2156 = tpu.memref_squeeze %dma_wait3A_2155 : memref<1x16x1024xf32, #tpu.memory_space<vmem>> -> memref<16x1024xf32, #tpu.memory_space<vmem>>
    %dma_wait3A_2157 = arith.constant 0 : i32
    %dma_wait3A_2158 = arith.constant 0 : i32
    %dma_wait3A_2159 = tpu.memref_slice %arg5[%dma_wait3A_2152, %add3A_2018, %dma_wait3A_2157, %dma_wait3A_2158] : memref<4x256x16x1024xf32, #tpu.memory_space<hbm>> -> memref<1x1x16x1024xf32, #tpu.memory_space<hbm>>
    %dma_wait3A_2160 = tpu.memref_squeeze %dma_wait3A_2159 : memref<1x1x16x1024xf32, #tpu.memory_space<hbm>> -> memref<16x1024xf32, #tpu.memory_space<hbm>>
    %dma_wait3A_2161 = arith.constant 0 : i32
    %dma_wait3A_2162 = arith.constant 0 : i32
    %dma_wait3A_2163 = tpu.memref_slice %arg5[%dma_wait3A_2152, %add3A_2018, %dma_wait3A_2161, %dma_wait3A_2162] : memref<4x256x16x1024xf32, #tpu.memory_space<hbm>> -> memref<1x1x16x1024xf32, #tpu.memory_space<hbm>>
    %dma_wait3A_2164 = tpu.memref_squeeze %dma_wait3A_2163 : memref<1x1x16x1024xf32, #tpu.memory_space<hbm>> -> memref<16x1024xf32, #tpu.memory_space<hbm>>
    %dma_wait3A_2165 = arith.constant 0 : i32
    %dma_wait3A_2166 = arith.constant 0 : i32
    %dma_wait3A_2167 = tpu.memref_slice %arg8[%dma_wait3A_2151, %dma_wait3A_2165, %dma_wait3A_2166] : memref<2x16x1024xf32, #tpu.memory_space<vmem>> -> memref<1x16x1024xf32, #tpu.memory_space<vmem>>
    %dma_wait3A_2168 = tpu.memref_squeeze %dma_wait3A_2167 : memref<1x16x1024xf32, #tpu.memory_space<vmem>> -> memref<16x1024xf32, #tpu.memory_space<vmem>>
    tpu.wait_dma2 semaphore(%arg12 : memref<!tpu.dma_semaphore, #tpu.memory_space<semaphore_mem>>) src(%dma_wait3A_2168 : memref<16x1024xf32, #tpu.memory_space<vmem>>) dst(%dma_wait3A_2164 : memref<16x1024xf32, #tpu.memory_space<hbm>>)
    %add3A_2169 = arith.constant 7 : i32
    %add3A_2170 = arith.addi %mul3A_2, %add3A_2169 : i32
    %dma_start3A_2171 = arith.constant 0 : i32
    %dma_start3A_2172 = arith.constant 0 : i32
    %dma_start3A_2173 = arith.constant 0 : i32
    %dma_start3A_2174 = arith.constant 0 : i32
    %dma_start3A_2175 = tpu.memref_slice %arg8[%dma_start3A_2171, %dma_start3A_2173, %dma_start3A_2174] : memref<2x16x1024xf32, #tpu.memory_space<vmem>> -> memref<1x16x1024xf32, #tpu.memory_space<vmem>>
    %dma_start3A_2176 = tpu.memref_squeeze %dma_start3A_2175 : memref<1x16x1024xf32, #tpu.memory_space<vmem>> -> memref<16x1024xf32, #tpu.memory_space<vmem>>
    %dma_start3A_2177 = arith.constant 0 : i32
    %dma_start3A_2178 = arith.constant 0 : i32
    %dma_start3A_2179 = tpu.memref_slice %arg5[%dma_start3A_2172, %add3A_2170, %dma_start3A_2177, %dma_start3A_2178] : memref<4x256x16x1024xf32, #tpu.memory_space<hbm>> -> memref<1x1x16x1024xf32, #tpu.memory_space<hbm>>
    %dma_start3A_2180 = tpu.memref_squeeze %dma_start3A_2179 : memref<1x1x16x1024xf32, #tpu.memory_space<hbm>> -> memref<16x1024xf32, #tpu.memory_space<hbm>>
    %dma_start3A_2181 = arith.constant 0 : i32
    %dma_start3A_2182 = arith.constant 0 : i32
    %dma_start3A_2183 = tpu.memref_slice %arg5[%dma_start3A_2172, %add3A_2170, %dma_start3A_2181, %dma_start3A_2182] : memref<4x256x16x1024xf32, #tpu.memory_space<hbm>> -> memref<1x1x16x1024xf32, #tpu.memory_space<hbm>>
    %dma_start3A_2184 = tpu.memref_squeeze %dma_start3A_2183 : memref<1x1x16x1024xf32, #tpu.memory_space<hbm>> -> memref<16x1024xf32, #tpu.memory_space<hbm>>
    %dma_start3A_2185 = arith.constant 0 : i32
    %dma_start3A_2186 = arith.constant 0 : i32
    %dma_start3A_2187 = tpu.memref_slice %arg8[%dma_start3A_2171, %dma_start3A_2185, %dma_start3A_2186] : memref<2x16x1024xf32, #tpu.memory_space<vmem>> -> memref<1x16x1024xf32, #tpu.memory_space<vmem>>
    %dma_start3A_2188 = tpu.memref_squeeze %dma_start3A_2187 : memref<1x16x1024xf32, #tpu.memory_space<vmem>> -> memref<16x1024xf32, #tpu.memory_space<vmem>>
    tpu.enqueue_dma source(%dma_start3A_2188 : memref<16x1024xf32, #tpu.memory_space<vmem>>) target(%dma_start3A_2184 : memref<16x1024xf32, #tpu.memory_space<hbm>>) target_semaphore(%arg12 : memref<!tpu.dma_semaphore, #tpu.memory_space<semaphore_mem>>)
    %add3A_2189 = arith.constant 7 : i32
    %add3A_2190 = arith.addi %mul3A_2, %add3A_2189 : i32
    %dma_start3A_2191 = arith.constant 2 : i32
    %dma_start3A_2192 = arith.constant 0 : i32
    %dma_start3A_2193 = arith.constant 0 : i32
    %dma_start3A_2194 = arith.constant 0 : i32
    %dma_start3A_2195 = tpu.memref_slice %arg8[%dma_start3A_2192, %dma_start3A_2193, %dma_start3A_2194] : memref<2x16x1024xf32, #tpu.memory_space<vmem>> -> memref<1x16x1024xf32, #tpu.memory_space<vmem>>
    %dma_start3A_2196 = tpu.memref_squeeze %dma_start3A_2195 : memref<1x16x1024xf32, #tpu.memory_space<vmem>> -> memref<16x1024xf32, #tpu.memory_space<vmem>>
    %dma_start3A_2197 = arith.constant 0 : i32
    %dma_start3A_2198 = arith.constant 0 : i32
    %dma_start3A_2199 = tpu.memref_slice %arg2[%dma_start3A_2191, %add3A_2190, %dma_start3A_2197, %dma_start3A_2198] : memref<4x256x16x1024xf32, #tpu.memory_space<hbm>> -> memref<1x1x16x1024xf32, #tpu.memory_space<hbm>>
    %dma_start3A_2200 = tpu.memref_squeeze %dma_start3A_2199 : memref<1x1x16x1024xf32, #tpu.memory_space<hbm>> -> memref<16x1024xf32, #tpu.memory_space<hbm>>
    %dma_start3A_2201 = arith.constant 0 : i32
    %dma_start3A_2202 = arith.constant 0 : i32
    %dma_start3A_2203 = tpu.memref_slice %arg8[%dma_start3A_2192, %dma_start3A_2201, %dma_start3A_2202] : memref<2x16x1024xf32, #tpu.memory_space<vmem>> -> memref<1x16x1024xf32, #tpu.memory_space<vmem>>
    %dma_start3A_2204 = tpu.memref_squeeze %dma_start3A_2203 : memref<1x16x1024xf32, #tpu.memory_space<vmem>> -> memref<16x1024xf32, #tpu.memory_space<vmem>>
    %dma_start3A_2205 = arith.constant 0 : i32
    %dma_start3A_2206 = arith.constant 0 : i32
    %dma_start3A_2207 = tpu.memref_slice %arg2[%dma_start3A_2191, %add3A_2190, %dma_start3A_2205, %dma_start3A_2206] : memref<4x256x16x1024xf32, #tpu.memory_space<hbm>> -> memref<1x1x16x1024xf32, #tpu.memory_space<hbm>>
    %dma_start3A_2208 = tpu.memref_squeeze %dma_start3A_2207 : memref<1x1x16x1024xf32, #tpu.memory_space<hbm>> -> memref<16x1024xf32, #tpu.memory_space<hbm>>
    tpu.enqueue_dma source(%dma_start3A_2208 : memref<16x1024xf32, #tpu.memory_space<hbm>>) target(%dma_start3A_2204 : memref<16x1024xf32, #tpu.memory_space<vmem>>) target_semaphore(%arg10 : memref<!tpu.dma_semaphore, #tpu.memory_space<semaphore_mem>>)
    %dma_wait3A_2209 = arith.constant 1 : i32
    %dma_wait3A_2210 = arith.constant 1 : i32
    %dma_wait3A_2211 = arith.constant 0 : i32
    %dma_wait3A_2212 = arith.constant 0 : i32
    %dma_wait3A_2213 = tpu.memref_slice %arg8[%dma_wait3A_2210, %dma_wait3A_2211, %dma_wait3A_2212] : memref<2x16x1024xf32, #tpu.memory_space<vmem>> -> memref<1x16x1024xf32, #tpu.memory_space<vmem>>
    %dma_wait3A_2214 = tpu.memref_squeeze %dma_wait3A_2213 : memref<1x16x1024xf32, #tpu.memory_space<vmem>> -> memref<16x1024xf32, #tpu.memory_space<vmem>>
    %dma_wait3A_2215 = arith.constant 0 : i32
    %dma_wait3A_2216 = arith.constant 0 : i32
    %dma_wait3A_2217 = tpu.memref_slice %arg2[%dma_wait3A_2209, %add3A_2114, %dma_wait3A_2215, %dma_wait3A_2216] : memref<4x256x16x1024xf32, #tpu.memory_space<hbm>> -> memref<1x1x16x1024xf32, #tpu.memory_space<hbm>>
    %dma_wait3A_2218 = tpu.memref_squeeze %dma_wait3A_2217 : memref<1x1x16x1024xf32, #tpu.memory_space<hbm>> -> memref<16x1024xf32, #tpu.memory_space<hbm>>
    %dma_wait3A_2219 = arith.constant 0 : i32
    %dma_wait3A_2220 = arith.constant 0 : i32
    %dma_wait3A_2221 = tpu.memref_slice %arg8[%dma_wait3A_2210, %dma_wait3A_2219, %dma_wait3A_2220] : memref<2x16x1024xf32, #tpu.memory_space<vmem>> -> memref<1x16x1024xf32, #tpu.memory_space<vmem>>
    %dma_wait3A_2222 = tpu.memref_squeeze %dma_wait3A_2221 : memref<1x16x1024xf32, #tpu.memory_space<vmem>> -> memref<16x1024xf32, #tpu.memory_space<vmem>>
    %dma_wait3A_2223 = arith.constant 0 : i32
    %dma_wait3A_2224 = arith.constant 0 : i32
    %dma_wait3A_2225 = tpu.memref_slice %arg2[%dma_wait3A_2209, %add3A_2114, %dma_wait3A_2223, %dma_wait3A_2224] : memref<4x256x16x1024xf32, #tpu.memory_space<hbm>> -> memref<1x1x16x1024xf32, #tpu.memory_space<hbm>>
    %dma_wait3A_2226 = tpu.memref_squeeze %dma_wait3A_2225 : memref<1x1x16x1024xf32, #tpu.memory_space<hbm>> -> memref<16x1024xf32, #tpu.memory_space<hbm>>
    tpu.wait_dma2 semaphore(%arg11 : memref<!tpu.dma_semaphore, #tpu.memory_space<semaphore_mem>>) src(%dma_wait3A_2226 : memref<16x1024xf32, #tpu.memory_space<hbm>>) dst(%dma_wait3A_2222 : memref<16x1024xf32, #tpu.memory_space<vmem>>)
    %dma_wait3A_2227 = arith.constant 1 : i32
    %dma_wait3A_2228 = arith.constant 3 : i32
    %dma_wait3A_2229 = arith.constant 0 : i32
    %dma_wait3A_2230 = arith.constant 0 : i32
    %dma_wait3A_2231 = tpu.memref_slice %arg8[%dma_wait3A_2227, %dma_wait3A_2229, %dma_wait3A_2230] : memref<2x16x1024xf32, #tpu.memory_space<vmem>> -> memref<1x16x1024xf32, #tpu.memory_space<vmem>>
    %dma_wait3A_2232 = tpu.memref_squeeze %dma_wait3A_2231 : memref<1x16x1024xf32, #tpu.memory_space<vmem>> -> memref<16x1024xf32, #tpu.memory_space<vmem>>
    %dma_wait3A_2233 = arith.constant 0 : i32
    %dma_wait3A_2234 = arith.constant 0 : i32
    %dma_wait3A_2235 = tpu.memref_slice %arg5[%dma_wait3A_2228, %add3A_2094, %dma_wait3A_2233, %dma_wait3A_2234] : memref<4x256x16x1024xf32, #tpu.memory_space<hbm>> -> memref<1x1x16x1024xf32, #tpu.memory_space<hbm>>
    %dma_wait3A_2236 = tpu.memref_squeeze %dma_wait3A_2235 : memref<1x1x16x1024xf32, #tpu.memory_space<hbm>> -> memref<16x1024xf32, #tpu.memory_space<hbm>>
    %dma_wait3A_2237 = arith.constant 0 : i32
    %dma_wait3A_2238 = arith.constant 0 : i32
    %dma_wait3A_2239 = tpu.memref_slice %arg5[%dma_wait3A_2228, %add3A_2094, %dma_wait3A_2237, %dma_wait3A_2238] : memref<4x256x16x1024xf32, #tpu.memory_space<hbm>> -> memref<1x1x16x1024xf32, #tpu.memory_space<hbm>>
    %dma_wait3A_2240 = tpu.memref_squeeze %dma_wait3A_2239 : memref<1x1x16x1024xf32, #tpu.memory_space<hbm>> -> memref<16x1024xf32, #tpu.memory_space<hbm>>
    %dma_wait3A_2241 = arith.constant 0 : i32
    %dma_wait3A_2242 = arith.constant 0 : i32
    %dma_wait3A_2243 = tpu.memref_slice %arg8[%dma_wait3A_2227, %dma_wait3A_2241, %dma_wait3A_2242] : memref<2x16x1024xf32, #tpu.memory_space<vmem>> -> memref<1x16x1024xf32, #tpu.memory_space<vmem>>
    %dma_wait3A_2244 = tpu.memref_squeeze %dma_wait3A_2243 : memref<1x16x1024xf32, #tpu.memory_space<vmem>> -> memref<16x1024xf32, #tpu.memory_space<vmem>>
    tpu.wait_dma2 semaphore(%arg13 : memref<!tpu.dma_semaphore, #tpu.memory_space<semaphore_mem>>) src(%dma_wait3A_2244 : memref<16x1024xf32, #tpu.memory_space<vmem>>) dst(%dma_wait3A_2240 : memref<16x1024xf32, #tpu.memory_space<hbm>>)
    %add3A_2245 = arith.constant 7 : i32
    %add3A_2246 = arith.addi %mul3A_2, %add3A_2245 : i32
    %dma_start3A_2247 = arith.constant 1 : i32
    %dma_start3A_2248 = arith.constant 1 : i32
    %dma_start3A_2249 = arith.constant 0 : i32
    %dma_start3A_2250 = arith.constant 0 : i32
    %dma_start3A_2251 = tpu.memref_slice %arg8[%dma_start3A_2247, %dma_start3A_2249, %dma_start3A_2250] : memref<2x16x1024xf32, #tpu.memory_space<vmem>> -> memref<1x16x1024xf32, #tpu.memory_space<vmem>>
    %dma_start3A_2252 = tpu.memref_squeeze %dma_start3A_2251 : memref<1x16x1024xf32, #tpu.memory_space<vmem>> -> memref<16x1024xf32, #tpu.memory_space<vmem>>
    %dma_start3A_2253 = arith.constant 0 : i32
    %dma_start3A_2254 = arith.constant 0 : i32
    %dma_start3A_2255 = tpu.memref_slice %arg5[%dma_start3A_2248, %add3A_2246, %dma_start3A_2253, %dma_start3A_2254] : memref<4x256x16x1024xf32, #tpu.memory_space<hbm>> -> memref<1x1x16x1024xf32, #tpu.memory_space<hbm>>
    %dma_start3A_2256 = tpu.memref_squeeze %dma_start3A_2255 : memref<1x1x16x1024xf32, #tpu.memory_space<hbm>> -> memref<16x1024xf32, #tpu.memory_space<hbm>>
    %dma_start3A_2257 = arith.constant 0 : i32
    %dma_start3A_2258 = arith.constant 0 : i32
    %dma_start3A_2259 = tpu.memref_slice %arg5[%dma_start3A_2248, %add3A_2246, %dma_start3A_2257, %dma_start3A_2258] : memref<4x256x16x1024xf32, #tpu.memory_space<hbm>> -> memref<1x1x16x1024xf32, #tpu.memory_space<hbm>>
    %dma_start3A_2260 = tpu.memref_squeeze %dma_start3A_2259 : memref<1x1x16x1024xf32, #tpu.memory_space<hbm>> -> memref<16x1024xf32, #tpu.memory_space<hbm>>
    %dma_start3A_2261 = arith.constant 0 : i32
    %dma_start3A_2262 = arith.constant 0 : i32
    %dma_start3A_2263 = tpu.memref_slice %arg8[%dma_start3A_2247, %dma_start3A_2261, %dma_start3A_2262] : memref<2x16x1024xf32, #tpu.memory_space<vmem>> -> memref<1x16x1024xf32, #tpu.memory_space<vmem>>
    %dma_start3A_2264 = tpu.memref_squeeze %dma_start3A_2263 : memref<1x16x1024xf32, #tpu.memory_space<vmem>> -> memref<16x1024xf32, #tpu.memory_space<vmem>>
    tpu.enqueue_dma source(%dma_start3A_2264 : memref<16x1024xf32, #tpu.memory_space<vmem>>) target(%dma_start3A_2260 : memref<16x1024xf32, #tpu.memory_space<hbm>>) target_semaphore(%arg13 : memref<!tpu.dma_semaphore, #tpu.memory_space<semaphore_mem>>)
    %add3A_2265 = arith.constant 7 : i32
    %add3A_2266 = arith.addi %mul3A_2, %add3A_2265 : i32
    %dma_start3A_2267 = arith.constant 3 : i32
    %dma_start3A_2268 = arith.constant 1 : i32
    %dma_start3A_2269 = arith.constant 0 : i32
    %dma_start3A_2270 = arith.constant 0 : i32
    %dma_start3A_2271 = tpu.memref_slice %arg8[%dma_start3A_2268, %dma_start3A_2269, %dma_start3A_2270] : memref<2x16x1024xf32, #tpu.memory_space<vmem>> -> memref<1x16x1024xf32, #tpu.memory_space<vmem>>
    %dma_start3A_2272 = tpu.memref_squeeze %dma_start3A_2271 : memref<1x16x1024xf32, #tpu.memory_space<vmem>> -> memref<16x1024xf32, #tpu.memory_space<vmem>>
    %dma_start3A_2273 = arith.constant 0 : i32
    %dma_start3A_2274 = arith.constant 0 : i32
    %dma_start3A_2275 = tpu.memref_slice %arg2[%dma_start3A_2267, %add3A_2266, %dma_start3A_2273, %dma_start3A_2274] : memref<4x256x16x1024xf32, #tpu.memory_space<hbm>> -> memref<1x1x16x1024xf32, #tpu.memory_space<hbm>>
    %dma_start3A_2276 = tpu.memref_squeeze %dma_start3A_2275 : memref<1x1x16x1024xf32, #tpu.memory_space<hbm>> -> memref<16x1024xf32, #tpu.memory_space<hbm>>
    %dma_start3A_2277 = arith.constant 0 : i32
    %dma_start3A_2278 = arith.constant 0 : i32
    %dma_start3A_2279 = tpu.memref_slice %arg8[%dma_start3A_2268, %dma_start3A_2277, %dma_start3A_2278] : memref<2x16x1024xf32, #tpu.memory_space<vmem>> -> memref<1x16x1024xf32, #tpu.memory_space<vmem>>
    %dma_start3A_2280 = tpu.memref_squeeze %dma_start3A_2279 : memref<1x16x1024xf32, #tpu.memory_space<vmem>> -> memref<16x1024xf32, #tpu.memory_space<vmem>>
    %dma_start3A_2281 = arith.constant 0 : i32
    %dma_start3A_2282 = arith.constant 0 : i32
    %dma_start3A_2283 = tpu.memref_slice %arg2[%dma_start3A_2267, %add3A_2266, %dma_start3A_2281, %dma_start3A_2282] : memref<4x256x16x1024xf32, #tpu.memory_space<hbm>> -> memref<1x1x16x1024xf32, #tpu.memory_space<hbm>>
    %dma_start3A_2284 = tpu.memref_squeeze %dma_start3A_2283 : memref<1x1x16x1024xf32, #tpu.memory_space<hbm>> -> memref<16x1024xf32, #tpu.memory_space<hbm>>
    tpu.enqueue_dma source(%dma_start3A_2284 : memref<16x1024xf32, #tpu.memory_space<hbm>>) target(%dma_start3A_2280 : memref<16x1024xf32, #tpu.memory_space<vmem>>) target_semaphore(%arg11 : memref<!tpu.dma_semaphore, #tpu.memory_space<semaphore_mem>>)
    %dma_wait3A_2285 = arith.constant 2 : i32
    %dma_wait3A_2286 = arith.constant 0 : i32
    %dma_wait3A_2287 = arith.constant 0 : i32
    %dma_wait3A_2288 = arith.constant 0 : i32
    %dma_wait3A_2289 = tpu.memref_slice %arg8[%dma_wait3A_2286, %dma_wait3A_2287, %dma_wait3A_2288] : memref<2x16x1024xf32, #tpu.memory_space<vmem>> -> memref<1x16x1024xf32, #tpu.memory_space<vmem>>
    %dma_wait3A_2290 = tpu.memref_squeeze %dma_wait3A_2289 : memref<1x16x1024xf32, #tpu.memory_space<vmem>> -> memref<16x1024xf32, #tpu.memory_space<vmem>>
    %dma_wait3A_2291 = arith.constant 0 : i32
    %dma_wait3A_2292 = arith.constant 0 : i32
    %dma_wait3A_2293 = tpu.memref_slice %arg2[%dma_wait3A_2285, %add3A_2190, %dma_wait3A_2291, %dma_wait3A_2292] : memref<4x256x16x1024xf32, #tpu.memory_space<hbm>> -> memref<1x1x16x1024xf32, #tpu.memory_space<hbm>>
    %dma_wait3A_2294 = tpu.memref_squeeze %dma_wait3A_2293 : memref<1x1x16x1024xf32, #tpu.memory_space<hbm>> -> memref<16x1024xf32, #tpu.memory_space<hbm>>
    %dma_wait3A_2295 = arith.constant 0 : i32
    %dma_wait3A_2296 = arith.constant 0 : i32
    %dma_wait3A_2297 = tpu.memref_slice %arg8[%dma_wait3A_2286, %dma_wait3A_2295, %dma_wait3A_2296] : memref<2x16x1024xf32, #tpu.memory_space<vmem>> -> memref<1x16x1024xf32, #tpu.memory_space<vmem>>
    %dma_wait3A_2298 = tpu.memref_squeeze %dma_wait3A_2297 : memref<1x16x1024xf32, #tpu.memory_space<vmem>> -> memref<16x1024xf32, #tpu.memory_space<vmem>>
    %dma_wait3A_2299 = arith.constant 0 : i32
    %dma_wait3A_2300 = arith.constant 0 : i32
    %dma_wait3A_2301 = tpu.memref_slice %arg2[%dma_wait3A_2285, %add3A_2190, %dma_wait3A_2299, %dma_wait3A_2300] : memref<4x256x16x1024xf32, #tpu.memory_space<hbm>> -> memref<1x1x16x1024xf32, #tpu.memory_space<hbm>>
    %dma_wait3A_2302 = tpu.memref_squeeze %dma_wait3A_2301 : memref<1x1x16x1024xf32, #tpu.memory_space<hbm>> -> memref<16x1024xf32, #tpu.memory_space<hbm>>
    tpu.wait_dma2 semaphore(%arg10 : memref<!tpu.dma_semaphore, #tpu.memory_space<semaphore_mem>>) src(%dma_wait3A_2302 : memref<16x1024xf32, #tpu.memory_space<hbm>>) dst(%dma_wait3A_2298 : memref<16x1024xf32, #tpu.memory_space<vmem>>)
    %dma_wait3A_2303 = arith.constant 0 : i32
    %dma_wait3A_2304 = arith.constant 0 : i32
    %dma_wait3A_2305 = arith.constant 0 : i32
    %dma_wait3A_2306 = arith.constant 0 : i32
    %dma_wait3A_2307 = tpu.memref_slice %arg8[%dma_wait3A_2303, %dma_wait3A_2305, %dma_wait3A_2306] : memref<2x16x1024xf32, #tpu.memory_space<vmem>> -> memref<1x16x1024xf32, #tpu.memory_space<vmem>>
    %dma_wait3A_2308 = tpu.memref_squeeze %dma_wait3A_2307 : memref<1x16x1024xf32, #tpu.memory_space<vmem>> -> memref<16x1024xf32, #tpu.memory_space<vmem>>
    %dma_wait3A_2309 = arith.constant 0 : i32
    %dma_wait3A_2310 = arith.constant 0 : i32
    %dma_wait3A_2311 = tpu.memref_slice %arg5[%dma_wait3A_2304, %add3A_2170, %dma_wait3A_2309, %dma_wait3A_2310] : memref<4x256x16x1024xf32, #tpu.memory_space<hbm>> -> memref<1x1x16x1024xf32, #tpu.memory_space<hbm>>
    %dma_wait3A_2312 = tpu.memref_squeeze %dma_wait3A_2311 : memref<1x1x16x1024xf32, #tpu.memory_space<hbm>> -> memref<16x1024xf32, #tpu.memory_space<hbm>>
    %dma_wait3A_2313 = arith.constant 0 : i32
    %dma_wait3A_2314 = arith.constant 0 : i32
    %dma_wait3A_2315 = tpu.memref_slice %arg5[%dma_wait3A_2304, %add3A_2170, %dma_wait3A_2313, %dma_wait3A_2314] : memref<4x256x16x1024xf32, #tpu.memory_space<hbm>> -> memref<1x1x16x1024xf32, #tpu.memory_space<hbm>>
    %dma_wait3A_2316 = tpu.memref_squeeze %dma_wait3A_2315 : memref<1x1x16x1024xf32, #tpu.memory_space<hbm>> -> memref<16x1024xf32, #tpu.memory_space<hbm>>
    %dma_wait3A_2317 = arith.constant 0 : i32
    %dma_wait3A_2318 = arith.constant 0 : i32
    %dma_wait3A_2319 = tpu.memref_slice %arg8[%dma_wait3A_2303, %dma_wait3A_2317, %dma_wait3A_2318] : memref<2x16x1024xf32, #tpu.memory_space<vmem>> -> memref<1x16x1024xf32, #tpu.memory_space<vmem>>
    %dma_wait3A_2320 = tpu.memref_squeeze %dma_wait3A_2319 : memref<1x16x1024xf32, #tpu.memory_space<vmem>> -> memref<16x1024xf32, #tpu.memory_space<vmem>>
    tpu.wait_dma2 semaphore(%arg12 : memref<!tpu.dma_semaphore, #tpu.memory_space<semaphore_mem>>) src(%dma_wait3A_2320 : memref<16x1024xf32, #tpu.memory_space<vmem>>) dst(%dma_wait3A_2316 : memref<16x1024xf32, #tpu.memory_space<hbm>>)
    %add3A_2321 = arith.constant 7 : i32
    %add3A_2322 = arith.addi %mul3A_2, %add3A_2321 : i32
    %dma_start3A_2323 = arith.constant 0 : i32
    %dma_start3A_2324 = arith.constant 2 : i32
    %dma_start3A_2325 = arith.constant 0 : i32
    %dma_start3A_2326 = arith.constant 0 : i32
    %dma_start3A_2327 = tpu.memref_slice %arg8[%dma_start3A_2323, %dma_start3A_2325, %dma_start3A_2326] : memref<2x16x1024xf32, #tpu.memory_space<vmem>> -> memref<1x16x1024xf32, #tpu.memory_space<vmem>>
    %dma_start3A_2328 = tpu.memref_squeeze %dma_start3A_2327 : memref<1x16x1024xf32, #tpu.memory_space<vmem>> -> memref<16x1024xf32, #tpu.memory_space<vmem>>
    %dma_start3A_2329 = arith.constant 0 : i32
    %dma_start3A_2330 = arith.constant 0 : i32
    %dma_start3A_2331 = tpu.memref_slice %arg5[%dma_start3A_2324, %add3A_2322, %dma_start3A_2329, %dma_start3A_2330] : memref<4x256x16x1024xf32, #tpu.memory_space<hbm>> -> memref<1x1x16x1024xf32, #tpu.memory_space<hbm>>
    %dma_start3A_2332 = tpu.memref_squeeze %dma_start3A_2331 : memref<1x1x16x1024xf32, #tpu.memory_space<hbm>> -> memref<16x1024xf32, #tpu.memory_space<hbm>>
    %dma_start3A_2333 = arith.constant 0 : i32
    %dma_start3A_2334 = arith.constant 0 : i32
    %dma_start3A_2335 = tpu.memref_slice %arg5[%dma_start3A_2324, %add3A_2322, %dma_start3A_2333, %dma_start3A_2334] : memref<4x256x16x1024xf32, #tpu.memory_space<hbm>> -> memref<1x1x16x1024xf32, #tpu.memory_space<hbm>>
    %dma_start3A_2336 = tpu.memref_squeeze %dma_start3A_2335 : memref<1x1x16x1024xf32, #tpu.memory_space<hbm>> -> memref<16x1024xf32, #tpu.memory_space<hbm>>
    %dma_start3A_2337 = arith.constant 0 : i32
    %dma_start3A_2338 = arith.constant 0 : i32
    %dma_start3A_2339 = tpu.memref_slice %arg8[%dma_start3A_2323, %dma_start3A_2337, %dma_start3A_2338] : memref<2x16x1024xf32, #tpu.memory_space<vmem>> -> memref<1x16x1024xf32, #tpu.memory_space<vmem>>
    %dma_start3A_2340 = tpu.memref_squeeze %dma_start3A_2339 : memref<1x16x1024xf32, #tpu.memory_space<vmem>> -> memref<16x1024xf32, #tpu.memory_space<vmem>>
    tpu.enqueue_dma source(%dma_start3A_2340 : memref<16x1024xf32, #tpu.memory_space<vmem>>) target(%dma_start3A_2336 : memref<16x1024xf32, #tpu.memory_space<hbm>>) target_semaphore(%arg12 : memref<!tpu.dma_semaphore, #tpu.memory_space<semaphore_mem>>)
    %dma_wait3A_2341 = arith.constant 3 : i32
    %dma_wait3A_2342 = arith.constant 1 : i32
    %dma_wait3A_2343 = arith.constant 0 : i32
    %dma_wait3A_2344 = arith.constant 0 : i32
    %dma_wait3A_2345 = tpu.memref_slice %arg8[%dma_wait3A_2342, %dma_wait3A_2343, %dma_wait3A_2344] : memref<2x16x1024xf32, #tpu.memory_space<vmem>> -> memref<1x16x1024xf32, #tpu.memory_space<vmem>>
    %dma_wait3A_2346 = tpu.memref_squeeze %dma_wait3A_2345 : memref<1x16x1024xf32, #tpu.memory_space<vmem>> -> memref<16x1024xf32, #tpu.memory_space<vmem>>
    %dma_wait3A_2347 = arith.constant 0 : i32
    %dma_wait3A_2348 = arith.constant 0 : i32
    %dma_wait3A_2349 = tpu.memref_slice %arg2[%dma_wait3A_2341, %add3A_2266, %dma_wait3A_2347, %dma_wait3A_2348] : memref<4x256x16x1024xf32, #tpu.memory_space<hbm>> -> memref<1x1x16x1024xf32, #tpu.memory_space<hbm>>
    %dma_wait3A_2350 = tpu.memref_squeeze %dma_wait3A_2349 : memref<1x1x16x1024xf32, #tpu.memory_space<hbm>> -> memref<16x1024xf32, #tpu.memory_space<hbm>>
    %dma_wait3A_2351 = arith.constant 0 : i32
    %dma_wait3A_2352 = arith.constant 0 : i32
    %dma_wait3A_2353 = tpu.memref_slice %arg8[%dma_wait3A_2342, %dma_wait3A_2351, %dma_wait3A_2352] : memref<2x16x1024xf32, #tpu.memory_space<vmem>> -> memref<1x16x1024xf32, #tpu.memory_space<vmem>>
    %dma_wait3A_2354 = tpu.memref_squeeze %dma_wait3A_2353 : memref<1x16x1024xf32, #tpu.memory_space<vmem>> -> memref<16x1024xf32, #tpu.memory_space<vmem>>
    %dma_wait3A_2355 = arith.constant 0 : i32
    %dma_wait3A_2356 = arith.constant 0 : i32
    %dma_wait3A_2357 = tpu.memref_slice %arg2[%dma_wait3A_2341, %add3A_2266, %dma_wait3A_2355, %dma_wait3A_2356] : memref<4x256x16x1024xf32, #tpu.memory_space<hbm>> -> memref<1x1x16x1024xf32, #tpu.memory_space<hbm>>
    %dma_wait3A_2358 = tpu.memref_squeeze %dma_wait3A_2357 : memref<1x1x16x1024xf32, #tpu.memory_space<hbm>> -> memref<16x1024xf32, #tpu.memory_space<hbm>>
    tpu.wait_dma2 semaphore(%arg11 : memref<!tpu.dma_semaphore, #tpu.memory_space<semaphore_mem>>) src(%dma_wait3A_2358 : memref<16x1024xf32, #tpu.memory_space<hbm>>) dst(%dma_wait3A_2354 : memref<16x1024xf32, #tpu.memory_space<vmem>>)
    %dma_wait3A_2359 = arith.constant 1 : i32
    %dma_wait3A_2360 = arith.constant 1 : i32
    %dma_wait3A_2361 = arith.constant 0 : i32
    %dma_wait3A_2362 = arith.constant 0 : i32
    %dma_wait3A_2363 = tpu.memref_slice %arg8[%dma_wait3A_2359, %dma_wait3A_2361, %dma_wait3A_2362] : memref<2x16x1024xf32, #tpu.memory_space<vmem>> -> memref<1x16x1024xf32, #tpu.memory_space<vmem>>
    %dma_wait3A_2364 = tpu.memref_squeeze %dma_wait3A_2363 : memref<1x16x1024xf32, #tpu.memory_space<vmem>> -> memref<16x1024xf32, #tpu.memory_space<vmem>>
    %dma_wait3A_2365 = arith.constant 0 : i32
    %dma_wait3A_2366 = arith.constant 0 : i32
    %dma_wait3A_2367 = tpu.memref_slice %arg5[%dma_wait3A_2360, %add3A_2246, %dma_wait3A_2365, %dma_wait3A_2366] : memref<4x256x16x1024xf32, #tpu.memory_space<hbm>> -> memref<1x1x16x1024xf32, #tpu.memory_space<hbm>>
    %dma_wait3A_2368 = tpu.memref_squeeze %dma_wait3A_2367 : memref<1x1x16x1024xf32, #tpu.memory_space<hbm>> -> memref<16x1024xf32, #tpu.memory_space<hbm>>
    %dma_wait3A_2369 = arith.constant 0 : i32
    %dma_wait3A_2370 = arith.constant 0 : i32
    %dma_wait3A_2371 = tpu.memref_slice %arg5[%dma_wait3A_2360, %add3A_2246, %dma_wait3A_2369, %dma_wait3A_2370] : memref<4x256x16x1024xf32, #tpu.memory_space<hbm>> -> memref<1x1x16x1024xf32, #tpu.memory_space<hbm>>
    %dma_wait3A_2372 = tpu.memref_squeeze %dma_wait3A_2371 : memref<1x1x16x1024xf32, #tpu.memory_space<hbm>> -> memref<16x1024xf32, #tpu.memory_space<hbm>>
    %dma_wait3A_2373 = arith.constant 0 : i32
    %dma_wait3A_2374 = arith.constant 0 : i32
    %dma_wait3A_2375 = tpu.memref_slice %arg8[%dma_wait3A_2359, %dma_wait3A_2373, %dma_wait3A_2374] : memref<2x16x1024xf32, #tpu.memory_space<vmem>> -> memref<1x16x1024xf32, #tpu.memory_space<vmem>>
    %dma_wait3A_2376 = tpu.memref_squeeze %dma_wait3A_2375 : memref<1x16x1024xf32, #tpu.memory_space<vmem>> -> memref<16x1024xf32, #tpu.memory_space<vmem>>
    tpu.wait_dma2 semaphore(%arg13 : memref<!tpu.dma_semaphore, #tpu.memory_space<semaphore_mem>>) src(%dma_wait3A_2376 : memref<16x1024xf32, #tpu.memory_space<vmem>>) dst(%dma_wait3A_2372 : memref<16x1024xf32, #tpu.memory_space<hbm>>)
    %add3A_2377 = arith.constant 7 : i32
    %add3A_2378 = arith.addi %mul3A_2, %add3A_2377 : i32
    %dma_start3A_2379 = arith.constant 1 : i32
    %dma_start3A_2380 = arith.constant 3 : i32
    %dma_start3A_2381 = arith.constant 0 : i32
    %dma_start3A_2382 = arith.constant 0 : i32
    %dma_start3A_2383 = tpu.memref_slice %arg8[%dma_start3A_2379, %dma_start3A_2381, %dma_start3A_2382] : memref<2x16x1024xf32, #tpu.memory_space<vmem>> -> memref<1x16x1024xf32, #tpu.memory_space<vmem>>
    %dma_start3A_2384 = tpu.memref_squeeze %dma_start3A_2383 : memref<1x16x1024xf32, #tpu.memory_space<vmem>> -> memref<16x1024xf32, #tpu.memory_space<vmem>>
    %dma_start3A_2385 = arith.constant 0 : i32
    %dma_start3A_2386 = arith.constant 0 : i32
    %dma_start3A_2387 = tpu.memref_slice %arg5[%dma_start3A_2380, %add3A_2378, %dma_start3A_2385, %dma_start3A_2386] : memref<4x256x16x1024xf32, #tpu.memory_space<hbm>> -> memref<1x1x16x1024xf32, #tpu.memory_space<hbm>>
    %dma_start3A_2388 = tpu.memref_squeeze %dma_start3A_2387 : memref<1x1x16x1024xf32, #tpu.memory_space<hbm>> -> memref<16x1024xf32, #tpu.memory_space<hbm>>
    %dma_start3A_2389 = arith.constant 0 : i32
    %dma_start3A_2390 = arith.constant 0 : i32
    %dma_start3A_2391 = tpu.memref_slice %arg5[%dma_start3A_2380, %add3A_2378, %dma_start3A_2389, %dma_start3A_2390] : memref<4x256x16x1024xf32, #tpu.memory_space<hbm>> -> memref<1x1x16x1024xf32, #tpu.memory_space<hbm>>
    %dma_start3A_2392 = tpu.memref_squeeze %dma_start3A_2391 : memref<1x1x16x1024xf32, #tpu.memory_space<hbm>> -> memref<16x1024xf32, #tpu.memory_space<hbm>>
    %dma_start3A_2393 = arith.constant 0 : i32
    %dma_start3A_2394 = arith.constant 0 : i32
    %dma_start3A_2395 = tpu.memref_slice %arg8[%dma_start3A_2379, %dma_start3A_2393, %dma_start3A_2394] : memref<2x16x1024xf32, #tpu.memory_space<vmem>> -> memref<1x16x1024xf32, #tpu.memory_space<vmem>>
    %dma_start3A_2396 = tpu.memref_squeeze %dma_start3A_2395 : memref<1x16x1024xf32, #tpu.memory_space<vmem>> -> memref<16x1024xf32, #tpu.memory_space<vmem>>
    tpu.enqueue_dma source(%dma_start3A_2396 : memref<16x1024xf32, #tpu.memory_space<vmem>>) target(%dma_start3A_2392 : memref<16x1024xf32, #tpu.memory_space<hbm>>) target_semaphore(%arg13 : memref<!tpu.dma_semaphore, #tpu.memory_space<semaphore_mem>>)
    %dma_wait3A_2397 = arith.constant 0 : i32
    %dma_wait3A_2398 = arith.constant 2 : i32
    %dma_wait3A_2399 = arith.constant 0 : i32
    %dma_wait3A_2400 = arith.constant 0 : i32
    %dma_wait3A_2401 = tpu.memref_slice %arg8[%dma_wait3A_2397, %dma_wait3A_2399, %dma_wait3A_2400] : memref<2x16x1024xf32, #tpu.memory_space<vmem>> -> memref<1x16x1024xf32, #tpu.memory_space<vmem>>
    %dma_wait3A_2402 = tpu.memref_squeeze %dma_wait3A_2401 : memref<1x16x1024xf32, #tpu.memory_space<vmem>> -> memref<16x1024xf32, #tpu.memory_space<vmem>>
    %dma_wait3A_2403 = arith.constant 0 : i32
    %dma_wait3A_2404 = arith.constant 0 : i32
    %dma_wait3A_2405 = tpu.memref_slice %arg5[%dma_wait3A_2398, %add3A_2322, %dma_wait3A_2403, %dma_wait3A_2404] : memref<4x256x16x1024xf32, #tpu.memory_space<hbm>> -> memref<1x1x16x1024xf32, #tpu.memory_space<hbm>>
    %dma_wait3A_2406 = tpu.memref_squeeze %dma_wait3A_2405 : memref<1x1x16x1024xf32, #tpu.memory_space<hbm>> -> memref<16x1024xf32, #tpu.memory_space<hbm>>
    %dma_wait3A_2407 = arith.constant 0 : i32
    %dma_wait3A_2408 = arith.constant 0 : i32
    %dma_wait3A_2409 = tpu.memref_slice %arg5[%dma_wait3A_2398, %add3A_2322, %dma_wait3A_2407, %dma_wait3A_2408] : memref<4x256x16x1024xf32, #tpu.memory_space<hbm>> -> memref<1x1x16x1024xf32, #tpu.memory_space<hbm>>
    %dma_wait3A_2410 = tpu.memref_squeeze %dma_wait3A_2409 : memref<1x1x16x1024xf32, #tpu.memory_space<hbm>> -> memref<16x1024xf32, #tpu.memory_space<hbm>>
    %dma_wait3A_2411 = arith.constant 0 : i32
    %dma_wait3A_2412 = arith.constant 0 : i32
    %dma_wait3A_2413 = tpu.memref_slice %arg8[%dma_wait3A_2397, %dma_wait3A_2411, %dma_wait3A_2412] : memref<2x16x1024xf32, #tpu.memory_space<vmem>> -> memref<1x16x1024xf32, #tpu.memory_space<vmem>>
    %dma_wait3A_2414 = tpu.memref_squeeze %dma_wait3A_2413 : memref<1x16x1024xf32, #tpu.memory_space<vmem>> -> memref<16x1024xf32, #tpu.memory_space<vmem>>
    tpu.wait_dma2 semaphore(%arg12 : memref<!tpu.dma_semaphore, #tpu.memory_space<semaphore_mem>>) src(%dma_wait3A_2414 : memref<16x1024xf32, #tpu.memory_space<vmem>>) dst(%dma_wait3A_2410 : memref<16x1024xf32, #tpu.memory_space<hbm>>)
    %dma_wait3A_2415 = arith.constant 1 : i32
    %dma_wait3A_2416 = arith.constant 3 : i32
    %dma_wait3A_2417 = arith.constant 0 : i32
    %dma_wait3A_2418 = arith.constant 0 : i32
    %dma_wait3A_2419 = tpu.memref_slice %arg8[%dma_wait3A_2415, %dma_wait3A_2417, %dma_wait3A_2418] : memref<2x16x1024xf32, #tpu.memory_space<vmem>> -> memref<1x16x1024xf32, #tpu.memory_space<vmem>>
    %dma_wait3A_2420 = tpu.memref_squeeze %dma_wait3A_2419 : memref<1x16x1024xf32, #tpu.memory_space<vmem>> -> memref<16x1024xf32, #tpu.memory_space<vmem>>
    %dma_wait3A_2421 = arith.constant 0 : i32
    %dma_wait3A_2422 = arith.constant 0 : i32
    %dma_wait3A_2423 = tpu.memref_slice %arg5[%dma_wait3A_2416, %add3A_2378, %dma_wait3A_2421, %dma_wait3A_2422] : memref<4x256x16x1024xf32, #tpu.memory_space<hbm>> -> memref<1x1x16x1024xf32, #tpu.memory_space<hbm>>
    %dma_wait3A_2424 = tpu.memref_squeeze %dma_wait3A_2423 : memref<1x1x16x1024xf32, #tpu.memory_space<hbm>> -> memref<16x1024xf32, #tpu.memory_space<hbm>>
    %dma_wait3A_2425 = arith.constant 0 : i32
    %dma_wait3A_2426 = arith.constant 0 : i32
    %dma_wait3A_2427 = tpu.memref_slice %arg5[%dma_wait3A_2416, %add3A_2378, %dma_wait3A_2425, %dma_wait3A_2426] : memref<4x256x16x1024xf32, #tpu.memory_space<hbm>> -> memref<1x1x16x1024xf32, #tpu.memory_space<hbm>>
    %dma_wait3A_2428 = tpu.memref_squeeze %dma_wait3A_2427 : memref<1x1x16x1024xf32, #tpu.memory_space<hbm>> -> memref<16x1024xf32, #tpu.memory_space<hbm>>
    %dma_wait3A_2429 = arith.constant 0 : i32
    %dma_wait3A_2430 = arith.constant 0 : i32
    %dma_wait3A_2431 = tpu.memref_slice %arg8[%dma_wait3A_2415, %dma_wait3A_2429, %dma_wait3A_2430] : memref<2x16x1024xf32, #tpu.memory_space<vmem>> -> memref<1x16x1024xf32, #tpu.memory_space<vmem>>
    %dma_wait3A_2432 = tpu.memref_squeeze %dma_wait3A_2431 : memref<1x16x1024xf32, #tpu.memory_space<vmem>> -> memref<16x1024xf32, #tpu.memory_space<vmem>>
    tpu.wait_dma2 semaphore(%arg13 : memref<!tpu.dma_semaphore, #tpu.memory_space<semaphore_mem>>) src(%dma_wait3A_2432 : memref<16x1024xf32, #tpu.memory_space<vmem>>) dst(%dma_wait3A_2428 : memref<16x1024xf32, #tpu.memory_space<hbm>>)
    return
  }
}

</mosaic_0001>

<sc_bundles>
// kernel: kernel.3.cloned.1.call-start
scs
__scs_entry_jumppad:
0x0: {  	(pc) =	sbr.rel $0x88, $3  }
0x1: {  	(tag) =	ssettag $0x0;
	lr =	simm.s32 $0x1  }
0x2: {  	[smem:$0x3F9E] =	sst lr;
	_ =	strace $0xD0000000  }
0x3: {  	_ = 	snop  }
0x4: {  	_ = 	snop  }
0x5: {  	_ = 	snop  }
0x6: {  	_ = 	snop  }
0x7: {  	_ = 	snop  }
__scs_overlays_trampoline_lowered:
0x8: {  	[smem:$0x3FAD] =	sst s0  }
0x9: {  	[smem:$0x3FAE] =	sst s1  }
0xa: {  	[smem:$0x3FAF] =	sst s2  }
0xb: {  	[smem:$0x3FB0] =	sst s3  }
0xc: {  	[smem:$0x3FB1] =	sst s4  }
0xd: {  	[smem:$0x3FB2] =	sst s5  }
0xe: {  	[smem:$0x3FB3] =	sst s6  }
0xf: {  	[smem:$0x3FB4] =	sst s7  }
0x10: {  	[smem:$0x3FB5] =	sst s8  }
0x11: {  	[smem:$0x3FB6] =	sst s9;
	s0 =	simm.s32 @!p0 $0x0  }
0x12: {  	s1 =	sld [smem:$0x3F9C];
	s0 =	simm.s32 @p0 $0x1  }
0x13: {  	[smem:$0x3FB7] =	sst s0;
	s0 =	simm.s32 @!p1 $0x0  }
0x14: {  	s2 =	sld [smem:$0x3F9B];
	s0 =	simm.s32 @p1 $0x1  }
0x15: {  	[smem:$0x3FB8] =	sst s0;
	s0 =	simm.s32 @!p2 $0x0  }
0x16: {  	s3 =	sld [smem:$0x3FDB];
	s0 =	simm.s32 @p2 $0x1  }
0x17: {  	s4 =	simm.s32 $0x1BF5;
	[smem:$0x3FBA] =	sst s0  }
0x18: {  	s0 =	sld [smem:$0x3F9D];
	_ =	swait.ge [sflag:s4], $0x0  }
0x19: {  	s7 =	sld [smem:$0x3F9E]  }
0x1a: {  	s8 =	sadd.s32 $0xFFFFE003, lr  }
0x1b: {  	s9 =	sadd.s32 $0xFFFFFEF7, lr;
	s5 =	simm.s32 $0xFFFFFFFF;
	p2 =	slt.u32 s8, $0xFFFFF086  }
0x1c: {  	p1 =	slt.u32 s9, $0xF7A;
	s5 =	simm.s32 @!p2 $0x0  }
0x1d: {  	s5 =	simm.s32 @p1 $0x1;
	p0 =	seq.s32 s7, s2  }
0x1e: {  	s7 =	smul.u32 @!p0 $0xF7A, s2;
	p2 =	seq.s32 @!p0 s5, $0x0  }
0x1f: {  	s9 =	smul.u32 $0xF7A, s1;
	s8 =	simm.s32 @!p0 $0x1BF5;
	p2 =	por !p2, p0  }
0x20: {  	[sflag:s8] =	ssyncset.s32 @!p0 $0xFFFFF086;
	s6 =	sadd.s32 @!p0 s3, s7;
	s7 =	simm.s32 @!p0 $0x108  }
0x21: {  	s3 =	sadd.s32 s3, s9;
	s6 =	sadd.s32 @!p0 $0x88, s6;
	s7 =	simm.s32 @p2 $0x1082  }
0x22: {  	[simem:s7], [sflag:s8] =	dma.local @!p0 [hbm:s6], $0xF7A  }
0x23: {  	s9 =	sor.u32 $0xD0000000, s2;
	s6 =	simm.s32 $0x108;
	_ =	swait.ge @!p0 [sflag:s8], $0x0  }
0x24: {  	s3 =	sadd.s32 $0x88, s3;
	s6 =	simm.s32 @!p1 $0x1082;
	[sflag:s4] =	ssyncset.s32 $0xFFFFF086  }
0x25: {  	[simem:s6], [sflag:s4] =	dma.local [hbm:s3], $0xF7A  }
0x26: {  	[smem:$0x3F9E] =	sst s1;
	(tag) =	ssettag s2;
	_ =	strace s9  }
0x27: {  	s1 =	sld [smem:$0x3FAE]  }
0x28: {  	s2 =	sld [smem:$0x3FAF]  }
0x29: {  	s4 =	sld [smem:$0x3FB1]  }
0x2a: {  	p0 =	seq.s32 s5, $0x0;
	s5 =	sld [smem:$0x3FB2]  }
0x2b: {  	s6 =	sld [smem:$0x3FB3]  }
0x2c: {  	s7 =	sld [smem:$0x3FB4]  }
0x2d: {  	s3 =	simm.s32 $0x108;
	s8 =	sld [smem:$0x3FB5]  }
0x2e: {  	s3 =	simm.s32 @!p0 $0x1082;
	s9 =	sld [smem:$0x3FB6]  }
0x2f: {  	lr =	sadd.s32 s0, s3;
	s0 =	sld [smem:$0x3FAD]  }
0x30: {  	s3 =	sld [smem:$0x3FB0]  }
0x31: {  	[smem:$0x3FB9] =	sst s10  }
0x32: {  	s10 =	sld [smem:$0x3FB7];
	_ =	sdelay $0x3  }
0x33: {  	p0 =	seq.s32 s10, $0x1;
	s10 =	sld [smem:$0x3FB9];
	_ =	sdelay $0x3  }
0x34: {  	[smem:$0x3FB9] =	sst s10  }
0x35: {  	s10 =	sld [smem:$0x3FB8];
	_ =	sdelay $0x3  }
0x36: {  	p1 =	seq.s32 s10, $0x1;
	s10 =	sld [smem:$0x3FB9];
	_ =	sdelay $0x3  }
0x37: {  	[smem:$0x3FB9] =	sst s10  }
0x38: {  	s10 =	sld [smem:$0x3FBA]  }
0x39: {  	_ = 	snop;
	(pc) =	sbr.ind lr, $3  }
0x3a: {  	_ = 	snop  }
0x3b: {  	_ = 	snop  }
0x3c: {  	p2 =	seq.s32 s10, $0x1;
	s10 =	sld [smem:$0x3FB9]  }
0x3d: {  	_ =	shalt  }
0x3e: {  	_ =	shalt  }
0x3f: {  	_ =	shalt  }
0x40: {  	_ =	shalt  }
0x41: {  	_ =	shalt  }
0x42: {  	_ =	shalt  }
0x43: {  	_ =	shalt  }
0x44: {  	_ =	shalt  }
0x45: {  	_ =	shalt  }
0x46: {  	_ =	shalt  }
0x47: {  	_ =	shalt  }
0x48: {  	_ =	shalt  }
0x49: {  	_ =	shalt  }
0x4a: {  	_ =	shalt  }
0x4b: {  	_ =	shalt  }
0x4c: {  	_ =	shalt  }
0x4d: {  	_ =	shalt  }
0x4e: {  	_ =	shalt  }
0x4f: {  	_ =	shalt  }
0x50: {  	_ =	shalt  }
0x51: {  	_ =	shalt  }
0x52: {  	_ =	shalt  }
0x53: {  	_ =	shalt  }
0x54: {  	_ =	shalt  }
0x55: {  	_ =	shalt  }
0x56: {  	_ =	shalt  }
0x57: {  	_ =	shalt  }
0x58: {  	_ =	shalt  }
0x59: {  	_ =	shalt  }
0x5a: {  	_ =	shalt  }
0x5b: {  	_ =	shalt  }
0x5c: {  	_ =	shalt  }
0x5d: {  	_ =	shalt  }
0x5e: {  	_ =	shalt  }
0x5f: {  	_ =	shalt  }
0x60: {  	_ =	shalt  }
0x61: {  	_ =	shalt  }
0x62: {  	_ =	shalt  }
0x63: {  	_ =	shalt  }
0x64: {  	_ =	shalt  }
0x65: {  	_ =	shalt  }
0x66: {  	_ =	shalt  }
0x67: {  	_ =	shalt  }
0x68: {  	_ =	shalt  }
0x69: {  	_ =	shalt  }
0x6a: {  	_ =	shalt  }
0x6b: {  	_ =	shalt  }
0x6c: {  	_ =	shalt  }
0x6d: {  	_ =	shalt  }
0x6e: {  	_ =	shalt  }
0x6f: {  	_ =	shalt  }
0x70: {  	_ =	shalt  }
0x71: {  	_ =	shalt  }
0x72: {  	_ =	shalt  }
0x73: {  	_ =	shalt  }
0x74: {  	_ =	shalt  }
0x75: {  	_ =	shalt  }
0x76: {  	_ =	shalt  }
0x77: {  	_ =	shalt  }
0x78: {  	_ =	shalt  }
0x79: {  	_ =	shalt  }
0x7a: {  	_ =	shalt  }
0x7b: {  	_ =	shalt  }
0x7c: {  	_ =	shalt  }
0x7d: {  	_ =	shalt  }
0x7e: {  	_ =	shalt  }
0x7f: {  	_ =	shalt  }
0x80: {  	_ =	shalt  }
0x81: {  	_ =	shalt  }
0x82: {  	_ =	shalt  }
0x83: {  	_ =	shalt  }
0x84: {  	_ =	shalt  }
0x85: {  	_ =	shalt  }
0x86: {  	_ =	shalt  }
0x87: {  	_ =	shalt  }
.Lfunc_end0:
.L_simem_size_0:
called_computation_lowered:
.L_overlay_start_0:
0x88: {  	s2 =	sld [smem:$0x3FD9]  }
0x89: {  	s3 =	sld [smem:$0x3FFE];
	_ =	sdelay $0x1  }
0x8a: {  	s1 =	srdreg.scid  }
0x8b: {  	s0 =	sand.u32 $0x1, s1  }
0x8c: {  	s18 =	sshll.u32 s0, $0xA;
	s2 =	sadd.s32 s3, s2  }
0x8d: {  	s2 =	sadd.s32 s2, s18  }
0x8e: {  	[smem:$0x3FC5] =	sst s2  }
0x8f: {  	_ = 	snop  }
0x90: {  	s2 =	sld [smem:$0x3FC9]  }
0x91: {  	s19 =	sld [smem:$0x3FC8]  }
0x92: {  	s4 =	sld [smem:$0x3FC7]  }
0x93: {  	s5 =	sld [smem:$0x3FD0];
	(tm) =	ssettm $0x1  }
0x94: {  	s6 =	sld [smem:$0x3FFB];
	_ =	sdelay $0x3  }
0x95: {  	_ =	strace s6  }
0x96: {  	s6 =	sld [smem:$0x3FFC];
	_ =	sdelay $0x3  }
0x97: {  	_ =	strace s6  }
0x98: {  	s6 =	sld [smem:$0x3FFD];
	_ =	sdelay $0x3  }
0x99: {  	_ =	strace s6  }
0x9a: {  	_ =	strace $0x8FFFFFFF  }
0x9b: {  	s20 =	sld [smem:$0x3FDB];
	_ =	sdelay $0x1  }
0x9c: {  	s7 =	simm.s32 $_scs_section_size  }
0x9d: {  	s8 =	simm.s32 $_size__tile_overlayer_lowered;
	s9 =	simm.s32 $_tile_overlayer_lowered  }
0x9e: {  	s23 =	simm.s32 $0x1BFF;
	s22 =	sshll.u32 s9, $0x1;
	s6 =	sadd.s32 s7, s20  }
0x9f: {  	s10 =	simm.s32 $0x0;
	s21 =	sshll.u32 s8, $0x1;
	s8 =	sadd.s32 s22, s6  }
0xa0: {  	[timem:s10], [sflag:s23] =	dma.local [hbm:s8], s21  }
0xa1: {  	_ =	swait.ge [sflag:s23], s21  }
0xa2: {  	s7 =	ssub.s32 $0x0, s21;
	[sflag:s23] =	ssyncset.done $0x0  }
0xa3: {  	[sflag:s23] =	ssyncadd.s32 s7;
	_ =	sdelay $0x1  }
0xa4: {  	s24 =	simm.s32 $0x1B8B  }
0xa5: {  	_ =	swait.ge [sflag:s24], $0x1  }
0xa6: {  	[sflag:s24] =	ssyncset.done $0x0  }
0xa7: {  	s25 =	simm.s32 $0x1B8E;
	[sflag:s24] =	ssyncadd.s32 $0xFFFFFFFF  }
0xa8: {  	s26 =	simm.s32 $execute0_lowered;
	[smem:$0x3FD2] =	sst s25  }
0xa9: {  	s7 =	sshll.u32 s26, $0x1;
	_ =	strace $0x80000046;
	[dreg:$0x1] =	wrdreg $0xFFFFFFFF  }
0xaa: {  	s28 =	simm.s32 $_size_execute0_lowered;
	s6 =	sadd.s32 s6, s7;
	[dreg:$0x0] =	wrdreg $0x0  }
0xab: {  	s7 =	sshll.u32 s28, $0x1;
	[dreg:$0x2] =	wrdreg s6  }
0xac: {  	[dreg:$0x3] =	wrdreg s7  }
0xad: {  	[dreg:$0x4] =	wrdreg $0xC0  }
0xae: {  	_ =	task [dreg:s10], $0x5FFFF  }
0xaf: {  	[dreg:$0x1] =	wrdreg $0xFFFFFFFF  }
0xb0: {  	[dreg:$0x0] =	wrdreg $0x60  }
0xb1: {  	[dreg:$0x2] =	wrdreg s2  }
0xb2: {  	[dreg:$0x3] =	wrdreg s19  }
0xb3: {  	[dreg:$0x4] =	wrdreg s4  }
0xb4: {  	[dreg:$0x5] =	wrdreg s5  }
0xb5: {  	[dreg:$0x6] =	wrdreg $0x9  }
0xb6: {  	_ =	task.clear_ibuf [dreg:s10], $0x7FFFF;
	_ =	strace $0x90000046  }
0xb7: {  	s29 =	simm.s32 $0x9;
	_ =	strace $0x80000048  }
0xb8: {  	_ =	swait.ge [sflag:s29], $0x1  }
0xb9: {  	[sflag:s29] =	ssyncadd.s32 $0xFFFFFFFF  }
0xba: {  	_ =	strace $0x90000048  }
0xbb: {  	_ =	sfence  }
0xbc: {  	s30 =	sld [smem:$0x0];
	_ =	sdelay $0x2  }
0xbd: {  	s31 =	sshll.u32 s1, $0xD;
	s1 =	sshrl.u32 s1, $0x2  }
0xbe: {  	s3 =	sand.u32 $0x4000, s31;
	s1 =	sadd.s32 s1, s30  }
0xbf: {  	s0 =	sor.u32 s3, s0;
	s1 =	sshll.u32 s1, $0x11  }
0xc0: {  	s0 =	sor.u32 s1, s0  }
0xc1: {  	s0 =	sadd.s32 $0x8F2B, s0  }
0xc2: {  	[sflag:s0] =	ssyncadd.remote.s32 $0x1  }
0xc3: {  	_ =	sfence.sel $0xFFFF  }
0xc4: {  	[dreg:$0x0] =	wrdreg $0xFFFFFFFF;
	(pc) =	sbr.abs _section_cstart, $3  }
0xc5: {  	[dreg:$0x1] =	wrdreg $0xFFFFFFFF  }
0xc6: {  	_ =	task.clear_ibuf [dreg:s10], $0x2FFFF;
	_ =	strace $0x9FFFFFFF  }
0xc7: {  	(tm) =	ssettm $0x7FFFFFFF  }
tec
execute0_lowered:
.L_overlay_start_1:
0x0: {  	(tag) =	ssettag $0x1  }
0x1: {  	s1 =	rddreg [dreg:$0x0];
	s3 =	srdreg.scid  }
0x2: {  	s0 =	rddreg [dreg:$0x1];
	s31 =	stileid.u32;
	s5 =	sand.u32 $0x1, s3  }
0x3: {  	s2 =	rddreg [dreg:$0x2];
	s4 =	sshll.u32 s31, $0x4;
	s6 =	sshll.u32 s5, $0x3  }
0x4: {  	[dreg:$0x5] =	wrdreg s2;
	s4 =	sor.u32 s6, s4  }
0x5: {  	s3 =	rddreg [dreg:$0x3];
	s2 =	simm.s32 $0x0;
	s6 =	sshll.u32 s4, $0x7  }
0x6: {  	[smem:$0x7FF] =	sst s2;
	s4 =	sshll.u32 s4, $0xB;
	s0 =	sadd.s32 s0, s6  }
0x7: {  	_ =	strace $0x80000047;
	s25 =	sadd.s32 s1, s4;
	[dreg:$0x6] =	wrdreg s0  }
0x8: {  	s26 =	sor.u32 $0x80000, s4;
	s8 =	sadd.s32 s3, s4;
	[dreg:$0x7] =	wrdreg s25  }
0x9: {  	s7 =	sadd.s32 s1, s26;
	[dreg:$0x9] =	wrdreg s8  }
0xa: {  	s11 =	sor.u32 $0x180000, s4;
	s10 =	sadd.s32 s3, s26;
	[dreg:$0x8] =	wrdreg s7  }
0xb: {  	s14 =	sor.u32 $0x800, s4;
	s12 =	sadd.s32 s1, s11;
	[dreg:$0xb] =	wrdreg s10  }
0xc: {  	s15 =	sadd.s32 s1, s14;
	[dreg:$0xc] =	wrdreg s12  }
0xd: {  	s17 =	sor.u32 $0x80800, s4;
	s16 =	sadd.s32 s3, s11;
	[dreg:$0xe] =	wrdreg s15  }
0xe: {  	s18 =	sadd.s32 s1, s17;
	[dreg:$0xf] =	wrdreg s16  }
0xf: {  	s20 =	sor.u32 $0x100800, s4;
	s19 =	sadd.s32 s3, s14;
	[dreg:$0x10] =	wrdreg s18  }
0x10: {  	s30 =	simm.s32 $0x5;
	s21 =	sadd.s32 s1, s20;
	[dreg:$0x11] =	wrdreg s19  }
0x11: {  	s23 =	sor.u32 $0x180800, s4;
	s22 =	sadd.s32 s3, s17;
	[dreg:$0x12] =	wrdreg s21  }
0x12: {  	p0 =	por $0x0, $0x0;
	s24 =	sadd.s32 s1, s23;
	[dreg:$0x13] =	wrdreg s22  }
0x13: {  	s25 =	sadd.s32 s3, s20;
	s26 =	sor.u32 $0x1000, s4;
	[dreg:$0x14] =	wrdreg s24  }
0x14: {  	s5 =	ssub.s32 $0x2, s5;
	[dreg:$0x15] =	wrdreg s25;
	s8 =	sadd.s32 s1, s26  }
0x15: {  	s7 =	sor.u32 $0x100000, s4;
	s12 =	sadd.s32 s3, s26;
	[dreg:$0x16] =	wrdreg s8  }
0x16: {  	s10 =	sor.u32 $0x81000, s4;
	s9 =	sadd.s32 s1, s7;
	[dreg:$0x19] =	wrdreg s12  }
0x17: {  	s16 =	sor.u32 $0x181000, s4;
	s13 =	sadd.s32 s3, s7;
	[dreg:$0xa] =	wrdreg s9  }
0x18: {  	s19 =	sor.u32 $0x1800, s4;
	s11 =	sadd.s32 s1, s10;
	[dreg:$0xd] =	wrdreg s13  }
0x19: {  	s22 =	sor.u32 $0x81800, s4;
	s15 =	sadd.s32 s3, s10;
	[dreg:$0x18] =	wrdreg s11  }
0x1a: {  	s25 =	sor.u32 $0x101800, s4;
	s17 =	sadd.s32 s1, s16;
	[dreg:$0x1b] =	wrdreg s15  }
0x1b: {  	s20 =	sadd.s32 s1, s19;
	s21 =	sadd.s32 s3, s16;
	[dreg:$0x1c] =	wrdreg s17  }
0x1c: {  	s24 =	sadd.s32 s3, s19;
	s26 =	sadd.s32 s1, s25;
	[dreg:$0x1e] =	wrdreg s20  }
0x1d: {  	s6 =	sadd.s32 s3, s22;
	s8 =	sor.u32 $0x181800, s4;
	[dreg:$0x1f] =	wrdreg s21  }
0x1e: {  	s10 =	sadd.s32 s3, s25;
	s7 =	simm.s32 $0x3;
	[smem:$0x7EB] =	sst s24  }
0x1f: {  	s9 =	sadd.s32 s3, s23;
	s13 =	sor.u32 $0x101000, s4;
	[smem:$0x7EC] =	sst s26  }
0x20: {  	s23 =	sadd.s32 s1, s22;
	[smem:$0x7ED] =	sst s6;
	s11 =	sor.u32 $0x2000, s4  }
0x21: {  	[smem:$0x7EF] =	sst s10;
	s17 =	sor.u32 $0x102000, s4;
	s20 =	sor.u32 $0x182000, s4  }
0x22: {  	s26 =	sor.u32 $0x82800, s4;
	s10 =	sor.u32 $0x102800, s4;
	[dreg:$0x17] =	wrdreg s9  }
0x23: {  	s6 =	simm.s32 $0xA000;
	s14 =	sadd.s32 s1, s13;
	[smem:$0x7EA] =	sst s23  }
0x24: {  	s18 =	sadd.s32 s3, s13;
	s9 =	sadd.s32 s1, s8;
	[dreg:$0x1a] =	wrdreg s14  }
0x25: {  	s12 =	sadd.s32 s1, s11;
	s13 =	sadd.s32 s3, s8;
	[dreg:$0x1d] =	wrdreg s18  }
0x26: {  	s16 =	sadd.s32 s3, s11;
	s21 =	sadd.s32 s1, s20;
	[smem:$0x7EE] =	sst s9  }
0x27: {  	s22 =	sadd.s32 s3, s17;
	s23 =	sor.u32 $0x2800, s4;
	[smem:$0x7F0] =	sst s12  }
0x28: {  	s8 =	sshrl.u32 s5, $0x1;
	s25 =	sadd.s32 s3, s20;
	[smem:$0x7F1] =	sst s13  }
0x29: {  	s11 =	sadd.s32 s1, s10;
	s28 =	sadd.s32 s3, s26;
	[smem:$0x7F3] =	sst s16  }
0x2a: {  	s14 =	sor.u32 $0x82000, s4;
	s18 =	sadd.s32 s1, s17;
	[smem:$0x7F6] =	sst s21  }
0x2b: {  	[smem:$0x7F7] =	sst s22;
	s24 =	sadd.s32 s1, s23;
	s5 =	ssub.s32 s5, s8  }
0x2c: {  	[smem:$0x7F9] =	sst s25;
	s8 =	sadd.s32 s1, s26;
	s9 =	sadd.s32 s3, s23  }
0x2d: {  	s12 =	sor.u32 $0x182800, s4;
	[smem:$0x7FC] =	sst s11;
	s25 =	sadd.s32 s3, s10  }
0x2e: {  	s13 =	sor.u32 $0x3000, s4;
	s10 =	sor.u32 $0x103800, s4;
	[smem:$0x7F4] =	sst s18  }
0x2f: {  	s16 =	sor.u32 $0x183000, s4;
	s11 =	sor.u32 $0x183800, s4;
	[smem:$0x7F8] =	sst s24  }
0x30: {  	s15 =	sadd.s32 s1, s14;
	s19 =	sadd.s32 s3, s14;
	[smem:$0x7FA] =	sst s8  }
0x31: {  	[smem:$0x7FB] =	sst s9;
	s29 =	sadd.s32 s1, s12;
	s14 =	sor.u32 $0x83000, s4  }
0x32: {  	s26 =	sadd.s32 s1, s13;
	s23 =	sadd.s32 s3, s12;
	s21 =	sadd.s32 s3, s13  }
0x33: {  	s20 =	sadd.s32 s1, s16;
	s8 =	sor.u32 $0x3800, s4;
	[smem:$0x7F2] =	sst s15  }
0x34: {  	s9 =	sor.u32 $0x83800, s4;
	s13 =	sadd.s32 s1, s10;
	[smem:$0x7F5] =	sst s19  }
0x35: {  	s24 =	sadd.s32 s1, s14;
	s15 =	sor.u32 $0x103000, s4;
	s19 =	sadd.s32 s3, s14  }
0x36: {  	s18 =	sadd.s32 s1, s8;
	s12 =	sadd.s32 s3, s8;
	s14 =	smax.u32 s5, $0x1  }
0x37: {  	s8 =	sadd.s32 s3, s9;
	s4 =	sadd.s32 s3, s10;
	p1 =	sne.s32 s14, $0x1  }
.Ltmp0:
0x38: {  	s10 =	simm.s32 $0x6000;
	s5 =	simm.s32 $0x4;
	(pc) =	sbr.rel @!p1 .LBB2_5-.Ltmp0, $4  }
0x39: {  	s22 =	sadd.s32 s1, s15;
	s17 =	sadd.s32 s3, s15;
	s15 =	sadd.s32 s3, s16  }
0x3a: {  	s16 =	sadd.s32 s1, s9;
	s9 =	sadd.s32 s1, s11;
	s0 =	sadd.s32 $0xFFFFFFFF, s14  }
0x3b: {  	s3 =	sadd.s32 s3, s11;
	s1 =	simm.s32 $0x2000;
	[smem:$0x7FD] =	sst s0  }
0x3c: {  	s14 =	simm.s32 $0x1;
	s11 =	simm.s32 $0x2;
	s0 =	rddreg [dreg:$0x6]  }
0x3d: {  	[tilespmem:s2], [sflag:$0x5] =	stream.linear.gather [hbm4b:s0+s2], $0x2000, $0x38;
	[tilespmem:$0xE000] =	vst v63  }
0x3e: {  	_ =	swait.ge [sflag:s30], $0x2000  }
0x3f: {  	[sflag:s30] =	ssyncset.done $0x0  }
0x40: {  	s31 =	rddreg [dreg:$0x5];
	[sflag:s30] =	ssyncadd.s32 $0xFFFFE000  }
0x41: {  	[tilespmem:s1], [sflag:$0x5] =	stream.linear.gather [hbm4b:s31+s2], $0x4000, $0x38;
	[tilespmem:$0xE000] =	vst v63  }
0x42: {  	_ =	swait.ge [sflag:s30], $0x4000  }
0x43: {  	[sflag:s30] =	ssyncset.done $0x0  }
0x44: {  	s1 =	rddreg [dreg:$0x7];
	[sflag:s30] =	ssyncadd.s32 $0xFFFFC000  }
0x45: {  	[tilespmem:s10], [sflag:$0x1] =	stream.linear.gather [hbm4b:s1+s2], $0x4000, $0x38;
	[tilespmem:$0xE000] =	vst v63  }
0x46: {  	s31 =	rddreg [dreg:$0x8]  }
0x47: {  	[tilespmem:s6], [sflag:$0x2] =	stream.linear.gather [hbm4b:s31+s2], $0x4000, $0x38;
	[tilespmem:$0xE000] =	vst v63  }
0x48: {  	_ =	swait.ge [sflag:s14], $0x4000  }
0x49: {  	[sflag:s14] =	ssyncset.done $0x0  }
0x4a: {  	s1 =	rddreg [dreg:$0x9];
	[sflag:s14] =	ssyncadd.s32 $0xFFFFC000  }
0x4b: {  	[hbm4b:s1+s2] =	stream.linear.scatter [tilespmem:s10], [sflag:$0x3], $0x4000, $0x38;
	[tilespmem:$0xE000] =	vst v63  }
0x4c: {  	s31 =	rddreg [dreg:$0xa]  }
0x4d: {  	[tilespmem:s10], [sflag:$0x1] =	stream.linear.gather [hbm4b:s31+s2], $0x4000, $0x38;
	[tilespmem:$0xE000] =	vst v63  }
0x4e: {  	_ =	swait.ge [sflag:s11], $0x4000  }
0x4f: {  	[sflag:s11] =	ssyncset.done $0x0  }
0x50: {  	s1 =	rddreg [dreg:$0xb];
	[sflag:s11] =	ssyncadd.s32 $0xFFFFC000  }
0x51: {  	[hbm4b:s1+s2] =	stream.linear.scatter [tilespmem:s6], [sflag:$0x4], $0x4000, $0x38;
	[tilespmem:$0xE000] =	vst v63  }
0x52: {  	s31 =	rddreg [dreg:$0xc]  }
0x53: {  	[tilespmem:s6], [sflag:$0x2] =	stream.linear.gather [hbm4b:s31+s2], $0x4000, $0x38;
	[tilespmem:$0xE000] =	vst v63  }
0x54: {  	_ =	swait.ge [sflag:s14], $0x4000  }
0x55: {  	[sflag:s14] =	ssyncset.done $0x0  }
0x56: {  	[sflag:s14] =	ssyncadd.s32 $0xFFFFC000  }
0x57: {  	_ =	swait.ge [sflag:s7], $0x4000  }
0x58: {  	[sflag:s7] =	ssyncset.done $0x0  }
0x59: {  	s1 =	rddreg [dreg:$0xd];
	[sflag:s7] =	ssyncadd.s32 $0xFFFFC000  }
0x5a: {  	[hbm4b:s1+s2] =	stream.linear.scatter [tilespmem:s10], [sflag:$0x3], $0x4000, $0x38;
	[tilespmem:$0xE000] =	vst v63  }
0x5b: {  	s31 =	rddreg [dreg:$0xe]  }
0x5c: {  	[tilespmem:s10], [sflag:$0x1] =	stream.linear.gather [hbm4b:s31+s2], $0x4000, $0x38;
	[tilespmem:$0xE000] =	vst v63  }
0x5d: {  	_ =	swait.ge [sflag:s11], $0x4000  }
0x5e: {  	[sflag:s11] =	ssyncset.done $0x0  }
0x5f: {  	[sflag:s11] =	ssyncadd.s32 $0xFFFFC000  }
0x60: {  	_ =	swait.ge [sflag:s5], $0x4000  }
0x61: {  	[sflag:s5] =	ssyncset.done $0x0  }
0x62: {  	s1 =	rddreg [dreg:$0xf];
	[sflag:s5] =	ssyncadd.s32 $0xFFFFC000  }
0x63: {  	[hbm4b:s1+s2] =	stream.linear.scatter [tilespmem:s6], [sflag:$0x4], $0x4000, $0x38;
	[tilespmem:$0xE000] =	vst v63  }
0x64: {  	s31 =	rddreg [dreg:$0x10]  }
0x65: {  	[tilespmem:s6], [sflag:$0x2] =	stream.linear.gather [hbm4b:s31+s2], $0x4000, $0x38;
	[tilespmem:$0xE000] =	vst v63  }
0x66: {  	_ =	swait.ge [sflag:s14], $0x4000  }
0x67: {  	[sflag:s14] =	ssyncset.done $0x0  }
0x68: {  	[sflag:s14] =	ssyncadd.s32 $0xFFFFC000  }
0x69: {  	_ =	swait.ge [sflag:s7], $0x4000  }
0x6a: {  	[sflag:s7] =	ssyncset.done $0x0  }
0x6b: {  	s1 =	rddreg [dreg:$0x11];
	[sflag:s7] =	ssyncadd.s32 $0xFFFFC000  }
0x6c: {  	[hbm4b:s1+s2] =	stream.linear.scatter [tilespmem:s10], [sflag:$0x3], $0x4000, $0x38;
	[tilespmem:$0xE000] =	vst v63  }
0x6d: {  	s31 =	rddreg [dreg:$0x12]  }
0x6e: {  	[tilespmem:s10], [sflag:$0x1] =	stream.linear.gather [hbm4b:s31+s2], $0x4000, $0x38;
	[tilespmem:$0xE000] =	vst v63  }
0x6f: {  	_ =	swait.ge [sflag:s11], $0x4000  }
0x70: {  	[sflag:s11] =	ssyncset.done $0x0  }
0x71: {  	[sflag:s11] =	ssyncadd.s32 $0xFFFFC000  }
0x72: {  	_ =	swait.ge [sflag:s5], $0x4000  }
0x73: {  	[sflag:s5] =	ssyncset.done $0x0  }
0x74: {  	s1 =	rddreg [dreg:$0x13];
	[sflag:s5] =	ssyncadd.s32 $0xFFFFC000  }
0x75: {  	[hbm4b:s1+s2] =	stream.linear.scatter [tilespmem:s6], [sflag:$0x4], $0x4000, $0x38;
	[tilespmem:$0xE000] =	vst v63  }
0x76: {  	s31 =	rddreg [dreg:$0x14]  }
0x77: {  	[tilespmem:s6], [sflag:$0x2] =	stream.linear.gather [hbm4b:s31+s2], $0x4000, $0x38;
	[tilespmem:$0xE000] =	vst v63  }
0x78: {  	_ =	swait.ge [sflag:s14], $0x4000  }
0x79: {  	[sflag:s14] =	ssyncset.done $0x0  }
0x7a: {  	[sflag:s14] =	ssyncadd.s32 $0xFFFFC000  }
0x7b: {  	_ =	swait.ge [sflag:s7], $0x4000  }
0x7c: {  	[sflag:s7] =	ssyncset.done $0x0  }
0x7d: {  	s1 =	rddreg [dreg:$0x15];
	[sflag:s7] =	ssyncadd.s32 $0xFFFFC000  }
0x7e: {  	[hbm4b:s1+s2] =	stream.linear.scatter [tilespmem:s10], [sflag:$0x3], $0x4000, $0x38;
	[tilespmem:$0xE000] =	vst v63  }
0x7f: {  	s31 =	rddreg [dreg:$0x16]  }
0x80: {  	[tilespmem:s10], [sflag:$0x1] =	stream.linear.gather [hbm4b:s31+s2], $0x4000, $0x38;
	[tilespmem:$0xE000] =	vst v63  }
0x81: {  	_ =	swait.ge [sflag:s11], $0x4000  }
0x82: {  	[sflag:s11] =	ssyncset.done $0x0  }
0x83: {  	[sflag:s11] =	ssyncadd.s32 $0xFFFFC000  }
0x84: {  	_ =	swait.ge [sflag:s5], $0x4000  }
0x85: {  	[sflag:s5] =	ssyncset.done $0x0  }
0x86: {  	s1 =	rddreg [dreg:$0x17];
	[sflag:s5] =	ssyncadd.s32 $0xFFFFC000  }
0x87: {  	[hbm4b:s1+s2] =	stream.linear.scatter [tilespmem:s6], [sflag:$0x4], $0x4000, $0x38;
	[tilespmem:$0xE000] =	vst v63  }
0x88: {  	s31 =	rddreg [dreg:$0x18]  }
0x89: {  	[tilespmem:s6], [sflag:$0x2] =	stream.linear.gather [hbm4b:s31+s2], $0x4000, $0x38;
	[tilespmem:$0xE000] =	vst v63  }
0x8a: {  	_ =	swait.ge [sflag:s14], $0x4000  }
0x8b: {  	[sflag:s14] =	ssyncset.done $0x0  }
0x8c: {  	[sflag:s14] =	ssyncadd.s32 $0xFFFFC000  }
0x8d: {  	_ =	swait.ge [sflag:s7], $0x4000  }
0x8e: {  	[sflag:s7] =	ssyncset.done $0x0  }
0x8f: {  	s1 =	rddreg [dreg:$0x19];
	[sflag:s7] =	ssyncadd.s32 $0xFFFFC000  }
0x90: {  	[hbm4b:s1+s2] =	stream.linear.scatter [tilespmem:s10], [sflag:$0x3], $0x4000, $0x38;
	[tilespmem:$0xE000] =	vst v63  }
0x91: {  	s31 =	rddreg [dreg:$0x1a]  }
0x92: {  	[tilespmem:s10], [sflag:$0x1] =	stream.linear.gather [hbm4b:s31+s2], $0x4000, $0x38;
	[tilespmem:$0xE000] =	vst v63  }
0x93: {  	_ =	swait.ge [sflag:s11], $0x4000  }
0x94: {  	[sflag:s11] =	ssyncset.done $0x0  }
0x95: {  	[sflag:s11] =	ssyncadd.s32 $0xFFFFC000  }
0x96: {  	_ =	swait.ge [sflag:s5], $0x4000  }
0x97: {  	[sflag:s5] =	ssyncset.done $0x0  }
0x98: {  	s1 =	rddreg [dreg:$0x1b];
	[sflag:s5] =	ssyncadd.s32 $0xFFFFC000  }
0x99: {  	[hbm4b:s1+s2] =	stream.linear.scatter [tilespmem:s6], [sflag:$0x4], $0x4000, $0x38;
	[tilespmem:$0xE000] =	vst v63  }
0x9a: {  	s31 =	rddreg [dreg:$0x1c]  }
0x9b: {  	[tilespmem:s6], [sflag:$0x2] =	stream.linear.gather [hbm4b:s31+s2], $0x4000, $0x38;
	[tilespmem:$0xE000] =	vst v63  }
0x9c: {  	_ =	swait.ge [sflag:s14], $0x4000  }
0x9d: {  	[sflag:s14] =	ssyncset.done $0x0  }
0x9e: {  	[sflag:s14] =	ssyncadd.s32 $0xFFFFC000  }
0x9f: {  	_ =	swait.ge [sflag:s7], $0x4000  }
0xa0: {  	[sflag:s7] =	ssyncset.done $0x0  }
0xa1: {  	s1 =	rddreg [dreg:$0x1d];
	[sflag:s7] =	ssyncadd.s32 $0xFFFFC000  }
0xa2: {  	[hbm4b:s1+s2] =	stream.linear.scatter [tilespmem:s10], [sflag:$0x3], $0x4000, $0x38;
	[tilespmem:$0xE000] =	vst v63  }
0xa3: {  	s31 =	rddreg [dreg:$0x1e]  }
0xa4: {  	[tilespmem:s10], [sflag:$0x1] =	stream.linear.gather [hbm4b:s31+s2], $0x4000, $0x38;
	[tilespmem:$0xE000] =	vst v63  }
0xa5: {  	_ =	swait.ge [sflag:s11], $0x4000  }
0xa6: {  	[sflag:s11] =	ssyncset.done $0x0  }
0xa7: {  	[sflag:s11] =	ssyncadd.s32 $0xFFFFC000  }
0xa8: {  	_ =	swait.ge [sflag:s5], $0x4000  }
0xa9: {  	s1 =	rddreg [dreg:$0x1f];
	[sflag:s5] =	ssyncset.done $0x0  }
0xaa: {  	s31 =	sld [smem:$0x7EA];
	[sflag:s5] =	ssyncadd.s32 $0xFFFFC000  }
0xab: {  	[hbm4b:s1+s2] =	stream.linear.scatter [tilespmem:s6], [sflag:$0x4], $0x4000, $0x38;
	[tilespmem:$0xE000] =	vst v63  }
0xac: {  	_ = 	snop  }
0xad: {  	[tilespmem:s6], [sflag:$0x2] =	stream.linear.gather [hbm4b:s31+s2], $0x4000, $0x38;
	[tilespmem:$0xE000] =	vst v63  }
0xae: {  	_ =	swait.ge [sflag:s14], $0x4000  }
0xaf: {  	[sflag:s14] =	ssyncset.done $0x0  }
0xb0: {  	[sflag:s14] =	ssyncadd.s32 $0xFFFFC000  }
0xb1: {  	_ =	swait.ge [sflag:s7], $0x4000  }
0xb2: {  	s1 =	sld [smem:$0x7EB]  }
0xb3: {  	[sflag:s7] =	ssyncset.done $0x0  }
0xb4: {  	s31 =	sld [smem:$0x7EC];
	[sflag:s7] =	ssyncadd.s32 $0xFFFFC000  }
0xb5: {  	[hbm4b:s1+s2] =	stream.linear.scatter [tilespmem:s10], [sflag:$0x3], $0x4000, $0x38;
	[tilespmem:$0xE000] =	vst v63  }
0xb6: {  	_ = 	snop  }
0xb7: {  	[tilespmem:s10], [sflag:$0x1] =	stream.linear.gather [hbm4b:s31+s2], $0x4000, $0x38;
	[tilespmem:$0xE000] =	vst v63  }
0xb8: {  	_ =	swait.ge [sflag:s11], $0x4000  }
0xb9: {  	[sflag:s11] =	ssyncset.done $0x0  }
0xba: {  	[sflag:s11] =	ssyncadd.s32 $0xFFFFC000  }
0xbb: {  	_ =	swait.ge [sflag:s5], $0x4000  }
0xbc: {  	s1 =	sld [smem:$0x7ED]  }
0xbd: {  	[sflag:s5] =	ssyncset.done $0x0  }
0xbe: {  	s31 =	sld [smem:$0x7EE];
	[sflag:s5] =	ssyncadd.s32 $0xFFFFC000  }
0xbf: {  	[hbm4b:s1+s2] =	stream.linear.scatter [tilespmem:s6], [sflag:$0x4], $0x4000, $0x38;
	[tilespmem:$0xE000] =	vst v63  }
0xc0: {  	_ = 	snop  }
0xc1: {  	[tilespmem:s6], [sflag:$0x2] =	stream.linear.gather [hbm4b:s31+s2], $0x4000, $0x38;
	[tilespmem:$0xE000] =	vst v63  }
0xc2: {  	_ =	swait.ge [sflag:s14], $0x4000  }
0xc3: {  	[sflag:s14] =	ssyncset.done $0x0  }
0xc4: {  	[sflag:s14] =	ssyncadd.s32 $0xFFFFC000  }
0xc5: {  	_ =	swait.ge [sflag:s7], $0x4000  }
0xc6: {  	s1 =	sld [smem:$0x7EF]  }
0xc7: {  	[sflag:s7] =	ssyncset.done $0x0  }
0xc8: {  	s31 =	sld [smem:$0x7F0];
	[sflag:s7] =	ssyncadd.s32 $0xFFFFC000  }
0xc9: {  	[hbm4b:s1+s2] =	stream.linear.scatter [tilespmem:s10], [sflag:$0x3], $0x4000, $0x38;
	[tilespmem:$0xE000] =	vst v63  }
0xca: {  	_ = 	snop  }
0xcb: {  	[tilespmem:s10], [sflag:$0x1] =	stream.linear.gather [hbm4b:s31+s2], $0x4000, $0x38;
	[tilespmem:$0xE000] =	vst v63  }
0xcc: {  	_ =	swait.ge [sflag:s11], $0x4000  }
0xcd: {  	[sflag:s11] =	ssyncset.done $0x0  }
0xce: {  	[sflag:s11] =	ssyncadd.s32 $0xFFFFC000  }
0xcf: {  	_ =	swait.ge [sflag:s5], $0x4000  }
0xd0: {  	s1 =	sld [smem:$0x7F1]  }
0xd1: {  	[sflag:s5] =	ssyncset.done $0x0  }
0xd2: {  	s31 =	sld [smem:$0x7F2];
	[sflag:s5] =	ssyncadd.s32 $0xFFFFC000  }
0xd3: {  	[hbm4b:s1+s2] =	stream.linear.scatter [tilespmem:s6], [sflag:$0x4], $0x4000, $0x38;
	[tilespmem:$0xE000] =	vst v63  }
0xd4: {  	_ = 	snop  }
0xd5: {  	[tilespmem:s6], [sflag:$0x2] =	stream.linear.gather [hbm4b:s31+s2], $0x4000, $0x38;
	[tilespmem:$0xE000] =	vst v63  }
0xd6: {  	_ =	swait.ge [sflag:s14], $0x4000  }
0xd7: {  	[sflag:s14] =	ssyncset.done $0x0  }
0xd8: {  	[sflag:s14] =	ssyncadd.s32 $0xFFFFC000  }
0xd9: {  	_ =	swait.ge [sflag:s7], $0x4000  }
0xda: {  	s1 =	sld [smem:$0x7F3]  }
0xdb: {  	[sflag:s7] =	ssyncset.done $0x0  }
0xdc: {  	s31 =	sld [smem:$0x7F4];
	[sflag:s7] =	ssyncadd.s32 $0xFFFFC000  }
0xdd: {  	[hbm4b:s1+s2] =	stream.linear.scatter [tilespmem:s10], [sflag:$0x3], $0x4000, $0x38;
	[tilespmem:$0xE000] =	vst v63  }
0xde: {  	_ = 	snop  }
0xdf: {  	[tilespmem:s10], [sflag:$0x1] =	stream.linear.gather [hbm4b:s31+s2], $0x4000, $0x38;
	[tilespmem:$0xE000] =	vst v63  }
0xe0: {  	_ =	swait.ge [sflag:s11], $0x4000  }
0xe1: {  	[sflag:s11] =	ssyncset.done $0x0  }
0xe2: {  	[sflag:s11] =	ssyncadd.s32 $0xFFFFC000  }
0xe3: {  	_ =	swait.ge [sflag:s5], $0x4000  }
0xe4: {  	s1 =	sld [smem:$0x7F5]  }
0xe5: {  	[sflag:s5] =	ssyncset.done $0x0  }
0xe6: {  	s31 =	sld [smem:$0x7F6];
	[sflag:s5] =	ssyncadd.s32 $0xFFFFC000  }
0xe7: {  	[hbm4b:s1+s2] =	stream.linear.scatter [tilespmem:s6], [sflag:$0x4], $0x4000, $0x38;
	[tilespmem:$0xE000] =	vst v63  }
0xe8: {  	_ = 	snop  }
0xe9: {  	[tilespmem:s6], [sflag:$0x2] =	stream.linear.gather [hbm4b:s31+s2], $0x4000, $0x38;
	[tilespmem:$0xE000] =	vst v63  }
0xea: {  	_ =	swait.ge [sflag:s14], $0x4000  }
0xeb: {  	[sflag:s14] =	ssyncset.done $0x0  }
0xec: {  	[sflag:s14] =	ssyncadd.s32 $0xFFFFC000  }
0xed: {  	_ =	swait.ge [sflag:s7], $0x4000  }
0xee: {  	s1 =	sld [smem:$0x7F7]  }
0xef: {  	[sflag:s7] =	ssyncset.done $0x0  }
0xf0: {  	s31 =	sld [smem:$0x7F8];
	[sflag:s7] =	ssyncadd.s32 $0xFFFFC000  }
0xf1: {  	[hbm4b:s1+s2] =	stream.linear.scatter [tilespmem:s10], [sflag:$0x3], $0x4000, $0x38;
	[tilespmem:$0xE000] =	vst v63  }
0xf2: {  	_ = 	snop  }
0xf3: {  	[tilespmem:s10], [sflag:$0x1] =	stream.linear.gather [hbm4b:s31+s2], $0x4000, $0x38;
	[tilespmem:$0xE000] =	vst v63  }
0xf4: {  	_ =	swait.ge [sflag:s11], $0x4000  }
0xf5: {  	[sflag:s11] =	ssyncset.done $0x0  }
0xf6: {  	[sflag:s11] =	ssyncadd.s32 $0xFFFFC000  }
0xf7: {  	_ =	swait.ge [sflag:s5], $0x4000  }
0xf8: {  	s1 =	sld [smem:$0x7F9]  }
0xf9: {  	[sflag:s5] =	ssyncset.done $0x0  }
0xfa: {  	s31 =	sld [smem:$0x7FA];
	[sflag:s5] =	ssyncadd.s32 $0xFFFFC000  }
0xfb: {  	[hbm4b:s1+s2] =	stream.linear.scatter [tilespmem:s6], [sflag:$0x4], $0x4000, $0x38;
	[tilespmem:$0xE000] =	vst v63  }
0xfc: {  	_ = 	snop  }
0xfd: {  	[tilespmem:s6], [sflag:$0x2] =	stream.linear.gather [hbm4b:s31+s2], $0x4000, $0x38;
	[tilespmem:$0xE000] =	vst v63  }
0xfe: {  	_ =	swait.ge [sflag:s14], $0x4000  }
0xff: {  	[sflag:s14] =	ssyncset.done $0x0  }
0x100: {  	[sflag:s14] =	ssyncadd.s32 $0xFFFFC000  }
0x101: {  	_ =	swait.ge [sflag:s7], $0x4000  }
0x102: {  	s1 =	sld [smem:$0x7FB]  }
0x103: {  	[sflag:s7] =	ssyncset.done $0x0  }
0x104: {  	s31 =	sld [smem:$0x7FC];
	[sflag:s7] =	ssyncadd.s32 $0xFFFFC000  }
0x105: {  	[hbm4b:s1+s2] =	stream.linear.scatter [tilespmem:s10], [sflag:$0x3], $0x4000, $0x38;
	[tilespmem:$0xE000] =	vst v63  }
0x106: {  	_ = 	snop  }
0x107: {  	[tilespmem:s10], [sflag:$0x1] =	stream.linear.gather [hbm4b:s31+s2], $0x4000, $0x38;
	[tilespmem:$0xE000] =	vst v63  }
0x108: {  	_ =	swait.ge [sflag:s11], $0x4000  }
0x109: {  	[sflag:s11] =	ssyncset.done $0x0  }
0x10a: {  	[sflag:s11] =	ssyncadd.s32 $0xFFFFC000  }
0x10b: {  	_ =	swait.ge [sflag:s5], $0x4000  }
0x10c: {  	[sflag:s5] =	ssyncset.done $0x0  }
0x10d: {  	[sflag:s5] =	ssyncadd.s32 $0xFFFFC000  }
0x10e: {  	[hbm4b:s28+s2] =	stream.linear.scatter [tilespmem:s6], [sflag:$0x4], $0x4000, $0x38;
	[tilespmem:$0xE000] =	vst v63  }
0x10f: {  	_ = 	snop  }
0x110: {  	[tilespmem:s6], [sflag:$0x2] =	stream.linear.gather [hbm4b:s29+s2], $0x4000, $0x38;
	[tilespmem:$0xE000] =	vst v63  }
0x111: {  	_ =	swait.ge [sflag:s14], $0x4000  }
0x112: {  	[sflag:s14] =	ssyncset.done $0x0  }
0x113: {  	[sflag:s14] =	ssyncadd.s32 $0xFFFFC000  }
0x114: {  	_ =	swait.ge [sflag:s7], $0x4000  }
0x115: {  	[sflag:s7] =	ssyncset.done $0x0  }
0x116: {  	[sflag:s7] =	ssyncadd.s32 $0xFFFFC000  }
0x117: {  	[hbm4b:s25+s2] =	stream.linear.scatter [tilespmem:s10], [sflag:$0x3], $0x4000, $0x38;
	[tilespmem:$0xE000] =	vst v63  }
0x118: {  	_ = 	snop  }
0x119: {  	[tilespmem:s10], [sflag:$0x1] =	stream.linear.gather [hbm4b:s26+s2], $0x4000, $0x38;
	[tilespmem:$0xE000] =	vst v63  }
0x11a: {  	_ =	swait.ge [sflag:s11], $0x4000  }
0x11b: {  	[sflag:s11] =	ssyncset.done $0x0  }
0x11c: {  	[sflag:s11] =	ssyncadd.s32 $0xFFFFC000  }
0x11d: {  	_ =	swait.ge [sflag:s5], $0x4000  }
0x11e: {  	[sflag:s5] =	ssyncset.done $0x0  }
0x11f: {  	[sflag:s5] =	ssyncadd.s32 $0xFFFFC000  }
0x120: {  	[hbm4b:s23+s2] =	stream.linear.scatter [tilespmem:s6], [sflag:$0x4], $0x4000, $0x38;
	[tilespmem:$0xE000] =	vst v63  }
0x121: {  	_ = 	snop  }
0x122: {  	[tilespmem:s6], [sflag:$0x2] =	stream.linear.gather [hbm4b:s24+s2], $0x4000, $0x38;
	[tilespmem:$0xE000] =	vst v63  }
0x123: {  	_ =	swait.ge [sflag:s14], $0x4000  }
0x124: {  	[sflag:s14] =	ssyncset.done $0x0  }
0x125: {  	[sflag:s14] =	ssyncadd.s32 $0xFFFFC000  }
0x126: {  	_ =	swait.ge [sflag:s7], $0x4000  }
0x127: {  	[sflag:s7] =	ssyncset.done $0x0  }
0x128: {  	[sflag:s7] =	ssyncadd.s32 $0xFFFFC000  }
0x129: {  	[hbm4b:s21+s2] =	stream.linear.scatter [tilespmem:s10], [sflag:$0x3], $0x4000, $0x38;
	[tilespmem:$0xE000] =	vst v63  }
0x12a: {  	_ = 	snop  }
0x12b: {  	[tilespmem:s10], [sflag:$0x1] =	stream.linear.gather [hbm4b:s22+s2], $0x4000, $0x38;
	[tilespmem:$0xE000] =	vst v63  }
0x12c: {  	_ =	swait.ge [sflag:s11], $0x4000  }
0x12d: {  	[sflag:s11] =	ssyncset.done $0x0  }
0x12e: {  	[sflag:s11] =	ssyncadd.s32 $0xFFFFC000  }
0x12f: {  	_ =	swait.ge [sflag:s5], $0x4000  }
0x130: {  	[sflag:s5] =	ssyncset.done $0x0  }
0x131: {  	[sflag:s5] =	ssyncadd.s32 $0xFFFFC000  }
0x132: {  	[hbm4b:s19+s2] =	stream.linear.scatter [tilespmem:s6], [sflag:$0x4], $0x4000, $0x38;
	[tilespmem:$0xE000] =	vst v63  }
0x133: {  	_ = 	snop  }
0x134: {  	[tilespmem:s6], [sflag:$0x2] =	stream.linear.gather [hbm4b:s20+s2], $0x4000, $0x38;
	[tilespmem:$0xE000] =	vst v63  }
0x135: {  	_ =	swait.ge [sflag:s14], $0x4000  }
0x136: {  	[sflag:s14] =	ssyncset.done $0x0  }
0x137: {  	[sflag:s14] =	ssyncadd.s32 $0xFFFFC000  }
0x138: {  	_ =	swait.ge [sflag:s7], $0x4000  }
0x139: {  	[sflag:s7] =	ssyncset.done $0x0  }
0x13a: {  	[sflag:s7] =	ssyncadd.s32 $0xFFFFC000  }
0x13b: {  	[hbm4b:s17+s2] =	stream.linear.scatter [tilespmem:s10], [sflag:$0x3], $0x4000, $0x38;
	[tilespmem:$0xE000] =	vst v63  }
0x13c: {  	_ = 	snop  }
0x13d: {  	[tilespmem:s10], [sflag:$0x1] =	stream.linear.gather [hbm4b:s18+s2], $0x4000, $0x38;
	[tilespmem:$0xE000] =	vst v63  }
0x13e: {  	_ =	swait.ge [sflag:s11], $0x4000  }
0x13f: {  	[sflag:s11] =	ssyncset.done $0x0  }
0x140: {  	[sflag:s11] =	ssyncadd.s32 $0xFFFFC000  }
0x141: {  	_ =	swait.ge [sflag:s5], $0x4000  }
0x142: {  	[sflag:s5] =	ssyncset.done $0x0  }
0x143: {  	[sflag:s5] =	ssyncadd.s32 $0xFFFFC000  }
0x144: {  	[hbm4b:s15+s2] =	stream.linear.scatter [tilespmem:s6], [sflag:$0x4], $0x4000, $0x38;
	[tilespmem:$0xE000] =	vst v63  }
0x145: {  	_ = 	snop  }
0x146: {  	[tilespmem:s6], [sflag:$0x2] =	stream.linear.gather [hbm4b:s16+s2], $0x4000, $0x38;
	[tilespmem:$0xE000] =	vst v63  }
0x147: {  	_ =	swait.ge [sflag:s14], $0x4000  }
0x148: {  	[sflag:s14] =	ssyncset.done $0x0  }
0x149: {  	[sflag:s14] =	ssyncadd.s32 $0xFFFFC000  }
0x14a: {  	_ =	swait.ge [sflag:s7], $0x4000  }
0x14b: {  	[sflag:s7] =	ssyncset.done $0x0  }
0x14c: {  	[sflag:s7] =	ssyncadd.s32 $0xFFFFC000  }
0x14d: {  	[hbm4b:s12+s2] =	stream.linear.scatter [tilespmem:s10], [sflag:$0x3], $0x4000, $0x38;
	[tilespmem:$0xE000] =	vst v63  }
0x14e: {  	_ = 	snop  }
0x14f: {  	[tilespmem:s10], [sflag:$0x1] =	stream.linear.gather [hbm4b:s13+s2], $0x4000, $0x38;
	[tilespmem:$0xE000] =	vst v63  }
0x150: {  	_ =	swait.ge [sflag:s11], $0x4000  }
0x151: {  	[sflag:s11] =	ssyncset.done $0x0  }
0x152: {  	[sflag:s11] =	ssyncadd.s32 $0xFFFFC000  }
0x153: {  	_ =	swait.ge [sflag:s5], $0x4000  }
0x154: {  	[sflag:s5] =	ssyncset.done $0x0  }
0x155: {  	[sflag:s5] =	ssyncadd.s32 $0xFFFFC000  }
0x156: {  	[hbm4b:s8+s2] =	stream.linear.scatter [tilespmem:s6], [sflag:$0x4], $0x4000, $0x38;
	[tilespmem:$0xE000] =	vst v63  }
0x157: {  	_ = 	snop  }
0x158: {  	[tilespmem:s6], [sflag:$0x2] =	stream.linear.gather [hbm4b:s9+s2], $0x4000, $0x38;
	[tilespmem:$0xE000] =	vst v63  }
0x159: {  	_ =	swait.ge [sflag:s14], $0x4000  }
0x15a: {  	[sflag:s14] =	ssyncset.done $0x0  }
0x15b: {  	[sflag:s14] =	ssyncadd.s32 $0xFFFFC000  }
0x15c: {  	_ =	swait.ge [sflag:s7], $0x4000  }
0x15d: {  	[sflag:s7] =	ssyncset.done $0x0  }
0x15e: {  	[sflag:s7] =	ssyncadd.s32 $0xFFFFC000  }
0x15f: {  	[hbm4b:s4+s2] =	stream.linear.scatter [tilespmem:s10], [sflag:$0x3], $0x4000, $0x38;
	[tilespmem:$0xE000] =	vst v63  }
0x160: {  	_ =	swait.ge [sflag:s11], $0x4000  }
0x161: {  	[sflag:s11] =	ssyncset.done $0x0  }
0x162: {  	[sflag:s11] =	ssyncadd.s32 $0xFFFFC000  }
0x163: {  	_ =	swait.ge [sflag:s5], $0x4000  }
0x164: {  	[sflag:s5] =	ssyncset.done $0x0  }
0x165: {  	[sflag:s5] =	ssyncadd.s32 $0xFFFFC000  }
0x166: {  	[hbm4b:s3+s2] =	stream.linear.scatter [tilespmem:s6], [sflag:$0x4], $0x4000, $0x38;
	[tilespmem:$0xE000] =	vst v63  }
0x167: {  	_ =	swait.ge [sflag:s7], $0x4000  }
0x168: {  	s31 =	sld [smem:$0x7FD];
	_ =	sdelay $0x2  }
0x169: {  	p1 =	sne.s32 s31, $0x1  }
.Ltmp1:
0x16a: {  	_ = 	snop;
	(pc) =	sbr.rel @!p1 .LBB2_2-.Ltmp1, $4  }
0x16b: {  	[sflag:s7] =	ssyncset.done $0x0  }
0x16c: {  	[sflag:s7] =	ssyncadd.s32 $0xFFFFC000  }
0x16d: {  	p0 =	por $0x1, $0x1;
	_ =	swait.ge [sflag:s5], $0x4000  }
0x16e: {  	s1 =	sadd.s32 $0xFFFFFFFF, s31;
	s0 =	rddreg [dreg:$0x6];
	[sflag:s5] =	ssyncset.done $0x0  }
.LBB2_3:
0x16f: {  	[sflag:s5] =	ssyncadd.s32 $0xFFFFC000  }
0x170: {  	[tilespmem:s2], [sflag:$0x5] =	stream.linear.gather [hbm4b:s0+s2], $0x2000, $0x38;
	[tilespmem:$0xE000] =	vst v63  }
0x171: {  	_ =	swait.ge [sflag:s30], $0x2000  }
0x172: {  	[sflag:s30] =	ssyncset.done $0x0  }
0x173: {  	s31 =	simm.s32 $0x2000;
	s0 =	rddreg [dreg:$0x5];
	[sflag:s30] =	ssyncadd.s32 $0xFFFFE000  }
0x174: {  	[tilespmem:s31], [sflag:$0x5] =	stream.linear.gather [hbm4b:s0+s2], $0x4000, $0x38;
	[tilespmem:$0xE000] =	vst v63  }
0x175: {  	_ =	swait.ge [sflag:s30], $0x4000  }
0x176: {  	[sflag:s30] =	ssyncset.done $0x0  }
0x177: {  	s0 =	rddreg [dreg:$0x7];
	[sflag:s30] =	ssyncadd.s32 $0xFFFFC000  }
0x178: {  	[tilespmem:s10], [sflag:$0x1] =	stream.linear.gather [hbm4b:s0+s2], $0x4000, $0x38;
	[tilespmem:$0xE000] =	vst v63  }
0x179: {  	s31 =	rddreg [dreg:$0x8]  }
0x17a: {  	[tilespmem:s6], [sflag:$0x2] =	stream.linear.gather [hbm4b:s31+s2], $0x4000, $0x38;
	[tilespmem:$0xE000] =	vst v63  }
0x17b: {  	_ =	swait.ge [sflag:s14], $0x4000  }
0x17c: {  	[sflag:s14] =	ssyncset.done $0x0  }
0x17d: {  	s0 =	rddreg [dreg:$0x9];
	[sflag:s14] =	ssyncadd.s32 $0xFFFFC000  }
0x17e: {  	[hbm4b:s0+s2] =	stream.linear.scatter [tilespmem:s10], [sflag:$0x3], $0x4000, $0x38;
	[tilespmem:$0xE000] =	vst v63  }
0x17f: {  	s31 =	rddreg [dreg:$0xa]  }
0x180: {  	[tilespmem:s10], [sflag:$0x1] =	stream.linear.gather [hbm4b:s31+s2], $0x4000, $0x38;
	[tilespmem:$0xE000] =	vst v63  }
0x181: {  	_ =	swait.ge [sflag:s11], $0x4000  }
0x182: {  	[sflag:s11] =	ssyncset.done $0x0  }
0x183: {  	s0 =	rddreg [dreg:$0xb];
	[sflag:s11] =	ssyncadd.s32 $0xFFFFC000  }
0x184: {  	[hbm4b:s0+s2] =	stream.linear.scatter [tilespmem:s6], [sflag:$0x4], $0x4000, $0x38;
	[tilespmem:$0xE000] =	vst v63  }
0x185: {  	s31 =	rddreg [dreg:$0xc]  }
0x186: {  	[tilespmem:s6], [sflag:$0x2] =	stream.linear.gather [hbm4b:s31+s2], $0x4000, $0x38;
	[tilespmem:$0xE000] =	vst v63  }
0x187: {  	_ =	swait.ge [sflag:s14], $0x4000  }
0x188: {  	[sflag:s14] =	ssyncset.done $0x0  }
0x189: {  	[sflag:s14] =	ssyncadd.s32 $0xFFFFC000  }
0x18a: {  	_ =	swait.ge [sflag:s7], $0x4000  }
0x18b: {  	[sflag:s7] =	ssyncset.done $0x0  }
0x18c: {  	s0 =	rddreg [dreg:$0xd];
	[sflag:s7] =	ssyncadd.s32 $0xFFFFC000  }
0x18d: {  	[hbm4b:s0+s2] =	stream.linear.scatter [tilespmem:s10], [sflag:$0x3], $0x4000, $0x38;
	[tilespmem:$0xE000] =	vst v63  }
0x18e: {  	s31 =	rddreg [dreg:$0xe]  }
0x18f: {  	[tilespmem:s10], [sflag:$0x1] =	stream.linear.gather [hbm4b:s31+s2], $0x4000, $0x38;
	[tilespmem:$0xE000] =	vst v63  }
0x190: {  	_ =	swait.ge [sflag:s11], $0x4000  }
0x191: {  	[sflag:s11] =	ssyncset.done $0x0  }
0x192: {  	[sflag:s11] =	ssyncadd.s32 $0xFFFFC000  }
0x193: {  	_ =	swait.ge [sflag:s5], $0x4000  }
0x194: {  	[sflag:s5] =	ssyncset.done $0x0  }
0x195: {  	s0 =	rddreg [dreg:$0xf];
	[sflag:s5] =	ssyncadd.s32 $0xFFFFC000  }
0x196: {  	[hbm4b:s0+s2] =	stream.linear.scatter [tilespmem:s6], [sflag:$0x4], $0x4000, $0x38;
	[tilespmem:$0xE000] =	vst v63  }
0x197: {  	s31 =	rddreg [dreg:$0x10]  }
0x198: {  	[tilespmem:s6], [sflag:$0x2] =	stream.linear.gather [hbm4b:s31+s2], $0x4000, $0x38;
	[tilespmem:$0xE000] =	vst v63  }
0x199: {  	_ =	swait.ge [sflag:s14], $0x4000  }
0x19a: {  	[sflag:s14] =	ssyncset.done $0x0  }
0x19b: {  	[sflag:s14] =	ssyncadd.s32 $0xFFFFC000  }
0x19c: {  	_ =	swait.ge [sflag:s7], $0x4000  }
0x19d: {  	[sflag:s7] =	ssyncset.done $0x0  }
0x19e: {  	s0 =	rddreg [dreg:$0x11];
	[sflag:s7] =	ssyncadd.s32 $0xFFFFC000  }
0x19f: {  	[hbm4b:s0+s2] =	stream.linear.scatter [tilespmem:s10], [sflag:$0x3], $0x4000, $0x38;
	[tilespmem:$0xE000] =	vst v63  }
0x1a0: {  	s31 =	rddreg [dreg:$0x12]  }
0x1a1: {  	[tilespmem:s10], [sflag:$0x1] =	stream.linear.gather [hbm4b:s31+s2], $0x4000, $0x38;
	[tilespmem:$0xE000] =	vst v63  }
0x1a2: {  	_ =	swait.ge [sflag:s11], $0x4000  }
0x1a3: {  	[sflag:s11] =	ssyncset.done $0x0  }
0x1a4: {  	[sflag:s11] =	ssyncadd.s32 $0xFFFFC000  }
0x1a5: {  	_ =	swait.ge [sflag:s5], $0x4000  }
0x1a6: {  	[sflag:s5] =	ssyncset.done $0x0  }
0x1a7: {  	s0 =	rddreg [dreg:$0x13];
	[sflag:s5] =	ssyncadd.s32 $0xFFFFC000  }
0x1a8: {  	[hbm4b:s0+s2] =	stream.linear.scatter [tilespmem:s6], [sflag:$0x4], $0x4000, $0x38;
	[tilespmem:$0xE000] =	vst v63  }
0x1a9: {  	s31 =	rddreg [dreg:$0x14]  }
0x1aa: {  	[tilespmem:s6], [sflag:$0x2] =	stream.linear.gather [hbm4b:s31+s2], $0x4000, $0x38;
	[tilespmem:$0xE000] =	vst v63  }
0x1ab: {  	_ =	swait.ge [sflag:s14], $0x4000  }
0x1ac: {  	[sflag:s14] =	ssyncset.done $0x0  }
0x1ad: {  	[sflag:s14] =	ssyncadd.s32 $0xFFFFC000  }
0x1ae: {  	_ =	swait.ge [sflag:s7], $0x4000  }
0x1af: {  	[sflag:s7] =	ssyncset.done $0x0  }
0x1b0: {  	s0 =	rddreg [dreg:$0x15];
	[sflag:s7] =	ssyncadd.s32 $0xFFFFC000  }
0x1b1: {  	[hbm4b:s0+s2] =	stream.linear.scatter [tilespmem:s10], [sflag:$0x3], $0x4000, $0x38;
	[tilespmem:$0xE000] =	vst v63  }
0x1b2: {  	s31 =	rddreg [dreg:$0x16]  }
0x1b3: {  	[tilespmem:s10], [sflag:$0x1] =	stream.linear.gather [hbm4b:s31+s2], $0x4000, $0x38;
	[tilespmem:$0xE000] =	vst v63  }
0x1b4: {  	_ =	swait.ge [sflag:s11], $0x4000  }
0x1b5: {  	[sflag:s11] =	ssyncset.done $0x0  }
0x1b6: {  	[sflag:s11] =	ssyncadd.s32 $0xFFFFC000  }
0x1b7: {  	_ =	swait.ge [sflag:s5], $0x4000  }
0x1b8: {  	[sflag:s5] =	ssyncset.done $0x0  }
0x1b9: {  	s0 =	rddreg [dreg:$0x17];
	[sflag:s5] =	ssyncadd.s32 $0xFFFFC000  }
0x1ba: {  	[hbm4b:s0+s2] =	stream.linear.scatter [tilespmem:s6], [sflag:$0x4], $0x4000, $0x38;
	[tilespmem:$0xE000] =	vst v63  }
0x1bb: {  	s31 =	rddreg [dreg:$0x18]  }
0x1bc: {  	[tilespmem:s6], [sflag:$0x2] =	stream.linear.gather [hbm4b:s31+s2], $0x4000, $0x38;
	[tilespmem:$0xE000] =	vst v63  }
0x1bd: {  	_ =	swait.ge [sflag:s14], $0x4000  }
0x1be: {  	[sflag:s14] =	ssyncset.done $0x0  }
0x1bf: {  	[sflag:s14] =	ssyncadd.s32 $0xFFFFC000  }
0x1c0: {  	_ =	swait.ge [sflag:s7], $0x4000  }
0x1c1: {  	[sflag:s7] =	ssyncset.done $0x0  }
0x1c2: {  	s0 =	rddreg [dreg:$0x19];
	[sflag:s7] =	ssyncadd.s32 $0xFFFFC000  }
0x1c3: {  	[hbm4b:s0+s2] =	stream.linear.scatter [tilespmem:s10], [sflag:$0x3], $0x4000, $0x38;
	[tilespmem:$0xE000] =	vst v63  }
0x1c4: {  	s31 =	rddreg [dreg:$0x1a]  }
0x1c5: {  	[tilespmem:s10], [sflag:$0x1] =	stream.linear.gather [hbm4b:s31+s2], $0x4000, $0x38;
	[tilespmem:$0xE000] =	vst v63  }
0x1c6: {  	_ =	swait.ge [sflag:s11], $0x4000  }
0x1c7: {  	[sflag:s11] =	ssyncset.done $0x0  }
0x1c8: {  	[sflag:s11] =	ssyncadd.s32 $0xFFFFC000  }
0x1c9: {  	_ =	swait.ge [sflag:s5], $0x4000  }
0x1ca: {  	[sflag:s5] =	ssyncset.done $0x0  }
0x1cb: {  	s0 =	rddreg [dreg:$0x1b];
	[sflag:s5] =	ssyncadd.s32 $0xFFFFC000  }
0x1cc: {  	[hbm4b:s0+s2] =	stream.linear.scatter [tilespmem:s6], [sflag:$0x4], $0x4000, $0x38;
	[tilespmem:$0xE000] =	vst v63  }
0x1cd: {  	s31 =	rddreg [dreg:$0x1c]  }
0x1ce: {  	[tilespmem:s6], [sflag:$0x2] =	stream.linear.gather [hbm4b:s31+s2], $0x4000, $0x38;
	[tilespmem:$0xE000] =	vst v63  }
0x1cf: {  	_ =	swait.ge [sflag:s14], $0x4000  }
0x1d0: {  	[sflag:s14] =	ssyncset.done $0x0  }
0x1d1: {  	[sflag:s14] =	ssyncadd.s32 $0xFFFFC000  }
0x1d2: {  	_ =	swait.ge [sflag:s7], $0x4000  }
0x1d3: {  	[sflag:s7] =	ssyncset.done $0x0  }
0x1d4: {  	s0 =	rddreg [dreg:$0x1d];
	[sflag:s7] =	ssyncadd.s32 $0xFFFFC000  }
0x1d5: {  	[hbm4b:s0+s2] =	stream.linear.scatter [tilespmem:s10], [sflag:$0x3], $0x4000, $0x38;
	[tilespmem:$0xE000] =	vst v63  }
0x1d6: {  	s31 =	rddreg [dreg:$0x1e]  }
0x1d7: {  	[tilespmem:s10], [sflag:$0x1] =	stream.linear.gather [hbm4b:s31+s2], $0x4000, $0x38;
	[tilespmem:$0xE000] =	vst v63  }
0x1d8: {  	_ =	swait.ge [sflag:s11], $0x4000  }
0x1d9: {  	[sflag:s11] =	ssyncset.done $0x0  }
0x1da: {  	[sflag:s11] =	ssyncadd.s32 $0xFFFFC000  }
0x1db: {  	_ =	swait.ge [sflag:s5], $0x4000  }
0x1dc: {  	s0 =	rddreg [dreg:$0x1f];
	[sflag:s5] =	ssyncset.done $0x0  }
0x1dd: {  	s31 =	sld [smem:$0x7EA];
	[sflag:s5] =	ssyncadd.s32 $0xFFFFC000  }
0x1de: {  	[hbm4b:s0+s2] =	stream.linear.scatter [tilespmem:s6], [sflag:$0x4], $0x4000, $0x38;
	[tilespmem:$0xE000] =	vst v63  }
0x1df: {  	_ = 	snop  }
0x1e0: {  	[tilespmem:s6], [sflag:$0x2] =	stream.linear.gather [hbm4b:s31+s2], $0x4000, $0x38;
	[tilespmem:$0xE000] =	vst v63  }
0x1e1: {  	_ =	swait.ge [sflag:s14], $0x4000  }
0x1e2: {  	[sflag:s14] =	ssyncset.done $0x0  }
0x1e3: {  	[sflag:s14] =	ssyncadd.s32 $0xFFFFC000  }
0x1e4: {  	_ =	swait.ge [sflag:s7], $0x4000  }
0x1e5: {  	s0 =	sld [smem:$0x7EB]  }
0x1e6: {  	[sflag:s7] =	ssyncset.done $0x0  }
0x1e7: {  	s31 =	sld [smem:$0x7EC];
	[sflag:s7] =	ssyncadd.s32 $0xFFFFC000  }
0x1e8: {  	[hbm4b:s0+s2] =	stream.linear.scatter [tilespmem:s10], [sflag:$0x3], $0x4000, $0x38;
	[tilespmem:$0xE000] =	vst v63  }
0x1e9: {  	_ = 	snop  }
0x1ea: {  	[tilespmem:s10], [sflag:$0x1] =	stream.linear.gather [hbm4b:s31+s2], $0x4000, $0x38;
	[tilespmem:$0xE000] =	vst v63  }
0x1eb: {  	_ =	swait.ge [sflag:s11], $0x4000  }
0x1ec: {  	[sflag:s11] =	ssyncset.done $0x0  }
0x1ed: {  	[sflag:s11] =	ssyncadd.s32 $0xFFFFC000  }
0x1ee: {  	_ =	swait.ge [sflag:s5], $0x4000  }
0x1ef: {  	s0 =	sld [smem:$0x7ED]  }
0x1f0: {  	[sflag:s5] =	ssyncset.done $0x0  }
0x1f1: {  	s31 =	sld [smem:$0x7EE];
	[sflag:s5] =	ssyncadd.s32 $0xFFFFC000  }
0x1f2: {  	[hbm4b:s0+s2] =	stream.linear.scatter [tilespmem:s6], [sflag:$0x4], $0x4000, $0x38;
	[tilespmem:$0xE000] =	vst v63  }
0x1f3: {  	_ = 	snop  }
0x1f4: {  	[tilespmem:s6], [sflag:$0x2] =	stream.linear.gather [hbm4b:s31+s2], $0x4000, $0x38;
	[tilespmem:$0xE000] =	vst v63  }
0x1f5: {  	_ =	swait.ge [sflag:s14], $0x4000  }
0x1f6: {  	[sflag:s14] =	ssyncset.done $0x0  }
0x1f7: {  	[sflag:s14] =	ssyncadd.s32 $0xFFFFC000  }
0x1f8: {  	_ =	swait.ge [sflag:s7], $0x4000  }
0x1f9: {  	s0 =	sld [smem:$0x7EF]  }
0x1fa: {  	[sflag:s7] =	ssyncset.done $0x0  }
0x1fb: {  	s31 =	sld [smem:$0x7F0];
	[sflag:s7] =	ssyncadd.s32 $0xFFFFC000  }
0x1fc: {  	[hbm4b:s0+s2] =	stream.linear.scatter [tilespmem:s10], [sflag:$0x3], $0x4000, $0x38;
	[tilespmem:$0xE000] =	vst v63  }
0x1fd: {  	_ = 	snop  }
0x1fe: {  	[tilespmem:s10], [sflag:$0x1] =	stream.linear.gather [hbm4b:s31+s2], $0x4000, $0x38;
	[tilespmem:$0xE000] =	vst v63  }
0x1ff: {  	_ =	swait.ge [sflag:s11], $0x4000  }
0x200: {  	[sflag:s11] =	ssyncset.done $0x0  }
0x201: {  	[sflag:s11] =	ssyncadd.s32 $0xFFFFC000  }
0x202: {  	_ =	swait.ge [sflag:s5], $0x4000  }
0x203: {  	s0 =	sld [smem:$0x7F1]  }
0x204: {  	[sflag:s5] =	ssyncset.done $0x0  }
0x205: {  	s31 =	sld [smem:$0x7F2];
	[sflag:s5] =	ssyncadd.s32 $0xFFFFC000  }
0x206: {  	[hbm4b:s0+s2] =	stream.linear.scatter [tilespmem:s6], [sflag:$0x4], $0x4000, $0x38;
	[tilespmem:$0xE000] =	vst v63  }
0x207: {  	_ = 	snop  }
0x208: {  	[tilespmem:s6], [sflag:$0x2] =	stream.linear.gather [hbm4b:s31+s2], $0x4000, $0x38;
	[tilespmem:$0xE000] =	vst v63  }
0x209: {  	_ =	swait.ge [sflag:s14], $0x4000  }
0x20a: {  	[sflag:s14] =	ssyncset.done $0x0  }
0x20b: {  	[sflag:s14] =	ssyncadd.s32 $0xFFFFC000  }
0x20c: {  	_ =	swait.ge [sflag:s7], $0x4000  }
0x20d: {  	s0 =	sld [smem:$0x7F3]  }
0x20e: {  	[sflag:s7] =	ssyncset.done $0x0  }
0x20f: {  	s31 =	sld [smem:$0x7F4];
	[sflag:s7] =	ssyncadd.s32 $0xFFFFC000  }
0x210: {  	[hbm4b:s0+s2] =	stream.linear.scatter [tilespmem:s10], [sflag:$0x3], $0x4000, $0x38;
	[tilespmem:$0xE000] =	vst v63  }
0x211: {  	_ = 	snop  }
0x212: {  	[tilespmem:s10], [sflag:$0x1] =	stream.linear.gather [hbm4b:s31+s2], $0x4000, $0x38;
	[tilespmem:$0xE000] =	vst v63  }
0x213: {  	_ =	swait.ge [sflag:s11], $0x4000  }
0x214: {  	[sflag:s11] =	ssyncset.done $0x0  }
0x215: {  	[sflag:s11] =	ssyncadd.s32 $0xFFFFC000  }
0x216: {  	_ =	swait.ge [sflag:s5], $0x4000  }
0x217: {  	s0 =	sld [smem:$0x7F5]  }
0x218: {  	[sflag:s5] =	ssyncset.done $0x0  }
0x219: {  	s31 =	sld [smem:$0x7F6];
	[sflag:s5] =	ssyncadd.s32 $0xFFFFC000  }
0x21a: {  	[hbm4b:s0+s2] =	stream.linear.scatter [tilespmem:s6], [sflag:$0x4], $0x4000, $0x38;
	[tilespmem:$0xE000] =	vst v63  }
0x21b: {  	_ = 	snop  }
0x21c: {  	[tilespmem:s6], [sflag:$0x2] =	stream.linear.gather [hbm4b:s31+s2], $0x4000, $0x38;
	[tilespmem:$0xE000] =	vst v63  }
0x21d: {  	_ =	swait.ge [sflag:s14], $0x4000  }
0x21e: {  	[sflag:s14] =	ssyncset.done $0x0  }
0x21f: {  	[sflag:s14] =	ssyncadd.s32 $0xFFFFC000  }
0x220: {  	_ =	swait.ge [sflag:s7], $0x4000  }
0x221: {  	s0 =	sld [smem:$0x7F7]  }
0x222: {  	[sflag:s7] =	ssyncset.done $0x0  }
0x223: {  	s31 =	sld [smem:$0x7F8];
	[sflag:s7] =	ssyncadd.s32 $0xFFFFC000  }
0x224: {  	[hbm4b:s0+s2] =	stream.linear.scatter [tilespmem:s10], [sflag:$0x3], $0x4000, $0x38;
	[tilespmem:$0xE000] =	vst v63  }
0x225: {  	_ = 	snop  }
0x226: {  	[tilespmem:s10], [sflag:$0x1] =	stream.linear.gather [hbm4b:s31+s2], $0x4000, $0x38;
	[tilespmem:$0xE000] =	vst v63  }
0x227: {  	_ =	swait.ge [sflag:s11], $0x4000  }
0x228: {  	[sflag:s11] =	ssyncset.done $0x0  }
0x229: {  	[sflag:s11] =	ssyncadd.s32 $0xFFFFC000  }
0x22a: {  	_ =	swait.ge [sflag:s5], $0x4000  }
0x22b: {  	s0 =	sld [smem:$0x7F9]  }
0x22c: {  	[sflag:s5] =	ssyncset.done $0x0  }
0x22d: {  	s31 =	sld [smem:$0x7FA];
	[sflag:s5] =	ssyncadd.s32 $0xFFFFC000  }
0x22e: {  	[hbm4b:s0+s2] =	stream.linear.scatter [tilespmem:s6], [sflag:$0x4], $0x4000, $0x38;
	[tilespmem:$0xE000] =	vst v63  }
0x22f: {  	_ = 	snop  }
0x230: {  	[tilespmem:s6], [sflag:$0x2] =	stream.linear.gather [hbm4b:s31+s2], $0x4000, $0x38;
	[tilespmem:$0xE000] =	vst v63  }
0x231: {  	_ =	swait.ge [sflag:s14], $0x4000  }
0x232: {  	[sflag:s14] =	ssyncset.done $0x0  }
0x233: {  	[sflag:s14] =	ssyncadd.s32 $0xFFFFC000  }
0x234: {  	_ =	swait.ge [sflag:s7], $0x4000  }
0x235: {  	s0 =	sld [smem:$0x7FB]  }
0x236: {  	[sflag:s7] =	ssyncset.done $0x0  }
0x237: {  	s31 =	sld [smem:$0x7FC];
	[sflag:s7] =	ssyncadd.s32 $0xFFFFC000  }
0x238: {  	[hbm4b:s0+s2] =	stream.linear.scatter [tilespmem:s10], [sflag:$0x3], $0x4000, $0x38;
	[tilespmem:$0xE000] =	vst v63  }
0x239: {  	_ = 	snop  }
0x23a: {  	[tilespmem:s10], [sflag:$0x1] =	stream.linear.gather [hbm4b:s31+s2], $0x4000, $0x38;
	[tilespmem:$0xE000] =	vst v63  }
0x23b: {  	_ =	swait.ge [sflag:s11], $0x4000  }
0x23c: {  	[sflag:s11] =	ssyncset.done $0x0  }
0x23d: {  	[sflag:s11] =	ssyncadd.s32 $0xFFFFC000  }
0x23e: {  	_ =	swait.ge [sflag:s5], $0x4000  }
0x23f: {  	[sflag:s5] =	ssyncset.done $0x0  }
0x240: {  	[sflag:s5] =	ssyncadd.s32 $0xFFFFC000  }
0x241: {  	[hbm4b:s28+s2] =	stream.linear.scatter [tilespmem:s6], [sflag:$0x4], $0x4000, $0x38;
	[tilespmem:$0xE000] =	vst v63  }
0x242: {  	_ = 	snop  }
0x243: {  	[tilespmem:s6], [sflag:$0x2] =	stream.linear.gather [hbm4b:s29+s2], $0x4000, $0x38;
	[tilespmem:$0xE000] =	vst v63  }
0x244: {  	_ =	swait.ge [sflag:s14], $0x4000  }
0x245: {  	[sflag:s14] =	ssyncset.done $0x0  }
0x246: {  	[sflag:s14] =	ssyncadd.s32 $0xFFFFC000  }
0x247: {  	_ =	swait.ge [sflag:s7], $0x4000  }
0x248: {  	[sflag:s7] =	ssyncset.done $0x0  }
0x249: {  	[sflag:s7] =	ssyncadd.s32 $0xFFFFC000  }
0x24a: {  	[hbm4b:s25+s2] =	stream.linear.scatter [tilespmem:s10], [sflag:$0x3], $0x4000, $0x38;
	[tilespmem:$0xE000] =	vst v63  }
0x24b: {  	_ = 	snop  }
0x24c: {  	[tilespmem:s10], [sflag:$0x1] =	stream.linear.gather [hbm4b:s26+s2], $0x4000, $0x38;
	[tilespmem:$0xE000] =	vst v63  }
0x24d: {  	_ =	swait.ge [sflag:s11], $0x4000  }
0x24e: {  	[sflag:s11] =	ssyncset.done $0x0  }
0x24f: {  	[sflag:s11] =	ssyncadd.s32 $0xFFFFC000  }
0x250: {  	_ =	swait.ge [sflag:s5], $0x4000  }
0x251: {  	[sflag:s5] =	ssyncset.done $0x0  }
0x252: {  	[sflag:s5] =	ssyncadd.s32 $0xFFFFC000  }
0x253: {  	[hbm4b:s23+s2] =	stream.linear.scatter [tilespmem:s6], [sflag:$0x4], $0x4000, $0x38;
	[tilespmem:$0xE000] =	vst v63  }
0x254: {  	_ = 	snop  }
0x255: {  	[tilespmem:s6], [sflag:$0x2] =	stream.linear.gather [hbm4b:s24+s2], $0x4000, $0x38;
	[tilespmem:$0xE000] =	vst v63  }
0x256: {  	_ =	swait.ge [sflag:s14], $0x4000  }
0x257: {  	[sflag:s14] =	ssyncset.done $0x0  }
0x258: {  	[sflag:s14] =	ssyncadd.s32 $0xFFFFC000  }
0x259: {  	_ =	swait.ge [sflag:s7], $0x4000  }
0x25a: {  	[sflag:s7] =	ssyncset.done $0x0  }
0x25b: {  	[sflag:s7] =	ssyncadd.s32 $0xFFFFC000  }
0x25c: {  	[hbm4b:s21+s2] =	stream.linear.scatter [tilespmem:s10], [sflag:$0x3], $0x4000, $0x38;
	[tilespmem:$0xE000] =	vst v63  }
0x25d: {  	_ = 	snop  }
0x25e: {  	[tilespmem:s10], [sflag:$0x1] =	stream.linear.gather [hbm4b:s22+s2], $0x4000, $0x38;
	[tilespmem:$0xE000] =	vst v63  }
0x25f: {  	_ =	swait.ge [sflag:s11], $0x4000  }
0x260: {  	[sflag:s11] =	ssyncset.done $0x0  }
0x261: {  	[sflag:s11] =	ssyncadd.s32 $0xFFFFC000  }
0x262: {  	_ =	swait.ge [sflag:s5], $0x4000  }
0x263: {  	[sflag:s5] =	ssyncset.done $0x0  }
0x264: {  	[sflag:s5] =	ssyncadd.s32 $0xFFFFC000  }
0x265: {  	[hbm4b:s19+s2] =	stream.linear.scatter [tilespmem:s6], [sflag:$0x4], $0x4000, $0x38;
	[tilespmem:$0xE000] =	vst v63  }
0x266: {  	_ = 	snop  }
0x267: {  	[tilespmem:s6], [sflag:$0x2] =	stream.linear.gather [hbm4b:s20+s2], $0x4000, $0x38;
	[tilespmem:$0xE000] =	vst v63  }
0x268: {  	_ =	swait.ge [sflag:s14], $0x4000  }
0x269: {  	[sflag:s14] =	ssyncset.done $0x0  }
0x26a: {  	[sflag:s14] =	ssyncadd.s32 $0xFFFFC000  }
0x26b: {  	_ =	swait.ge [sflag:s7], $0x4000  }
0x26c: {  	[sflag:s7] =	ssyncset.done $0x0  }
0x26d: {  	[sflag:s7] =	ssyncadd.s32 $0xFFFFC000  }
0x26e: {  	[hbm4b:s17+s2] =	stream.linear.scatter [tilespmem:s10], [sflag:$0x3], $0x4000, $0x38;
	[tilespmem:$0xE000] =	vst v63  }
0x26f: {  	_ = 	snop  }
0x270: {  	[tilespmem:s10], [sflag:$0x1] =	stream.linear.gather [hbm4b:s18+s2], $0x4000, $0x38;
	[tilespmem:$0xE000] =	vst v63  }
0x271: {  	_ =	swait.ge [sflag:s11], $0x4000  }
0x272: {  	[sflag:s11] =	ssyncset.done $0x0  }
0x273: {  	[sflag:s11] =	ssyncadd.s32 $0xFFFFC000  }
0x274: {  	_ =	swait.ge [sflag:s5], $0x4000  }
0x275: {  	[sflag:s5] =	ssyncset.done $0x0  }
0x276: {  	[sflag:s5] =	ssyncadd.s32 $0xFFFFC000  }
0x277: {  	[hbm4b:s15+s2] =	stream.linear.scatter [tilespmem:s6], [sflag:$0x4], $0x4000, $0x38;
	[tilespmem:$0xE000] =	vst v63  }
0x278: {  	_ = 	snop  }
0x279: {  	[tilespmem:s6], [sflag:$0x2] =	stream.linear.gather [hbm4b:s16+s2], $0x4000, $0x38;
	[tilespmem:$0xE000] =	vst v63  }
0x27a: {  	_ =	swait.ge [sflag:s14], $0x4000  }
0x27b: {  	[sflag:s14] =	ssyncset.done $0x0  }
0x27c: {  	[sflag:s14] =	ssyncadd.s32 $0xFFFFC000  }
0x27d: {  	_ =	swait.ge [sflag:s7], $0x4000  }
0x27e: {  	[sflag:s7] =	ssyncset.done $0x0  }
0x27f: {  	[sflag:s7] =	ssyncadd.s32 $0xFFFFC000  }
0x280: {  	[hbm4b:s12+s2] =	stream.linear.scatter [tilespmem:s10], [sflag:$0x3], $0x4000, $0x38;
	[tilespmem:$0xE000] =	vst v63  }
0x281: {  	_ = 	snop  }
0x282: {  	[tilespmem:s10], [sflag:$0x1] =	stream.linear.gather [hbm4b:s13+s2], $0x4000, $0x38;
	[tilespmem:$0xE000] =	vst v63  }
0x283: {  	_ =	swait.ge [sflag:s11], $0x4000  }
0x284: {  	[sflag:s11] =	ssyncset.done $0x0  }
0x285: {  	[sflag:s11] =	ssyncadd.s32 $0xFFFFC000  }
0x286: {  	_ =	swait.ge [sflag:s5], $0x4000  }
0x287: {  	[sflag:s5] =	ssyncset.done $0x0  }
0x288: {  	[sflag:s5] =	ssyncadd.s32 $0xFFFFC000  }
0x289: {  	[hbm4b:s8+s2] =	stream.linear.scatter [tilespmem:s6], [sflag:$0x4], $0x4000, $0x38;
	[tilespmem:$0xE000] =	vst v63  }
0x28a: {  	_ = 	snop  }
0x28b: {  	[tilespmem:s6], [sflag:$0x2] =	stream.linear.gather [hbm4b:s9+s2], $0x4000, $0x38;
	[tilespmem:$0xE000] =	vst v63  }
0x28c: {  	_ =	swait.ge [sflag:s14], $0x4000  }
0x28d: {  	[sflag:s14] =	ssyncset.done $0x0  }
0x28e: {  	[sflag:s14] =	ssyncadd.s32 $0xFFFFC000  }
0x28f: {  	_ =	swait.ge [sflag:s7], $0x4000  }
0x290: {  	[sflag:s7] =	ssyncset.done $0x0  }
0x291: {  	[sflag:s7] =	ssyncadd.s32 $0xFFFFC000  }
0x292: {  	[hbm4b:s4+s2] =	stream.linear.scatter [tilespmem:s10], [sflag:$0x3], $0x4000, $0x38;
	[tilespmem:$0xE000] =	vst v63  }
0x293: {  	_ =	swait.ge [sflag:s11], $0x4000  }
0x294: {  	[sflag:s11] =	ssyncset.done $0x0  }
0x295: {  	[sflag:s11] =	ssyncadd.s32 $0xFFFFC000  }
0x296: {  	_ =	swait.ge [sflag:s5], $0x4000  }
0x297: {  	[sflag:s5] =	ssyncset.done $0x0  }
0x298: {  	p1 =	sne.s32 s1, $0x1;
	[sflag:s5] =	ssyncadd.s32 $0xFFFFC000  }
0x299: {  	[hbm4b:s3+s2] =	stream.linear.scatter [tilespmem:s6], [sflag:$0x4], $0x4000, $0x38;
	[tilespmem:$0xE000] =	vst v63  }
.Ltmp2:
0x29a: {  	_ =	swait.ge [sflag:s7], $0x4000;
	(pc) =	sbr.rel @p1 .LBB2_3-.Ltmp2, $4  }
0x29b: {  	[sflag:s7] =	ssyncset.done $0x0  }
0x29c: {  	[sflag:s7] =	ssyncadd.s32 $0xFFFFC000  }
0x29d: {  	_ =	swait.ge [sflag:s5], $0x4000  }
0x29e: {  	s1 =	sadd.s32 $0xFFFFFFFF, s1;
	s0 =	rddreg [dreg:$0x6];
	[sflag:s5] =	ssyncset.done $0x0  }
0x29f: {  	s31 =	stileid.u32;
	s1 =	simm.s32 $0x2000  }
.LBB2_5:
0x2a0: {  	[sflag:s5] =	ssyncadd.s32 @p0 $0xFFFFC000  }
0x2a1: {  	[tilespmem:s2], [sflag:$0x5] =	stream.linear.gather [hbm4b:s0+s2], $0x2000, $0x38;
	[tilespmem:$0xE000] =	vst v63  }
0x2a2: {  	_ =	swait.ge [sflag:s30], $0x2000  }
0x2a3: {  	[sflag:s30] =	ssyncset.done $0x0  }
0x2a4: {  	s0 =	rddreg [dreg:$0x5];
	[sflag:s30] =	ssyncadd.s32 $0xFFFFE000  }
0x2a5: {  	[tilespmem:s1], [sflag:$0x5] =	stream.linear.gather [hbm4b:s0+s2], $0x4000, $0x38;
	[tilespmem:$0xE000] =	vst v63  }
0x2a6: {  	_ =	swait.ge [sflag:s30], $0x4000  }
0x2a7: {  	[sflag:s30] =	ssyncset.done $0x0  }
0x2a8: {  	s1 =	rddreg [dreg:$0x7];
	[sflag:s30] =	ssyncadd.s32 $0xFFFFC000  }
0x2a9: {  	[tilespmem:s10], [sflag:$0x1] =	stream.linear.gather [hbm4b:s1+s2], $0x4000, $0x38;
	[tilespmem:$0xE000] =	vst v63  }
0x2aa: {  	s30 =	rddreg [dreg:$0x8]  }
0x2ab: {  	[tilespmem:s6], [sflag:$0x2] =	stream.linear.gather [hbm4b:s30+s2], $0x4000, $0x38;
	[tilespmem:$0xE000] =	vst v63  }
0x2ac: {  	_ =	swait.ge [sflag:s14], $0x4000  }
0x2ad: {  	[sflag:s14] =	ssyncset.done $0x0  }
0x2ae: {  	s1 =	rddreg [dreg:$0x9];
	[sflag:s14] =	ssyncadd.s32 $0xFFFFC000  }
0x2af: {  	[hbm4b:s1+s2] =	stream.linear.scatter [tilespmem:s10], [sflag:$0x3], $0x4000, $0x38;
	[tilespmem:$0xE000] =	vst v63  }
0x2b0: {  	s30 =	rddreg [dreg:$0xa]  }
0x2b1: {  	[tilespmem:s10], [sflag:$0x1] =	stream.linear.gather [hbm4b:s30+s2], $0x4000, $0x38;
	[tilespmem:$0xE000] =	vst v63  }
0x2b2: {  	_ =	swait.ge [sflag:s11], $0x4000  }
0x2b3: {  	[sflag:s11] =	ssyncset.done $0x0  }
0x2b4: {  	s1 =	rddreg [dreg:$0xb];
	[sflag:s11] =	ssyncadd.s32 $0xFFFFC000  }
0x2b5: {  	[hbm4b:s1+s2] =	stream.linear.scatter [tilespmem:s6], [sflag:$0x4], $0x4000, $0x38;
	[tilespmem:$0xE000] =	vst v63  }
0x2b6: {  	s30 =	rddreg [dreg:$0xc]  }
0x2b7: {  	[tilespmem:s6], [sflag:$0x2] =	stream.linear.gather [hbm4b:s30+s2], $0x4000, $0x38;
	[tilespmem:$0xE000] =	vst v63  }
0x2b8: {  	_ =	swait.ge [sflag:s14], $0x4000  }
0x2b9: {  	[sflag:s14] =	ssyncset.done $0x0  }
0x2ba: {  	[sflag:s14] =	ssyncadd.s32 $0xFFFFC000  }
0x2bb: {  	_ =	swait.ge [sflag:s7], $0x4000  }
0x2bc: {  	[sflag:s7] =	ssyncset.done $0x0  }
0x2bd: {  	s1 =	rddreg [dreg:$0xd];
	[sflag:s7] =	ssyncadd.s32 $0xFFFFC000  }
0x2be: {  	[hbm4b:s1+s2] =	stream.linear.scatter [tilespmem:s10], [sflag:$0x3], $0x4000, $0x38;
	[tilespmem:$0xE000] =	vst v63  }
0x2bf: {  	s30 =	rddreg [dreg:$0xe]  }
0x2c0: {  	[tilespmem:s10], [sflag:$0x1] =	stream.linear.gather [hbm4b:s30+s2], $0x4000, $0x38;
	[tilespmem:$0xE000] =	vst v63  }
0x2c1: {  	_ =	swait.ge [sflag:s11], $0x4000  }
0x2c2: {  	[sflag:s11] =	ssyncset.done $0x0  }
0x2c3: {  	[sflag:s11] =	ssyncadd.s32 $0xFFFFC000  }
0x2c4: {  	_ =	swait.ge [sflag:s5], $0x4000  }
0x2c5: {  	[sflag:s5] =	ssyncset.done $0x0  }
0x2c6: {  	s1 =	rddreg [dreg:$0xf];
	[sflag:s5] =	ssyncadd.s32 $0xFFFFC000  }
0x2c7: {  	[hbm4b:s1+s2] =	stream.linear.scatter [tilespmem:s6], [sflag:$0x4], $0x4000, $0x38;
	[tilespmem:$0xE000] =	vst v63  }
0x2c8: {  	s30 =	rddreg [dreg:$0x10]  }
0x2c9: {  	[tilespmem:s6], [sflag:$0x2] =	stream.linear.gather [hbm4b:s30+s2], $0x4000, $0x38;
	[tilespmem:$0xE000] =	vst v63  }
0x2ca: {  	_ =	swait.ge [sflag:s14], $0x4000  }
0x2cb: {  	[sflag:s14] =	ssyncset.done $0x0  }
0x2cc: {  	[sflag:s14] =	ssyncadd.s32 $0xFFFFC000  }
0x2cd: {  	_ =	swait.ge [sflag:s7], $0x4000  }
0x2ce: {  	[sflag:s7] =	ssyncset.done $0x0  }
0x2cf: {  	s1 =	rddreg [dreg:$0x11];
	[sflag:s7] =	ssyncadd.s32 $0xFFFFC000  }
0x2d0: {  	[hbm4b:s1+s2] =	stream.linear.scatter [tilespmem:s10], [sflag:$0x3], $0x4000, $0x38;
	[tilespmem:$0xE000] =	vst v63  }
0x2d1: {  	s30 =	rddreg [dreg:$0x12]  }
0x2d2: {  	[tilespmem:s10], [sflag:$0x1] =	stream.linear.gather [hbm4b:s30+s2], $0x4000, $0x38;
	[tilespmem:$0xE000] =	vst v63  }
0x2d3: {  	_ =	swait.ge [sflag:s11], $0x4000  }
0x2d4: {  	[sflag:s11] =	ssyncset.done $0x0  }
0x2d5: {  	[sflag:s11] =	ssyncadd.s32 $0xFFFFC000  }
0x2d6: {  	_ =	swait.ge [sflag:s5], $0x4000  }
0x2d7: {  	[sflag:s5] =	ssyncset.done $0x0  }
0x2d8: {  	s1 =	rddreg [dreg:$0x13];
	[sflag:s5] =	ssyncadd.s32 $0xFFFFC000  }
0x2d9: {  	[hbm4b:s1+s2] =	stream.linear.scatter [tilespmem:s6], [sflag:$0x4], $0x4000, $0x38;
	[tilespmem:$0xE000] =	vst v63  }
0x2da: {  	s30 =	rddreg [dreg:$0x14]  }
0x2db: {  	[tilespmem:s6], [sflag:$0x2] =	stream.linear.gather [hbm4b:s30+s2], $0x4000, $0x38;
	[tilespmem:$0xE000] =	vst v63  }
0x2dc: {  	_ =	swait.ge [sflag:s14], $0x4000  }
0x2dd: {  	[sflag:s14] =	ssyncset.done $0x0  }
0x2de: {  	[sflag:s14] =	ssyncadd.s32 $0xFFFFC000  }
0x2df: {  	_ =	swait.ge [sflag:s7], $0x4000  }
0x2e0: {  	[sflag:s7] =	ssyncset.done $0x0  }
0x2e1: {  	s1 =	rddreg [dreg:$0x15];
	[sflag:s7] =	ssyncadd.s32 $0xFFFFC000  }
0x2e2: {  	[hbm4b:s1+s2] =	stream.linear.scatter [tilespmem:s10], [sflag:$0x3], $0x4000, $0x38;
	[tilespmem:$0xE000] =	vst v63  }
0x2e3: {  	s30 =	rddreg [dreg:$0x16]  }
0x2e4: {  	[tilespmem:s10], [sflag:$0x1] =	stream.linear.gather [hbm4b:s30+s2], $0x4000, $0x38;
	[tilespmem:$0xE000] =	vst v63  }
0x2e5: {  	_ =	swait.ge [sflag:s11], $0x4000  }
0x2e6: {  	[sflag:s11] =	ssyncset.done $0x0  }
0x2e7: {  	[sflag:s11] =	ssyncadd.s32 $0xFFFFC000  }
0x2e8: {  	_ =	swait.ge [sflag:s5], $0x4000  }
0x2e9: {  	[sflag:s5] =	ssyncset.done $0x0  }
0x2ea: {  	s1 =	rddreg [dreg:$0x17];
	[sflag:s5] =	ssyncadd.s32 $0xFFFFC000  }
0x2eb: {  	[hbm4b:s1+s2] =	stream.linear.scatter [tilespmem:s6], [sflag:$0x4], $0x4000, $0x38;
	[tilespmem:$0xE000] =	vst v63  }
0x2ec: {  	s30 =	rddreg [dreg:$0x18]  }
0x2ed: {  	[tilespmem:s6], [sflag:$0x2] =	stream.linear.gather [hbm4b:s30+s2], $0x4000, $0x38;
	[tilespmem:$0xE000] =	vst v63  }
0x2ee: {  	_ =	swait.ge [sflag:s14], $0x4000  }
0x2ef: {  	[sflag:s14] =	ssyncset.done $0x0  }
0x2f0: {  	[sflag:s14] =	ssyncadd.s32 $0xFFFFC000  }
0x2f1: {  	_ =	swait.ge [sflag:s7], $0x4000  }
0x2f2: {  	[sflag:s7] =	ssyncset.done $0x0  }
0x2f3: {  	s1 =	rddreg [dreg:$0x19];
	[sflag:s7] =	ssyncadd.s32 $0xFFFFC000  }
0x2f4: {  	[hbm4b:s1+s2] =	stream.linear.scatter [tilespmem:s10], [sflag:$0x3], $0x4000, $0x38;
	[tilespmem:$0xE000] =	vst v63  }
0x2f5: {  	s30 =	rddreg [dreg:$0x1a]  }
0x2f6: {  	[tilespmem:s10], [sflag:$0x1] =	stream.linear.gather [hbm4b:s30+s2], $0x4000, $0x38;
	[tilespmem:$0xE000] =	vst v63  }
0x2f7: {  	_ =	swait.ge [sflag:s11], $0x4000  }
0x2f8: {  	[sflag:s11] =	ssyncset.done $0x0  }
0x2f9: {  	[sflag:s11] =	ssyncadd.s32 $0xFFFFC000  }
0x2fa: {  	_ =	swait.ge [sflag:s5], $0x4000  }
0x2fb: {  	[sflag:s5] =	ssyncset.done $0x0  }
0x2fc: {  	s1 =	rddreg [dreg:$0x1b];
	[sflag:s5] =	ssyncadd.s32 $0xFFFFC000  }
0x2fd: {  	[hbm4b:s1+s2] =	stream.linear.scatter [tilespmem:s6], [sflag:$0x4], $0x4000, $0x38;
	[tilespmem:$0xE000] =	vst v63  }
0x2fe: {  	s30 =	rddreg [dreg:$0x1c]  }
0x2ff: {  	[tilespmem:s6], [sflag:$0x2] =	stream.linear.gather [hbm4b:s30+s2], $0x4000, $0x38;
	[tilespmem:$0xE000] =	vst v63  }
0x300: {  	_ =	swait.ge [sflag:s14], $0x4000  }
0x301: {  	[sflag:s14] =	ssyncset.done $0x0  }
0x302: {  	[sflag:s14] =	ssyncadd.s32 $0xFFFFC000  }
0x303: {  	_ =	swait.ge [sflag:s7], $0x4000  }
0x304: {  	[sflag:s7] =	ssyncset.done $0x0  }
0x305: {  	s1 =	rddreg [dreg:$0x1d];
	[sflag:s7] =	ssyncadd.s32 $0xFFFFC000  }
0x306: {  	[hbm4b:s1+s2] =	stream.linear.scatter [tilespmem:s10], [sflag:$0x3], $0x4000, $0x38;
	[tilespmem:$0xE000] =	vst v63  }
0x307: {  	s30 =	rddreg [dreg:$0x1e]  }
0x308: {  	[tilespmem:s10], [sflag:$0x1] =	stream.linear.gather [hbm4b:s30+s2], $0x4000, $0x38;
	[tilespmem:$0xE000] =	vst v63  }
0x309: {  	_ =	swait.ge [sflag:s11], $0x4000  }
0x30a: {  	[sflag:s11] =	ssyncset.done $0x0  }
0x30b: {  	[sflag:s11] =	ssyncadd.s32 $0xFFFFC000  }
0x30c: {  	_ =	swait.ge [sflag:s5], $0x4000  }
0x30d: {  	s1 =	rddreg [dreg:$0x1f];
	[sflag:s5] =	ssyncset.done $0x0  }
0x30e: {  	s30 =	sld [smem:$0x7EA];
	[sflag:s5] =	ssyncadd.s32 $0xFFFFC000  }
0x30f: {  	[hbm4b:s1+s2] =	stream.linear.scatter [tilespmem:s6], [sflag:$0x4], $0x4000, $0x38;
	[tilespmem:$0xE000] =	vst v63  }
0x310: {  	_ = 	snop  }
0x311: {  	[tilespmem:s6], [sflag:$0x2] =	stream.linear.gather [hbm4b:s30+s2], $0x4000, $0x38;
	[tilespmem:$0xE000] =	vst v63  }
0x312: {  	_ =	swait.ge [sflag:s14], $0x4000  }
0x313: {  	[sflag:s14] =	ssyncset.done $0x0  }
0x314: {  	[sflag:s14] =	ssyncadd.s32 $0xFFFFC000  }
0x315: {  	_ =	swait.ge [sflag:s7], $0x4000  }
0x316: {  	s1 =	sld [smem:$0x7EB]  }
0x317: {  	[sflag:s7] =	ssyncset.done $0x0  }
0x318: {  	s30 =	sld [smem:$0x7EC];
	[sflag:s7] =	ssyncadd.s32 $0xFFFFC000  }
0x319: {  	[hbm4b:s1+s2] =	stream.linear.scatter [tilespmem:s10], [sflag:$0x3], $0x4000, $0x38;
	[tilespmem:$0xE000] =	vst v63  }
0x31a: {  	_ = 	snop  }
0x31b: {  	[tilespmem:s10], [sflag:$0x1] =	stream.linear.gather [hbm4b:s30+s2], $0x4000, $0x38;
	[tilespmem:$0xE000] =	vst v63  }
0x31c: {  	_ =	swait.ge [sflag:s11], $0x4000  }
0x31d: {  	[sflag:s11] =	ssyncset.done $0x0  }
0x31e: {  	[sflag:s11] =	ssyncadd.s32 $0xFFFFC000  }
0x31f: {  	_ =	swait.ge [sflag:s5], $0x4000  }
0x320: {  	s1 =	sld [smem:$0x7ED]  }
0x321: {  	[sflag:s5] =	ssyncset.done $0x0  }
0x322: {  	s30 =	sld [smem:$0x7EE];
	[sflag:s5] =	ssyncadd.s32 $0xFFFFC000  }
0x323: {  	[hbm4b:s1+s2] =	stream.linear.scatter [tilespmem:s6], [sflag:$0x4], $0x4000, $0x38;
	[tilespmem:$0xE000] =	vst v63  }
0x324: {  	_ = 	snop  }
0x325: {  	[tilespmem:s6], [sflag:$0x2] =	stream.linear.gather [hbm4b:s30+s2], $0x4000, $0x38;
	[tilespmem:$0xE000] =	vst v63  }
0x326: {  	_ =	swait.ge [sflag:s14], $0x4000  }
0x327: {  	[sflag:s14] =	ssyncset.done $0x0  }
0x328: {  	[sflag:s14] =	ssyncadd.s32 $0xFFFFC000  }
0x329: {  	_ =	swait.ge [sflag:s7], $0x4000  }
0x32a: {  	s1 =	sld [smem:$0x7EF]  }
0x32b: {  	[sflag:s7] =	ssyncset.done $0x0  }
0x32c: {  	s30 =	sld [smem:$0x7F0];
	[sflag:s7] =	ssyncadd.s32 $0xFFFFC000  }
0x32d: {  	[hbm4b:s1+s2] =	stream.linear.scatter [tilespmem:s10], [sflag:$0x3], $0x4000, $0x38;
	[tilespmem:$0xE000] =	vst v63  }
0x32e: {  	_ = 	snop  }
0x32f: {  	[tilespmem:s10], [sflag:$0x1] =	stream.linear.gather [hbm4b:s30+s2], $0x4000, $0x38;
	[tilespmem:$0xE000] =	vst v63  }
0x330: {  	_ =	swait.ge [sflag:s11], $0x4000  }
0x331: {  	[sflag:s11] =	ssyncset.done $0x0  }
0x332: {  	[sflag:s11] =	ssyncadd.s32 $0xFFFFC000  }
0x333: {  	_ =	swait.ge [sflag:s5], $0x4000  }
0x334: {  	s1 =	sld [smem:$0x7F1]  }
0x335: {  	[sflag:s5] =	ssyncset.done $0x0  }
0x336: {  	s30 =	sld [smem:$0x7F2];
	[sflag:s5] =	ssyncadd.s32 $0xFFFFC000  }
0x337: {  	[hbm4b:s1+s2] =	stream.linear.scatter [tilespmem:s6], [sflag:$0x4], $0x4000, $0x38;
	[tilespmem:$0xE000] =	vst v63  }
0x338: {  	_ = 	snop  }
0x339: {  	[tilespmem:s6], [sflag:$0x2] =	stream.linear.gather [hbm4b:s30+s2], $0x4000, $0x38;
	[tilespmem:$0xE000] =	vst v63  }
0x33a: {  	_ =	swait.ge [sflag:s14], $0x4000  }
0x33b: {  	[sflag:s14] =	ssyncset.done $0x0  }
0x33c: {  	[sflag:s14] =	ssyncadd.s32 $0xFFFFC000  }
0x33d: {  	_ =	swait.ge [sflag:s7], $0x4000  }
0x33e: {  	s1 =	sld [smem:$0x7F3]  }
0x33f: {  	[sflag:s7] =	ssyncset.done $0x0  }
0x340: {  	s30 =	sld [smem:$0x7F4];
	[sflag:s7] =	ssyncadd.s32 $0xFFFFC000  }
0x341: {  	[hbm4b:s1+s2] =	stream.linear.scatter [tilespmem:s10], [sflag:$0x3], $0x4000, $0x38;
	[tilespmem:$0xE000] =	vst v63  }
0x342: {  	_ = 	snop  }
0x343: {  	[tilespmem:s10], [sflag:$0x1] =	stream.linear.gather [hbm4b:s30+s2], $0x4000, $0x38;
	[tilespmem:$0xE000] =	vst v63  }
0x344: {  	_ =	swait.ge [sflag:s11], $0x4000  }
0x345: {  	[sflag:s11] =	ssyncset.done $0x0  }
0x346: {  	[sflag:s11] =	ssyncadd.s32 $0xFFFFC000  }
0x347: {  	_ =	swait.ge [sflag:s5], $0x4000  }
0x348: {  	s1 =	sld [smem:$0x7F5]  }
0x349: {  	[sflag:s5] =	ssyncset.done $0x0  }
0x34a: {  	s30 =	sld [smem:$0x7F6];
	[sflag:s5] =	ssyncadd.s32 $0xFFFFC000  }
0x34b: {  	[hbm4b:s1+s2] =	stream.linear.scatter [tilespmem:s6], [sflag:$0x4], $0x4000, $0x38;
	[tilespmem:$0xE000] =	vst v63  }
0x34c: {  	_ = 	snop  }
0x34d: {  	[tilespmem:s6], [sflag:$0x2] =	stream.linear.gather [hbm4b:s30+s2], $0x4000, $0x38;
	[tilespmem:$0xE000] =	vst v63  }
0x34e: {  	_ =	swait.ge [sflag:s14], $0x4000  }
0x34f: {  	[sflag:s14] =	ssyncset.done $0x0  }
0x350: {  	[sflag:s14] =	ssyncadd.s32 $0xFFFFC000  }
0x351: {  	_ =	swait.ge [sflag:s7], $0x4000  }
0x352: {  	s1 =	sld [smem:$0x7F7]  }
0x353: {  	[sflag:s7] =	ssyncset.done $0x0  }
0x354: {  	s30 =	sld [smem:$0x7F8];
	[sflag:s7] =	ssyncadd.s32 $0xFFFFC000  }
0x355: {  	[hbm4b:s1+s2] =	stream.linear.scatter [tilespmem:s10], [sflag:$0x3], $0x4000, $0x38;
	[tilespmem:$0xE000] =	vst v63  }
0x356: {  	_ = 	snop  }
0x357: {  	[tilespmem:s10], [sflag:$0x1] =	stream.linear.gather [hbm4b:s30+s2], $0x4000, $0x38;
	[tilespmem:$0xE000] =	vst v63  }
0x358: {  	_ =	swait.ge [sflag:s11], $0x4000  }
0x359: {  	[sflag:s11] =	ssyncset.done $0x0  }
0x35a: {  	[sflag:s11] =	ssyncadd.s32 $0xFFFFC000  }
0x35b: {  	_ =	swait.ge [sflag:s5], $0x4000  }
0x35c: {  	s1 =	sld [smem:$0x7F9]  }
0x35d: {  	[sflag:s5] =	ssyncset.done $0x0  }
0x35e: {  	s30 =	sld [smem:$0x7FA];
	[sflag:s5] =	ssyncadd.s32 $0xFFFFC000  }
0x35f: {  	[hbm4b:s1+s2] =	stream.linear.scatter [tilespmem:s6], [sflag:$0x4], $0x4000, $0x38;
	[tilespmem:$0xE000] =	vst v63  }
0x360: {  	_ = 	snop  }
0x361: {  	[tilespmem:s6], [sflag:$0x2] =	stream.linear.gather [hbm4b:s30+s2], $0x4000, $0x38;
	[tilespmem:$0xE000] =	vst v63  }
0x362: {  	_ =	swait.ge [sflag:s14], $0x4000  }
0x363: {  	[sflag:s14] =	ssyncset.done $0x0  }
0x364: {  	[sflag:s14] =	ssyncadd.s32 $0xFFFFC000  }
0x365: {  	_ =	swait.ge [sflag:s7], $0x4000  }
0x366: {  	s1 =	sld [smem:$0x7FB]  }
0x367: {  	[sflag:s7] =	ssyncset.done $0x0  }
0x368: {  	s30 =	sld [smem:$0x7FC];
	[sflag:s7] =	ssyncadd.s32 $0xFFFFC000  }
0x369: {  	[hbm4b:s1+s2] =	stream.linear.scatter [tilespmem:s10], [sflag:$0x3], $0x4000, $0x38;
	[tilespmem:$0xE000] =	vst v63  }
0x36a: {  	_ = 	snop  }
0x36b: {  	[tilespmem:s10], [sflag:$0x1] =	stream.linear.gather [hbm4b:s30+s2], $0x4000, $0x38;
	[tilespmem:$0xE000] =	vst v63  }
0x36c: {  	_ =	swait.ge [sflag:s11], $0x4000  }
0x36d: {  	[sflag:s11] =	ssyncset.done $0x0  }
0x36e: {  	[sflag:s11] =	ssyncadd.s32 $0xFFFFC000  }
0x36f: {  	_ =	swait.ge [sflag:s5], $0x4000  }
0x370: {  	[sflag:s5] =	ssyncset.done $0x0  }
0x371: {  	[sflag:s5] =	ssyncadd.s32 $0xFFFFC000  }
0x372: {  	[hbm4b:s28+s2] =	stream.linear.scatter [tilespmem:s6], [sflag:$0x4], $0x4000, $0x38;
	[tilespmem:$0xE000] =	vst v63  }
0x373: {  	_ = 	snop  }
0x374: {  	[tilespmem:s6], [sflag:$0x2] =	stream.linear.gather [hbm4b:s29+s2], $0x4000, $0x38;
	[tilespmem:$0xE000] =	vst v63  }
0x375: {  	_ =	swait.ge [sflag:s14], $0x4000  }
0x376: {  	[sflag:s14] =	ssyncset.done $0x0  }
0x377: {  	[sflag:s14] =	ssyncadd.s32 $0xFFFFC000  }
0x378: {  	_ =	swait.ge [sflag:s7], $0x4000  }
0x379: {  	[sflag:s7] =	ssyncset.done $0x0  }
0x37a: {  	[sflag:s7] =	ssyncadd.s32 $0xFFFFC000  }
0x37b: {  	[hbm4b:s25+s2] =	stream.linear.scatter [tilespmem:s10], [sflag:$0x3], $0x4000, $0x38;
	[tilespmem:$0xE000] =	vst v63  }
0x37c: {  	_ = 	snop  }
0x37d: {  	[tilespmem:s10], [sflag:$0x1] =	stream.linear.gather [hbm4b:s26+s2], $0x4000, $0x38;
	[tilespmem:$0xE000] =	vst v63  }
0x37e: {  	_ =	swait.ge [sflag:s11], $0x4000  }
0x37f: {  	[sflag:s11] =	ssyncset.done $0x0  }
0x380: {  	[sflag:s11] =	ssyncadd.s32 $0xFFFFC000  }
0x381: {  	_ =	swait.ge [sflag:s5], $0x4000  }
0x382: {  	[sflag:s5] =	ssyncset.done $0x0  }
0x383: {  	[sflag:s5] =	ssyncadd.s32 $0xFFFFC000  }
0x384: {  	[hbm4b:s23+s2] =	stream.linear.scatter [tilespmem:s6], [sflag:$0x4], $0x4000, $0x38;
	[tilespmem:$0xE000] =	vst v63  }
0x385: {  	_ = 	snop  }
0x386: {  	[tilespmem:s6], [sflag:$0x2] =	stream.linear.gather [hbm4b:s24+s2], $0x4000, $0x38;
	[tilespmem:$0xE000] =	vst v63  }
0x387: {  	_ =	swait.ge [sflag:s14], $0x4000  }
0x388: {  	[sflag:s14] =	ssyncset.done $0x0  }
0x389: {  	[sflag:s14] =	ssyncadd.s32 $0xFFFFC000  }
0x38a: {  	_ =	swait.ge [sflag:s7], $0x4000  }
0x38b: {  	[sflag:s7] =	ssyncset.done $0x0  }
0x38c: {  	[sflag:s7] =	ssyncadd.s32 $0xFFFFC000  }
0x38d: {  	[hbm4b:s21+s2] =	stream.linear.scatter [tilespmem:s10], [sflag:$0x3], $0x4000, $0x38;
	[tilespmem:$0xE000] =	vst v63  }
0x38e: {  	_ = 	snop  }
0x38f: {  	[tilespmem:s10], [sflag:$0x1] =	stream.linear.gather [hbm4b:s22+s2], $0x4000, $0x38;
	[tilespmem:$0xE000] =	vst v63  }
0x390: {  	_ =	swait.ge [sflag:s11], $0x4000  }
0x391: {  	[sflag:s11] =	ssyncset.done $0x0  }
0x392: {  	[sflag:s11] =	ssyncadd.s32 $0xFFFFC000  }
0x393: {  	_ =	swait.ge [sflag:s5], $0x4000  }
0x394: {  	[sflag:s5] =	ssyncset.done $0x0  }
0x395: {  	[sflag:s5] =	ssyncadd.s32 $0xFFFFC000  }
0x396: {  	[hbm4b:s19+s2] =	stream.linear.scatter [tilespmem:s6], [sflag:$0x4], $0x4000, $0x38;
	[tilespmem:$0xE000] =	vst v63  }
0x397: {  	_ = 	snop  }
0x398: {  	[tilespmem:s6], [sflag:$0x2] =	stream.linear.gather [hbm4b:s20+s2], $0x4000, $0x38;
	[tilespmem:$0xE000] =	vst v63  }
0x399: {  	_ =	swait.ge [sflag:s14], $0x4000  }
0x39a: {  	[sflag:s14] =	ssyncset.done $0x0  }
0x39b: {  	[sflag:s14] =	ssyncadd.s32 $0xFFFFC000  }
0x39c: {  	_ =	swait.ge [sflag:s7], $0x4000  }
0x39d: {  	[sflag:s7] =	ssyncset.done $0x0  }
0x39e: {  	[sflag:s7] =	ssyncadd.s32 $0xFFFFC000  }
0x39f: {  	[hbm4b:s17+s2] =	stream.linear.scatter [tilespmem:s10], [sflag:$0x3], $0x4000, $0x38;
	[tilespmem:$0xE000] =	vst v63  }
0x3a0: {  	_ = 	snop  }
0x3a1: {  	[tilespmem:s10], [sflag:$0x1] =	stream.linear.gather [hbm4b:s18+s2], $0x4000, $0x38;
	[tilespmem:$0xE000] =	vst v63  }
0x3a2: {  	_ =	swait.ge [sflag:s11], $0x4000  }
0x3a3: {  	[sflag:s11] =	ssyncset.done $0x0  }
0x3a4: {  	[sflag:s11] =	ssyncadd.s32 $0xFFFFC000  }
0x3a5: {  	_ =	swait.ge [sflag:s5], $0x4000  }
0x3a6: {  	[sflag:s5] =	ssyncset.done $0x0  }
0x3a7: {  	[sflag:s5] =	ssyncadd.s32 $0xFFFFC000  }
0x3a8: {  	[hbm4b:s15+s2] =	stream.linear.scatter [tilespmem:s6], [sflag:$0x4], $0x4000, $0x38;
	[tilespmem:$0xE000] =	vst v63  }
0x3a9: {  	_ = 	snop  }
0x3aa: {  	[tilespmem:s6], [sflag:$0x2] =	stream.linear.gather [hbm4b:s16+s2], $0x4000, $0x38;
	[tilespmem:$0xE000] =	vst v63  }
0x3ab: {  	_ =	swait.ge [sflag:s14], $0x4000  }
0x3ac: {  	[sflag:s14] =	ssyncset.done $0x0  }
0x3ad: {  	[sflag:s14] =	ssyncadd.s32 $0xFFFFC000  }
0x3ae: {  	_ =	swait.ge [sflag:s7], $0x4000  }
0x3af: {  	[sflag:s7] =	ssyncset.done $0x0  }
0x3b0: {  	[sflag:s7] =	ssyncadd.s32 $0xFFFFC000  }
0x3b1: {  	[hbm4b:s12+s2] =	stream.linear.scatter [tilespmem:s10], [sflag:$0x3], $0x4000, $0x38;
	[tilespmem:$0xE000] =	vst v63  }
0x3b2: {  	_ = 	snop  }
0x3b3: {  	[tilespmem:s10], [sflag:$0x1] =	stream.linear.gather [hbm4b:s13+s2], $0x4000, $0x38;
	[tilespmem:$0xE000] =	vst v63  }
0x3b4: {  	_ =	swait.ge [sflag:s11], $0x4000  }
0x3b5: {  	[sflag:s11] =	ssyncset.done $0x0  }
0x3b6: {  	[sflag:s11] =	ssyncadd.s32 $0xFFFFC000  }
0x3b7: {  	_ =	swait.ge [sflag:s5], $0x4000  }
0x3b8: {  	[sflag:s5] =	ssyncset.done $0x0  }
0x3b9: {  	[sflag:s5] =	ssyncadd.s32 $0xFFFFC000  }
0x3ba: {  	[hbm4b:s8+s2] =	stream.linear.scatter [tilespmem:s6], [sflag:$0x4], $0x4000, $0x38;
	[tilespmem:$0xE000] =	vst v63  }
0x3bb: {  	_ = 	snop  }
0x3bc: {  	[tilespmem:s6], [sflag:$0x2] =	stream.linear.gather [hbm4b:s9+s2], $0x4000, $0x38;
	[tilespmem:$0xE000] =	vst v63  }
0x3bd: {  	_ =	swait.ge [sflag:s14], $0x4000  }
0x3be: {  	[sflag:s14] =	ssyncset.done $0x0  }
0x3bf: {  	[sflag:s14] =	ssyncadd.s32 $0xFFFFC000  }
0x3c0: {  	_ =	swait.ge [sflag:s7], $0x4000  }
0x3c1: {  	[sflag:s7] =	ssyncset.done $0x0  }
0x3c2: {  	[sflag:s7] =	ssyncadd.s32 $0xFFFFC000  }
0x3c3: {  	[hbm4b:s4+s2] =	stream.linear.scatter [tilespmem:s10], [sflag:$0x3], $0x4000, $0x38;
	[tilespmem:$0xE000] =	vst v63  }
0x3c4: {  	_ =	swait.ge [sflag:s11], $0x4000  }
0x3c5: {  	[sflag:s11] =	ssyncset.done $0x0  }
0x3c6: {  	[sflag:s11] =	ssyncadd.s32 $0xFFFFC000  }
0x3c7: {  	_ =	swait.ge [sflag:s5], $0x4000  }
0x3c8: {  	[sflag:s5] =	ssyncset.done $0x0  }
0x3c9: {  	[sflag:s5] =	ssyncadd.s32 $0xFFFFC000  }
0x3ca: {  	[hbm4b:s3+s2] =	stream.linear.scatter [tilespmem:s6], [sflag:$0x4], $0x4000, $0x38;
	[tilespmem:$0xE000] =	vst v63  }
0x3cb: {  	_ =	swait.ge [sflag:s7], $0x4000  }
0x3cc: {  	[sflag:s7] =	ssyncset.done $0x0  }
0x3cd: {  	[sflag:s7] =	ssyncadd.s32 $0xFFFFC000  }
0x3ce: {  	_ =	swait.ge [sflag:s5], $0x4000  }
0x3cf: {  	[sflag:s5] =	ssyncset.done $0x0  }
0x3d0: {  	[sflag:s5] =	ssyncadd.s32 $0xFFFFC000  }
0x3d1: {  	_ =	sfence.sel $0x180000  }
0x3d2: {  	[bflag:$0x0] =	sbarrier.arrive $0xFFFF  }
0x3d3: {  	_ =	strace $0x90000047  }
0x3d4: {  	[bflag:$0x2] =	sbarrier.arrive $0xFFFF  }
0x3d5: {  	p0 =	sne.s32 s31, $0x0;
	s0 =	rddreg [dreg:$0x4]  }
0x3d6: {  	s0 =	sadd.s32 @!p0 $0x100000, s0  }
0x3d7: {  	[sflag:s0] =	ssyncadd.tile.s32 @!p0 $0x1;
	_ =	shalt  }
.LBB2_2:
.Ltmp3:
0x3d8: {  	(pc) =	sbr.rel .LBB2_5-.Ltmp3, $2  }
0x3d9: {  	_ =	sdelay $0x2  }
0x3da: {  	s31 =	stileid.u32;
	s1 =	simm.s32 $0x2000  }
.Lfunc_end2:
_tile_overlayer_lowered:
.L_overlay_start_2:
0x3db: {  	(tag) =	ssettag $0x2  }
0x3dc: {  	s0 =	rddreg [dreg:$0x0];
	s2 =	stileid.u32  }
0x3dd: {  	s1 =	rddreg [dreg:$0x1];
	p0 =	sne.s32 s2, $0x0  }
0x3de: {  	s3 =	rddreg [dreg:$0x2];
	[bflag:$0x3] =	sbarrier.arrive $0xFFFF;
	s2 =	simm.s32 @!p0 $0x1C05  }
0x3df: {  	[timem:s3], [sflag:s2] =	dma.local @!p0 [hbm:s0], s1  }
0x3e0: {  	s0 =	simm.s32 @!p0 $0x5  }
0x3e1: {  	_ =	swait.ge @!p0 [sflag:s0], s1  }
0x3e2: {  	s1 =	ssub.s32 @!p0 $0x0, s1;
	[sflag:s0] =	ssyncset.done @!p0 $0x0  }
0x3e3: {  	[sflag:s0] =	ssyncadd.s32 @!p0 s1  }
0x3e4: {  	[bflag:$0x3] =	sbarrier.arrive $0xFFFF  }
0x3e5: {  	_ =	shalt  }

</sc_bundles>
